<compile_context>
chip_gen: v7x
topology: tpu7x:2x2x1
jax: 0.10.2.dev20260603
libtpu: 0.0.44.dev20260713+nightly
codegen_flags: <defaults>
</compile_context>

<pallas_src>
import functools

import jax
import jax.numpy as jnp
from jax import lax
from jax.experimental import pallas as pl
from jax.experimental.pallas import tpu as pltpu
from jax.experimental.pallas import tpu_sc as plsc

N = 1024
NLANES = 16
NCORES = 2
NSUBCORES = 16
NW = NCORES * NSUBCORES
SPW = N // NW
CSPLIT = 2
NBUF = 3
NOBUF = 2


def _make_sc_kernel(NIMG, C, H, W, NSAMP=N):
    SPW_ = NSAMP // NW
    CH = C // CSPLIT
    NT = SPW_ * CSPLIT
    mesh = plsc.VectorSubcoreMesh(core_axis_name="c", subcore_axis_name="s")

    OHS = C * W // 128

    @functools.partial(
        pl.kernel,
        mesh=mesh,
        out_type=jax.ShapeDtypeStruct((NSAMP, C * W // 128, 128),
                                      jnp.float32),
        compiler_params=pltpu.CompilerParams(use_tc_tiling_on_sc=True),
        scratch_types=[
            pltpu.VMEM((SPW_, NLANES), jnp.int32),
            pltpu.VMEM((SPW_, 2, NLANES), jnp.float32),
            pltpu.VMEM((NBUF, 2, CH, W), jnp.float32),
            pltpu.VMEM((NOBUF, OHS, 128), jnp.float32),
        ]
        + [pltpu.SemaphoreType.DMA for _ in range(NBUF + NOBUF)],
    )
    def sc_kernel(x_hbm, ih_hbm, wts_hbm, out_hbm,
                  ih_v, w_v, taps_v, obuf_v,
                  g0, g1, g2, o0, o1):
        wid = lax.axis_index("s") * NCORES + lax.axis_index("c")
        base = wid * SPW_
        pltpu.sync_copy(ih_hbm.at[pl.ds(base, SPW_)], ih_v)
        pltpu.sync_copy(wts_hbm.at[pl.ds(base, SPW_)], w_v)

        gsems = (g0, g1, g2)
        osems = (o0, o1)

        def tap_srcs(t):
            s = t // CSPLIT
            ch = t % CSPLIT
            v = ih_v[s]
            c0 = ch * CH
            return (x_hbm.at[v[0], pl.ds(c0, CH), v[1], :],
                    x_hbm.at[v[2], pl.ds(c0, CH), v[3], :])

        def start_gather(t, par, sem):
            a, b = tap_srcs(t)
            pltpu.async_copy(a, taps_v.at[par, 0], sem)
            pltpu.async_copy(b, taps_v.at[par, 1], sem)

        def wait_gather(t, par, sem):
            a, b = tap_srcs(t)
            pltpu.make_async_copy(a, taps_v.at[par, 0], sem).wait()
            pltpu.make_async_copy(b, taps_v.at[par, 1], sem).wait()

        def for_par(parval, fn):
            for i in range(NBUF):
                @pl.when(parval == i)
                def _(i=i):
                    fn(i, gsems[i])

        def for_opar(oparval, fn):
            for i in range(NOBUF):
                @pl.when(oparval == i)
                def _(i=i):
                    fn(i, osems[i])

        start_gather(0, 0, gsems[0])
        start_gather(1, 1, gsems[1])

        def unit(t, _):
            s = t // CSPLIT
            ch = t % CSPLIT
            par = t % NBUF
            opar = s % NOBUF

            for_par(par, lambda i, sem: wait_gather(t, i, sem))

            @pl.when(t + 2 < NT)
            def _():
                for_par((t + 2) % NBUF,
                        lambda i, sem: start_gather(t + 2, i, sem))

            @pl.when((ch == 0) & (s >= NOBUF))
            def _():
                for_opar(opar, lambda i, sem: pltpu.make_async_copy(
                    obuf_v.at[i], out_hbm.at[base + s - NOBUF], sem).wait())

            w0 = w_v[s, 0]
            w1 = w_v[s, 1]
            qbase = ch * (OHS // CSPLIT)

            @plsc.parallel_loop(0, CH // 4, unroll=1)
            def sblock(S):
                r0 = 4 * S
                q0 = qbase + 7 * S
                for k in range(56):
                    a = taps_v[par, 0, r0 + k // 14,
                               pl.ds((k % 14) * NLANES, NLANES)]
                    b = taps_v[par, 1, r0 + k // 14,
                               pl.ds((k % 14) * NLANES, NLANES)]
                    obuf_v[opar, q0 + k // 8,
                           pl.ds((k % 8) * NLANES, NLANES)] = (
                        w0 * a + w1 * b)

            @pl.when(ch == CSPLIT - 1)
            def _():
                for_opar(opar, lambda i, sem: pltpu.async_copy(
                    obuf_v.at[i], out_hbm.at[base + s], sem))

            return 0

        lax.fori_loop(0, NT, unit, 0)

        for s in (SPW_ - 2, SPW_ - 1):
            pltpu.make_async_copy(
                obuf_v.at[s % NOBUF], out_hbm.at[base + s],
                osems[s % NOBUF]).wait()

    return sc_kernel


def kernel(x, image_num, image_ids, rows):
    del image_num, image_ids
    NIMG, C, H, W = x.shape
    NROW = NIMG * H

    iy = rows - 0.5
    iy0 = jnp.floor(iy)
    w1 = iy - iy0
    w0 = 1.0 - w1
    y0 = iy0.astype(jnp.int32)
    y1 = y0 + 1
    w0 = jnp.where((y0 >= 0) & (y0 <= NROW - 1), 0.5 * w0, 0.0)
    w1 = jnp.where((y1 >= 0) & (y1 <= NROW - 1), 0.5 * w1, 0.0)
    y0c = jnp.clip(y0, 0, NROW - 1)
    y1c = jnp.clip(y1, 0, NROW - 1)

    ih = jnp.stack(
        [y0c // H, y0c % H, y1c // H, y1c % H], axis=-1)
    ih = jnp.pad(ih, ((0, 0), (0, NLANES - 4)))
    wts = jnp.broadcast_to(
        jnp.stack([w0, w1], axis=1)[:, :, None], (N, 2, NLANES))

    out = _make_sc_kernel(NIMG, C, H, W)(x, ih, wts)
    return jnp.reshape(out, (N, C, W))

# --- scband reference (transcript-rebuilt; emitter-appended) ---
"""Pipeline reference for scband-sample-row-1357209665543 (READ-ONLY COPY).

The authoritative reference and input builder live on the scoring server;
editing this copy changes nothing except your own understanding.
"""

import jax, jax.numpy as jnp
import numpy as np

IN_CH = 96
WIDTH = 224
HEIGHT = 224


def _grid_sample_bilinear_zeros(inp, grid):
    # inp: [1, C, H, W]; grid: [1, Hg, Wg, 2]; mode=bilinear, padding_mode=zeros, align_corners=False
    C, H, W = inp.shape[1], inp.shape[2], inp.shape[3]
    gx = grid[0, :, :, 0]
    gy = grid[0, :, :, 1]
    ix = ((gx + 1.0) * W - 1.0) / 2.0
    iy = ((gy + 1.0) * H - 1.0) / 2.0
    ix0 = jnp.floor(ix)
    iy0 = jnp.floor(iy)
    ix1 = ix0 + 1.0
    iy1 = iy0 + 1.0
    wx1 = ix - ix0
    wx0 = 1.0 - wx1
    wy1 = iy - iy0
    wy0 = 1.0 - wy1
    img = inp[0]

    def gather(yi, xi):
        valid = (yi >= 0) & (yi <= H - 1) & (xi >= 0) & (xi <= W - 1)
        yc = jnp.clip(yi, 0, H - 1).astype(jnp.int32)
        xc = jnp.clip(xi, 0, W - 1).astype(jnp.int32)
        v = img[:, yc, xc]  # [C, Hg, Wg]
        return jnp.where(valid[None, :, :], v, 0.0)

    out = (gather(iy0, ix0) * (wy0 * wx0)[None, :, :]
           + gather(iy0, ix1) * (wy0 * wx1)[None, :, :]
           + gather(iy1, ix0) * (wy1 * wx0)[None, :, :]
           + gather(iy1, ix1) * (wy1 * wx1)[None, :, :])
    return out[None]  # [1, C, Hg, Wg]


def setup_inputs(seed: int = 0):
    key = jax.random.key(seed)
    k1, k2, k3 = jax.random.split(key, 3)
    image_num = 4
    x = jax.random.normal(k1, (image_num, IN_CH, HEIGHT, WIDTH), dtype=jnp.float32)
    image_ids = jax.random.randint(k2, (image_num,), 0, image_num)
    rows = jax.random.randint(k3, (1024,), 0, image_num * HEIGHT).astype(jnp.float32)
    return {"x": x, "image_num": image_num, "image_ids": image_ids, "rows": rows}


def reference(x, image_num, image_ids, rows):
    rows_norm = 2.0 * rows / HEIGHT / image_num - 1.0
    cols_norm = 0.0 * rows_norm - 1.0
    grid = jnp.concatenate([cols_norm[:, None], rows_norm[:, None]], axis=1)  # [N, 2]
    grid = grid[None, None, :, :]  # [1, 1, N, 2]
    xp = jnp.transpose(x, (1, 3, 0, 2)).reshape(1, IN_CH * WIDTH, x.shape[0] * HEIGHT, 1)
    s = _grid_sample_bilinear_zeros(xp, grid)  # [1, C*W, 1, N]
    s = s.reshape(IN_CH, WIDTH, -1)
    return jnp.transpose(s, (2, 0, 1))  # [N, C, W]

if __name__ == "__main__":
    import jax
    _d = setup_inputs()
    print(jax.jit(kernel)(*tuple(_d.values())))

</pallas_src>

<mosaic_0001>
#map = affine_map<(d0, d1) -> (0, 0, 0, 0)>
#map1 = affine_map<(d0, d1) -> (0, 0)>
#map2 = affine_map<(d0, d1) -> (0, 0, 0)>
module attributes {stable_mosaic.version = 14 : i64} {
  func.func @sc_kernel(%arg0: i32, %arg1: i32, %arg2: memref<4x96x224x224xf32, #tpu.memory_space<hbm>>, %arg3: memref<1024x16xi32, #tpu.memory_space<hbm>>, %arg4: memref<1024x2x16xf32, #tpu.memory_space<hbm>>, %arg5: memref<1024x168x128xf32, #tpu.memory_space<hbm>>, %arg6: memref<32x16xi32, #tpu.memory_space<vmem>>, %arg7: memref<32x2x16xf32, #tpu.memory_space<vmem>>, %arg8: memref<3x2x48x224xf32, #tpu.memory_space<vmem>>, %arg9: memref<2x168x128xf32, #tpu.memory_space<vmem>>, %arg10: memref<!tpu.dma_semaphore, #tpu.memory_space<semaphore_mem>>, %arg11: memref<!tpu.dma_semaphore, #tpu.memory_space<semaphore_mem>>, %arg12: memref<!tpu.dma_semaphore, #tpu.memory_space<semaphore_mem>>, %arg13: memref<!tpu.dma_semaphore, #tpu.memory_space<semaphore_mem>>, %arg14: memref<!tpu.dma_semaphore, #tpu.memory_space<semaphore_mem>>) attributes {dimension_semantics = [#tpu.dimension_semantics<core_parallel>, #tpu.dimension_semantics<subcore_parallel>], iteration_bounds = array<i64: 2, 16>, scalar_prefetch = 0 : i64, scratch_operands = 9 : i64, tpu.core_type = #tpu.core_type<sc_vector_subcore>, window_params = [{transform_indices = #map}, {transform_indices = #map1}, {transform_indices = #map2}, {transform_indices = #map2}]} {
    %mul3A = arith.constant 2 : i32
    %mul3A_0 = arith.muli %arg1, %mul3A : i32
    %add3A = arith.addi %mul3A_0, %arg0 : i32
    %mul3A_1 = arith.constant 32 : i32
    %mul3A_2 = arith.muli %add3A, %mul3A_1 : i32
    "tpu.region"() ({
      %run_scoped3A = tpu.sem_alloc : memref<!tpu.dma_semaphore, #tpu.memory_space<semaphore_mem>>
      %dma_start3A_140 = arith.constant 0 : i32
      %dma_start3A_141 = tpu.memref_slice %arg3[%mul3A_2, %dma_start3A_140] : memref<1024x16xi32, #tpu.memory_space<hbm>> -> memref<32x16xi32, #tpu.memory_space<hbm>>
      %dma_start3A_142 = arith.constant 0 : i32
      %dma_start3A_143 = tpu.memref_slice %arg3[%mul3A_2, %dma_start3A_142] : memref<1024x16xi32, #tpu.memory_space<hbm>> -> memref<32x16xi32, #tpu.memory_space<hbm>>
      tpu.enqueue_dma source(%dma_start3A_143 : memref<32x16xi32, #tpu.memory_space<hbm>>) target(%arg6 : memref<32x16xi32, #tpu.memory_space<vmem>>) target_semaphore(%run_scoped3A : memref<!tpu.dma_semaphore, #tpu.memory_space<semaphore_mem>>)
      %dma_wait3A_144 = arith.constant 0 : i32
      %dma_wait3A_145 = tpu.memref_slice %arg3[%mul3A_2, %dma_wait3A_144] : memref<1024x16xi32, #tpu.memory_space<hbm>> -> memref<32x16xi32, #tpu.memory_space<hbm>>
      %dma_wait3A_146 = arith.constant 0 : i32
      %dma_wait3A_147 = tpu.memref_slice %arg3[%mul3A_2, %dma_wait3A_146] : memref<1024x16xi32, #tpu.memory_space<hbm>> -> memref<32x16xi32, #tpu.memory_space<hbm>>
      tpu.wait_dma2 semaphore(%run_scoped3A : memref<!tpu.dma_semaphore, #tpu.memory_space<semaphore_mem>>) src(%dma_wait3A_147 : memref<32x16xi32, #tpu.memory_space<hbm>>) dst(%arg6 : memref<32x16xi32, #tpu.memory_space<vmem>>)
      tpu.yield
    }) : () -> ()
    "tpu.region"() ({
      %run_scoped3A = tpu.sem_alloc : memref<!tpu.dma_semaphore, #tpu.memory_space<semaphore_mem>>
      %dma_start3A_140 = arith.constant 0 : i32
      %dma_start3A_141 = arith.constant 0 : i32
      %dma_start3A_142 = tpu.memref_slice %arg4[%mul3A_2, %dma_start3A_140, %dma_start3A_141] : memref<1024x2x16xf32, #tpu.memory_space<hbm>> -> memref<32x2x16xf32, #tpu.memory_space<hbm>>
      %dma_start3A_143 = arith.constant 0 : i32
      %dma_start3A_144 = arith.constant 0 : i32
      %dma_start3A_145 = tpu.memref_slice %arg4[%mul3A_2, %dma_start3A_143, %dma_start3A_144] : memref<1024x2x16xf32, #tpu.memory_space<hbm>> -> memref<32x2x16xf32, #tpu.memory_space<hbm>>
      tpu.enqueue_dma source(%dma_start3A_145 : memref<32x2x16xf32, #tpu.memory_space<hbm>>) target(%arg7 : memref<32x2x16xf32, #tpu.memory_space<vmem>>) target_semaphore(%run_scoped3A : memref<!tpu.dma_semaphore, #tpu.memory_space<semaphore_mem>>)
      %dma_wait3A_146 = arith.constant 0 : i32
      %dma_wait3A_147 = arith.constant 0 : i32
      %dma_wait3A_148 = tpu.memref_slice %arg4[%mul3A_2, %dma_wait3A_146, %dma_wait3A_147] : memref<1024x2x16xf32, #tpu.memory_space<hbm>> -> memref<32x2x16xf32, #tpu.memory_space<hbm>>
      %dma_wait3A_149 = arith.constant 0 : i32
      %dma_wait3A_150 = arith.constant 0 : i32
      %dma_wait3A_151 = tpu.memref_slice %arg4[%mul3A_2, %dma_wait3A_149, %dma_wait3A_150] : memref<1024x2x16xf32, #tpu.memory_space<hbm>> -> memref<32x2x16xf32, #tpu.memory_space<hbm>>
      tpu.wait_dma2 semaphore(%run_scoped3A : memref<!tpu.dma_semaphore, #tpu.memory_space<semaphore_mem>>) src(%dma_wait3A_151 : memref<32x2x16xf32, #tpu.memory_space<hbm>>) dst(%arg7 : memref<32x2x16xf32, #tpu.memory_space<vmem>>)
      tpu.yield
    }) : () -> ()
    %get3A = arith.constant 0 : i32
    %get3A_3 = arith.index_cast %get3A : i32 to index
    %get3A_4 = arith.constant 0 : index
    %get3A_5 = tpu.vector_load %arg6[%get3A_3, %get3A_4] {strides = array<i32>} : memref<32x16xi32, #tpu.memory_space<vmem>>, vector<1x16xi32>,
    %get3A_6 = vector.shape_cast %get3A_5 : vector<1x16xi32> to vector<16xi32>
    %slice3A = vector.extract_strided_slice %get3A_6 {offsets = [0], sizes = [1], strides = [1]} : vector<16xi32> to vector<1xi32>
    %squeeze3A = vector.extract %slice3A[0] : i32 from vector<1xi32>
    %slice3A_7 = vector.extract_strided_slice %get3A_6 {offsets = [1], sizes = [1], strides = [1]} : vector<16xi32> to vector<1xi32>
    %squeeze3A_8 = vector.extract %slice3A_7[0] : i32 from vector<1xi32>
    %slice3A_9 = vector.extract_strided_slice %get3A_6 {offsets = [2], sizes = [1], strides = [1]} : vector<16xi32> to vector<1xi32>
    %squeeze3A_10 = vector.extract %slice3A_9[0] : i32 from vector<1xi32>
    %slice3A_11 = vector.extract_strided_slice %get3A_6 {offsets = [3], sizes = [1], strides = [1]} : vector<16xi32> to vector<1xi32>
    %squeeze3A_12 = vector.extract %slice3A_11[0] : i32 from vector<1xi32>
    %dma_start3A = arith.constant 0 : i32
    %dma_start3A_13 = arith.constant 0 : i32
    %dma_start3A_14 = arith.constant 0 : i32
    %dma_start3A_15 = arith.constant 0 : i32
    %dma_start3A_16 = tpu.memref_slice %arg8[%dma_start3A, %dma_start3A_13, %dma_start3A_14, %dma_start3A_15] : memref<3x2x48x224xf32, #tpu.memory_space<vmem>> -> memref<1x1x48x224xf32, #tpu.memory_space<vmem>>
    %dma_start3A_17 = tpu.memref_squeeze %dma_start3A_16 : memref<1x1x48x224xf32, #tpu.memory_space<vmem>> -> memref<48x224xf32, #tpu.memory_space<vmem>>
    %dma_start3A_18 = arith.constant 0 : i32
    %dma_start3A_19 = arith.constant 0 : i32
    %dma_start3A_20 = tpu.memref_slice %arg2[%squeeze3A, %dma_start3A_18, %squeeze3A_8, %dma_start3A_19] : memref<4x96x224x224xf32, #tpu.memory_space<hbm>> -> memref<1x48x1x224xf32, #tpu.memory_space<hbm>>
    %dma_start3A_21 = tpu.memref_squeeze %dma_start3A_20 : memref<1x48x1x224xf32, #tpu.memory_space<hbm>> -> memref<48x224xf32, #tpu.memory_space<hbm>>
    %dma_start3A_22 = arith.constant 0 : i32
    %dma_start3A_23 = arith.constant 0 : i32
    %dma_start3A_24 = tpu.memref_slice %arg8[%dma_start3A, %dma_start3A_13, %dma_start3A_22, %dma_start3A_23] : memref<3x2x48x224xf32, #tpu.memory_space<vmem>> -> memref<1x1x48x224xf32, #tpu.memory_space<vmem>>
    %dma_start3A_25 = tpu.memref_squeeze %dma_start3A_24 : memref<1x1x48x224xf32, #tpu.memory_space<vmem>> -> memref<48x224xf32, #tpu.memory_space<vmem>>
    %dma_start3A_26 = arith.constant 0 : i32
    %dma_start3A_27 = arith.constant 0 : i32
    %dma_start3A_28 = tpu.memref_slice %arg2[%squeeze3A, %dma_start3A_26, %squeeze3A_8, %dma_start3A_27] : memref<4x96x224x224xf32, #tpu.memory_space<hbm>> -> memref<1x48x1x224xf32, #tpu.memory_space<hbm>>
    %dma_start3A_29 = tpu.memref_squeeze %dma_start3A_28 : memref<1x48x1x224xf32, #tpu.memory_space<hbm>> -> memref<48x224xf32, #tpu.memory_space<hbm>>
    tpu.enqueue_dma source(%dma_start3A_29 : memref<48x224xf32, #tpu.memory_space<hbm>>) target(%dma_start3A_25 : memref<48x224xf32, #tpu.memory_space<vmem>>) target_semaphore(%arg10 : memref<!tpu.dma_semaphore, #tpu.memory_space<semaphore_mem>>)
    %dma_start3A_30 = arith.constant 0 : i32
    %dma_start3A_31 = arith.constant 1 : i32
    %dma_start3A_32 = arith.constant 0 : i32
    %dma_start3A_33 = arith.constant 0 : i32
    %dma_start3A_34 = tpu.memref_slice %arg8[%dma_start3A_30, %dma_start3A_31, %dma_start3A_32, %dma_start3A_33] : memref<3x2x48x224xf32, #tpu.memory_space<vmem>> -> memref<1x1x48x224xf32, #tpu.memory_space<vmem>>
    %dma_start3A_35 = tpu.memref_squeeze %dma_start3A_34 : memref<1x1x48x224xf32, #tpu.memory_space<vmem>> -> memref<48x224xf32, #tpu.memory_space<vmem>>
    %dma_start3A_36 = arith.constant 0 : i32
    %dma_start3A_37 = arith.constant 0 : i32
    %dma_start3A_38 = tpu.memref_slice %arg2[%squeeze3A_10, %dma_start3A_36, %squeeze3A_12, %dma_start3A_37] : memref<4x96x224x224xf32, #tpu.memory_space<hbm>> -> memref<1x48x1x224xf32, #tpu.memory_space<hbm>>
    %dma_start3A_39 = tpu.memref_squeeze %dma_start3A_38 : memref<1x48x1x224xf32, #tpu.memory_space<hbm>> -> memref<48x224xf32, #tpu.memory_space<hbm>>
    %dma_start3A_40 = arith.constant 0 : i32
    %dma_start3A_41 = arith.constant 0 : i32
    %dma_start3A_42 = tpu.memref_slice %arg8[%dma_start3A_30, %dma_start3A_31, %dma_start3A_40, %dma_start3A_41] : memref<3x2x48x224xf32, #tpu.memory_space<vmem>> -> memref<1x1x48x224xf32, #tpu.memory_space<vmem>>
    %dma_start3A_43 = tpu.memref_squeeze %dma_start3A_42 : memref<1x1x48x224xf32, #tpu.memory_space<vmem>> -> memref<48x224xf32, #tpu.memory_space<vmem>>
    %dma_start3A_44 = arith.constant 0 : i32
    %dma_start3A_45 = arith.constant 0 : i32
    %dma_start3A_46 = tpu.memref_slice %arg2[%squeeze3A_10, %dma_start3A_44, %squeeze3A_12, %dma_start3A_45] : memref<4x96x224x224xf32, #tpu.memory_space<hbm>> -> memref<1x48x1x224xf32, #tpu.memory_space<hbm>>
    %dma_start3A_47 = tpu.memref_squeeze %dma_start3A_46 : memref<1x48x1x224xf32, #tpu.memory_space<hbm>> -> memref<48x224xf32, #tpu.memory_space<hbm>>
    tpu.enqueue_dma source(%dma_start3A_47 : memref<48x224xf32, #tpu.memory_space<hbm>>) target(%dma_start3A_43 : memref<48x224xf32, #tpu.memory_space<vmem>>) target_semaphore(%arg10 : memref<!tpu.dma_semaphore, #tpu.memory_space<semaphore_mem>>)
    %get3A_48 = arith.constant 0 : i32
    %get3A_49 = arith.index_cast %get3A_48 : i32 to index
    %get3A_50 = arith.constant 0 : index
    %get3A_51 = tpu.vector_load %arg6[%get3A_49, %get3A_50] {strides = array<i32>} : memref<32x16xi32, #tpu.memory_space<vmem>>, vector<1x16xi32>,
    %get3A_52 = vector.shape_cast %get3A_51 : vector<1x16xi32> to vector<16xi32>
    %slice3A_53 = vector.extract_strided_slice %get3A_52 {offsets = [0], sizes = [1], strides = [1]} : vector<16xi32> to vector<1xi32>
    %squeeze3A_54 = vector.extract %slice3A_53[0] : i32 from vector<1xi32>
    %slice3A_55 = vector.extract_strided_slice %get3A_52 {offsets = [1], sizes = [1], strides = [1]} : vector<16xi32> to vector<1xi32>
    %squeeze3A_56 = vector.extract %slice3A_55[0] : i32 from vector<1xi32>
    %slice3A_57 = vector.extract_strided_slice %get3A_52 {offsets = [2], sizes = [1], strides = [1]} : vector<16xi32> to vector<1xi32>
    %squeeze3A_58 = vector.extract %slice3A_57[0] : i32 from vector<1xi32>
    %slice3A_59 = vector.extract_strided_slice %get3A_52 {offsets = [3], sizes = [1], strides = [1]} : vector<16xi32> to vector<1xi32>
    %squeeze3A_60 = vector.extract %slice3A_59[0] : i32 from vector<1xi32>
    %dma_start3A_61 = arith.constant 1 : i32
    %dma_start3A_62 = arith.constant 0 : i32
    %dma_start3A_63 = arith.constant 0 : i32
    %dma_start3A_64 = arith.constant 0 : i32
    %dma_start3A_65 = tpu.memref_slice %arg8[%dma_start3A_61, %dma_start3A_62, %dma_start3A_63, %dma_start3A_64] : memref<3x2x48x224xf32, #tpu.memory_space<vmem>> -> memref<1x1x48x224xf32, #tpu.memory_space<vmem>>
    %dma_start3A_66 = tpu.memref_squeeze %dma_start3A_65 : memref<1x1x48x224xf32, #tpu.memory_space<vmem>> -> memref<48x224xf32, #tpu.memory_space<vmem>>
    %dma_start3A_67 = arith.constant 48 : i32
    %dma_start3A_68 = arith.constant 0 : i32
    %dma_start3A_69 = tpu.memref_slice %arg2[%squeeze3A_54, %dma_start3A_67, %squeeze3A_56, %dma_start3A_68] : memref<4x96x224x224xf32, #tpu.memory_space<hbm>> -> memref<1x48x1x224xf32, #tpu.memory_space<hbm>>
    %dma_start3A_70 = tpu.memref_squeeze %dma_start3A_69 : memref<1x48x1x224xf32, #tpu.memory_space<hbm>> -> memref<48x224xf32, #tpu.memory_space<hbm>>
    %dma_start3A_71 = arith.constant 0 : i32
    %dma_start3A_72 = arith.constant 0 : i32
    %dma_start3A_73 = tpu.memref_slice %arg8[%dma_start3A_61, %dma_start3A_62, %dma_start3A_71, %dma_start3A_72] : memref<3x2x48x224xf32, #tpu.memory_space<vmem>> -> memref<1x1x48x224xf32, #tpu.memory_space<vmem>>
    %dma_start3A_74 = tpu.memref_squeeze %dma_start3A_73 : memref<1x1x48x224xf32, #tpu.memory_space<vmem>> -> memref<48x224xf32, #tpu.memory_space<vmem>>
    %dma_start3A_75 = arith.constant 48 : i32
    %dma_start3A_76 = arith.constant 0 : i32
    %dma_start3A_77 = tpu.memref_slice %arg2[%squeeze3A_54, %dma_start3A_75, %squeeze3A_56, %dma_start3A_76] : memref<4x96x224x224xf32, #tpu.memory_space<hbm>> -> memref<1x48x1x224xf32, #tpu.memory_space<hbm>>
    %dma_start3A_78 = tpu.memref_squeeze %dma_start3A_77 : memref<1x48x1x224xf32, #tpu.memory_space<hbm>> -> memref<48x224xf32, #tpu.memory_space<hbm>>
    tpu.enqueue_dma source(%dma_start3A_78 : memref<48x224xf32, #tpu.memory_space<hbm>>) target(%dma_start3A_74 : memref<48x224xf32, #tpu.memory_space<vmem>>) target_semaphore(%arg11 : memref<!tpu.dma_semaphore, #tpu.memory_space<semaphore_mem>>)
    %dma_start3A_79 = arith.constant 1 : i32
    %dma_start3A_80 = arith.constant 1 : i32
    %dma_start3A_81 = arith.constant 0 : i32
    %dma_start3A_82 = arith.constant 0 : i32
    %dma_start3A_83 = tpu.memref_slice %arg8[%dma_start3A_79, %dma_start3A_80, %dma_start3A_81, %dma_start3A_82] : memref<3x2x48x224xf32, #tpu.memory_space<vmem>> -> memref<1x1x48x224xf32, #tpu.memory_space<vmem>>
    %dma_start3A_84 = tpu.memref_squeeze %dma_start3A_83 : memref<1x1x48x224xf32, #tpu.memory_space<vmem>> -> memref<48x224xf32, #tpu.memory_space<vmem>>
    %dma_start3A_85 = arith.constant 48 : i32
    %dma_start3A_86 = arith.constant 0 : i32
    %dma_start3A_87 = tpu.memref_slice %arg2[%squeeze3A_58, %dma_start3A_85, %squeeze3A_60, %dma_start3A_86] : memref<4x96x224x224xf32, #tpu.memory_space<hbm>> -> memref<1x48x1x224xf32, #tpu.memory_space<hbm>>
    %dma_start3A_88 = tpu.memref_squeeze %dma_start3A_87 : memref<1x48x1x224xf32, #tpu.memory_space<hbm>> -> memref<48x224xf32, #tpu.memory_space<hbm>>
    %dma_start3A_89 = arith.constant 0 : i32
    %dma_start3A_90 = arith.constant 0 : i32
    %dma_start3A_91 = tpu.memref_slice %arg8[%dma_start3A_79, %dma_start3A_80, %dma_start3A_89, %dma_start3A_90] : memref<3x2x48x224xf32, #tpu.memory_space<vmem>> -> memref<1x1x48x224xf32, #tpu.memory_space<vmem>>
    %dma_start3A_92 = tpu.memref_squeeze %dma_start3A_91 : memref<1x1x48x224xf32, #tpu.memory_space<vmem>> -> memref<48x224xf32, #tpu.memory_space<vmem>>
    %dma_start3A_93 = arith.constant 48 : i32
    %dma_start3A_94 = arith.constant 0 : i32
    %dma_start3A_95 = tpu.memref_slice %arg2[%squeeze3A_58, %dma_start3A_93, %squeeze3A_60, %dma_start3A_94] : memref<4x96x224x224xf32, #tpu.memory_space<hbm>> -> memref<1x48x1x224xf32, #tpu.memory_space<hbm>>
    %dma_start3A_96 = tpu.memref_squeeze %dma_start3A_95 : memref<1x48x1x224xf32, #tpu.memory_space<hbm>> -> memref<48x224xf32, #tpu.memory_space<hbm>>
    tpu.enqueue_dma source(%dma_start3A_96 : memref<48x224xf32, #tpu.memory_space<hbm>>) target(%dma_start3A_92 : memref<48x224xf32, #tpu.memory_space<vmem>>) target_semaphore(%arg11 : memref<!tpu.dma_semaphore, #tpu.memory_space<semaphore_mem>>)
    %scan3A = arith.constant 0 : i32
    %scan3A_97 = arith.constant 0 : i32
    %scan3A_98 = arith.constant 64 : i32
    %scan3A_99 = arith.addi %scan3A_97, %scan3A_98 : i32
    %scan3A_100 = arith.constant 1 : i32
    %scan3A_101 = scf.for %scan3A_140 = %scan3A_97 to %scan3A_99 step %scan3A_100 iter_args(%scan3A_141 = %scan3A) -> (i32)  : i32 {
      %jit3A = arith.constant 2 : i32
      %div3A = arith.divsi %scan3A_140, %jit3A : i32
      %sign3A = arith.constant 0 : i32
      %sign3A_142 = arith.cmpi sgt, %scan3A_140, %sign3A : i32
      %sign3A_143 = arith.extui %sign3A_142 : i1 to i32
      %sign3A_144 = arith.constant 0 : i32
      %sign3A_145 = arith.cmpi slt, %scan3A_140, %sign3A_144 : i32
      %sign3A_146 = arith.extui %sign3A_145 : i1 to i32
      %sign3A_147 = arith.subi %sign3A_143, %sign3A_146 : i32
      %sign3A_148 = arith.constant 0 : i32
      %sign3A_149 = arith.cmpi sgt, %jit3A, %sign3A_148 : i32
      %sign3A_150 = arith.extui %sign3A_149 : i1 to i32
      %sign3A_151 = arith.constant 0 : i32
      %sign3A_152 = arith.cmpi slt, %jit3A, %sign3A_151 : i32
      %sign3A_153 = arith.extui %sign3A_152 : i1 to i32
      %sign3A_154 = arith.subi %sign3A_150, %sign3A_153 : i32
      %ne3A = arith.cmpi ne, %sign3A_147, %sign3A_154 : i32
      %rem3A = arith.remsi %scan3A_140, %jit3A : i32
      %ne3A_155 = arith.constant 0 : i32
      %ne3A_156 = arith.cmpi ne, %rem3A, %ne3A_155 : i32
      %and3A = arith.andi %ne3A, %ne3A_156 : i1
      %sub3A = arith.constant 1 : i32
      %sub3A_157 = arith.subi %div3A, %sub3A : i32
      %select_n3A = arith.select %and3A, %sub3A_157, %div3A : i32
      %jit3A_158 = arith.constant 2 : i32
      %eq3A = arith.constant 0 : i32
      %eq3A_159 = arith.cmpi eq, %jit3A_158, %eq3A : i32
      %jit3A_160 = arith.constant 1 : i32
      %select_n3A_161 = arith.select %eq3A_159, %jit3A_160, %jit3A_158 : i32
      %rem3A_162 = arith.remsi %scan3A_140, %select_n3A_161 : i32
      %ne3A_163 = arith.constant 0 : i32
      %ne3A_164 = arith.cmpi ne, %rem3A_162, %ne3A_163 : i32
      %lt3A = arith.constant 0 : i32
      %lt3A_165 = arith.cmpi slt, %rem3A_162, %lt3A : i32
      %lt3A_166 = arith.constant 0 : i32
      %lt3A_167 = arith.cmpi slt, %select_n3A_161, %lt3A_166 : i32
      %ne3A_168 = arith.xori %lt3A_165, %lt3A_167 : i1
      %and3A_169 = arith.andi %ne3A_168, %ne3A_164 : i1
      %add3A_170 = arith.addi %rem3A_162, %select_n3A_161 : i32
      %select_n3A_171 = arith.select %and3A_169, %add3A_170, %rem3A_162 : i32
      %jit3A_172 = arith.constant 3 : i32
      %eq3A_173 = arith.constant 0 : i32
      %eq3A_174 = arith.cmpi eq, %jit3A_172, %eq3A_173 : i32
      %jit3A_175 = arith.constant 1 : i32
      %select_n3A_176 = arith.select %eq3A_174, %jit3A_175, %jit3A_172 : i32
      %rem3A_177 = arith.remsi %scan3A_140, %select_n3A_176 : i32
      %ne3A_178 = arith.constant 0 : i32
      %ne3A_179 = arith.cmpi ne, %rem3A_177, %ne3A_178 : i32
      %lt3A_180 = arith.constant 0 : i32
      %lt3A_181 = arith.cmpi slt, %rem3A_177, %lt3A_180 : i32
      %lt3A_182 = arith.constant 0 : i32
      %lt3A_183 = arith.cmpi slt, %select_n3A_176, %lt3A_182 : i32
      %ne3A_184 = arith.xori %lt3A_181, %lt3A_183 : i1
      %and3A_185 = arith.andi %ne3A_184, %ne3A_179 : i1
      %add3A_186 = arith.addi %rem3A_177, %select_n3A_176 : i32
      %select_n3A_187 = arith.select %and3A_185, %add3A_186, %rem3A_177 : i32
      %jit3A_188 = arith.constant 2 : i32
      %eq3A_189 = arith.constant 0 : i32
      %eq3A_190 = arith.cmpi eq, %jit3A_188, %eq3A_189 : i32
      %jit3A_191 = arith.constant 1 : i32
      %select_n3A_192 = arith.select %eq3A_190, %jit3A_191, %jit3A_188 : i32
      %rem3A_193 = arith.remsi %select_n3A, %select_n3A_192 : i32
      %ne3A_194 = arith.constant 0 : i32
      %ne3A_195 = arith.cmpi ne, %rem3A_193, %ne3A_194 : i32
      %lt3A_196 = arith.constant 0 : i32
      %lt3A_197 = arith.cmpi slt, %rem3A_193, %lt3A_196 : i32
      %lt3A_198 = arith.constant 0 : i32
      %lt3A_199 = arith.cmpi slt, %select_n3A_192, %lt3A_198 : i32
      %ne3A_200 = arith.xori %lt3A_197, %lt3A_199 : i1
      %and3A_201 = arith.andi %ne3A_200, %ne3A_195 : i1
      %add3A_202 = arith.addi %rem3A_193, %select_n3A_192 : i32
      %select_n3A_203 = arith.select %and3A_201, %add3A_202, %rem3A_193 : i32
      %eq3A_204 = arith.constant 0 : i32
      %eq3A_205 = arith.cmpi eq, %select_n3A_187, %eq3A_204 : i32
      %convert_element_type3A = arith.extui %eq3A_205 : i1 to i32
      %cond3A = arith.constant 0 : i32
      %cond3A_206 = arith.cmpi ne, %convert_element_type3A, %cond3A : i32
      scf.if %cond3A_206 {
        %jit3A_253 = arith.constant 2 : i32
        %div3A_254 = arith.divsi %scan3A_140, %jit3A_253 : i32
        %sign3A_255 = arith.constant 0 : i32
        %sign3A_256 = arith.cmpi sgt, %scan3A_140, %sign3A_255 : i32
        %sign3A_257 = arith.extui %sign3A_256 : i1 to i32
        %sign3A_258 = arith.constant 0 : i32
        %sign3A_259 = arith.cmpi slt, %scan3A_140, %sign3A_258 : i32
        %sign3A_260 = arith.extui %sign3A_259 : i1 to i32
        %sign3A_261 = arith.subi %sign3A_257, %sign3A_260 : i32
        %sign3A_262 = arith.constant 0 : i32
        %sign3A_263 = arith.cmpi sgt, %jit3A_253, %sign3A_262 : i32
        %sign3A_264 = arith.extui %sign3A_263 : i1 to i32
        %sign3A_265 = arith.constant 0 : i32
        %sign3A_266 = arith.cmpi slt, %jit3A_253, %sign3A_265 : i32
        %sign3A_267 = arith.extui %sign3A_266 : i1 to i32
        %sign3A_268 = arith.subi %sign3A_264, %sign3A_267 : i32
        %ne3A_269 = arith.cmpi ne, %sign3A_261, %sign3A_268 : i32
        %rem3A_270 = arith.remsi %scan3A_140, %jit3A_253 : i32
        %ne3A_271 = arith.constant 0 : i32
        %ne3A_272 = arith.cmpi ne, %rem3A_270, %ne3A_271 : i32
        %and3A_273 = arith.andi %ne3A_269, %ne3A_272 : i1
        %sub3A_274 = arith.constant 1 : i32
        %sub3A_275 = arith.subi %div3A_254, %sub3A_274 : i32
        %select_n3A_276 = arith.select %and3A_273, %sub3A_275, %div3A_254 : i32
        %jit3A_277 = arith.constant 2 : i32
        %eq3A_278 = arith.constant 0 : i32
        %eq3A_279 = arith.cmpi eq, %jit3A_277, %eq3A_278 : i32
        %jit3A_280 = arith.constant 1 : i32
        %select_n3A_281 = arith.select %eq3A_279, %jit3A_280, %jit3A_277 : i32
        %rem3A_282 = arith.remsi %scan3A_140, %select_n3A_281 : i32
        %ne3A_283 = arith.constant 0 : i32
        %ne3A_284 = arith.cmpi ne, %rem3A_282, %ne3A_283 : i32
        %lt3A_285 = arith.constant 0 : i32
        %lt3A_286 = arith.cmpi slt, %rem3A_282, %lt3A_285 : i32
        %lt3A_287 = arith.constant 0 : i32
        %lt3A_288 = arith.cmpi slt, %select_n3A_281, %lt3A_287 : i32
        %ne3A_289 = arith.xori %lt3A_286, %lt3A_288 : i1
        %and3A_290 = arith.andi %ne3A_289, %ne3A_284 : i1
        %add3A_291 = arith.addi %rem3A_282, %select_n3A_281 : i32
        %select_n3A_292 = arith.select %and3A_290, %add3A_291, %rem3A_282 : i32
        %get3A_293 = arith.index_cast %select_n3A_276 : i32 to index
        %get3A_294 = arith.constant 0 : index
        %get3A_295 = tpu.vector_load %arg6[%get3A_293, %get3A_294] {strides = array<i32>} : memref<32x16xi32, #tpu.memory_space<vmem>>, vector<1x16xi32>,
        %get3A_296 = vector.shape_cast %get3A_295 : vector<1x16xi32> to vector<16xi32>
        %mul3A_297 = arith.constant 48 : i32
        %mul3A_298 = arith.muli %select_n3A_292, %mul3A_297 : i32
        %slice3A_299 = vector.extract_strided_slice %get3A_296 {offsets = [0], sizes = [1], strides = [1]} : vector<16xi32> to vector<1xi32>
        %squeeze3A_300 = vector.extract %slice3A_299[0] : i32 from vector<1xi32>
        %slice3A_301 = vector.extract_strided_slice %get3A_296 {offsets = [1], sizes = [1], strides = [1]} : vector<16xi32> to vector<1xi32>
        %squeeze3A_302 = vector.extract %slice3A_301[0] : i32 from vector<1xi32>
        %slice3A_303 = vector.extract_strided_slice %get3A_296 {offsets = [2], sizes = [1], strides = [1]} : vector<16xi32> to vector<1xi32>
        %squeeze3A_304 = vector.extract %slice3A_303[0] : i32 from vector<1xi32>
        %slice3A_305 = vector.extract_strided_slice %get3A_296 {offsets = [3], sizes = [1], strides = [1]} : vector<16xi32> to vector<1xi32>
        %squeeze3A_306 = vector.extract %slice3A_305[0] : i32 from vector<1xi32>
        %dma_wait3A_307 = arith.constant 0 : i32
        %dma_wait3A_308 = arith.constant 0 : i32
        %dma_wait3A_309 = arith.constant 0 : i32
        %dma_wait3A_310 = arith.constant 0 : i32
        %dma_wait3A_311 = tpu.memref_slice %arg8[%dma_wait3A_307, %dma_wait3A_308, %dma_wait3A_309, %dma_wait3A_310] : memref<3x2x48x224xf32, #tpu.memory_space<vmem>> -> memref<1x1x48x224xf32, #tpu.memory_space<vmem>>
        %dma_wait3A_312 = tpu.memref_squeeze %dma_wait3A_311 : memref<1x1x48x224xf32, #tpu.memory_space<vmem>> -> memref<48x224xf32, #tpu.memory_space<vmem>>
        %dma_wait3A_313 = arith.constant 0 : i32
        %dma_wait3A_314 = tpu.memref_slice %arg2[%squeeze3A_300, %mul3A_298, %squeeze3A_302, %dma_wait3A_313] : memref<4x96x224x224xf32, #tpu.memory_space<hbm>> -> memref<1x48x1x224xf32, #tpu.memory_space<hbm>>
        %dma_wait3A_315 = tpu.memref_squeeze %dma_wait3A_314 : memref<1x48x1x224xf32, #tpu.memory_space<hbm>> -> memref<48x224xf32, #tpu.memory_space<hbm>>
        %dma_wait3A_316 = arith.constant 0 : i32
        %dma_wait3A_317 = arith.constant 0 : i32
        %dma_wait3A_318 = tpu.memref_slice %arg8[%dma_wait3A_307, %dma_wait3A_308, %dma_wait3A_316, %dma_wait3A_317] : memref<3x2x48x224xf32, #tpu.memory_space<vmem>> -> memref<1x1x48x224xf32, #tpu.memory_space<vmem>>
        %dma_wait3A_319 = tpu.memref_squeeze %dma_wait3A_318 : memref<1x1x48x224xf32, #tpu.memory_space<vmem>> -> memref<48x224xf32, #tpu.memory_space<vmem>>
        %dma_wait3A_320 = arith.constant 0 : i32
        %dma_wait3A_321 = tpu.memref_slice %arg2[%squeeze3A_300, %mul3A_298, %squeeze3A_302, %dma_wait3A_320] : memref<4x96x224x224xf32, #tpu.memory_space<hbm>> -> memref<1x48x1x224xf32, #tpu.memory_space<hbm>>
        %dma_wait3A_322 = tpu.memref_squeeze %dma_wait3A_321 : memref<1x48x1x224xf32, #tpu.memory_space<hbm>> -> memref<48x224xf32, #tpu.memory_space<hbm>>
        tpu.wait_dma2 semaphore(%arg10 : memref<!tpu.dma_semaphore, #tpu.memory_space<semaphore_mem>>) src(%dma_wait3A_322 : memref<48x224xf32, #tpu.memory_space<hbm>>) dst(%dma_wait3A_319 : memref<48x224xf32, #tpu.memory_space<vmem>>)
        %dma_wait3A_323 = arith.constant 0 : i32
        %dma_wait3A_324 = arith.constant 1 : i32
        %dma_wait3A_325 = arith.constant 0 : i32
        %dma_wait3A_326 = arith.constant 0 : i32
        %dma_wait3A_327 = tpu.memref_slice %arg8[%dma_wait3A_323, %dma_wait3A_324, %dma_wait3A_325, %dma_wait3A_326] : memref<3x2x48x224xf32, #tpu.memory_space<vmem>> -> memref<1x1x48x224xf32, #tpu.memory_space<vmem>>
        %dma_wait3A_328 = tpu.memref_squeeze %dma_wait3A_327 : memref<1x1x48x224xf32, #tpu.memory_space<vmem>> -> memref<48x224xf32, #tpu.memory_space<vmem>>
        %dma_wait3A_329 = arith.constant 0 : i32
        %dma_wait3A_330 = tpu.memref_slice %arg2[%squeeze3A_304, %mul3A_298, %squeeze3A_306, %dma_wait3A_329] : memref<4x96x224x224xf32, #tpu.memory_space<hbm>> -> memref<1x48x1x224xf32, #tpu.memory_space<hbm>>
        %dma_wait3A_331 = tpu.memref_squeeze %dma_wait3A_330 : memref<1x48x1x224xf32, #tpu.memory_space<hbm>> -> memref<48x224xf32, #tpu.memory_space<hbm>>
        %dma_wait3A_332 = arith.constant 0 : i32
        %dma_wait3A_333 = arith.constant 0 : i32
        %dma_wait3A_334 = tpu.memref_slice %arg8[%dma_wait3A_323, %dma_wait3A_324, %dma_wait3A_332, %dma_wait3A_333] : memref<3x2x48x224xf32, #tpu.memory_space<vmem>> -> memref<1x1x48x224xf32, #tpu.memory_space<vmem>>
        %dma_wait3A_335 = tpu.memref_squeeze %dma_wait3A_334 : memref<1x1x48x224xf32, #tpu.memory_space<vmem>> -> memref<48x224xf32, #tpu.memory_space<vmem>>
        %dma_wait3A_336 = arith.constant 0 : i32
        %dma_wait3A_337 = tpu.memref_slice %arg2[%squeeze3A_304, %mul3A_298, %squeeze3A_306, %dma_wait3A_336] : memref<4x96x224x224xf32, #tpu.memory_space<hbm>> -> memref<1x48x1x224xf32, #tpu.memory_space<hbm>>
        %dma_wait3A_338 = tpu.memref_squeeze %dma_wait3A_337 : memref<1x48x1x224xf32, #tpu.memory_space<hbm>> -> memref<48x224xf32, #tpu.memory_space<hbm>>
        tpu.wait_dma2 semaphore(%arg10 : memref<!tpu.dma_semaphore, #tpu.memory_space<semaphore_mem>>) src(%dma_wait3A_338 : memref<48x224xf32, #tpu.memory_space<hbm>>) dst(%dma_wait3A_335 : memref<48x224xf32, #tpu.memory_space<vmem>>)
      } else {
      }
      %eq3A_207 = arith.constant 1 : i32
      %eq3A_208 = arith.cmpi eq, %select_n3A_187, %eq3A_207 : i32
      %convert_element_type3A_209 = arith.extui %eq3A_208 : i1 to i32
      %cond3A_210 = arith.constant 0 : i32
      %cond3A_211 = arith.cmpi ne, %convert_element_type3A_209, %cond3A_210 : i32
      scf.if %cond3A_211 {
        %jit3A_253 = arith.constant 2 : i32
        %div3A_254 = arith.divsi %scan3A_140, %jit3A_253 : i32
        %sign3A_255 = arith.constant 0 : i32
        %sign3A_256 = arith.cmpi sgt, %scan3A_140, %sign3A_255 : i32
        %sign3A_257 = arith.extui %sign3A_256 : i1 to i32
        %sign3A_258 = arith.constant 0 : i32
        %sign3A_259 = arith.cmpi slt, %scan3A_140, %sign3A_258 : i32
        %sign3A_260 = arith.extui %sign3A_259 : i1 to i32
        %sign3A_261 = arith.subi %sign3A_257, %sign3A_260 : i32
        %sign3A_262 = arith.constant 0 : i32
        %sign3A_263 = arith.cmpi sgt, %jit3A_253, %sign3A_262 : i32
        %sign3A_264 = arith.extui %sign3A_263 : i1 to i32
        %sign3A_265 = arith.constant 0 : i32
        %sign3A_266 = arith.cmpi slt, %jit3A_253, %sign3A_265 : i32
        %sign3A_267 = arith.extui %sign3A_266 : i1 to i32
        %sign3A_268 = arith.subi %sign3A_264, %sign3A_267 : i32
        %ne3A_269 = arith.cmpi ne, %sign3A_261, %sign3A_268 : i32
        %rem3A_270 = arith.remsi %scan3A_140, %jit3A_253 : i32
        %ne3A_271 = arith.constant 0 : i32
        %ne3A_272 = arith.cmpi ne, %rem3A_270, %ne3A_271 : i32
        %and3A_273 = arith.andi %ne3A_269, %ne3A_272 : i1
        %sub3A_274 = arith.constant 1 : i32
        %sub3A_275 = arith.subi %div3A_254, %sub3A_274 : i32
        %select_n3A_276 = arith.select %and3A_273, %sub3A_275, %div3A_254 : i32
        %jit3A_277 = arith.constant 2 : i32
        %eq3A_278 = arith.constant 0 : i32
        %eq3A_279 = arith.cmpi eq, %jit3A_277, %eq3A_278 : i32
        %jit3A_280 = arith.constant 1 : i32
        %select_n3A_281 = arith.select %eq3A_279, %jit3A_280, %jit3A_277 : i32
        %rem3A_282 = arith.remsi %scan3A_140, %select_n3A_281 : i32
        %ne3A_283 = arith.constant 0 : i32
        %ne3A_284 = arith.cmpi ne, %rem3A_282, %ne3A_283 : i32
        %lt3A_285 = arith.constant 0 : i32
        %lt3A_286 = arith.cmpi slt, %rem3A_282, %lt3A_285 : i32
        %lt3A_287 = arith.constant 0 : i32
        %lt3A_288 = arith.cmpi slt, %select_n3A_281, %lt3A_287 : i32
        %ne3A_289 = arith.xori %lt3A_286, %lt3A_288 : i1
        %and3A_290 = arith.andi %ne3A_289, %ne3A_284 : i1
        %add3A_291 = arith.addi %rem3A_282, %select_n3A_281 : i32
        %select_n3A_292 = arith.select %and3A_290, %add3A_291, %rem3A_282 : i32
        %get3A_293 = arith.index_cast %select_n3A_276 : i32 to index
        %get3A_294 = arith.constant 0 : index
        %get3A_295 = tpu.vector_load %arg6[%get3A_293, %get3A_294] {strides = array<i32>} : memref<32x16xi32, #tpu.memory_space<vmem>>, vector<1x16xi32>,
        %get3A_296 = vector.shape_cast %get3A_295 : vector<1x16xi32> to vector<16xi32>
        %mul3A_297 = arith.constant 48 : i32
        %mul3A_298 = arith.muli %select_n3A_292, %mul3A_297 : i32
        %slice3A_299 = vector.extract_strided_slice %get3A_296 {offsets = [0], sizes = [1], strides = [1]} : vector<16xi32> to vector<1xi32>
        %squeeze3A_300 = vector.extract %slice3A_299[0] : i32 from vector<1xi32>
        %slice3A_301 = vector.extract_strided_slice %get3A_296 {offsets = [1], sizes = [1], strides = [1]} : vector<16xi32> to vector<1xi32>
        %squeeze3A_302 = vector.extract %slice3A_301[0] : i32 from vector<1xi32>
        %slice3A_303 = vector.extract_strided_slice %get3A_296 {offsets = [2], sizes = [1], strides = [1]} : vector<16xi32> to vector<1xi32>
        %squeeze3A_304 = vector.extract %slice3A_303[0] : i32 from vector<1xi32>
        %slice3A_305 = vector.extract_strided_slice %get3A_296 {offsets = [3], sizes = [1], strides = [1]} : vector<16xi32> to vector<1xi32>
        %squeeze3A_306 = vector.extract %slice3A_305[0] : i32 from vector<1xi32>
        %dma_wait3A_307 = arith.constant 1 : i32
        %dma_wait3A_308 = arith.constant 0 : i32
        %dma_wait3A_309 = arith.constant 0 : i32
        %dma_wait3A_310 = arith.constant 0 : i32
        %dma_wait3A_311 = tpu.memref_slice %arg8[%dma_wait3A_307, %dma_wait3A_308, %dma_wait3A_309, %dma_wait3A_310] : memref<3x2x48x224xf32, #tpu.memory_space<vmem>> -> memref<1x1x48x224xf32, #tpu.memory_space<vmem>>
        %dma_wait3A_312 = tpu.memref_squeeze %dma_wait3A_311 : memref<1x1x48x224xf32, #tpu.memory_space<vmem>> -> memref<48x224xf32, #tpu.memory_space<vmem>>
        %dma_wait3A_313 = arith.constant 0 : i32
        %dma_wait3A_314 = tpu.memref_slice %arg2[%squeeze3A_300, %mul3A_298, %squeeze3A_302, %dma_wait3A_313] : memref<4x96x224x224xf32, #tpu.memory_space<hbm>> -> memref<1x48x1x224xf32, #tpu.memory_space<hbm>>
        %dma_wait3A_315 = tpu.memref_squeeze %dma_wait3A_314 : memref<1x48x1x224xf32, #tpu.memory_space<hbm>> -> memref<48x224xf32, #tpu.memory_space<hbm>>
        %dma_wait3A_316 = arith.constant 0 : i32
        %dma_wait3A_317 = arith.constant 0 : i32
        %dma_wait3A_318 = tpu.memref_slice %arg8[%dma_wait3A_307, %dma_wait3A_308, %dma_wait3A_316, %dma_wait3A_317] : memref<3x2x48x224xf32, #tpu.memory_space<vmem>> -> memref<1x1x48x224xf32, #tpu.memory_space<vmem>>
        %dma_wait3A_319 = tpu.memref_squeeze %dma_wait3A_318 : memref<1x1x48x224xf32, #tpu.memory_space<vmem>> -> memref<48x224xf32, #tpu.memory_space<vmem>>
        %dma_wait3A_320 = arith.constant 0 : i32
        %dma_wait3A_321 = tpu.memref_slice %arg2[%squeeze3A_300, %mul3A_298, %squeeze3A_302, %dma_wait3A_320] : memref<4x96x224x224xf32, #tpu.memory_space<hbm>> -> memref<1x48x1x224xf32, #tpu.memory_space<hbm>>
        %dma_wait3A_322 = tpu.memref_squeeze %dma_wait3A_321 : memref<1x48x1x224xf32, #tpu.memory_space<hbm>> -> memref<48x224xf32, #tpu.memory_space<hbm>>
        tpu.wait_dma2 semaphore(%arg11 : memref<!tpu.dma_semaphore, #tpu.memory_space<semaphore_mem>>) src(%dma_wait3A_322 : memref<48x224xf32, #tpu.memory_space<hbm>>) dst(%dma_wait3A_319 : memref<48x224xf32, #tpu.memory_space<vmem>>)
        %dma_wait3A_323 = arith.constant 1 : i32
        %dma_wait3A_324 = arith.constant 1 : i32
        %dma_wait3A_325 = arith.constant 0 : i32
        %dma_wait3A_326 = arith.constant 0 : i32
        %dma_wait3A_327 = tpu.memref_slice %arg8[%dma_wait3A_323, %dma_wait3A_324, %dma_wait3A_325, %dma_wait3A_326] : memref<3x2x48x224xf32, #tpu.memory_space<vmem>> -> memref<1x1x48x224xf32, #tpu.memory_space<vmem>>
        %dma_wait3A_328 = tpu.memref_squeeze %dma_wait3A_327 : memref<1x1x48x224xf32, #tpu.memory_space<vmem>> -> memref<48x224xf32, #tpu.memory_space<vmem>>
        %dma_wait3A_329 = arith.constant 0 : i32
        %dma_wait3A_330 = tpu.memref_slice %arg2[%squeeze3A_304, %mul3A_298, %squeeze3A_306, %dma_wait3A_329] : memref<4x96x224x224xf32, #tpu.memory_space<hbm>> -> memref<1x48x1x224xf32, #tpu.memory_space<hbm>>
        %dma_wait3A_331 = tpu.memref_squeeze %dma_wait3A_330 : memref<1x48x1x224xf32, #tpu.memory_space<hbm>> -> memref<48x224xf32, #tpu.memory_space<hbm>>
        %dma_wait3A_332 = arith.constant 0 : i32
        %dma_wait3A_333 = arith.constant 0 : i32
        %dma_wait3A_334 = tpu.memref_slice %arg8[%dma_wait3A_323, %dma_wait3A_324, %dma_wait3A_332, %dma_wait3A_333] : memref<3x2x48x224xf32, #tpu.memory_space<vmem>> -> memref<1x1x48x224xf32, #tpu.memory_space<vmem>>
        %dma_wait3A_335 = tpu.memref_squeeze %dma_wait3A_334 : memref<1x1x48x224xf32, #tpu.memory_space<vmem>> -> memref<48x224xf32, #tpu.memory_space<vmem>>
        %dma_wait3A_336 = arith.constant 0 : i32
        %dma_wait3A_337 = tpu.memref_slice %arg2[%squeeze3A_304, %mul3A_298, %squeeze3A_306, %dma_wait3A_336] : memref<4x96x224x224xf32, #tpu.memory_space<hbm>> -> memref<1x48x1x224xf32, #tpu.memory_space<hbm>>
        %dma_wait3A_338 = tpu.memref_squeeze %dma_wait3A_337 : memref<1x48x1x224xf32, #tpu.memory_space<hbm>> -> memref<48x224xf32, #tpu.memory_space<hbm>>
        tpu.wait_dma2 semaphore(%arg11 : memref<!tpu.dma_semaphore, #tpu.memory_space<semaphore_mem>>) src(%dma_wait3A_338 : memref<48x224xf32, #tpu.memory_space<hbm>>) dst(%dma_wait3A_335 : memref<48x224xf32, #tpu.memory_space<vmem>>)
      } else {
      }
      %eq3A_212 = arith.constant 2 : i32
      %eq3A_213 = arith.cmpi eq, %select_n3A_187, %eq3A_212 : i32
      %convert_element_type3A_214 = arith.extui %eq3A_213 : i1 to i32
      %cond3A_215 = arith.constant 0 : i32
      %cond3A_216 = arith.cmpi ne, %convert_element_type3A_214, %cond3A_215 : i32
      scf.if %cond3A_216 {
        %jit3A_253 = arith.constant 2 : i32
        %div3A_254 = arith.divsi %scan3A_140, %jit3A_253 : i32
        %sign3A_255 = arith.constant 0 : i32
        %sign3A_256 = arith.cmpi sgt, %scan3A_140, %sign3A_255 : i32
        %sign3A_257 = arith.extui %sign3A_256 : i1 to i32
        %sign3A_258 = arith.constant 0 : i32
        %sign3A_259 = arith.cmpi slt, %scan3A_140, %sign3A_258 : i32
        %sign3A_260 = arith.extui %sign3A_259 : i1 to i32
        %sign3A_261 = arith.subi %sign3A_257, %sign3A_260 : i32
        %sign3A_262 = arith.constant 0 : i32
        %sign3A_263 = arith.cmpi sgt, %jit3A_253, %sign3A_262 : i32
        %sign3A_264 = arith.extui %sign3A_263 : i1 to i32
        %sign3A_265 = arith.constant 0 : i32
        %sign3A_266 = arith.cmpi slt, %jit3A_253, %sign3A_265 : i32
        %sign3A_267 = arith.extui %sign3A_266 : i1 to i32
        %sign3A_268 = arith.subi %sign3A_264, %sign3A_267 : i32
        %ne3A_269 = arith.cmpi ne, %sign3A_261, %sign3A_268 : i32
        %rem3A_270 = arith.remsi %scan3A_140, %jit3A_253 : i32
        %ne3A_271 = arith.constant 0 : i32
        %ne3A_272 = arith.cmpi ne, %rem3A_270, %ne3A_271 : i32
        %and3A_273 = arith.andi %ne3A_269, %ne3A_272 : i1
        %sub3A_274 = arith.constant 1 : i32
        %sub3A_275 = arith.subi %div3A_254, %sub3A_274 : i32
        %select_n3A_276 = arith.select %and3A_273, %sub3A_275, %div3A_254 : i32
        %jit3A_277 = arith.constant 2 : i32
        %eq3A_278 = arith.constant 0 : i32
        %eq3A_279 = arith.cmpi eq, %jit3A_277, %eq3A_278 : i32
        %jit3A_280 = arith.constant 1 : i32
        %select_n3A_281 = arith.select %eq3A_279, %jit3A_280, %jit3A_277 : i32
        %rem3A_282 = arith.remsi %scan3A_140, %select_n3A_281 : i32
        %ne3A_283 = arith.constant 0 : i32
        %ne3A_284 = arith.cmpi ne, %rem3A_282, %ne3A_283 : i32
        %lt3A_285 = arith.constant 0 : i32
        %lt3A_286 = arith.cmpi slt, %rem3A_282, %lt3A_285 : i32
        %lt3A_287 = arith.constant 0 : i32
        %lt3A_288 = arith.cmpi slt, %select_n3A_281, %lt3A_287 : i32
        %ne3A_289 = arith.xori %lt3A_286, %lt3A_288 : i1
        %and3A_290 = arith.andi %ne3A_289, %ne3A_284 : i1
        %add3A_291 = arith.addi %rem3A_282, %select_n3A_281 : i32
        %select_n3A_292 = arith.select %and3A_290, %add3A_291, %rem3A_282 : i32
        %get3A_293 = arith.index_cast %select_n3A_276 : i32 to index
        %get3A_294 = arith.constant 0 : index
        %get3A_295 = tpu.vector_load %arg6[%get3A_293, %get3A_294] {strides = array<i32>} : memref<32x16xi32, #tpu.memory_space<vmem>>, vector<1x16xi32>,
        %get3A_296 = vector.shape_cast %get3A_295 : vector<1x16xi32> to vector<16xi32>
        %mul3A_297 = arith.constant 48 : i32
        %mul3A_298 = arith.muli %select_n3A_292, %mul3A_297 : i32
        %slice3A_299 = vector.extract_strided_slice %get3A_296 {offsets = [0], sizes = [1], strides = [1]} : vector<16xi32> to vector<1xi32>
        %squeeze3A_300 = vector.extract %slice3A_299[0] : i32 from vector<1xi32>
        %slice3A_301 = vector.extract_strided_slice %get3A_296 {offsets = [1], sizes = [1], strides = [1]} : vector<16xi32> to vector<1xi32>
        %squeeze3A_302 = vector.extract %slice3A_301[0] : i32 from vector<1xi32>
        %slice3A_303 = vector.extract_strided_slice %get3A_296 {offsets = [2], sizes = [1], strides = [1]} : vector<16xi32> to vector<1xi32>
        %squeeze3A_304 = vector.extract %slice3A_303[0] : i32 from vector<1xi32>
        %slice3A_305 = vector.extract_strided_slice %get3A_296 {offsets = [3], sizes = [1], strides = [1]} : vector<16xi32> to vector<1xi32>
        %squeeze3A_306 = vector.extract %slice3A_305[0] : i32 from vector<1xi32>
        %dma_wait3A_307 = arith.constant 2 : i32
        %dma_wait3A_308 = arith.constant 0 : i32
        %dma_wait3A_309 = arith.constant 0 : i32
        %dma_wait3A_310 = arith.constant 0 : i32
        %dma_wait3A_311 = tpu.memref_slice %arg8[%dma_wait3A_307, %dma_wait3A_308, %dma_wait3A_309, %dma_wait3A_310] : memref<3x2x48x224xf32, #tpu.memory_space<vmem>> -> memref<1x1x48x224xf32, #tpu.memory_space<vmem>>
        %dma_wait3A_312 = tpu.memref_squeeze %dma_wait3A_311 : memref<1x1x48x224xf32, #tpu.memory_space<vmem>> -> memref<48x224xf32, #tpu.memory_space<vmem>>
        %dma_wait3A_313 = arith.constant 0 : i32
        %dma_wait3A_314 = tpu.memref_slice %arg2[%squeeze3A_300, %mul3A_298, %squeeze3A_302, %dma_wait3A_313] : memref<4x96x224x224xf32, #tpu.memory_space<hbm>> -> memref<1x48x1x224xf32, #tpu.memory_space<hbm>>
        %dma_wait3A_315 = tpu.memref_squeeze %dma_wait3A_314 : memref<1x48x1x224xf32, #tpu.memory_space<hbm>> -> memref<48x224xf32, #tpu.memory_space<hbm>>
        %dma_wait3A_316 = arith.constant 0 : i32
        %dma_wait3A_317 = arith.constant 0 : i32
        %dma_wait3A_318 = tpu.memref_slice %arg8[%dma_wait3A_307, %dma_wait3A_308, %dma_wait3A_316, %dma_wait3A_317] : memref<3x2x48x224xf32, #tpu.memory_space<vmem>> -> memref<1x1x48x224xf32, #tpu.memory_space<vmem>>
        %dma_wait3A_319 = tpu.memref_squeeze %dma_wait3A_318 : memref<1x1x48x224xf32, #tpu.memory_space<vmem>> -> memref<48x224xf32, #tpu.memory_space<vmem>>
        %dma_wait3A_320 = arith.constant 0 : i32
        %dma_wait3A_321 = tpu.memref_slice %arg2[%squeeze3A_300, %mul3A_298, %squeeze3A_302, %dma_wait3A_320] : memref<4x96x224x224xf32, #tpu.memory_space<hbm>> -> memref<1x48x1x224xf32, #tpu.memory_space<hbm>>
        %dma_wait3A_322 = tpu.memref_squeeze %dma_wait3A_321 : memref<1x48x1x224xf32, #tpu.memory_space<hbm>> -> memref<48x224xf32, #tpu.memory_space<hbm>>
        tpu.wait_dma2 semaphore(%arg12 : memref<!tpu.dma_semaphore, #tpu.memory_space<semaphore_mem>>) src(%dma_wait3A_322 : memref<48x224xf32, #tpu.memory_space<hbm>>) dst(%dma_wait3A_319 : memref<48x224xf32, #tpu.memory_space<vmem>>)
        %dma_wait3A_323 = arith.constant 2 : i32
        %dma_wait3A_324 = arith.constant 1 : i32
        %dma_wait3A_325 = arith.constant 0 : i32
        %dma_wait3A_326 = arith.constant 0 : i32
        %dma_wait3A_327 = tpu.memref_slice %arg8[%dma_wait3A_323, %dma_wait3A_324, %dma_wait3A_325, %dma_wait3A_326] : memref<3x2x48x224xf32, #tpu.memory_space<vmem>> -> memref<1x1x48x224xf32, #tpu.memory_space<vmem>>
        %dma_wait3A_328 = tpu.memref_squeeze %dma_wait3A_327 : memref<1x1x48x224xf32, #tpu.memory_space<vmem>> -> memref<48x224xf32, #tpu.memory_space<vmem>>
        %dma_wait3A_329 = arith.constant 0 : i32
        %dma_wait3A_330 = tpu.memref_slice %arg2[%squeeze3A_304, %mul3A_298, %squeeze3A_306, %dma_wait3A_329] : memref<4x96x224x224xf32, #tpu.memory_space<hbm>> -> memref<1x48x1x224xf32, #tpu.memory_space<hbm>>
        %dma_wait3A_331 = tpu.memref_squeeze %dma_wait3A_330 : memref<1x48x1x224xf32, #tpu.memory_space<hbm>> -> memref<48x224xf32, #tpu.memory_space<hbm>>
        %dma_wait3A_332 = arith.constant 0 : i32
        %dma_wait3A_333 = arith.constant 0 : i32
        %dma_wait3A_334 = tpu.memref_slice %arg8[%dma_wait3A_323, %dma_wait3A_324, %dma_wait3A_332, %dma_wait3A_333] : memref<3x2x48x224xf32, #tpu.memory_space<vmem>> -> memref<1x1x48x224xf32, #tpu.memory_space<vmem>>
        %dma_wait3A_335 = tpu.memref_squeeze %dma_wait3A_334 : memref<1x1x48x224xf32, #tpu.memory_space<vmem>> -> memref<48x224xf32, #tpu.memory_space<vmem>>
        %dma_wait3A_336 = arith.constant 0 : i32
        %dma_wait3A_337 = tpu.memref_slice %arg2[%squeeze3A_304, %mul3A_298, %squeeze3A_306, %dma_wait3A_336] : memref<4x96x224x224xf32, #tpu.memory_space<hbm>> -> memref<1x48x1x224xf32, #tpu.memory_space<hbm>>
        %dma_wait3A_338 = tpu.memref_squeeze %dma_wait3A_337 : memref<1x48x1x224xf32, #tpu.memory_space<hbm>> -> memref<48x224xf32, #tpu.memory_space<hbm>>
        tpu.wait_dma2 semaphore(%arg12 : memref<!tpu.dma_semaphore, #tpu.memory_space<semaphore_mem>>) src(%dma_wait3A_338 : memref<48x224xf32, #tpu.memory_space<hbm>>) dst(%dma_wait3A_335 : memref<48x224xf32, #tpu.memory_space<vmem>>)
      } else {
      }
      %add3A_217 = arith.constant 2 : i32
      %add3A_218 = arith.addi %scan3A_140, %add3A_217 : i32
      %lt3A_219 = arith.constant 64 : i32
      %lt3A_220 = arith.cmpi slt, %add3A_218, %lt3A_219 : i32
      %convert_element_type3A_221 = arith.extui %lt3A_220 : i1 to i32
      %cond3A_222 = arith.constant 0 : i32
      %cond3A_223 = arith.cmpi ne, %convert_element_type3A_221, %cond3A_222 : i32
      scf.if %cond3A_223 {
        %add3A_253 = arith.constant 2 : i32
        %add3A_254 = arith.addi %scan3A_140, %add3A_253 : i32
        %jit3A_255 = arith.constant 3 : i32
        %eq3A_256 = arith.constant 0 : i32
        %eq3A_257 = arith.cmpi eq, %jit3A_255, %eq3A_256 : i32
        %jit3A_258 = arith.constant 1 : i32
        %select_n3A_259 = arith.select %eq3A_257, %jit3A_258, %jit3A_255 : i32
        %rem3A_260 = arith.remsi %add3A_254, %select_n3A_259 : i32
        %ne3A_261 = arith.constant 0 : i32
        %ne3A_262 = arith.cmpi ne, %rem3A_260, %ne3A_261 : i32
        %lt3A_263 = arith.constant 0 : i32
        %lt3A_264 = arith.cmpi slt, %rem3A_260, %lt3A_263 : i32
        %lt3A_265 = arith.constant 0 : i32
        %lt3A_266 = arith.cmpi slt, %select_n3A_259, %lt3A_265 : i32
        %ne3A_267 = arith.xori %lt3A_264, %lt3A_266 : i1
        %and3A_268 = arith.andi %ne3A_267, %ne3A_262 : i1
        %add3A_269 = arith.addi %rem3A_260, %select_n3A_259 : i32
        %select_n3A_270 = arith.select %and3A_268, %add3A_269, %rem3A_260 : i32
        %eq3A_271 = arith.constant 0 : i32
        %eq3A_272 = arith.cmpi eq, %select_n3A_270, %eq3A_271 : i32
        %convert_element_type3A_273 = arith.extui %eq3A_272 : i1 to i32
        %cond3A_274 = arith.constant 0 : i32
        %cond3A_275 = arith.cmpi ne, %convert_element_type3A_273, %cond3A_274 : i32
        scf.if %cond3A_275 {
          %add3A_286 = arith.constant 2 : i32
          %add3A_287 = arith.addi %scan3A_140, %add3A_286 : i32
          %jit3A_288 = arith.constant 2 : i32
          %div3A_289 = arith.divsi %add3A_287, %jit3A_288 : i32
          %sign3A_290 = arith.constant 0 : i32
          %sign3A_291 = arith.cmpi sgt, %add3A_287, %sign3A_290 : i32
          %sign3A_292 = arith.extui %sign3A_291 : i1 to i32
          %sign3A_293 = arith.constant 0 : i32
          %sign3A_294 = arith.cmpi slt, %add3A_287, %sign3A_293 : i32
          %sign3A_295 = arith.extui %sign3A_294 : i1 to i32
          %sign3A_296 = arith.subi %sign3A_292, %sign3A_295 : i32
          %sign3A_297 = arith.constant 0 : i32
          %sign3A_298 = arith.cmpi sgt, %jit3A_288, %sign3A_297 : i32
          %sign3A_299 = arith.extui %sign3A_298 : i1 to i32
          %sign3A_300 = arith.constant 0 : i32
          %sign3A_301 = arith.cmpi slt, %jit3A_288, %sign3A_300 : i32
          %sign3A_302 = arith.extui %sign3A_301 : i1 to i32
          %sign3A_303 = arith.subi %sign3A_299, %sign3A_302 : i32
          %ne3A_304 = arith.cmpi ne, %sign3A_296, %sign3A_303 : i32
          %rem3A_305 = arith.remsi %add3A_287, %jit3A_288 : i32
          %ne3A_306 = arith.constant 0 : i32
          %ne3A_307 = arith.cmpi ne, %rem3A_305, %ne3A_306 : i32
          %and3A_308 = arith.andi %ne3A_304, %ne3A_307 : i1
          %sub3A_309 = arith.constant 1 : i32
          %sub3A_310 = arith.subi %div3A_289, %sub3A_309 : i32
          %select_n3A_311 = arith.select %and3A_308, %sub3A_310, %div3A_289 : i32
          %jit3A_312 = arith.constant 2 : i32
          %eq3A_313 = arith.constant 0 : i32
          %eq3A_314 = arith.cmpi eq, %jit3A_312, %eq3A_313 : i32
          %jit3A_315 = arith.constant 1 : i32
          %select_n3A_316 = arith.select %eq3A_314, %jit3A_315, %jit3A_312 : i32
          %rem3A_317 = arith.remsi %add3A_287, %select_n3A_316 : i32
          %ne3A_318 = arith.constant 0 : i32
          %ne3A_319 = arith.cmpi ne, %rem3A_317, %ne3A_318 : i32
          %lt3A_320 = arith.constant 0 : i32
          %lt3A_321 = arith.cmpi slt, %rem3A_317, %lt3A_320 : i32
          %lt3A_322 = arith.constant 0 : i32
          %lt3A_323 = arith.cmpi slt, %select_n3A_316, %lt3A_322 : i32
          %ne3A_324 = arith.xori %lt3A_321, %lt3A_323 : i1
          %and3A_325 = arith.andi %ne3A_324, %ne3A_319 : i1
          %add3A_326 = arith.addi %rem3A_317, %select_n3A_316 : i32
          %select_n3A_327 = arith.select %and3A_325, %add3A_326, %rem3A_317 : i32
          %get3A_328 = arith.index_cast %select_n3A_311 : i32 to index
          %get3A_329 = arith.constant 0 : index
          %get3A_330 = tpu.vector_load %arg6[%get3A_328, %get3A_329] {strides = array<i32>} : memref<32x16xi32, #tpu.memory_space<vmem>>, vector<1x16xi32>,
          %get3A_331 = vector.shape_cast %get3A_330 : vector<1x16xi32> to vector<16xi32>
          %mul3A_332 = arith.constant 48 : i32
          %mul3A_333 = arith.muli %select_n3A_327, %mul3A_332 : i32
          %slice3A_334 = vector.extract_strided_slice %get3A_331 {offsets = [0], sizes = [1], strides = [1]} : vector<16xi32> to vector<1xi32>
          %squeeze3A_335 = vector.extract %slice3A_334[0] : i32 from vector<1xi32>
          %slice3A_336 = vector.extract_strided_slice %get3A_331 {offsets = [1], sizes = [1], strides = [1]} : vector<16xi32> to vector<1xi32>
          %squeeze3A_337 = vector.extract %slice3A_336[0] : i32 from vector<1xi32>
          %slice3A_338 = vector.extract_strided_slice %get3A_331 {offsets = [2], sizes = [1], strides = [1]} : vector<16xi32> to vector<1xi32>
          %squeeze3A_339 = vector.extract %slice3A_338[0] : i32 from vector<1xi32>
          %slice3A_340 = vector.extract_strided_slice %get3A_331 {offsets = [3], sizes = [1], strides = [1]} : vector<16xi32> to vector<1xi32>
          %squeeze3A_341 = vector.extract %slice3A_340[0] : i32 from vector<1xi32>
          %dma_start3A_342 = arith.constant 0 : i32
          %dma_start3A_343 = arith.constant 0 : i32
          %dma_start3A_344 = arith.constant 0 : i32
          %dma_start3A_345 = arith.constant 0 : i32
          %dma_start3A_346 = tpu.memref_slice %arg8[%dma_start3A_342, %dma_start3A_343, %dma_start3A_344, %dma_start3A_345] : memref<3x2x48x224xf32, #tpu.memory_space<vmem>> -> memref<1x1x48x224xf32, #tpu.memory_space<vmem>>
          %dma_start3A_347 = tpu.memref_squeeze %dma_start3A_346 : memref<1x1x48x224xf32, #tpu.memory_space<vmem>> -> memref<48x224xf32, #tpu.memory_space<vmem>>
          %dma_start3A_348 = arith.constant 0 : i32
          %dma_start3A_349 = tpu.memref_slice %arg2[%squeeze3A_335, %mul3A_333, %squeeze3A_337, %dma_start3A_348] : memref<4x96x224x224xf32, #tpu.memory_space<hbm>> -> memref<1x48x1x224xf32, #tpu.memory_space<hbm>>
          %dma_start3A_350 = tpu.memref_squeeze %dma_start3A_349 : memref<1x48x1x224xf32, #tpu.memory_space<hbm>> -> memref<48x224xf32, #tpu.memory_space<hbm>>
          %dma_start3A_351 = arith.constant 0 : i32
          %dma_start3A_352 = arith.constant 0 : i32
          %dma_start3A_353 = tpu.memref_slice %arg8[%dma_start3A_342, %dma_start3A_343, %dma_start3A_351, %dma_start3A_352] : memref<3x2x48x224xf32, #tpu.memory_space<vmem>> -> memref<1x1x48x224xf32, #tpu.memory_space<vmem>>
          %dma_start3A_354 = tpu.memref_squeeze %dma_start3A_353 : memref<1x1x48x224xf32, #tpu.memory_space<vmem>> -> memref<48x224xf32, #tpu.memory_space<vmem>>
          %dma_start3A_355 = arith.constant 0 : i32
          %dma_start3A_356 = tpu.memref_slice %arg2[%squeeze3A_335, %mul3A_333, %squeeze3A_337, %dma_start3A_355] : memref<4x96x224x224xf32, #tpu.memory_space<hbm>> -> memref<1x48x1x224xf32, #tpu.memory_space<hbm>>
          %dma_start3A_357 = tpu.memref_squeeze %dma_start3A_356 : memref<1x48x1x224xf32, #tpu.memory_space<hbm>> -> memref<48x224xf32, #tpu.memory_space<hbm>>
          tpu.enqueue_dma source(%dma_start3A_357 : memref<48x224xf32, #tpu.memory_space<hbm>>) target(%dma_start3A_354 : memref<48x224xf32, #tpu.memory_space<vmem>>) target_semaphore(%arg10 : memref<!tpu.dma_semaphore, #tpu.memory_space<semaphore_mem>>)
          %dma_start3A_358 = arith.constant 0 : i32
          %dma_start3A_359 = arith.constant 1 : i32
          %dma_start3A_360 = arith.constant 0 : i32
          %dma_start3A_361 = arith.constant 0 : i32
          %dma_start3A_362 = tpu.memref_slice %arg8[%dma_start3A_358, %dma_start3A_359, %dma_start3A_360, %dma_start3A_361] : memref<3x2x48x224xf32, #tpu.memory_space<vmem>> -> memref<1x1x48x224xf32, #tpu.memory_space<vmem>>
          %dma_start3A_363 = tpu.memref_squeeze %dma_start3A_362 : memref<1x1x48x224xf32, #tpu.memory_space<vmem>> -> memref<48x224xf32, #tpu.memory_space<vmem>>
          %dma_start3A_364 = arith.constant 0 : i32
          %dma_start3A_365 = tpu.memref_slice %arg2[%squeeze3A_339, %mul3A_333, %squeeze3A_341, %dma_start3A_364] : memref<4x96x224x224xf32, #tpu.memory_space<hbm>> -> memref<1x48x1x224xf32, #tpu.memory_space<hbm>>
          %dma_start3A_366 = tpu.memref_squeeze %dma_start3A_365 : memref<1x48x1x224xf32, #tpu.memory_space<hbm>> -> memref<48x224xf32, #tpu.memory_space<hbm>>
          %dma_start3A_367 = arith.constant 0 : i32
          %dma_start3A_368 = arith.constant 0 : i32
          %dma_start3A_369 = tpu.memref_slice %arg8[%dma_start3A_358, %dma_start3A_359, %dma_start3A_367, %dma_start3A_368] : memref<3x2x48x224xf32, #tpu.memory_space<vmem>> -> memref<1x1x48x224xf32, #tpu.memory_space<vmem>>
          %dma_start3A_370 = tpu.memref_squeeze %dma_start3A_369 : memref<1x1x48x224xf32, #tpu.memory_space<vmem>> -> memref<48x224xf32, #tpu.memory_space<vmem>>
          %dma_start3A_371 = arith.constant 0 : i32
          %dma_start3A_372 = tpu.memref_slice %arg2[%squeeze3A_339, %mul3A_333, %squeeze3A_341, %dma_start3A_371] : memref<4x96x224x224xf32, #tpu.memory_space<hbm>> -> memref<1x48x1x224xf32, #tpu.memory_space<hbm>>
          %dma_start3A_373 = tpu.memref_squeeze %dma_start3A_372 : memref<1x48x1x224xf32, #tpu.memory_space<hbm>> -> memref<48x224xf32, #tpu.memory_space<hbm>>
          tpu.enqueue_dma source(%dma_start3A_373 : memref<48x224xf32, #tpu.memory_space<hbm>>) target(%dma_start3A_370 : memref<48x224xf32, #tpu.memory_space<vmem>>) target_semaphore(%arg10 : memref<!tpu.dma_semaphore, #tpu.memory_space<semaphore_mem>>)
        } else {
        }
        %eq3A_276 = arith.constant 1 : i32
        %eq3A_277 = arith.cmpi eq, %select_n3A_270, %eq3A_276 : i32
        %convert_element_type3A_278 = arith.extui %eq3A_277 : i1 to i32
        %cond3A_279 = arith.constant 0 : i32
        %cond3A_280 = arith.cmpi ne, %convert_element_type3A_278, %cond3A_279 : i32
        scf.if %cond3A_280 {
          %add3A_286 = arith.constant 2 : i32
          %add3A_287 = arith.addi %scan3A_140, %add3A_286 : i32
          %jit3A_288 = arith.constant 2 : i32
          %div3A_289 = arith.divsi %add3A_287, %jit3A_288 : i32
          %sign3A_290 = arith.constant 0 : i32
          %sign3A_291 = arith.cmpi sgt, %add3A_287, %sign3A_290 : i32
          %sign3A_292 = arith.extui %sign3A_291 : i1 to i32
          %sign3A_293 = arith.constant 0 : i32
          %sign3A_294 = arith.cmpi slt, %add3A_287, %sign3A_293 : i32
          %sign3A_295 = arith.extui %sign3A_294 : i1 to i32
          %sign3A_296 = arith.subi %sign3A_292, %sign3A_295 : i32
          %sign3A_297 = arith.constant 0 : i32
          %sign3A_298 = arith.cmpi sgt, %jit3A_288, %sign3A_297 : i32
          %sign3A_299 = arith.extui %sign3A_298 : i1 to i32
          %sign3A_300 = arith.constant 0 : i32
          %sign3A_301 = arith.cmpi slt, %jit3A_288, %sign3A_300 : i32
          %sign3A_302 = arith.extui %sign3A_301 : i1 to i32
          %sign3A_303 = arith.subi %sign3A_299, %sign3A_302 : i32
          %ne3A_304 = arith.cmpi ne, %sign3A_296, %sign3A_303 : i32
          %rem3A_305 = arith.remsi %add3A_287, %jit3A_288 : i32
          %ne3A_306 = arith.constant 0 : i32
          %ne3A_307 = arith.cmpi ne, %rem3A_305, %ne3A_306 : i32
          %and3A_308 = arith.andi %ne3A_304, %ne3A_307 : i1
          %sub3A_309 = arith.constant 1 : i32
          %sub3A_310 = arith.subi %div3A_289, %sub3A_309 : i32
          %select_n3A_311 = arith.select %and3A_308, %sub3A_310, %div3A_289 : i32
          %jit3A_312 = arith.constant 2 : i32
          %eq3A_313 = arith.constant 0 : i32
          %eq3A_314 = arith.cmpi eq, %jit3A_312, %eq3A_313 : i32
          %jit3A_315 = arith.constant 1 : i32
          %select_n3A_316 = arith.select %eq3A_314, %jit3A_315, %jit3A_312 : i32
          %rem3A_317 = arith.remsi %add3A_287, %select_n3A_316 : i32
          %ne3A_318 = arith.constant 0 : i32
          %ne3A_319 = arith.cmpi ne, %rem3A_317, %ne3A_318 : i32
          %lt3A_320 = arith.constant 0 : i32
          %lt3A_321 = arith.cmpi slt, %rem3A_317, %lt3A_320 : i32
          %lt3A_322 = arith.constant 0 : i32
          %lt3A_323 = arith.cmpi slt, %select_n3A_316, %lt3A_322 : i32
          %ne3A_324 = arith.xori %lt3A_321, %lt3A_323 : i1
          %and3A_325 = arith.andi %ne3A_324, %ne3A_319 : i1
          %add3A_326 = arith.addi %rem3A_317, %select_n3A_316 : i32
          %select_n3A_327 = arith.select %and3A_325, %add3A_326, %rem3A_317 : i32
          %get3A_328 = arith.index_cast %select_n3A_311 : i32 to index
          %get3A_329 = arith.constant 0 : index
          %get3A_330 = tpu.vector_load %arg6[%get3A_328, %get3A_329] {strides = array<i32>} : memref<32x16xi32, #tpu.memory_space<vmem>>, vector<1x16xi32>,
          %get3A_331 = vector.shape_cast %get3A_330 : vector<1x16xi32> to vector<16xi32>
          %mul3A_332 = arith.constant 48 : i32
          %mul3A_333 = arith.muli %select_n3A_327, %mul3A_332 : i32
          %slice3A_334 = vector.extract_strided_slice %get3A_331 {offsets = [0], sizes = [1], strides = [1]} : vector<16xi32> to vector<1xi32>
          %squeeze3A_335 = vector.extract %slice3A_334[0] : i32 from vector<1xi32>
          %slice3A_336 = vector.extract_strided_slice %get3A_331 {offsets = [1], sizes = [1], strides = [1]} : vector<16xi32> to vector<1xi32>
          %squeeze3A_337 = vector.extract %slice3A_336[0] : i32 from vector<1xi32>
          %slice3A_338 = vector.extract_strided_slice %get3A_331 {offsets = [2], sizes = [1], strides = [1]} : vector<16xi32> to vector<1xi32>
          %squeeze3A_339 = vector.extract %slice3A_338[0] : i32 from vector<1xi32>
          %slice3A_340 = vector.extract_strided_slice %get3A_331 {offsets = [3], sizes = [1], strides = [1]} : vector<16xi32> to vector<1xi32>
          %squeeze3A_341 = vector.extract %slice3A_340[0] : i32 from vector<1xi32>
          %dma_start3A_342 = arith.constant 1 : i32
          %dma_start3A_343 = arith.constant 0 : i32
          %dma_start3A_344 = arith.constant 0 : i32
          %dma_start3A_345 = arith.constant 0 : i32
          %dma_start3A_346 = tpu.memref_slice %arg8[%dma_start3A_342, %dma_start3A_343, %dma_start3A_344, %dma_start3A_345] : memref<3x2x48x224xf32, #tpu.memory_space<vmem>> -> memref<1x1x48x224xf32, #tpu.memory_space<vmem>>
          %dma_start3A_347 = tpu.memref_squeeze %dma_start3A_346 : memref<1x1x48x224xf32, #tpu.memory_space<vmem>> -> memref<48x224xf32, #tpu.memory_space<vmem>>
          %dma_start3A_348 = arith.constant 0 : i32
          %dma_start3A_349 = tpu.memref_slice %arg2[%squeeze3A_335, %mul3A_333, %squeeze3A_337, %dma_start3A_348] : memref<4x96x224x224xf32, #tpu.memory_space<hbm>> -> memref<1x48x1x224xf32, #tpu.memory_space<hbm>>
          %dma_start3A_350 = tpu.memref_squeeze %dma_start3A_349 : memref<1x48x1x224xf32, #tpu.memory_space<hbm>> -> memref<48x224xf32, #tpu.memory_space<hbm>>
          %dma_start3A_351 = arith.constant 0 : i32
          %dma_start3A_352 = arith.constant 0 : i32
          %dma_start3A_353 = tpu.memref_slice %arg8[%dma_start3A_342, %dma_start3A_343, %dma_start3A_351, %dma_start3A_352] : memref<3x2x48x224xf32, #tpu.memory_space<vmem>> -> memref<1x1x48x224xf32, #tpu.memory_space<vmem>>
          %dma_start3A_354 = tpu.memref_squeeze %dma_start3A_353 : memref<1x1x48x224xf32, #tpu.memory_space<vmem>> -> memref<48x224xf32, #tpu.memory_space<vmem>>
          %dma_start3A_355 = arith.constant 0 : i32
          %dma_start3A_356 = tpu.memref_slice %arg2[%squeeze3A_335, %mul3A_333, %squeeze3A_337, %dma_start3A_355] : memref<4x96x224x224xf32, #tpu.memory_space<hbm>> -> memref<1x48x1x224xf32, #tpu.memory_space<hbm>>
          %dma_start3A_357 = tpu.memref_squeeze %dma_start3A_356 : memref<1x48x1x224xf32, #tpu.memory_space<hbm>> -> memref<48x224xf32, #tpu.memory_space<hbm>>
          tpu.enqueue_dma source(%dma_start3A_357 : memref<48x224xf32, #tpu.memory_space<hbm>>) target(%dma_start3A_354 : memref<48x224xf32, #tpu.memory_space<vmem>>) target_semaphore(%arg11 : memref<!tpu.dma_semaphore, #tpu.memory_space<semaphore_mem>>)
          %dma_start3A_358 = arith.constant 1 : i32
          %dma_start3A_359 = arith.constant 1 : i32
          %dma_start3A_360 = arith.constant 0 : i32
          %dma_start3A_361 = arith.constant 0 : i32
          %dma_start3A_362 = tpu.memref_slice %arg8[%dma_start3A_358, %dma_start3A_359, %dma_start3A_360, %dma_start3A_361] : memref<3x2x48x224xf32, #tpu.memory_space<vmem>> -> memref<1x1x48x224xf32, #tpu.memory_space<vmem>>
          %dma_start3A_363 = tpu.memref_squeeze %dma_start3A_362 : memref<1x1x48x224xf32, #tpu.memory_space<vmem>> -> memref<48x224xf32, #tpu.memory_space<vmem>>
          %dma_start3A_364 = arith.constant 0 : i32
          %dma_start3A_365 = tpu.memref_slice %arg2[%squeeze3A_339, %mul3A_333, %squeeze3A_341, %dma_start3A_364] : memref<4x96x224x224xf32, #tpu.memory_space<hbm>> -> memref<1x48x1x224xf32, #tpu.memory_space<hbm>>
          %dma_start3A_366 = tpu.memref_squeeze %dma_start3A_365 : memref<1x48x1x224xf32, #tpu.memory_space<hbm>> -> memref<48x224xf32, #tpu.memory_space<hbm>>
          %dma_start3A_367 = arith.constant 0 : i32
          %dma_start3A_368 = arith.constant 0 : i32
          %dma_start3A_369 = tpu.memref_slice %arg8[%dma_start3A_358, %dma_start3A_359, %dma_start3A_367, %dma_start3A_368] : memref<3x2x48x224xf32, #tpu.memory_space<vmem>> -> memref<1x1x48x224xf32, #tpu.memory_space<vmem>>
          %dma_start3A_370 = tpu.memref_squeeze %dma_start3A_369 : memref<1x1x48x224xf32, #tpu.memory_space<vmem>> -> memref<48x224xf32, #tpu.memory_space<vmem>>
          %dma_start3A_371 = arith.constant 0 : i32
          %dma_start3A_372 = tpu.memref_slice %arg2[%squeeze3A_339, %mul3A_333, %squeeze3A_341, %dma_start3A_371] : memref<4x96x224x224xf32, #tpu.memory_space<hbm>> -> memref<1x48x1x224xf32, #tpu.memory_space<hbm>>
          %dma_start3A_373 = tpu.memref_squeeze %dma_start3A_372 : memref<1x48x1x224xf32, #tpu.memory_space<hbm>> -> memref<48x224xf32, #tpu.memory_space<hbm>>
          tpu.enqueue_dma source(%dma_start3A_373 : memref<48x224xf32, #tpu.memory_space<hbm>>) target(%dma_start3A_370 : memref<48x224xf32, #tpu.memory_space<vmem>>) target_semaphore(%arg11 : memref<!tpu.dma_semaphore, #tpu.memory_space<semaphore_mem>>)
        } else {
        }
        %eq3A_281 = arith.constant 2 : i32
        %eq3A_282 = arith.cmpi eq, %select_n3A_270, %eq3A_281 : i32
        %convert_element_type3A_283 = arith.extui %eq3A_282 : i1 to i32
        %cond3A_284 = arith.constant 0 : i32
        %cond3A_285 = arith.cmpi ne, %convert_element_type3A_283, %cond3A_284 : i32
        scf.if %cond3A_285 {
          %add3A_286 = arith.constant 2 : i32
          %add3A_287 = arith.addi %scan3A_140, %add3A_286 : i32
          %jit3A_288 = arith.constant 2 : i32
          %div3A_289 = arith.divsi %add3A_287, %jit3A_288 : i32
          %sign3A_290 = arith.constant 0 : i32
          %sign3A_291 = arith.cmpi sgt, %add3A_287, %sign3A_290 : i32
          %sign3A_292 = arith.extui %sign3A_291 : i1 to i32
          %sign3A_293 = arith.constant 0 : i32
          %sign3A_294 = arith.cmpi slt, %add3A_287, %sign3A_293 : i32
          %sign3A_295 = arith.extui %sign3A_294 : i1 to i32
          %sign3A_296 = arith.subi %sign3A_292, %sign3A_295 : i32
          %sign3A_297 = arith.constant 0 : i32
          %sign3A_298 = arith.cmpi sgt, %jit3A_288, %sign3A_297 : i32
          %sign3A_299 = arith.extui %sign3A_298 : i1 to i32
          %sign3A_300 = arith.constant 0 : i32
          %sign3A_301 = arith.cmpi slt, %jit3A_288, %sign3A_300 : i32
          %sign3A_302 = arith.extui %sign3A_301 : i1 to i32
          %sign3A_303 = arith.subi %sign3A_299, %sign3A_302 : i32
          %ne3A_304 = arith.cmpi ne, %sign3A_296, %sign3A_303 : i32
          %rem3A_305 = arith.remsi %add3A_287, %jit3A_288 : i32
          %ne3A_306 = arith.constant 0 : i32
          %ne3A_307 = arith.cmpi ne, %rem3A_305, %ne3A_306 : i32
          %and3A_308 = arith.andi %ne3A_304, %ne3A_307 : i1
          %sub3A_309 = arith.constant 1 : i32
          %sub3A_310 = arith.subi %div3A_289, %sub3A_309 : i32
          %select_n3A_311 = arith.select %and3A_308, %sub3A_310, %div3A_289 : i32
          %jit3A_312 = arith.constant 2 : i32
          %eq3A_313 = arith.constant 0 : i32
          %eq3A_314 = arith.cmpi eq, %jit3A_312, %eq3A_313 : i32
          %jit3A_315 = arith.constant 1 : i32
          %select_n3A_316 = arith.select %eq3A_314, %jit3A_315, %jit3A_312 : i32
          %rem3A_317 = arith.remsi %add3A_287, %select_n3A_316 : i32
          %ne3A_318 = arith.constant 0 : i32
          %ne3A_319 = arith.cmpi ne, %rem3A_317, %ne3A_318 : i32
          %lt3A_320 = arith.constant 0 : i32
          %lt3A_321 = arith.cmpi slt, %rem3A_317, %lt3A_320 : i32
          %lt3A_322 = arith.constant 0 : i32
          %lt3A_323 = arith.cmpi slt, %select_n3A_316, %lt3A_322 : i32
          %ne3A_324 = arith.xori %lt3A_321, %lt3A_323 : i1
          %and3A_325 = arith.andi %ne3A_324, %ne3A_319 : i1
          %add3A_326 = arith.addi %rem3A_317, %select_n3A_316 : i32
          %select_n3A_327 = arith.select %and3A_325, %add3A_326, %rem3A_317 : i32
          %get3A_328 = arith.index_cast %select_n3A_311 : i32 to index
          %get3A_329 = arith.constant 0 : index
          %get3A_330 = tpu.vector_load %arg6[%get3A_328, %get3A_329] {strides = array<i32>} : memref<32x16xi32, #tpu.memory_space<vmem>>, vector<1x16xi32>,
          %get3A_331 = vector.shape_cast %get3A_330 : vector<1x16xi32> to vector<16xi32>
          %mul3A_332 = arith.constant 48 : i32
          %mul3A_333 = arith.muli %select_n3A_327, %mul3A_332 : i32
          %slice3A_334 = vector.extract_strided_slice %get3A_331 {offsets = [0], sizes = [1], strides = [1]} : vector<16xi32> to vector<1xi32>
          %squeeze3A_335 = vector.extract %slice3A_334[0] : i32 from vector<1xi32>
          %slice3A_336 = vector.extract_strided_slice %get3A_331 {offsets = [1], sizes = [1], strides = [1]} : vector<16xi32> to vector<1xi32>
          %squeeze3A_337 = vector.extract %slice3A_336[0] : i32 from vector<1xi32>
          %slice3A_338 = vector.extract_strided_slice %get3A_331 {offsets = [2], sizes = [1], strides = [1]} : vector<16xi32> to vector<1xi32>
          %squeeze3A_339 = vector.extract %slice3A_338[0] : i32 from vector<1xi32>
          %slice3A_340 = vector.extract_strided_slice %get3A_331 {offsets = [3], sizes = [1], strides = [1]} : vector<16xi32> to vector<1xi32>
          %squeeze3A_341 = vector.extract %slice3A_340[0] : i32 from vector<1xi32>
          %dma_start3A_342 = arith.constant 2 : i32
          %dma_start3A_343 = arith.constant 0 : i32
          %dma_start3A_344 = arith.constant 0 : i32
          %dma_start3A_345 = arith.constant 0 : i32
          %dma_start3A_346 = tpu.memref_slice %arg8[%dma_start3A_342, %dma_start3A_343, %dma_start3A_344, %dma_start3A_345] : memref<3x2x48x224xf32, #tpu.memory_space<vmem>> -> memref<1x1x48x224xf32, #tpu.memory_space<vmem>>
          %dma_start3A_347 = tpu.memref_squeeze %dma_start3A_346 : memref<1x1x48x224xf32, #tpu.memory_space<vmem>> -> memref<48x224xf32, #tpu.memory_space<vmem>>
          %dma_start3A_348 = arith.constant 0 : i32
          %dma_start3A_349 = tpu.memref_slice %arg2[%squeeze3A_335, %mul3A_333, %squeeze3A_337, %dma_start3A_348] : memref<4x96x224x224xf32, #tpu.memory_space<hbm>> -> memref<1x48x1x224xf32, #tpu.memory_space<hbm>>
          %dma_start3A_350 = tpu.memref_squeeze %dma_start3A_349 : memref<1x48x1x224xf32, #tpu.memory_space<hbm>> -> memref<48x224xf32, #tpu.memory_space<hbm>>
          %dma_start3A_351 = arith.constant 0 : i32
          %dma_start3A_352 = arith.constant 0 : i32
          %dma_start3A_353 = tpu.memref_slice %arg8[%dma_start3A_342, %dma_start3A_343, %dma_start3A_351, %dma_start3A_352] : memref<3x2x48x224xf32, #tpu.memory_space<vmem>> -> memref<1x1x48x224xf32, #tpu.memory_space<vmem>>
          %dma_start3A_354 = tpu.memref_squeeze %dma_start3A_353 : memref<1x1x48x224xf32, #tpu.memory_space<vmem>> -> memref<48x224xf32, #tpu.memory_space<vmem>>
          %dma_start3A_355 = arith.constant 0 : i32
          %dma_start3A_356 = tpu.memref_slice %arg2[%squeeze3A_335, %mul3A_333, %squeeze3A_337, %dma_start3A_355] : memref<4x96x224x224xf32, #tpu.memory_space<hbm>> -> memref<1x48x1x224xf32, #tpu.memory_space<hbm>>
          %dma_start3A_357 = tpu.memref_squeeze %dma_start3A_356 : memref<1x48x1x224xf32, #tpu.memory_space<hbm>> -> memref<48x224xf32, #tpu.memory_space<hbm>>
          tpu.enqueue_dma source(%dma_start3A_357 : memref<48x224xf32, #tpu.memory_space<hbm>>) target(%dma_start3A_354 : memref<48x224xf32, #tpu.memory_space<vmem>>) target_semaphore(%arg12 : memref<!tpu.dma_semaphore, #tpu.memory_space<semaphore_mem>>)
          %dma_start3A_358 = arith.constant 2 : i32
          %dma_start3A_359 = arith.constant 1 : i32
          %dma_start3A_360 = arith.constant 0 : i32
          %dma_start3A_361 = arith.constant 0 : i32
          %dma_start3A_362 = tpu.memref_slice %arg8[%dma_start3A_358, %dma_start3A_359, %dma_start3A_360, %dma_start3A_361] : memref<3x2x48x224xf32, #tpu.memory_space<vmem>> -> memref<1x1x48x224xf32, #tpu.memory_space<vmem>>
          %dma_start3A_363 = tpu.memref_squeeze %dma_start3A_362 : memref<1x1x48x224xf32, #tpu.memory_space<vmem>> -> memref<48x224xf32, #tpu.memory_space<vmem>>
          %dma_start3A_364 = arith.constant 0 : i32
          %dma_start3A_365 = tpu.memref_slice %arg2[%squeeze3A_339, %mul3A_333, %squeeze3A_341, %dma_start3A_364] : memref<4x96x224x224xf32, #tpu.memory_space<hbm>> -> memref<1x48x1x224xf32, #tpu.memory_space<hbm>>
          %dma_start3A_366 = tpu.memref_squeeze %dma_start3A_365 : memref<1x48x1x224xf32, #tpu.memory_space<hbm>> -> memref<48x224xf32, #tpu.memory_space<hbm>>
          %dma_start3A_367 = arith.constant 0 : i32
          %dma_start3A_368 = arith.constant 0 : i32
          %dma_start3A_369 = tpu.memref_slice %arg8[%dma_start3A_358, %dma_start3A_359, %dma_start3A_367, %dma_start3A_368] : memref<3x2x48x224xf32, #tpu.memory_space<vmem>> -> memref<1x1x48x224xf32, #tpu.memory_space<vmem>>
          %dma_start3A_370 = tpu.memref_squeeze %dma_start3A_369 : memref<1x1x48x224xf32, #tpu.memory_space<vmem>> -> memref<48x224xf32, #tpu.memory_space<vmem>>
          %dma_start3A_371 = arith.constant 0 : i32
          %dma_start3A_372 = tpu.memref_slice %arg2[%squeeze3A_339, %mul3A_333, %squeeze3A_341, %dma_start3A_371] : memref<4x96x224x224xf32, #tpu.memory_space<hbm>> -> memref<1x48x1x224xf32, #tpu.memory_space<hbm>>
          %dma_start3A_373 = tpu.memref_squeeze %dma_start3A_372 : memref<1x48x1x224xf32, #tpu.memory_space<hbm>> -> memref<48x224xf32, #tpu.memory_space<hbm>>
          tpu.enqueue_dma source(%dma_start3A_373 : memref<48x224xf32, #tpu.memory_space<hbm>>) target(%dma_start3A_370 : memref<48x224xf32, #tpu.memory_space<vmem>>) target_semaphore(%arg12 : memref<!tpu.dma_semaphore, #tpu.memory_space<semaphore_mem>>)
        } else {
        }
      } else {
      }
      %eq3A_224 = arith.constant 0 : i32
      %eq3A_225 = arith.cmpi eq, %select_n3A_171, %eq3A_224 : i32
      %ge3A = arith.constant 2 : i32
      %ge3A_226 = arith.cmpi sge, %select_n3A, %ge3A : i32
      %and3A_227 = arith.andi %eq3A_225, %ge3A_226 : i1
      %convert_element_type3A_228 = arith.extui %and3A_227 : i1 to i32
      %cond3A_229 = arith.constant 0 : i32
      %cond3A_230 = arith.cmpi ne, %convert_element_type3A_228, %cond3A_229 : i32
      scf.if %cond3A_230 {
        %eq3A_253 = arith.constant 0 : i32
        %eq3A_254 = arith.cmpi eq, %select_n3A_203, %eq3A_253 : i32
        %convert_element_type3A_255 = arith.extui %eq3A_254 : i1 to i32
        %cond3A_256 = arith.constant 0 : i32
        %cond3A_257 = arith.cmpi ne, %convert_element_type3A_255, %cond3A_256 : i32
        scf.if %cond3A_257 {
          %add3A_263 = arith.addi %mul3A_2, %select_n3A : i32
          %sub3A_264 = arith.constant 2 : i32
          %sub3A_265 = arith.subi %add3A_263, %sub3A_264 : i32
          %dma_wait3A_266 = arith.constant 0 : i32
          %dma_wait3A_267 = arith.constant 0 : i32
          %dma_wait3A_268 = arith.constant 0 : i32
          %dma_wait3A_269 = tpu.memref_slice %arg9[%dma_wait3A_266, %dma_wait3A_267, %dma_wait3A_268] : memref<2x168x128xf32, #tpu.memory_space<vmem>> -> memref<1x168x128xf32, #tpu.memory_space<vmem>>
          %dma_wait3A_270 = tpu.memref_squeeze %dma_wait3A_269 : memref<1x168x128xf32, #tpu.memory_space<vmem>> -> memref<168x128xf32, #tpu.memory_space<vmem>>
          %dma_wait3A_271 = arith.constant 0 : i32
          %dma_wait3A_272 = arith.constant 0 : i32
          %dma_wait3A_273 = tpu.memref_slice %arg5[%sub3A_265, %dma_wait3A_271, %dma_wait3A_272] : memref<1024x168x128xf32, #tpu.memory_space<hbm>> -> memref<1x168x128xf32, #tpu.memory_space<hbm>>
          %dma_wait3A_274 = tpu.memref_squeeze %dma_wait3A_273 : memref<1x168x128xf32, #tpu.memory_space<hbm>> -> memref<168x128xf32, #tpu.memory_space<hbm>>
          %dma_wait3A_275 = arith.constant 0 : i32
          %dma_wait3A_276 = arith.constant 0 : i32
          %dma_wait3A_277 = tpu.memref_slice %arg5[%sub3A_265, %dma_wait3A_275, %dma_wait3A_276] : memref<1024x168x128xf32, #tpu.memory_space<hbm>> -> memref<1x168x128xf32, #tpu.memory_space<hbm>>
          %dma_wait3A_278 = tpu.memref_squeeze %dma_wait3A_277 : memref<1x168x128xf32, #tpu.memory_space<hbm>> -> memref<168x128xf32, #tpu.memory_space<hbm>>
          %dma_wait3A_279 = arith.constant 0 : i32
          %dma_wait3A_280 = arith.constant 0 : i32
          %dma_wait3A_281 = tpu.memref_slice %arg9[%dma_wait3A_266, %dma_wait3A_279, %dma_wait3A_280] : memref<2x168x128xf32, #tpu.memory_space<vmem>> -> memref<1x168x128xf32, #tpu.memory_space<vmem>>
          %dma_wait3A_282 = tpu.memref_squeeze %dma_wait3A_281 : memref<1x168x128xf32, #tpu.memory_space<vmem>> -> memref<168x128xf32, #tpu.memory_space<vmem>>
          tpu.wait_dma2 semaphore(%arg13 : memref<!tpu.dma_semaphore, #tpu.memory_space<semaphore_mem>>) src(%dma_wait3A_282 : memref<168x128xf32, #tpu.memory_space<vmem>>) dst(%dma_wait3A_278 : memref<168x128xf32, #tpu.memory_space<hbm>>)
        } else {
        }
        %eq3A_258 = arith.constant 1 : i32
        %eq3A_259 = arith.cmpi eq, %select_n3A_203, %eq3A_258 : i32
        %convert_element_type3A_260 = arith.extui %eq3A_259 : i1 to i32
        %cond3A_261 = arith.constant 0 : i32
        %cond3A_262 = arith.cmpi ne, %convert_element_type3A_260, %cond3A_261 : i32
        scf.if %cond3A_262 {
          %add3A_263 = arith.addi %mul3A_2, %select_n3A : i32
          %sub3A_264 = arith.constant 2 : i32
          %sub3A_265 = arith.subi %add3A_263, %sub3A_264 : i32
          %dma_wait3A_266 = arith.constant 1 : i32
          %dma_wait3A_267 = arith.constant 0 : i32
          %dma_wait3A_268 = arith.constant 0 : i32
          %dma_wait3A_269 = tpu.memref_slice %arg9[%dma_wait3A_266, %dma_wait3A_267, %dma_wait3A_268] : memref<2x168x128xf32, #tpu.memory_space<vmem>> -> memref<1x168x128xf32, #tpu.memory_space<vmem>>
          %dma_wait3A_270 = tpu.memref_squeeze %dma_wait3A_269 : memref<1x168x128xf32, #tpu.memory_space<vmem>> -> memref<168x128xf32, #tpu.memory_space<vmem>>
          %dma_wait3A_271 = arith.constant 0 : i32
          %dma_wait3A_272 = arith.constant 0 : i32
          %dma_wait3A_273 = tpu.memref_slice %arg5[%sub3A_265, %dma_wait3A_271, %dma_wait3A_272] : memref<1024x168x128xf32, #tpu.memory_space<hbm>> -> memref<1x168x128xf32, #tpu.memory_space<hbm>>
          %dma_wait3A_274 = tpu.memref_squeeze %dma_wait3A_273 : memref<1x168x128xf32, #tpu.memory_space<hbm>> -> memref<168x128xf32, #tpu.memory_space<hbm>>
          %dma_wait3A_275 = arith.constant 0 : i32
          %dma_wait3A_276 = arith.constant 0 : i32
          %dma_wait3A_277 = tpu.memref_slice %arg5[%sub3A_265, %dma_wait3A_275, %dma_wait3A_276] : memref<1024x168x128xf32, #tpu.memory_space<hbm>> -> memref<1x168x128xf32, #tpu.memory_space<hbm>>
          %dma_wait3A_278 = tpu.memref_squeeze %dma_wait3A_277 : memref<1x168x128xf32, #tpu.memory_space<hbm>> -> memref<168x128xf32, #tpu.memory_space<hbm>>
          %dma_wait3A_279 = arith.constant 0 : i32
          %dma_wait3A_280 = arith.constant 0 : i32
          %dma_wait3A_281 = tpu.memref_slice %arg9[%dma_wait3A_266, %dma_wait3A_279, %dma_wait3A_280] : memref<2x168x128xf32, #tpu.memory_space<vmem>> -> memref<1x168x128xf32, #tpu.memory_space<vmem>>
          %dma_wait3A_282 = tpu.memref_squeeze %dma_wait3A_281 : memref<1x168x128xf32, #tpu.memory_space<vmem>> -> memref<168x128xf32, #tpu.memory_space<vmem>>
          tpu.wait_dma2 semaphore(%arg14 : memref<!tpu.dma_semaphore, #tpu.memory_space<semaphore_mem>>) src(%dma_wait3A_282 : memref<168x128xf32, #tpu.memory_space<vmem>>) dst(%dma_wait3A_278 : memref<168x128xf32, #tpu.memory_space<hbm>>)
        } else {
        }
      } else {
      }
      %get3A_231 = arith.constant 0 : i32
      %get3A_232 = arith.index_cast %select_n3A : i32 to index
      %get3A_233 = arith.index_cast %get3A_231 : i32 to index
      %get3A_234 = arith.constant 0 : index
      %get3A_235 = tpu.vector_load %arg7[%get3A_232, %get3A_233, %get3A_234] {strides = array<i32>} : memref<32x2x16xf32, #tpu.memory_space<vmem>>, vector<1x1x16xf32>,
      %get3A_236 = vector.shape_cast %get3A_235 : vector<1x1x16xf32> to vector<16xf32>
      %get3A_237 = arith.constant 1 : i32
      %get3A_238 = arith.index_cast %select_n3A : i32 to index
      %get3A_239 = arith.index_cast %get3A_237 : i32 to index
      %get3A_240 = arith.constant 0 : index
      %get3A_241 = tpu.vector_load %arg7[%get3A_238, %get3A_239, %get3A_240] {strides = array<i32>} : memref<32x2x16xf32, #tpu.memory_space<vmem>>, vector<1x1x16xf32>,
      %get3A_242 = vector.shape_cast %get3A_241 : vector<1x1x16xf32> to vector<16xf32>
      %mul3A_243 = arith.constant 84 : i32
      %mul3A_244 = arith.muli %select_n3A_171, %mul3A_243 : i32
      %parallel_loop3A = arith.constant 0 : i32
      %parallel_loop3A_245 = arith.constant 12 : i32
      %parallel_loop3A_246 = arith.constant 1 : i32
      scf.for %parallel_loop3A_253 = %parallel_loop3A to %parallel_loop3A_245 step %parallel_loop3A_246  : i32 {
        %parallel_loop3A_254 = arith.constant 4 : i32
        %parallel_loop3A_255 = arith.muli %parallel_loop3A_254, %parallel_loop3A_253 : i32
        %parallel_loop3A_256 = arith.constant 7 : i32
        %parallel_loop3A_257 = arith.muli %parallel_loop3A_256, %parallel_loop3A_253 : i32
        %parallel_loop3A_258 = arith.addi %mul3A_244, %parallel_loop3A_257 : i32
        %parallel_loop3A_259 = arith.constant 0 : i32
        %parallel_loop3A_260 = arith.addi %parallel_loop3A_255, %parallel_loop3A_259 : i32
        %parallel_loop3A_261 = arith.constant 0 : i32
        %parallel_loop3A_262 = arith.index_cast %select_n3A_187 : i32 to index
        %parallel_loop3A_263 = arith.index_cast %parallel_loop3A_261 : i32 to index
        %parallel_loop3A_264 = arith.index_cast %parallel_loop3A_260 : i32 to index
        %parallel_loop3A_265 = arith.constant 0 : index
        %parallel_loop3A_266 = tpu.vector_load %arg8[%parallel_loop3A_262, %parallel_loop3A_263, %parallel_loop3A_264, %parallel_loop3A_265] {strides = array<i32>} : memref<3x2x48x224xf32, #tpu.memory_space<vmem>>, vector<1x1x1x16xf32>,
        %parallel_loop3A_267 = vector.shape_cast %parallel_loop3A_266 : vector<1x1x1x16xf32> to vector<16xf32>
        %parallel_loop3A_268 = arith.constant 0 : i32
        %parallel_loop3A_269 = arith.addi %parallel_loop3A_255, %parallel_loop3A_268 : i32
        %parallel_loop3A_270 = arith.constant 1 : i32
        %parallel_loop3A_271 = arith.index_cast %select_n3A_187 : i32 to index
        %parallel_loop3A_272 = arith.index_cast %parallel_loop3A_270 : i32 to index
        %parallel_loop3A_273 = arith.index_cast %parallel_loop3A_269 : i32 to index
        %parallel_loop3A_274 = arith.constant 0 : index
        %parallel_loop3A_275 = tpu.vector_load %arg8[%parallel_loop3A_271, %parallel_loop3A_272, %parallel_loop3A_273, %parallel_loop3A_274] {strides = array<i32>} : memref<3x2x48x224xf32, #tpu.memory_space<vmem>>, vector<1x1x1x16xf32>,
        %parallel_loop3A_276 = vector.shape_cast %parallel_loop3A_275 : vector<1x1x1x16xf32> to vector<16xf32>
        %parallel_loop3A_277 = arith.mulf %get3A_236, %parallel_loop3A_267 : vector<16xf32>
        %parallel_loop3A_278 = arith.mulf %get3A_242, %parallel_loop3A_276 : vector<16xf32>
        %parallel_loop3A_279 = arith.addf %parallel_loop3A_277, %parallel_loop3A_278 : vector<16xf32>
        %parallel_loop3A_280 = arith.constant 0 : i32
        %parallel_loop3A_281 = arith.addi %parallel_loop3A_258, %parallel_loop3A_280 : i32
        %parallel_loop3A_282 = arith.index_cast %select_n3A_203 : i32 to index
        %parallel_loop3A_283 = arith.index_cast %parallel_loop3A_281 : i32 to index
        %parallel_loop3A_284 = arith.constant 0 : index
        %parallel_loop3A_285 = tpu.vector_load %arg9[%parallel_loop3A_282, %parallel_loop3A_283, %parallel_loop3A_284] {strides = array<i32>} : memref<2x168x128xf32, #tpu.memory_space<vmem>>, vector<1x1x16xf32>,
        %parallel_loop3A_286 = vector.shape_cast %parallel_loop3A_285 : vector<1x1x16xf32> to vector<16xf32>
        %parallel_loop3A_287 = vector.shape_cast %parallel_loop3A_279 : vector<16xf32> to vector<1x1x16xf32>
        tpu.vector_store %arg9[%parallel_loop3A_282, %parallel_loop3A_283, %parallel_loop3A_284], %parallel_loop3A_287 {strides = array<i32>} : memref<2x168x128xf32, #tpu.memory_space<vmem>>, vector<1x1x16xf32>,
        %parallel_loop3A_288 = arith.constant 0 : i32
        %parallel_loop3A_289 = arith.addi %parallel_loop3A_255, %parallel_loop3A_288 : i32
        %parallel_loop3A_290 = arith.constant 0 : i32
        %parallel_loop3A_291 = arith.index_cast %select_n3A_187 : i32 to index
        %parallel_loop3A_292 = arith.index_cast %parallel_loop3A_290 : i32 to index
        %parallel_loop3A_293 = arith.index_cast %parallel_loop3A_289 : i32 to index
        %parallel_loop3A_294 = arith.constant 16 : index
        %parallel_loop3A_295 = tpu.vector_load %arg8[%parallel_loop3A_291, %parallel_loop3A_292, %parallel_loop3A_293, %parallel_loop3A_294] {strides = array<i32>} : memref<3x2x48x224xf32, #tpu.memory_space<vmem>>, vector<1x1x1x16xf32>,
        %parallel_loop3A_296 = vector.shape_cast %parallel_loop3A_295 : vector<1x1x1x16xf32> to vector<16xf32>
        %parallel_loop3A_297 = arith.constant 0 : i32
        %parallel_loop3A_298 = arith.addi %parallel_loop3A_255, %parallel_loop3A_297 : i32
        %parallel_loop3A_299 = arith.constant 1 : i32
        %parallel_loop3A_300 = arith.index_cast %select_n3A_187 : i32 to index
        %parallel_loop3A_301 = arith.index_cast %parallel_loop3A_299 : i32 to index
        %parallel_loop3A_302 = arith.index_cast %parallel_loop3A_298 : i32 to index
        %parallel_loop3A_303 = arith.constant 16 : index
        %parallel_loop3A_304 = tpu.vector_load %arg8[%parallel_loop3A_300, %parallel_loop3A_301, %parallel_loop3A_302, %parallel_loop3A_303] {strides = array<i32>} : memref<3x2x48x224xf32, #tpu.memory_space<vmem>>, vector<1x1x1x16xf32>,
        %parallel_loop3A_305 = vector.shape_cast %parallel_loop3A_304 : vector<1x1x1x16xf32> to vector<16xf32>
        %parallel_loop3A_306 = arith.mulf %get3A_236, %parallel_loop3A_296 : vector<16xf32>
        %parallel_loop3A_307 = arith.mulf %get3A_242, %parallel_loop3A_305 : vector<16xf32>
        %parallel_loop3A_308 = arith.addf %parallel_loop3A_306, %parallel_loop3A_307 : vector<16xf32>
        %parallel_loop3A_309 = arith.constant 0 : i32
        %parallel_loop3A_310 = arith.addi %parallel_loop3A_258, %parallel_loop3A_309 : i32
        %parallel_loop3A_311 = arith.index_cast %select_n3A_203 : i32 to index
        %parallel_loop3A_312 = arith.index_cast %parallel_loop3A_310 : i32 to index
        %parallel_loop3A_313 = arith.constant 16 : index
        %parallel_loop3A_314 = tpu.vector_load %arg9[%parallel_loop3A_311, %parallel_loop3A_312, %parallel_loop3A_313] {strides = array<i32>} : memref<2x168x128xf32, #tpu.memory_space<vmem>>, vector<1x1x16xf32>,
        %parallel_loop3A_315 = vector.shape_cast %parallel_loop3A_314 : vector<1x1x16xf32> to vector<16xf32>
        %parallel_loop3A_316 = vector.shape_cast %parallel_loop3A_308 : vector<16xf32> to vector<1x1x16xf32>
        tpu.vector_store %arg9[%parallel_loop3A_311, %parallel_loop3A_312, %parallel_loop3A_313], %parallel_loop3A_316 {strides = array<i32>} : memref<2x168x128xf32, #tpu.memory_space<vmem>>, vector<1x1x16xf32>,
        %parallel_loop3A_317 = arith.constant 0 : i32
        %parallel_loop3A_318 = arith.addi %parallel_loop3A_255, %parallel_loop3A_317 : i32
        %parallel_loop3A_319 = arith.constant 0 : i32
        %parallel_loop3A_320 = arith.index_cast %select_n3A_187 : i32 to index
        %parallel_loop3A_321 = arith.index_cast %parallel_loop3A_319 : i32 to index
        %parallel_loop3A_322 = arith.index_cast %parallel_loop3A_318 : i32 to index
        %parallel_loop3A_323 = arith.constant 32 : index
        %parallel_loop3A_324 = tpu.vector_load %arg8[%parallel_loop3A_320, %parallel_loop3A_321, %parallel_loop3A_322, %parallel_loop3A_323] {strides = array<i32>} : memref<3x2x48x224xf32, #tpu.memory_space<vmem>>, vector<1x1x1x16xf32>,
        %parallel_loop3A_325 = vector.shape_cast %parallel_loop3A_324 : vector<1x1x1x16xf32> to vector<16xf32>
        %parallel_loop3A_326 = arith.constant 0 : i32
        %parallel_loop3A_327 = arith.addi %parallel_loop3A_255, %parallel_loop3A_326 : i32
        %parallel_loop3A_328 = arith.constant 1 : i32
        %parallel_loop3A_329 = arith.index_cast %select_n3A_187 : i32 to index
        %parallel_loop3A_330 = arith.index_cast %parallel_loop3A_328 : i32 to index
        %parallel_loop3A_331 = arith.index_cast %parallel_loop3A_327 : i32 to index
        %parallel_loop3A_332 = arith.constant 32 : index
        %parallel_loop3A_333 = tpu.vector_load %arg8[%parallel_loop3A_329, %parallel_loop3A_330, %parallel_loop3A_331, %parallel_loop3A_332] {strides = array<i32>} : memref<3x2x48x224xf32, #tpu.memory_space<vmem>>, vector<1x1x1x16xf32>,
        %parallel_loop3A_334 = vector.shape_cast %parallel_loop3A_333 : vector<1x1x1x16xf32> to vector<16xf32>
        %parallel_loop3A_335 = arith.mulf %get3A_236, %parallel_loop3A_325 : vector<16xf32>
        %parallel_loop3A_336 = arith.mulf %get3A_242, %parallel_loop3A_334 : vector<16xf32>
        %parallel_loop3A_337 = arith.addf %parallel_loop3A_335, %parallel_loop3A_336 : vector<16xf32>
        %parallel_loop3A_338 = arith.constant 0 : i32
        %parallel_loop3A_339 = arith.addi %parallel_loop3A_258, %parallel_loop3A_338 : i32
        %parallel_loop3A_340 = arith.index_cast %select_n3A_203 : i32 to index
        %parallel_loop3A_341 = arith.index_cast %parallel_loop3A_339 : i32 to index
        %parallel_loop3A_342 = arith.constant 32 : index
        %parallel_loop3A_343 = tpu.vector_load %arg9[%parallel_loop3A_340, %parallel_loop3A_341, %parallel_loop3A_342] {strides = array<i32>} : memref<2x168x128xf32, #tpu.memory_space<vmem>>, vector<1x1x16xf32>,
        %parallel_loop3A_344 = vector.shape_cast %parallel_loop3A_343 : vector<1x1x16xf32> to vector<16xf32>
        %parallel_loop3A_345 = vector.shape_cast %parallel_loop3A_337 : vector<16xf32> to vector<1x1x16xf32>
        tpu.vector_store %arg9[%parallel_loop3A_340, %parallel_loop3A_341, %parallel_loop3A_342], %parallel_loop3A_345 {strides = array<i32>} : memref<2x168x128xf32, #tpu.memory_space<vmem>>, vector<1x1x16xf32>,
        %parallel_loop3A_346 = arith.constant 0 : i32
        %parallel_loop3A_347 = arith.addi %parallel_loop3A_255, %parallel_loop3A_346 : i32
        %parallel_loop3A_348 = arith.constant 0 : i32
        %parallel_loop3A_349 = arith.index_cast %select_n3A_187 : i32 to index
        %parallel_loop3A_350 = arith.index_cast %parallel_loop3A_348 : i32 to index
        %parallel_loop3A_351 = arith.index_cast %parallel_loop3A_347 : i32 to index
        %parallel_loop3A_352 = arith.constant 48 : index
        %parallel_loop3A_353 = tpu.vector_load %arg8[%parallel_loop3A_349, %parallel_loop3A_350, %parallel_loop3A_351, %parallel_loop3A_352] {strides = array<i32>} : memref<3x2x48x224xf32, #tpu.memory_space<vmem>>, vector<1x1x1x16xf32>,
        %parallel_loop3A_354 = vector.shape_cast %parallel_loop3A_353 : vector<1x1x1x16xf32> to vector<16xf32>
        %parallel_loop3A_355 = arith.constant 0 : i32
        %parallel_loop3A_356 = arith.addi %parallel_loop3A_255, %parallel_loop3A_355 : i32
        %parallel_loop3A_357 = arith.constant 1 : i32
        %parallel_loop3A_358 = arith.index_cast %select_n3A_187 : i32 to index
        %parallel_loop3A_359 = arith.index_cast %parallel_loop3A_357 : i32 to index
        %parallel_loop3A_360 = arith.index_cast %parallel_loop3A_356 : i32 to index
        %parallel_loop3A_361 = arith.constant 48 : index
        %parallel_loop3A_362 = tpu.vector_load %arg8[%parallel_loop3A_358, %parallel_loop3A_359, %parallel_loop3A_360, %parallel_loop3A_361] {strides = array<i32>} : memref<3x2x48x224xf32, #tpu.memory_space<vmem>>, vector<1x1x1x16xf32>,
        %parallel_loop3A_363 = vector.shape_cast %parallel_loop3A_362 : vector<1x1x1x16xf32> to vector<16xf32>
        %parallel_loop3A_364 = arith.mulf %get3A_236, %parallel_loop3A_354 : vector<16xf32>
        %parallel_loop3A_365 = arith.mulf %get3A_242, %parallel_loop3A_363 : vector<16xf32>
        %parallel_loop3A_366 = arith.addf %parallel_loop3A_364, %parallel_loop3A_365 : vector<16xf32>
        %parallel_loop3A_367 = arith.constant 0 : i32
        %parallel_loop3A_368 = arith.addi %parallel_loop3A_258, %parallel_loop3A_367 : i32
        %parallel_loop3A_369 = arith.index_cast %select_n3A_203 : i32 to index
        %parallel_loop3A_370 = arith.index_cast %parallel_loop3A_368 : i32 to index
        %parallel_loop3A_371 = arith.constant 48 : index
        %parallel_loop3A_372 = tpu.vector_load %arg9[%parallel_loop3A_369, %parallel_loop3A_370, %parallel_loop3A_371] {strides = array<i32>} : memref<2x168x128xf32, #tpu.memory_space<vmem>>, vector<1x1x16xf32>,
        %parallel_loop3A_373 = vector.shape_cast %parallel_loop3A_372 : vector<1x1x16xf32> to vector<16xf32>
        %parallel_loop3A_374 = vector.shape_cast %parallel_loop3A_366 : vector<16xf32> to vector<1x1x16xf32>
        tpu.vector_store %arg9[%parallel_loop3A_369, %parallel_loop3A_370, %parallel_loop3A_371], %parallel_loop3A_374 {strides = array<i32>} : memref<2x168x128xf32, #tpu.memory_space<vmem>>, vector<1x1x16xf32>,
        %parallel_loop3A_375 = arith.constant 0 : i32
        %parallel_loop3A_376 = arith.addi %parallel_loop3A_255, %parallel_loop3A_375 : i32
        %parallel_loop3A_377 = arith.constant 0 : i32
        %parallel_loop3A_378 = arith.index_cast %select_n3A_187 : i32 to index
        %parallel_loop3A_379 = arith.index_cast %parallel_loop3A_377 : i32 to index
        %parallel_loop3A_380 = arith.index_cast %parallel_loop3A_376 : i32 to index
        %parallel_loop3A_381 = arith.constant 64 : index
        %parallel_loop3A_382 = tpu.vector_load %arg8[%parallel_loop3A_378, %parallel_loop3A_379, %parallel_loop3A_380, %parallel_loop3A_381] {strides = array<i32>} : memref<3x2x48x224xf32, #tpu.memory_space<vmem>>, vector<1x1x1x16xf32>,
        %parallel_loop3A_383 = vector.shape_cast %parallel_loop3A_382 : vector<1x1x1x16xf32> to vector<16xf32>
        %parallel_loop3A_384 = arith.constant 0 : i32
        %parallel_loop3A_385 = arith.addi %parallel_loop3A_255, %parallel_loop3A_384 : i32
        %parallel_loop3A_386 = arith.constant 1 : i32
        %parallel_loop3A_387 = arith.index_cast %select_n3A_187 : i32 to index
        %parallel_loop3A_388 = arith.index_cast %parallel_loop3A_386 : i32 to index
        %parallel_loop3A_389 = arith.index_cast %parallel_loop3A_385 : i32 to index
        %parallel_loop3A_390 = arith.constant 64 : index
        %parallel_loop3A_391 = tpu.vector_load %arg8[%parallel_loop3A_387, %parallel_loop3A_388, %parallel_loop3A_389, %parallel_loop3A_390] {strides = array<i32>} : memref<3x2x48x224xf32, #tpu.memory_space<vmem>>, vector<1x1x1x16xf32>,
        %parallel_loop3A_392 = vector.shape_cast %parallel_loop3A_391 : vector<1x1x1x16xf32> to vector<16xf32>
        %parallel_loop3A_393 = arith.mulf %get3A_236, %parallel_loop3A_383 : vector<16xf32>
        %parallel_loop3A_394 = arith.mulf %get3A_242, %parallel_loop3A_392 : vector<16xf32>
        %parallel_loop3A_395 = arith.addf %parallel_loop3A_393, %parallel_loop3A_394 : vector<16xf32>
        %parallel_loop3A_396 = arith.constant 0 : i32
        %parallel_loop3A_397 = arith.addi %parallel_loop3A_258, %parallel_loop3A_396 : i32
        %parallel_loop3A_398 = arith.index_cast %select_n3A_203 : i32 to index
        %parallel_loop3A_399 = arith.index_cast %parallel_loop3A_397 : i32 to index
        %parallel_loop3A_400 = arith.constant 64 : index
        %parallel_loop3A_401 = tpu.vector_load %arg9[%parallel_loop3A_398, %parallel_loop3A_399, %parallel_loop3A_400] {strides = array<i32>} : memref<2x168x128xf32, #tpu.memory_space<vmem>>, vector<1x1x16xf32>,
        %parallel_loop3A_402 = vector.shape_cast %parallel_loop3A_401 : vector<1x1x16xf32> to vector<16xf32>
        %parallel_loop3A_403 = vector.shape_cast %parallel_loop3A_395 : vector<16xf32> to vector<1x1x16xf32>
        tpu.vector_store %arg9[%parallel_loop3A_398, %parallel_loop3A_399, %parallel_loop3A_400], %parallel_loop3A_403 {strides = array<i32>} : memref<2x168x128xf32, #tpu.memory_space<vmem>>, vector<1x1x16xf32>,
        %parallel_loop3A_404 = arith.constant 0 : i32
        %parallel_loop3A_405 = arith.addi %parallel_loop3A_255, %parallel_loop3A_404 : i32
        %parallel_loop3A_406 = arith.constant 0 : i32
        %parallel_loop3A_407 = arith.index_cast %select_n3A_187 : i32 to index
        %parallel_loop3A_408 = arith.index_cast %parallel_loop3A_406 : i32 to index
        %parallel_loop3A_409 = arith.index_cast %parallel_loop3A_405 : i32 to index
        %parallel_loop3A_410 = arith.constant 80 : index
        %parallel_loop3A_411 = tpu.vector_load %arg8[%parallel_loop3A_407, %parallel_loop3A_408, %parallel_loop3A_409, %parallel_loop3A_410] {strides = array<i32>} : memref<3x2x48x224xf32, #tpu.memory_space<vmem>>, vector<1x1x1x16xf32>,
        %parallel_loop3A_412 = vector.shape_cast %parallel_loop3A_411 : vector<1x1x1x16xf32> to vector<16xf32>
        %parallel_loop3A_413 = arith.constant 0 : i32
        %parallel_loop3A_414 = arith.addi %parallel_loop3A_255, %parallel_loop3A_413 : i32
        %parallel_loop3A_415 = arith.constant 1 : i32
        %parallel_loop3A_416 = arith.index_cast %select_n3A_187 : i32 to index
        %parallel_loop3A_417 = arith.index_cast %parallel_loop3A_415 : i32 to index
        %parallel_loop3A_418 = arith.index_cast %parallel_loop3A_414 : i32 to index
        %parallel_loop3A_419 = arith.constant 80 : index
        %parallel_loop3A_420 = tpu.vector_load %arg8[%parallel_loop3A_416, %parallel_loop3A_417, %parallel_loop3A_418, %parallel_loop3A_419] {strides = array<i32>} : memref<3x2x48x224xf32, #tpu.memory_space<vmem>>, vector<1x1x1x16xf32>,
        %parallel_loop3A_421 = vector.shape_cast %parallel_loop3A_420 : vector<1x1x1x16xf32> to vector<16xf32>
        %parallel_loop3A_422 = arith.mulf %get3A_236, %parallel_loop3A_412 : vector<16xf32>
        %parallel_loop3A_423 = arith.mulf %get3A_242, %parallel_loop3A_421 : vector<16xf32>
        %parallel_loop3A_424 = arith.addf %parallel_loop3A_422, %parallel_loop3A_423 : vector<16xf32>
        %parallel_loop3A_425 = arith.constant 0 : i32
        %parallel_loop3A_426 = arith.addi %parallel_loop3A_258, %parallel_loop3A_425 : i32
        %parallel_loop3A_427 = arith.index_cast %select_n3A_203 : i32 to index
        %parallel_loop3A_428 = arith.index_cast %parallel_loop3A_426 : i32 to index
        %parallel_loop3A_429 = arith.constant 80 : index
        %parallel_loop3A_430 = tpu.vector_load %arg9[%parallel_loop3A_427, %parallel_loop3A_428, %parallel_loop3A_429] {strides = array<i32>} : memref<2x168x128xf32, #tpu.memory_space<vmem>>, vector<1x1x16xf32>,
        %parallel_loop3A_431 = vector.shape_cast %parallel_loop3A_430 : vector<1x1x16xf32> to vector<16xf32>
        %parallel_loop3A_432 = vector.shape_cast %parallel_loop3A_424 : vector<16xf32> to vector<1x1x16xf32>
        tpu.vector_store %arg9[%parallel_loop3A_427, %parallel_loop3A_428, %parallel_loop3A_429], %parallel_loop3A_432 {strides = array<i32>} : memref<2x168x128xf32, #tpu.memory_space<vmem>>, vector<1x1x16xf32>,
        %parallel_loop3A_433 = arith.constant 0 : i32
        %parallel_loop3A_434 = arith.addi %parallel_loop3A_255, %parallel_loop3A_433 : i32
        %parallel_loop3A_435 = arith.constant 0 : i32
        %parallel_loop3A_436 = arith.index_cast %select_n3A_187 : i32 to index
        %parallel_loop3A_437 = arith.index_cast %parallel_loop3A_435 : i32 to index
        %parallel_loop3A_438 = arith.index_cast %parallel_loop3A_434 : i32 to index
        %parallel_loop3A_439 = arith.constant 96 : index
        %parallel_loop3A_440 = tpu.vector_load %arg8[%parallel_loop3A_436, %parallel_loop3A_437, %parallel_loop3A_438, %parallel_loop3A_439] {strides = array<i32>} : memref<3x2x48x224xf32, #tpu.memory_space<vmem>>, vector<1x1x1x16xf32>,
        %parallel_loop3A_441 = vector.shape_cast %parallel_loop3A_440 : vector<1x1x1x16xf32> to vector<16xf32>
        %parallel_loop3A_442 = arith.constant 0 : i32
        %parallel_loop3A_443 = arith.addi %parallel_loop3A_255, %parallel_loop3A_442 : i32
        %parallel_loop3A_444 = arith.constant 1 : i32
        %parallel_loop3A_445 = arith.index_cast %select_n3A_187 : i32 to index
        %parallel_loop3A_446 = arith.index_cast %parallel_loop3A_444 : i32 to index
        %parallel_loop3A_447 = arith.index_cast %parallel_loop3A_443 : i32 to index
        %parallel_loop3A_448 = arith.constant 96 : index
        %parallel_loop3A_449 = tpu.vector_load %arg8[%parallel_loop3A_445, %parallel_loop3A_446, %parallel_loop3A_447, %parallel_loop3A_448] {strides = array<i32>} : memref<3x2x48x224xf32, #tpu.memory_space<vmem>>, vector<1x1x1x16xf32>,
        %parallel_loop3A_450 = vector.shape_cast %parallel_loop3A_449 : vector<1x1x1x16xf32> to vector<16xf32>
        %parallel_loop3A_451 = arith.mulf %get3A_236, %parallel_loop3A_441 : vector<16xf32>
        %parallel_loop3A_452 = arith.mulf %get3A_242, %parallel_loop3A_450 : vector<16xf32>
        %parallel_loop3A_453 = arith.addf %parallel_loop3A_451, %parallel_loop3A_452 : vector<16xf32>
        %parallel_loop3A_454 = arith.constant 0 : i32
        %parallel_loop3A_455 = arith.addi %parallel_loop3A_258, %parallel_loop3A_454 : i32
        %parallel_loop3A_456 = arith.index_cast %select_n3A_203 : i32 to index
        %parallel_loop3A_457 = arith.index_cast %parallel_loop3A_455 : i32 to index
        %parallel_loop3A_458 = arith.constant 96 : index
        %parallel_loop3A_459 = tpu.vector_load %arg9[%parallel_loop3A_456, %parallel_loop3A_457, %parallel_loop3A_458] {strides = array<i32>} : memref<2x168x128xf32, #tpu.memory_space<vmem>>, vector<1x1x16xf32>,
        %parallel_loop3A_460 = vector.shape_cast %parallel_loop3A_459 : vector<1x1x16xf32> to vector<16xf32>
        %parallel_loop3A_461 = vector.shape_cast %parallel_loop3A_453 : vector<16xf32> to vector<1x1x16xf32>
        tpu.vector_store %arg9[%parallel_loop3A_456, %parallel_loop3A_457, %parallel_loop3A_458], %parallel_loop3A_461 {strides = array<i32>} : memref<2x168x128xf32, #tpu.memory_space<vmem>>, vector<1x1x16xf32>,
        %parallel_loop3A_462 = arith.constant 0 : i32
        %parallel_loop3A_463 = arith.addi %parallel_loop3A_255, %parallel_loop3A_462 : i32
        %parallel_loop3A_464 = arith.constant 0 : i32
        %parallel_loop3A_465 = arith.index_cast %select_n3A_187 : i32 to index
        %parallel_loop3A_466 = arith.index_cast %parallel_loop3A_464 : i32 to index
        %parallel_loop3A_467 = arith.index_cast %parallel_loop3A_463 : i32 to index
        %parallel_loop3A_468 = arith.constant 112 : index
        %parallel_loop3A_469 = tpu.vector_load %arg8[%parallel_loop3A_465, %parallel_loop3A_466, %parallel_loop3A_467, %parallel_loop3A_468] {strides = array<i32>} : memref<3x2x48x224xf32, #tpu.memory_space<vmem>>, vector<1x1x1x16xf32>,
        %parallel_loop3A_470 = vector.shape_cast %parallel_loop3A_469 : vector<1x1x1x16xf32> to vector<16xf32>
        %parallel_loop3A_471 = arith.constant 0 : i32
        %parallel_loop3A_472 = arith.addi %parallel_loop3A_255, %parallel_loop3A_471 : i32
        %parallel_loop3A_473 = arith.constant 1 : i32
        %parallel_loop3A_474 = arith.index_cast %select_n3A_187 : i32 to index
        %parallel_loop3A_475 = arith.index_cast %parallel_loop3A_473 : i32 to index
        %parallel_loop3A_476 = arith.index_cast %parallel_loop3A_472 : i32 to index
        %parallel_loop3A_477 = arith.constant 112 : index
        %parallel_loop3A_478 = tpu.vector_load %arg8[%parallel_loop3A_474, %parallel_loop3A_475, %parallel_loop3A_476, %parallel_loop3A_477] {strides = array<i32>} : memref<3x2x48x224xf32, #tpu.memory_space<vmem>>, vector<1x1x1x16xf32>,
        %parallel_loop3A_479 = vector.shape_cast %parallel_loop3A_478 : vector<1x1x1x16xf32> to vector<16xf32>
        %parallel_loop3A_480 = arith.mulf %get3A_236, %parallel_loop3A_470 : vector<16xf32>
        %parallel_loop3A_481 = arith.mulf %get3A_242, %parallel_loop3A_479 : vector<16xf32>
        %parallel_loop3A_482 = arith.addf %parallel_loop3A_480, %parallel_loop3A_481 : vector<16xf32>
        %parallel_loop3A_483 = arith.constant 0 : i32
        %parallel_loop3A_484 = arith.addi %parallel_loop3A_258, %parallel_loop3A_483 : i32
        %parallel_loop3A_485 = arith.index_cast %select_n3A_203 : i32 to index
        %parallel_loop3A_486 = arith.index_cast %parallel_loop3A_484 : i32 to index
        %parallel_loop3A_487 = arith.constant 112 : index
        %parallel_loop3A_488 = tpu.vector_load %arg9[%parallel_loop3A_485, %parallel_loop3A_486, %parallel_loop3A_487] {strides = array<i32>} : memref<2x168x128xf32, #tpu.memory_space<vmem>>, vector<1x1x16xf32>,
        %parallel_loop3A_489 = vector.shape_cast %parallel_loop3A_488 : vector<1x1x16xf32> to vector<16xf32>
        %parallel_loop3A_490 = vector.shape_cast %parallel_loop3A_482 : vector<16xf32> to vector<1x1x16xf32>
        tpu.vector_store %arg9[%parallel_loop3A_485, %parallel_loop3A_486, %parallel_loop3A_487], %parallel_loop3A_490 {strides = array<i32>} : memref<2x168x128xf32, #tpu.memory_space<vmem>>, vector<1x1x16xf32>,
        %parallel_loop3A_491 = arith.constant 0 : i32
        %parallel_loop3A_492 = arith.addi %parallel_loop3A_255, %parallel_loop3A_491 : i32
        %parallel_loop3A_493 = arith.constant 0 : i32
        %parallel_loop3A_494 = arith.index_cast %select_n3A_187 : i32 to index
        %parallel_loop3A_495 = arith.index_cast %parallel_loop3A_493 : i32 to index
        %parallel_loop3A_496 = arith.index_cast %parallel_loop3A_492 : i32 to index
        %parallel_loop3A_497 = arith.constant 128 : index
        %parallel_loop3A_498 = tpu.vector_load %arg8[%parallel_loop3A_494, %parallel_loop3A_495, %parallel_loop3A_496, %parallel_loop3A_497] {strides = array<i32>} : memref<3x2x48x224xf32, #tpu.memory_space<vmem>>, vector<1x1x1x16xf32>,
        %parallel_loop3A_499 = vector.shape_cast %parallel_loop3A_498 : vector<1x1x1x16xf32> to vector<16xf32>
        %parallel_loop3A_500 = arith.constant 0 : i32
        %parallel_loop3A_501 = arith.addi %parallel_loop3A_255, %parallel_loop3A_500 : i32
        %parallel_loop3A_502 = arith.constant 1 : i32
        %parallel_loop3A_503 = arith.index_cast %select_n3A_187 : i32 to index
        %parallel_loop3A_504 = arith.index_cast %parallel_loop3A_502 : i32 to index
        %parallel_loop3A_505 = arith.index_cast %parallel_loop3A_501 : i32 to index
        %parallel_loop3A_506 = arith.constant 128 : index
        %parallel_loop3A_507 = tpu.vector_load %arg8[%parallel_loop3A_503, %parallel_loop3A_504, %parallel_loop3A_505, %parallel_loop3A_506] {strides = array<i32>} : memref<3x2x48x224xf32, #tpu.memory_space<vmem>>, vector<1x1x1x16xf32>,
        %parallel_loop3A_508 = vector.shape_cast %parallel_loop3A_507 : vector<1x1x1x16xf32> to vector<16xf32>
        %parallel_loop3A_509 = arith.mulf %get3A_236, %parallel_loop3A_499 : vector<16xf32>
        %parallel_loop3A_510 = arith.mulf %get3A_242, %parallel_loop3A_508 : vector<16xf32>
        %parallel_loop3A_511 = arith.addf %parallel_loop3A_509, %parallel_loop3A_510 : vector<16xf32>
        %parallel_loop3A_512 = arith.constant 1 : i32
        %parallel_loop3A_513 = arith.addi %parallel_loop3A_258, %parallel_loop3A_512 : i32
        %parallel_loop3A_514 = arith.index_cast %select_n3A_203 : i32 to index
        %parallel_loop3A_515 = arith.index_cast %parallel_loop3A_513 : i32 to index
        %parallel_loop3A_516 = arith.constant 0 : index
        %parallel_loop3A_517 = tpu.vector_load %arg9[%parallel_loop3A_514, %parallel_loop3A_515, %parallel_loop3A_516] {strides = array<i32>} : memref<2x168x128xf32, #tpu.memory_space<vmem>>, vector<1x1x16xf32>,
        %parallel_loop3A_518 = vector.shape_cast %parallel_loop3A_517 : vector<1x1x16xf32> to vector<16xf32>
        %parallel_loop3A_519 = vector.shape_cast %parallel_loop3A_511 : vector<16xf32> to vector<1x1x16xf32>
        tpu.vector_store %arg9[%parallel_loop3A_514, %parallel_loop3A_515, %parallel_loop3A_516], %parallel_loop3A_519 {strides = array<i32>} : memref<2x168x128xf32, #tpu.memory_space<vmem>>, vector<1x1x16xf32>,
        %parallel_loop3A_520 = arith.constant 0 : i32
        %parallel_loop3A_521 = arith.addi %parallel_loop3A_255, %parallel_loop3A_520 : i32
        %parallel_loop3A_522 = arith.constant 0 : i32
        %parallel_loop3A_523 = arith.index_cast %select_n3A_187 : i32 to index
        %parallel_loop3A_524 = arith.index_cast %parallel_loop3A_522 : i32 to index
        %parallel_loop3A_525 = arith.index_cast %parallel_loop3A_521 : i32 to index
        %parallel_loop3A_526 = arith.constant 144 : index
        %parallel_loop3A_527 = tpu.vector_load %arg8[%parallel_loop3A_523, %parallel_loop3A_524, %parallel_loop3A_525, %parallel_loop3A_526] {strides = array<i32>} : memref<3x2x48x224xf32, #tpu.memory_space<vmem>>, vector<1x1x1x16xf32>,
        %parallel_loop3A_528 = vector.shape_cast %parallel_loop3A_527 : vector<1x1x1x16xf32> to vector<16xf32>
        %parallel_loop3A_529 = arith.constant 0 : i32
        %parallel_loop3A_530 = arith.addi %parallel_loop3A_255, %parallel_loop3A_529 : i32
        %parallel_loop3A_531 = arith.constant 1 : i32
        %parallel_loop3A_532 = arith.index_cast %select_n3A_187 : i32 to index
        %parallel_loop3A_533 = arith.index_cast %parallel_loop3A_531 : i32 to index
        %parallel_loop3A_534 = arith.index_cast %parallel_loop3A_530 : i32 to index
        %parallel_loop3A_535 = arith.constant 144 : index
        %parallel_loop3A_536 = tpu.vector_load %arg8[%parallel_loop3A_532, %parallel_loop3A_533, %parallel_loop3A_534, %parallel_loop3A_535] {strides = array<i32>} : memref<3x2x48x224xf32, #tpu.memory_space<vmem>>, vector<1x1x1x16xf32>,
        %parallel_loop3A_537 = vector.shape_cast %parallel_loop3A_536 : vector<1x1x1x16xf32> to vector<16xf32>
        %parallel_loop3A_538 = arith.mulf %get3A_236, %parallel_loop3A_528 : vector<16xf32>
        %parallel_loop3A_539 = arith.mulf %get3A_242, %parallel_loop3A_537 : vector<16xf32>
        %parallel_loop3A_540 = arith.addf %parallel_loop3A_538, %parallel_loop3A_539 : vector<16xf32>
        %parallel_loop3A_541 = arith.constant 1 : i32
        %parallel_loop3A_542 = arith.addi %parallel_loop3A_258, %parallel_loop3A_541 : i32
        %parallel_loop3A_543 = arith.index_cast %select_n3A_203 : i32 to index
        %parallel_loop3A_544 = arith.index_cast %parallel_loop3A_542 : i32 to index
        %parallel_loop3A_545 = arith.constant 16 : index
        %parallel_loop3A_546 = tpu.vector_load %arg9[%parallel_loop3A_543, %parallel_loop3A_544, %parallel_loop3A_545] {strides = array<i32>} : memref<2x168x128xf32, #tpu.memory_space<vmem>>, vector<1x1x16xf32>,
        %parallel_loop3A_547 = vector.shape_cast %parallel_loop3A_546 : vector<1x1x16xf32> to vector<16xf32>
        %parallel_loop3A_548 = vector.shape_cast %parallel_loop3A_540 : vector<16xf32> to vector<1x1x16xf32>
        tpu.vector_store %arg9[%parallel_loop3A_543, %parallel_loop3A_544, %parallel_loop3A_545], %parallel_loop3A_548 {strides = array<i32>} : memref<2x168x128xf32, #tpu.memory_space<vmem>>, vector<1x1x16xf32>,
        %parallel_loop3A_549 = arith.constant 0 : i32
        %parallel_loop3A_550 = arith.addi %parallel_loop3A_255, %parallel_loop3A_549 : i32
        %parallel_loop3A_551 = arith.constant 0 : i32
        %parallel_loop3A_552 = arith.index_cast %select_n3A_187 : i32 to index
        %parallel_loop3A_553 = arith.index_cast %parallel_loop3A_551 : i32 to index
        %parallel_loop3A_554 = arith.index_cast %parallel_loop3A_550 : i32 to index
        %parallel_loop3A_555 = arith.constant 160 : index
        %parallel_loop3A_556 = tpu.vector_load %arg8[%parallel_loop3A_552, %parallel_loop3A_553, %parallel_loop3A_554, %parallel_loop3A_555] {strides = array<i32>} : memref<3x2x48x224xf32, #tpu.memory_space<vmem>>, vector<1x1x1x16xf32>,
        %parallel_loop3A_557 = vector.shape_cast %parallel_loop3A_556 : vector<1x1x1x16xf32> to vector<16xf32>
        %parallel_loop3A_558 = arith.constant 0 : i32
        %parallel_loop3A_559 = arith.addi %parallel_loop3A_255, %parallel_loop3A_558 : i32
        %parallel_loop3A_560 = arith.constant 1 : i32
        %parallel_loop3A_561 = arith.index_cast %select_n3A_187 : i32 to index
        %parallel_loop3A_562 = arith.index_cast %parallel_loop3A_560 : i32 to index
        %parallel_loop3A_563 = arith.index_cast %parallel_loop3A_559 : i32 to index
        %parallel_loop3A_564 = arith.constant 160 : index
        %parallel_loop3A_565 = tpu.vector_load %arg8[%parallel_loop3A_561, %parallel_loop3A_562, %parallel_loop3A_563, %parallel_loop3A_564] {strides = array<i32>} : memref<3x2x48x224xf32, #tpu.memory_space<vmem>>, vector<1x1x1x16xf32>,
        %parallel_loop3A_566 = vector.shape_cast %parallel_loop3A_565 : vector<1x1x1x16xf32> to vector<16xf32>
        %parallel_loop3A_567 = arith.mulf %get3A_236, %parallel_loop3A_557 : vector<16xf32>
        %parallel_loop3A_568 = arith.mulf %get3A_242, %parallel_loop3A_566 : vector<16xf32>
        %parallel_loop3A_569 = arith.addf %parallel_loop3A_567, %parallel_loop3A_568 : vector<16xf32>
        %parallel_loop3A_570 = arith.constant 1 : i32
        %parallel_loop3A_571 = arith.addi %parallel_loop3A_258, %parallel_loop3A_570 : i32
        %parallel_loop3A_572 = arith.index_cast %select_n3A_203 : i32 to index
        %parallel_loop3A_573 = arith.index_cast %parallel_loop3A_571 : i32 to index
        %parallel_loop3A_574 = arith.constant 32 : index
        %parallel_loop3A_575 = tpu.vector_load %arg9[%parallel_loop3A_572, %parallel_loop3A_573, %parallel_loop3A_574] {strides = array<i32>} : memref<2x168x128xf32, #tpu.memory_space<vmem>>, vector<1x1x16xf32>,
        %parallel_loop3A_576 = vector.shape_cast %parallel_loop3A_575 : vector<1x1x16xf32> to vector<16xf32>
        %parallel_loop3A_577 = vector.shape_cast %parallel_loop3A_569 : vector<16xf32> to vector<1x1x16xf32>
        tpu.vector_store %arg9[%parallel_loop3A_572, %parallel_loop3A_573, %parallel_loop3A_574], %parallel_loop3A_577 {strides = array<i32>} : memref<2x168x128xf32, #tpu.memory_space<vmem>>, vector<1x1x16xf32>,
        %parallel_loop3A_578 = arith.constant 0 : i32
        %parallel_loop3A_579 = arith.addi %parallel_loop3A_255, %parallel_loop3A_578 : i32
        %parallel_loop3A_580 = arith.constant 0 : i32
        %parallel_loop3A_581 = arith.index_cast %select_n3A_187 : i32 to index
        %parallel_loop3A_582 = arith.index_cast %parallel_loop3A_580 : i32 to index
        %parallel_loop3A_583 = arith.index_cast %parallel_loop3A_579 : i32 to index
        %parallel_loop3A_584 = arith.constant 176 : index
        %parallel_loop3A_585 = tpu.vector_load %arg8[%parallel_loop3A_581, %parallel_loop3A_582, %parallel_loop3A_583, %parallel_loop3A_584] {strides = array<i32>} : memref<3x2x48x224xf32, #tpu.memory_space<vmem>>, vector<1x1x1x16xf32>,
        %parallel_loop3A_586 = vector.shape_cast %parallel_loop3A_585 : vector<1x1x1x16xf32> to vector<16xf32>
        %parallel_loop3A_587 = arith.constant 0 : i32
        %parallel_loop3A_588 = arith.addi %parallel_loop3A_255, %parallel_loop3A_587 : i32
        %parallel_loop3A_589 = arith.constant 1 : i32
        %parallel_loop3A_590 = arith.index_cast %select_n3A_187 : i32 to index
        %parallel_loop3A_591 = arith.index_cast %parallel_loop3A_589 : i32 to index
        %parallel_loop3A_592 = arith.index_cast %parallel_loop3A_588 : i32 to index
        %parallel_loop3A_593 = arith.constant 176 : index
        %parallel_loop3A_594 = tpu.vector_load %arg8[%parallel_loop3A_590, %parallel_loop3A_591, %parallel_loop3A_592, %parallel_loop3A_593] {strides = array<i32>} : memref<3x2x48x224xf32, #tpu.memory_space<vmem>>, vector<1x1x1x16xf32>,
        %parallel_loop3A_595 = vector.shape_cast %parallel_loop3A_594 : vector<1x1x1x16xf32> to vector<16xf32>
        %parallel_loop3A_596 = arith.mulf %get3A_236, %parallel_loop3A_586 : vector<16xf32>
        %parallel_loop3A_597 = arith.mulf %get3A_242, %parallel_loop3A_595 : vector<16xf32>
        %parallel_loop3A_598 = arith.addf %parallel_loop3A_596, %parallel_loop3A_597 : vector<16xf32>
        %parallel_loop3A_599 = arith.constant 1 : i32
        %parallel_loop3A_600 = arith.addi %parallel_loop3A_258, %parallel_loop3A_599 : i32
        %parallel_loop3A_601 = arith.index_cast %select_n3A_203 : i32 to index
        %parallel_loop3A_602 = arith.index_cast %parallel_loop3A_600 : i32 to index
        %parallel_loop3A_603 = arith.constant 48 : index
        %parallel_loop3A_604 = tpu.vector_load %arg9[%parallel_loop3A_601, %parallel_loop3A_602, %parallel_loop3A_603] {strides = array<i32>} : memref<2x168x128xf32, #tpu.memory_space<vmem>>, vector<1x1x16xf32>,
        %parallel_loop3A_605 = vector.shape_cast %parallel_loop3A_604 : vector<1x1x16xf32> to vector<16xf32>
        %parallel_loop3A_606 = vector.shape_cast %parallel_loop3A_598 : vector<16xf32> to vector<1x1x16xf32>
        tpu.vector_store %arg9[%parallel_loop3A_601, %parallel_loop3A_602, %parallel_loop3A_603], %parallel_loop3A_606 {strides = array<i32>} : memref<2x168x128xf32, #tpu.memory_space<vmem>>, vector<1x1x16xf32>,
        %parallel_loop3A_607 = arith.constant 0 : i32
        %parallel_loop3A_608 = arith.addi %parallel_loop3A_255, %parallel_loop3A_607 : i32
        %parallel_loop3A_609 = arith.constant 0 : i32
        %parallel_loop3A_610 = arith.index_cast %select_n3A_187 : i32 to index
        %parallel_loop3A_611 = arith.index_cast %parallel_loop3A_609 : i32 to index
        %parallel_loop3A_612 = arith.index_cast %parallel_loop3A_608 : i32 to index
        %parallel_loop3A_613 = arith.constant 192 : index
        %parallel_loop3A_614 = tpu.vector_load %arg8[%parallel_loop3A_610, %parallel_loop3A_611, %parallel_loop3A_612, %parallel_loop3A_613] {strides = array<i32>} : memref<3x2x48x224xf32, #tpu.memory_space<vmem>>, vector<1x1x1x16xf32>,
        %parallel_loop3A_615 = vector.shape_cast %parallel_loop3A_614 : vector<1x1x1x16xf32> to vector<16xf32>
        %parallel_loop3A_616 = arith.constant 0 : i32
        %parallel_loop3A_617 = arith.addi %parallel_loop3A_255, %parallel_loop3A_616 : i32
        %parallel_loop3A_618 = arith.constant 1 : i32
        %parallel_loop3A_619 = arith.index_cast %select_n3A_187 : i32 to index
        %parallel_loop3A_620 = arith.index_cast %parallel_loop3A_618 : i32 to index
        %parallel_loop3A_621 = arith.index_cast %parallel_loop3A_617 : i32 to index
        %parallel_loop3A_622 = arith.constant 192 : index
        %parallel_loop3A_623 = tpu.vector_load %arg8[%parallel_loop3A_619, %parallel_loop3A_620, %parallel_loop3A_621, %parallel_loop3A_622] {strides = array<i32>} : memref<3x2x48x224xf32, #tpu.memory_space<vmem>>, vector<1x1x1x16xf32>,
        %parallel_loop3A_624 = vector.shape_cast %parallel_loop3A_623 : vector<1x1x1x16xf32> to vector<16xf32>
        %parallel_loop3A_625 = arith.mulf %get3A_236, %parallel_loop3A_615 : vector<16xf32>
        %parallel_loop3A_626 = arith.mulf %get3A_242, %parallel_loop3A_624 : vector<16xf32>
        %parallel_loop3A_627 = arith.addf %parallel_loop3A_625, %parallel_loop3A_626 : vector<16xf32>
        %parallel_loop3A_628 = arith.constant 1 : i32
        %parallel_loop3A_629 = arith.addi %parallel_loop3A_258, %parallel_loop3A_628 : i32
        %parallel_loop3A_630 = arith.index_cast %select_n3A_203 : i32 to index
        %parallel_loop3A_631 = arith.index_cast %parallel_loop3A_629 : i32 to index
        %parallel_loop3A_632 = arith.constant 64 : index
        %parallel_loop3A_633 = tpu.vector_load %arg9[%parallel_loop3A_630, %parallel_loop3A_631, %parallel_loop3A_632] {strides = array<i32>} : memref<2x168x128xf32, #tpu.memory_space<vmem>>, vector<1x1x16xf32>,
        %parallel_loop3A_634 = vector.shape_cast %parallel_loop3A_633 : vector<1x1x16xf32> to vector<16xf32>
        %parallel_loop3A_635 = vector.shape_cast %parallel_loop3A_627 : vector<16xf32> to vector<1x1x16xf32>
        tpu.vector_store %arg9[%parallel_loop3A_630, %parallel_loop3A_631, %parallel_loop3A_632], %parallel_loop3A_635 {strides = array<i32>} : memref<2x168x128xf32, #tpu.memory_space<vmem>>, vector<1x1x16xf32>,
        %parallel_loop3A_636 = arith.constant 0 : i32
        %parallel_loop3A_637 = arith.addi %parallel_loop3A_255, %parallel_loop3A_636 : i32
        %parallel_loop3A_638 = arith.constant 0 : i32
        %parallel_loop3A_639 = arith.index_cast %select_n3A_187 : i32 to index
        %parallel_loop3A_640 = arith.index_cast %parallel_loop3A_638 : i32 to index
        %parallel_loop3A_641 = arith.index_cast %parallel_loop3A_637 : i32 to index
        %parallel_loop3A_642 = arith.constant 208 : index
        %parallel_loop3A_643 = tpu.vector_load %arg8[%parallel_loop3A_639, %parallel_loop3A_640, %parallel_loop3A_641, %parallel_loop3A_642] {strides = array<i32>} : memref<3x2x48x224xf32, #tpu.memory_space<vmem>>, vector<1x1x1x16xf32>,
        %parallel_loop3A_644 = vector.shape_cast %parallel_loop3A_643 : vector<1x1x1x16xf32> to vector<16xf32>
        %parallel_loop3A_645 = arith.constant 0 : i32
        %parallel_loop3A_646 = arith.addi %parallel_loop3A_255, %parallel_loop3A_645 : i32
        %parallel_loop3A_647 = arith.constant 1 : i32
        %parallel_loop3A_648 = arith.index_cast %select_n3A_187 : i32 to index
        %parallel_loop3A_649 = arith.index_cast %parallel_loop3A_647 : i32 to index
        %parallel_loop3A_650 = arith.index_cast %parallel_loop3A_646 : i32 to index
        %parallel_loop3A_651 = arith.constant 208 : index
        %parallel_loop3A_652 = tpu.vector_load %arg8[%parallel_loop3A_648, %parallel_loop3A_649, %parallel_loop3A_650, %parallel_loop3A_651] {strides = array<i32>} : memref<3x2x48x224xf32, #tpu.memory_space<vmem>>, vector<1x1x1x16xf32>,
        %parallel_loop3A_653 = vector.shape_cast %parallel_loop3A_652 : vector<1x1x1x16xf32> to vector<16xf32>
        %parallel_loop3A_654 = arith.mulf %get3A_236, %parallel_loop3A_644 : vector<16xf32>
        %parallel_loop3A_655 = arith.mulf %get3A_242, %parallel_loop3A_653 : vector<16xf32>
        %parallel_loop3A_656 = arith.addf %parallel_loop3A_654, %parallel_loop3A_655 : vector<16xf32>
        %parallel_loop3A_657 = arith.constant 1 : i32
        %parallel_loop3A_658 = arith.addi %parallel_loop3A_258, %parallel_loop3A_657 : i32
        %parallel_loop3A_659 = arith.index_cast %select_n3A_203 : i32 to index
        %parallel_loop3A_660 = arith.index_cast %parallel_loop3A_658 : i32 to index
        %parallel_loop3A_661 = arith.constant 80 : index
        %parallel_loop3A_662 = tpu.vector_load %arg9[%parallel_loop3A_659, %parallel_loop3A_660, %parallel_loop3A_661] {strides = array<i32>} : memref<2x168x128xf32, #tpu.memory_space<vmem>>, vector<1x1x16xf32>,
        %parallel_loop3A_663 = vector.shape_cast %parallel_loop3A_662 : vector<1x1x16xf32> to vector<16xf32>
        %parallel_loop3A_664 = vector.shape_cast %parallel_loop3A_656 : vector<16xf32> to vector<1x1x16xf32>
        tpu.vector_store %arg9[%parallel_loop3A_659, %parallel_loop3A_660, %parallel_loop3A_661], %parallel_loop3A_664 {strides = array<i32>} : memref<2x168x128xf32, #tpu.memory_space<vmem>>, vector<1x1x16xf32>,
        %parallel_loop3A_665 = arith.constant 1 : i32
        %parallel_loop3A_666 = arith.addi %parallel_loop3A_255, %parallel_loop3A_665 : i32
        %parallel_loop3A_667 = arith.constant 0 : i32
        %parallel_loop3A_668 = arith.index_cast %select_n3A_187 : i32 to index
        %parallel_loop3A_669 = arith.index_cast %parallel_loop3A_667 : i32 to index
        %parallel_loop3A_670 = arith.index_cast %parallel_loop3A_666 : i32 to index
        %parallel_loop3A_671 = arith.constant 0 : index
        %parallel_loop3A_672 = tpu.vector_load %arg8[%parallel_loop3A_668, %parallel_loop3A_669, %parallel_loop3A_670, %parallel_loop3A_671] {strides = array<i32>} : memref<3x2x48x224xf32, #tpu.memory_space<vmem>>, vector<1x1x1x16xf32>,
        %parallel_loop3A_673 = vector.shape_cast %parallel_loop3A_672 : vector<1x1x1x16xf32> to vector<16xf32>
        %parallel_loop3A_674 = arith.constant 1 : i32
        %parallel_loop3A_675 = arith.addi %parallel_loop3A_255, %parallel_loop3A_674 : i32
        %parallel_loop3A_676 = arith.constant 1 : i32
        %parallel_loop3A_677 = arith.index_cast %select_n3A_187 : i32 to index
        %parallel_loop3A_678 = arith.index_cast %parallel_loop3A_676 : i32 to index
        %parallel_loop3A_679 = arith.index_cast %parallel_loop3A_675 : i32 to index
        %parallel_loop3A_680 = arith.constant 0 : index
        %parallel_loop3A_681 = tpu.vector_load %arg8[%parallel_loop3A_677, %parallel_loop3A_678, %parallel_loop3A_679, %parallel_loop3A_680] {strides = array<i32>} : memref<3x2x48x224xf32, #tpu.memory_space<vmem>>, vector<1x1x1x16xf32>,
        %parallel_loop3A_682 = vector.shape_cast %parallel_loop3A_681 : vector<1x1x1x16xf32> to vector<16xf32>
        %parallel_loop3A_683 = arith.mulf %get3A_236, %parallel_loop3A_673 : vector<16xf32>
        %parallel_loop3A_684 = arith.mulf %get3A_242, %parallel_loop3A_682 : vector<16xf32>
        %parallel_loop3A_685 = arith.addf %parallel_loop3A_683, %parallel_loop3A_684 : vector<16xf32>
        %parallel_loop3A_686 = arith.constant 1 : i32
        %parallel_loop3A_687 = arith.addi %parallel_loop3A_258, %parallel_loop3A_686 : i32
        %parallel_loop3A_688 = arith.index_cast %select_n3A_203 : i32 to index
        %parallel_loop3A_689 = arith.index_cast %parallel_loop3A_687 : i32 to index
        %parallel_loop3A_690 = arith.constant 96 : index
        %parallel_loop3A_691 = tpu.vector_load %arg9[%parallel_loop3A_688, %parallel_loop3A_689, %parallel_loop3A_690] {strides = array<i32>} : memref<2x168x128xf32, #tpu.memory_space<vmem>>, vector<1x1x16xf32>,
        %parallel_loop3A_692 = vector.shape_cast %parallel_loop3A_691 : vector<1x1x16xf32> to vector<16xf32>
        %parallel_loop3A_693 = vector.shape_cast %parallel_loop3A_685 : vector<16xf32> to vector<1x1x16xf32>
        tpu.vector_store %arg9[%parallel_loop3A_688, %parallel_loop3A_689, %parallel_loop3A_690], %parallel_loop3A_693 {strides = array<i32>} : memref<2x168x128xf32, #tpu.memory_space<vmem>>, vector<1x1x16xf32>,
        %parallel_loop3A_694 = arith.constant 1 : i32
        %parallel_loop3A_695 = arith.addi %parallel_loop3A_255, %parallel_loop3A_694 : i32
        %parallel_loop3A_696 = arith.constant 0 : i32
        %parallel_loop3A_697 = arith.index_cast %select_n3A_187 : i32 to index
        %parallel_loop3A_698 = arith.index_cast %parallel_loop3A_696 : i32 to index
        %parallel_loop3A_699 = arith.index_cast %parallel_loop3A_695 : i32 to index
        %parallel_loop3A_700 = arith.constant 16 : index
        %parallel_loop3A_701 = tpu.vector_load %arg8[%parallel_loop3A_697, %parallel_loop3A_698, %parallel_loop3A_699, %parallel_loop3A_700] {strides = array<i32>} : memref<3x2x48x224xf32, #tpu.memory_space<vmem>>, vector<1x1x1x16xf32>,
        %parallel_loop3A_702 = vector.shape_cast %parallel_loop3A_701 : vector<1x1x1x16xf32> to vector<16xf32>
        %parallel_loop3A_703 = arith.constant 1 : i32
        %parallel_loop3A_704 = arith.addi %parallel_loop3A_255, %parallel_loop3A_703 : i32
        %parallel_loop3A_705 = arith.constant 1 : i32
        %parallel_loop3A_706 = arith.index_cast %select_n3A_187 : i32 to index
        %parallel_loop3A_707 = arith.index_cast %parallel_loop3A_705 : i32 to index
        %parallel_loop3A_708 = arith.index_cast %parallel_loop3A_704 : i32 to index
        %parallel_loop3A_709 = arith.constant 16 : index
        %parallel_loop3A_710 = tpu.vector_load %arg8[%parallel_loop3A_706, %parallel_loop3A_707, %parallel_loop3A_708, %parallel_loop3A_709] {strides = array<i32>} : memref<3x2x48x224xf32, #tpu.memory_space<vmem>>, vector<1x1x1x16xf32>,
        %parallel_loop3A_711 = vector.shape_cast %parallel_loop3A_710 : vector<1x1x1x16xf32> to vector<16xf32>
        %parallel_loop3A_712 = arith.mulf %get3A_236, %parallel_loop3A_702 : vector<16xf32>
        %parallel_loop3A_713 = arith.mulf %get3A_242, %parallel_loop3A_711 : vector<16xf32>
        %parallel_loop3A_714 = arith.addf %parallel_loop3A_712, %parallel_loop3A_713 : vector<16xf32>
        %parallel_loop3A_715 = arith.constant 1 : i32
        %parallel_loop3A_716 = arith.addi %parallel_loop3A_258, %parallel_loop3A_715 : i32
        %parallel_loop3A_717 = arith.index_cast %select_n3A_203 : i32 to index
        %parallel_loop3A_718 = arith.index_cast %parallel_loop3A_716 : i32 to index
        %parallel_loop3A_719 = arith.constant 112 : index
        %parallel_loop3A_720 = tpu.vector_load %arg9[%parallel_loop3A_717, %parallel_loop3A_718, %parallel_loop3A_719] {strides = array<i32>} : memref<2x168x128xf32, #tpu.memory_space<vmem>>, vector<1x1x16xf32>,
        %parallel_loop3A_721 = vector.shape_cast %parallel_loop3A_720 : vector<1x1x16xf32> to vector<16xf32>
        %parallel_loop3A_722 = vector.shape_cast %parallel_loop3A_714 : vector<16xf32> to vector<1x1x16xf32>
        tpu.vector_store %arg9[%parallel_loop3A_717, %parallel_loop3A_718, %parallel_loop3A_719], %parallel_loop3A_722 {strides = array<i32>} : memref<2x168x128xf32, #tpu.memory_space<vmem>>, vector<1x1x16xf32>,
        %parallel_loop3A_723 = arith.constant 1 : i32
        %parallel_loop3A_724 = arith.addi %parallel_loop3A_255, %parallel_loop3A_723 : i32
        %parallel_loop3A_725 = arith.constant 0 : i32
        %parallel_loop3A_726 = arith.index_cast %select_n3A_187 : i32 to index
        %parallel_loop3A_727 = arith.index_cast %parallel_loop3A_725 : i32 to index
        %parallel_loop3A_728 = arith.index_cast %parallel_loop3A_724 : i32 to index
        %parallel_loop3A_729 = arith.constant 32 : index
        %parallel_loop3A_730 = tpu.vector_load %arg8[%parallel_loop3A_726, %parallel_loop3A_727, %parallel_loop3A_728, %parallel_loop3A_729] {strides = array<i32>} : memref<3x2x48x224xf32, #tpu.memory_space<vmem>>, vector<1x1x1x16xf32>,
        %parallel_loop3A_731 = vector.shape_cast %parallel_loop3A_730 : vector<1x1x1x16xf32> to vector<16xf32>
        %parallel_loop3A_732 = arith.constant 1 : i32
        %parallel_loop3A_733 = arith.addi %parallel_loop3A_255, %parallel_loop3A_732 : i32
        %parallel_loop3A_734 = arith.constant 1 : i32
        %parallel_loop3A_735 = arith.index_cast %select_n3A_187 : i32 to index
        %parallel_loop3A_736 = arith.index_cast %parallel_loop3A_734 : i32 to index
        %parallel_loop3A_737 = arith.index_cast %parallel_loop3A_733 : i32 to index
        %parallel_loop3A_738 = arith.constant 32 : index
        %parallel_loop3A_739 = tpu.vector_load %arg8[%parallel_loop3A_735, %parallel_loop3A_736, %parallel_loop3A_737, %parallel_loop3A_738] {strides = array<i32>} : memref<3x2x48x224xf32, #tpu.memory_space<vmem>>, vector<1x1x1x16xf32>,
        %parallel_loop3A_740 = vector.shape_cast %parallel_loop3A_739 : vector<1x1x1x16xf32> to vector<16xf32>
        %parallel_loop3A_741 = arith.mulf %get3A_236, %parallel_loop3A_731 : vector<16xf32>
        %parallel_loop3A_742 = arith.mulf %get3A_242, %parallel_loop3A_740 : vector<16xf32>
        %parallel_loop3A_743 = arith.addf %parallel_loop3A_741, %parallel_loop3A_742 : vector<16xf32>
        %parallel_loop3A_744 = arith.constant 2 : i32
        %parallel_loop3A_745 = arith.addi %parallel_loop3A_258, %parallel_loop3A_744 : i32
        %parallel_loop3A_746 = arith.index_cast %select_n3A_203 : i32 to index
        %parallel_loop3A_747 = arith.index_cast %parallel_loop3A_745 : i32 to index
        %parallel_loop3A_748 = arith.constant 0 : index
        %parallel_loop3A_749 = tpu.vector_load %arg9[%parallel_loop3A_746, %parallel_loop3A_747, %parallel_loop3A_748] {strides = array<i32>} : memref<2x168x128xf32, #tpu.memory_space<vmem>>, vector<1x1x16xf32>,
        %parallel_loop3A_750 = vector.shape_cast %parallel_loop3A_749 : vector<1x1x16xf32> to vector<16xf32>
        %parallel_loop3A_751 = vector.shape_cast %parallel_loop3A_743 : vector<16xf32> to vector<1x1x16xf32>
        tpu.vector_store %arg9[%parallel_loop3A_746, %parallel_loop3A_747, %parallel_loop3A_748], %parallel_loop3A_751 {strides = array<i32>} : memref<2x168x128xf32, #tpu.memory_space<vmem>>, vector<1x1x16xf32>,
        %parallel_loop3A_752 = arith.constant 1 : i32
        %parallel_loop3A_753 = arith.addi %parallel_loop3A_255, %parallel_loop3A_752 : i32
        %parallel_loop3A_754 = arith.constant 0 : i32
        %parallel_loop3A_755 = arith.index_cast %select_n3A_187 : i32 to index
        %parallel_loop3A_756 = arith.index_cast %parallel_loop3A_754 : i32 to index
        %parallel_loop3A_757 = arith.index_cast %parallel_loop3A_753 : i32 to index
        %parallel_loop3A_758 = arith.constant 48 : index
        %parallel_loop3A_759 = tpu.vector_load %arg8[%parallel_loop3A_755, %parallel_loop3A_756, %parallel_loop3A_757, %parallel_loop3A_758] {strides = array<i32>} : memref<3x2x48x224xf32, #tpu.memory_space<vmem>>, vector<1x1x1x16xf32>,
        %parallel_loop3A_760 = vector.shape_cast %parallel_loop3A_759 : vector<1x1x1x16xf32> to vector<16xf32>
        %parallel_loop3A_761 = arith.constant 1 : i32
        %parallel_loop3A_762 = arith.addi %parallel_loop3A_255, %parallel_loop3A_761 : i32
        %parallel_loop3A_763 = arith.constant 1 : i32
        %parallel_loop3A_764 = arith.index_cast %select_n3A_187 : i32 to index
        %parallel_loop3A_765 = arith.index_cast %parallel_loop3A_763 : i32 to index
        %parallel_loop3A_766 = arith.index_cast %parallel_loop3A_762 : i32 to index
        %parallel_loop3A_767 = arith.constant 48 : index
        %parallel_loop3A_768 = tpu.vector_load %arg8[%parallel_loop3A_764, %parallel_loop3A_765, %parallel_loop3A_766, %parallel_loop3A_767] {strides = array<i32>} : memref<3x2x48x224xf32, #tpu.memory_space<vmem>>, vector<1x1x1x16xf32>,
        %parallel_loop3A_769 = vector.shape_cast %parallel_loop3A_768 : vector<1x1x1x16xf32> to vector<16xf32>
        %parallel_loop3A_770 = arith.mulf %get3A_236, %parallel_loop3A_760 : vector<16xf32>
        %parallel_loop3A_771 = arith.mulf %get3A_242, %parallel_loop3A_769 : vector<16xf32>
        %parallel_loop3A_772 = arith.addf %parallel_loop3A_770, %parallel_loop3A_771 : vector<16xf32>
        %parallel_loop3A_773 = arith.constant 2 : i32
        %parallel_loop3A_774 = arith.addi %parallel_loop3A_258, %parallel_loop3A_773 : i32
        %parallel_loop3A_775 = arith.index_cast %select_n3A_203 : i32 to index
        %parallel_loop3A_776 = arith.index_cast %parallel_loop3A_774 : i32 to index
        %parallel_loop3A_777 = arith.constant 16 : index
        %parallel_loop3A_778 = tpu.vector_load %arg9[%parallel_loop3A_775, %parallel_loop3A_776, %parallel_loop3A_777] {strides = array<i32>} : memref<2x168x128xf32, #tpu.memory_space<vmem>>, vector<1x1x16xf32>,
        %parallel_loop3A_779 = vector.shape_cast %parallel_loop3A_778 : vector<1x1x16xf32> to vector<16xf32>
        %parallel_loop3A_780 = vector.shape_cast %parallel_loop3A_772 : vector<16xf32> to vector<1x1x16xf32>
        tpu.vector_store %arg9[%parallel_loop3A_775, %parallel_loop3A_776, %parallel_loop3A_777], %parallel_loop3A_780 {strides = array<i32>} : memref<2x168x128xf32, #tpu.memory_space<vmem>>, vector<1x1x16xf32>,
        %parallel_loop3A_781 = arith.constant 1 : i32
        %parallel_loop3A_782 = arith.addi %parallel_loop3A_255, %parallel_loop3A_781 : i32
        %parallel_loop3A_783 = arith.constant 0 : i32
        %parallel_loop3A_784 = arith.index_cast %select_n3A_187 : i32 to index
        %parallel_loop3A_785 = arith.index_cast %parallel_loop3A_783 : i32 to index
        %parallel_loop3A_786 = arith.index_cast %parallel_loop3A_782 : i32 to index
        %parallel_loop3A_787 = arith.constant 64 : index
        %parallel_loop3A_788 = tpu.vector_load %arg8[%parallel_loop3A_784, %parallel_loop3A_785, %parallel_loop3A_786, %parallel_loop3A_787] {strides = array<i32>} : memref<3x2x48x224xf32, #tpu.memory_space<vmem>>, vector<1x1x1x16xf32>,
        %parallel_loop3A_789 = vector.shape_cast %parallel_loop3A_788 : vector<1x1x1x16xf32> to vector<16xf32>
        %parallel_loop3A_790 = arith.constant 1 : i32
        %parallel_loop3A_791 = arith.addi %parallel_loop3A_255, %parallel_loop3A_790 : i32
        %parallel_loop3A_792 = arith.constant 1 : i32
        %parallel_loop3A_793 = arith.index_cast %select_n3A_187 : i32 to index
        %parallel_loop3A_794 = arith.index_cast %parallel_loop3A_792 : i32 to index
        %parallel_loop3A_795 = arith.index_cast %parallel_loop3A_791 : i32 to index
        %parallel_loop3A_796 = arith.constant 64 : index
        %parallel_loop3A_797 = tpu.vector_load %arg8[%parallel_loop3A_793, %parallel_loop3A_794, %parallel_loop3A_795, %parallel_loop3A_796] {strides = array<i32>} : memref<3x2x48x224xf32, #tpu.memory_space<vmem>>, vector<1x1x1x16xf32>,
        %parallel_loop3A_798 = vector.shape_cast %parallel_loop3A_797 : vector<1x1x1x16xf32> to vector<16xf32>
        %parallel_loop3A_799 = arith.mulf %get3A_236, %parallel_loop3A_789 : vector<16xf32>
        %parallel_loop3A_800 = arith.mulf %get3A_242, %parallel_loop3A_798 : vector<16xf32>
        %parallel_loop3A_801 = arith.addf %parallel_loop3A_799, %parallel_loop3A_800 : vector<16xf32>
        %parallel_loop3A_802 = arith.constant 2 : i32
        %parallel_loop3A_803 = arith.addi %parallel_loop3A_258, %parallel_loop3A_802 : i32
        %parallel_loop3A_804 = arith.index_cast %select_n3A_203 : i32 to index
        %parallel_loop3A_805 = arith.index_cast %parallel_loop3A_803 : i32 to index
        %parallel_loop3A_806 = arith.constant 32 : index
        %parallel_loop3A_807 = tpu.vector_load %arg9[%parallel_loop3A_804, %parallel_loop3A_805, %parallel_loop3A_806] {strides = array<i32>} : memref<2x168x128xf32, #tpu.memory_space<vmem>>, vector<1x1x16xf32>,
        %parallel_loop3A_808 = vector.shape_cast %parallel_loop3A_807 : vector<1x1x16xf32> to vector<16xf32>
        %parallel_loop3A_809 = vector.shape_cast %parallel_loop3A_801 : vector<16xf32> to vector<1x1x16xf32>
        tpu.vector_store %arg9[%parallel_loop3A_804, %parallel_loop3A_805, %parallel_loop3A_806], %parallel_loop3A_809 {strides = array<i32>} : memref<2x168x128xf32, #tpu.memory_space<vmem>>, vector<1x1x16xf32>,
        %parallel_loop3A_810 = arith.constant 1 : i32
        %parallel_loop3A_811 = arith.addi %parallel_loop3A_255, %parallel_loop3A_810 : i32
        %parallel_loop3A_812 = arith.constant 0 : i32
        %parallel_loop3A_813 = arith.index_cast %select_n3A_187 : i32 to index
        %parallel_loop3A_814 = arith.index_cast %parallel_loop3A_812 : i32 to index
        %parallel_loop3A_815 = arith.index_cast %parallel_loop3A_811 : i32 to index
        %parallel_loop3A_816 = arith.constant 80 : index
        %parallel_loop3A_817 = tpu.vector_load %arg8[%parallel_loop3A_813, %parallel_loop3A_814, %parallel_loop3A_815, %parallel_loop3A_816] {strides = array<i32>} : memref<3x2x48x224xf32, #tpu.memory_space<vmem>>, vector<1x1x1x16xf32>,
        %parallel_loop3A_818 = vector.shape_cast %parallel_loop3A_817 : vector<1x1x1x16xf32> to vector<16xf32>
        %parallel_loop3A_819 = arith.constant 1 : i32
        %parallel_loop3A_820 = arith.addi %parallel_loop3A_255, %parallel_loop3A_819 : i32
        %parallel_loop3A_821 = arith.constant 1 : i32
        %parallel_loop3A_822 = arith.index_cast %select_n3A_187 : i32 to index
        %parallel_loop3A_823 = arith.index_cast %parallel_loop3A_821 : i32 to index
        %parallel_loop3A_824 = arith.index_cast %parallel_loop3A_820 : i32 to index
        %parallel_loop3A_825 = arith.constant 80 : index
        %parallel_loop3A_826 = tpu.vector_load %arg8[%parallel_loop3A_822, %parallel_loop3A_823, %parallel_loop3A_824, %parallel_loop3A_825] {strides = array<i32>} : memref<3x2x48x224xf32, #tpu.memory_space<vmem>>, vector<1x1x1x16xf32>,
        %parallel_loop3A_827 = vector.shape_cast %parallel_loop3A_826 : vector<1x1x1x16xf32> to vector<16xf32>
        %parallel_loop3A_828 = arith.mulf %get3A_236, %parallel_loop3A_818 : vector<16xf32>
        %parallel_loop3A_829 = arith.mulf %get3A_242, %parallel_loop3A_827 : vector<16xf32>
        %parallel_loop3A_830 = arith.addf %parallel_loop3A_828, %parallel_loop3A_829 : vector<16xf32>
        %parallel_loop3A_831 = arith.constant 2 : i32
        %parallel_loop3A_832 = arith.addi %parallel_loop3A_258, %parallel_loop3A_831 : i32
        %parallel_loop3A_833 = arith.index_cast %select_n3A_203 : i32 to index
        %parallel_loop3A_834 = arith.index_cast %parallel_loop3A_832 : i32 to index
        %parallel_loop3A_835 = arith.constant 48 : index
        %parallel_loop3A_836 = tpu.vector_load %arg9[%parallel_loop3A_833, %parallel_loop3A_834, %parallel_loop3A_835] {strides = array<i32>} : memref<2x168x128xf32, #tpu.memory_space<vmem>>, vector<1x1x16xf32>,
        %parallel_loop3A_837 = vector.shape_cast %parallel_loop3A_836 : vector<1x1x16xf32> to vector<16xf32>
        %parallel_loop3A_838 = vector.shape_cast %parallel_loop3A_830 : vector<16xf32> to vector<1x1x16xf32>
        tpu.vector_store %arg9[%parallel_loop3A_833, %parallel_loop3A_834, %parallel_loop3A_835], %parallel_loop3A_838 {strides = array<i32>} : memref<2x168x128xf32, #tpu.memory_space<vmem>>, vector<1x1x16xf32>,
        %parallel_loop3A_839 = arith.constant 1 : i32
        %parallel_loop3A_840 = arith.addi %parallel_loop3A_255, %parallel_loop3A_839 : i32
        %parallel_loop3A_841 = arith.constant 0 : i32
        %parallel_loop3A_842 = arith.index_cast %select_n3A_187 : i32 to index
        %parallel_loop3A_843 = arith.index_cast %parallel_loop3A_841 : i32 to index
        %parallel_loop3A_844 = arith.index_cast %parallel_loop3A_840 : i32 to index
        %parallel_loop3A_845 = arith.constant 96 : index
        %parallel_loop3A_846 = tpu.vector_load %arg8[%parallel_loop3A_842, %parallel_loop3A_843, %parallel_loop3A_844, %parallel_loop3A_845] {strides = array<i32>} : memref<3x2x48x224xf32, #tpu.memory_space<vmem>>, vector<1x1x1x16xf32>,
        %parallel_loop3A_847 = vector.shape_cast %parallel_loop3A_846 : vector<1x1x1x16xf32> to vector<16xf32>
        %parallel_loop3A_848 = arith.constant 1 : i32
        %parallel_loop3A_849 = arith.addi %parallel_loop3A_255, %parallel_loop3A_848 : i32
        %parallel_loop3A_850 = arith.constant 1 : i32
        %parallel_loop3A_851 = arith.index_cast %select_n3A_187 : i32 to index
        %parallel_loop3A_852 = arith.index_cast %parallel_loop3A_850 : i32 to index
        %parallel_loop3A_853 = arith.index_cast %parallel_loop3A_849 : i32 to index
        %parallel_loop3A_854 = arith.constant 96 : index
        %parallel_loop3A_855 = tpu.vector_load %arg8[%parallel_loop3A_851, %parallel_loop3A_852, %parallel_loop3A_853, %parallel_loop3A_854] {strides = array<i32>} : memref<3x2x48x224xf32, #tpu.memory_space<vmem>>, vector<1x1x1x16xf32>,
        %parallel_loop3A_856 = vector.shape_cast %parallel_loop3A_855 : vector<1x1x1x16xf32> to vector<16xf32>
        %parallel_loop3A_857 = arith.mulf %get3A_236, %parallel_loop3A_847 : vector<16xf32>
        %parallel_loop3A_858 = arith.mulf %get3A_242, %parallel_loop3A_856 : vector<16xf32>
        %parallel_loop3A_859 = arith.addf %parallel_loop3A_857, %parallel_loop3A_858 : vector<16xf32>
        %parallel_loop3A_860 = arith.constant 2 : i32
        %parallel_loop3A_861 = arith.addi %parallel_loop3A_258, %parallel_loop3A_860 : i32
        %parallel_loop3A_862 = arith.index_cast %select_n3A_203 : i32 to index
        %parallel_loop3A_863 = arith.index_cast %parallel_loop3A_861 : i32 to index
        %parallel_loop3A_864 = arith.constant 64 : index
        %parallel_loop3A_865 = tpu.vector_load %arg9[%parallel_loop3A_862, %parallel_loop3A_863, %parallel_loop3A_864] {strides = array<i32>} : memref<2x168x128xf32, #tpu.memory_space<vmem>>, vector<1x1x16xf32>,
        %parallel_loop3A_866 = vector.shape_cast %parallel_loop3A_865 : vector<1x1x16xf32> to vector<16xf32>
        %parallel_loop3A_867 = vector.shape_cast %parallel_loop3A_859 : vector<16xf32> to vector<1x1x16xf32>
        tpu.vector_store %arg9[%parallel_loop3A_862, %parallel_loop3A_863, %parallel_loop3A_864], %parallel_loop3A_867 {strides = array<i32>} : memref<2x168x128xf32, #tpu.memory_space<vmem>>, vector<1x1x16xf32>,
        %parallel_loop3A_868 = arith.constant 1 : i32
        %parallel_loop3A_869 = arith.addi %parallel_loop3A_255, %parallel_loop3A_868 : i32
        %parallel_loop3A_870 = arith.constant 0 : i32
        %parallel_loop3A_871 = arith.index_cast %select_n3A_187 : i32 to index
        %parallel_loop3A_872 = arith.index_cast %parallel_loop3A_870 : i32 to index
        %parallel_loop3A_873 = arith.index_cast %parallel_loop3A_869 : i32 to index
        %parallel_loop3A_874 = arith.constant 112 : index
        %parallel_loop3A_875 = tpu.vector_load %arg8[%parallel_loop3A_871, %parallel_loop3A_872, %parallel_loop3A_873, %parallel_loop3A_874] {strides = array<i32>} : memref<3x2x48x224xf32, #tpu.memory_space<vmem>>, vector<1x1x1x16xf32>,
        %parallel_loop3A_876 = vector.shape_cast %parallel_loop3A_875 : vector<1x1x1x16xf32> to vector<16xf32>
        %parallel_loop3A_877 = arith.constant 1 : i32
        %parallel_loop3A_878 = arith.addi %parallel_loop3A_255, %parallel_loop3A_877 : i32
        %parallel_loop3A_879 = arith.constant 1 : i32
        %parallel_loop3A_880 = arith.index_cast %select_n3A_187 : i32 to index
        %parallel_loop3A_881 = arith.index_cast %parallel_loop3A_879 : i32 to index
        %parallel_loop3A_882 = arith.index_cast %parallel_loop3A_878 : i32 to index
        %parallel_loop3A_883 = arith.constant 112 : index
        %parallel_loop3A_884 = tpu.vector_load %arg8[%parallel_loop3A_880, %parallel_loop3A_881, %parallel_loop3A_882, %parallel_loop3A_883] {strides = array<i32>} : memref<3x2x48x224xf32, #tpu.memory_space<vmem>>, vector<1x1x1x16xf32>,
        %parallel_loop3A_885 = vector.shape_cast %parallel_loop3A_884 : vector<1x1x1x16xf32> to vector<16xf32>
        %parallel_loop3A_886 = arith.mulf %get3A_236, %parallel_loop3A_876 : vector<16xf32>
        %parallel_loop3A_887 = arith.mulf %get3A_242, %parallel_loop3A_885 : vector<16xf32>
        %parallel_loop3A_888 = arith.addf %parallel_loop3A_886, %parallel_loop3A_887 : vector<16xf32>
        %parallel_loop3A_889 = arith.constant 2 : i32
        %parallel_loop3A_890 = arith.addi %parallel_loop3A_258, %parallel_loop3A_889 : i32
        %parallel_loop3A_891 = arith.index_cast %select_n3A_203 : i32 to index
        %parallel_loop3A_892 = arith.index_cast %parallel_loop3A_890 : i32 to index
        %parallel_loop3A_893 = arith.constant 80 : index
        %parallel_loop3A_894 = tpu.vector_load %arg9[%parallel_loop3A_891, %parallel_loop3A_892, %parallel_loop3A_893] {strides = array<i32>} : memref<2x168x128xf32, #tpu.memory_space<vmem>>, vector<1x1x16xf32>,
        %parallel_loop3A_895 = vector.shape_cast %parallel_loop3A_894 : vector<1x1x16xf32> to vector<16xf32>
        %parallel_loop3A_896 = vector.shape_cast %parallel_loop3A_888 : vector<16xf32> to vector<1x1x16xf32>
        tpu.vector_store %arg9[%parallel_loop3A_891, %parallel_loop3A_892, %parallel_loop3A_893], %parallel_loop3A_896 {strides = array<i32>} : memref<2x168x128xf32, #tpu.memory_space<vmem>>, vector<1x1x16xf32>,
        %parallel_loop3A_897 = arith.constant 1 : i32
        %parallel_loop3A_898 = arith.addi %parallel_loop3A_255, %parallel_loop3A_897 : i32
        %parallel_loop3A_899 = arith.constant 0 : i32
        %parallel_loop3A_900 = arith.index_cast %select_n3A_187 : i32 to index
        %parallel_loop3A_901 = arith.index_cast %parallel_loop3A_899 : i32 to index
        %parallel_loop3A_902 = arith.index_cast %parallel_loop3A_898 : i32 to index
        %parallel_loop3A_903 = arith.constant 128 : index
        %parallel_loop3A_904 = tpu.vector_load %arg8[%parallel_loop3A_900, %parallel_loop3A_901, %parallel_loop3A_902, %parallel_loop3A_903] {strides = array<i32>} : memref<3x2x48x224xf32, #tpu.memory_space<vmem>>, vector<1x1x1x16xf32>,
        %parallel_loop3A_905 = vector.shape_cast %parallel_loop3A_904 : vector<1x1x1x16xf32> to vector<16xf32>
        %parallel_loop3A_906 = arith.constant 1 : i32
        %parallel_loop3A_907 = arith.addi %parallel_loop3A_255, %parallel_loop3A_906 : i32
        %parallel_loop3A_908 = arith.constant 1 : i32
        %parallel_loop3A_909 = arith.index_cast %select_n3A_187 : i32 to index
        %parallel_loop3A_910 = arith.index_cast %parallel_loop3A_908 : i32 to index
        %parallel_loop3A_911 = arith.index_cast %parallel_loop3A_907 : i32 to index
        %parallel_loop3A_912 = arith.constant 128 : index
        %parallel_loop3A_913 = tpu.vector_load %arg8[%parallel_loop3A_909, %parallel_loop3A_910, %parallel_loop3A_911, %parallel_loop3A_912] {strides = array<i32>} : memref<3x2x48x224xf32, #tpu.memory_space<vmem>>, vector<1x1x1x16xf32>,
        %parallel_loop3A_914 = vector.shape_cast %parallel_loop3A_913 : vector<1x1x1x16xf32> to vector<16xf32>
        %parallel_loop3A_915 = arith.mulf %get3A_236, %parallel_loop3A_905 : vector<16xf32>
        %parallel_loop3A_916 = arith.mulf %get3A_242, %parallel_loop3A_914 : vector<16xf32>
        %parallel_loop3A_917 = arith.addf %parallel_loop3A_915, %parallel_loop3A_916 : vector<16xf32>
        %parallel_loop3A_918 = arith.constant 2 : i32
        %parallel_loop3A_919 = arith.addi %parallel_loop3A_258, %parallel_loop3A_918 : i32
        %parallel_loop3A_920 = arith.index_cast %select_n3A_203 : i32 to index
        %parallel_loop3A_921 = arith.index_cast %parallel_loop3A_919 : i32 to index
        %parallel_loop3A_922 = arith.constant 96 : index
        %parallel_loop3A_923 = tpu.vector_load %arg9[%parallel_loop3A_920, %parallel_loop3A_921, %parallel_loop3A_922] {strides = array<i32>} : memref<2x168x128xf32, #tpu.memory_space<vmem>>, vector<1x1x16xf32>,
        %parallel_loop3A_924 = vector.shape_cast %parallel_loop3A_923 : vector<1x1x16xf32> to vector<16xf32>
        %parallel_loop3A_925 = vector.shape_cast %parallel_loop3A_917 : vector<16xf32> to vector<1x1x16xf32>
        tpu.vector_store %arg9[%parallel_loop3A_920, %parallel_loop3A_921, %parallel_loop3A_922], %parallel_loop3A_925 {strides = array<i32>} : memref<2x168x128xf32, #tpu.memory_space<vmem>>, vector<1x1x16xf32>,
        %parallel_loop3A_926 = arith.constant 1 : i32
        %parallel_loop3A_927 = arith.addi %parallel_loop3A_255, %parallel_loop3A_926 : i32
        %parallel_loop3A_928 = arith.constant 0 : i32
        %parallel_loop3A_929 = arith.index_cast %select_n3A_187 : i32 to index
        %parallel_loop3A_930 = arith.index_cast %parallel_loop3A_928 : i32 to index
        %parallel_loop3A_931 = arith.index_cast %parallel_loop3A_927 : i32 to index
        %parallel_loop3A_932 = arith.constant 144 : index
        %parallel_loop3A_933 = tpu.vector_load %arg8[%parallel_loop3A_929, %parallel_loop3A_930, %parallel_loop3A_931, %parallel_loop3A_932] {strides = array<i32>} : memref<3x2x48x224xf32, #tpu.memory_space<vmem>>, vector<1x1x1x16xf32>,
        %parallel_loop3A_934 = vector.shape_cast %parallel_loop3A_933 : vector<1x1x1x16xf32> to vector<16xf32>
        %parallel_loop3A_935 = arith.constant 1 : i32
        %parallel_loop3A_936 = arith.addi %parallel_loop3A_255, %parallel_loop3A_935 : i32
        %parallel_loop3A_937 = arith.constant 1 : i32
        %parallel_loop3A_938 = arith.index_cast %select_n3A_187 : i32 to index
        %parallel_loop3A_939 = arith.index_cast %parallel_loop3A_937 : i32 to index
        %parallel_loop3A_940 = arith.index_cast %parallel_loop3A_936 : i32 to index
        %parallel_loop3A_941 = arith.constant 144 : index
        %parallel_loop3A_942 = tpu.vector_load %arg8[%parallel_loop3A_938, %parallel_loop3A_939, %parallel_loop3A_940, %parallel_loop3A_941] {strides = array<i32>} : memref<3x2x48x224xf32, #tpu.memory_space<vmem>>, vector<1x1x1x16xf32>,
        %parallel_loop3A_943 = vector.shape_cast %parallel_loop3A_942 : vector<1x1x1x16xf32> to vector<16xf32>
        %parallel_loop3A_944 = arith.mulf %get3A_236, %parallel_loop3A_934 : vector<16xf32>
        %parallel_loop3A_945 = arith.mulf %get3A_242, %parallel_loop3A_943 : vector<16xf32>
        %parallel_loop3A_946 = arith.addf %parallel_loop3A_944, %parallel_loop3A_945 : vector<16xf32>
        %parallel_loop3A_947 = arith.constant 2 : i32
        %parallel_loop3A_948 = arith.addi %parallel_loop3A_258, %parallel_loop3A_947 : i32
        %parallel_loop3A_949 = arith.index_cast %select_n3A_203 : i32 to index
        %parallel_loop3A_950 = arith.index_cast %parallel_loop3A_948 : i32 to index
        %parallel_loop3A_951 = arith.constant 112 : index
        %parallel_loop3A_952 = tpu.vector_load %arg9[%parallel_loop3A_949, %parallel_loop3A_950, %parallel_loop3A_951] {strides = array<i32>} : memref<2x168x128xf32, #tpu.memory_space<vmem>>, vector<1x1x16xf32>,
        %parallel_loop3A_953 = vector.shape_cast %parallel_loop3A_952 : vector<1x1x16xf32> to vector<16xf32>
        %parallel_loop3A_954 = vector.shape_cast %parallel_loop3A_946 : vector<16xf32> to vector<1x1x16xf32>
        tpu.vector_store %arg9[%parallel_loop3A_949, %parallel_loop3A_950, %parallel_loop3A_951], %parallel_loop3A_954 {strides = array<i32>} : memref<2x168x128xf32, #tpu.memory_space<vmem>>, vector<1x1x16xf32>,
        %parallel_loop3A_955 = arith.constant 1 : i32
        %parallel_loop3A_956 = arith.addi %parallel_loop3A_255, %parallel_loop3A_955 : i32
        %parallel_loop3A_957 = arith.constant 0 : i32
        %parallel_loop3A_958 = arith.index_cast %select_n3A_187 : i32 to index
        %parallel_loop3A_959 = arith.index_cast %parallel_loop3A_957 : i32 to index
        %parallel_loop3A_960 = arith.index_cast %parallel_loop3A_956 : i32 to index
        %parallel_loop3A_961 = arith.constant 160 : index
        %parallel_loop3A_962 = tpu.vector_load %arg8[%parallel_loop3A_958, %parallel_loop3A_959, %parallel_loop3A_960, %parallel_loop3A_961] {strides = array<i32>} : memref<3x2x48x224xf32, #tpu.memory_space<vmem>>, vector<1x1x1x16xf32>,
        %parallel_loop3A_963 = vector.shape_cast %parallel_loop3A_962 : vector<1x1x1x16xf32> to vector<16xf32>
        %parallel_loop3A_964 = arith.constant 1 : i32
        %parallel_loop3A_965 = arith.addi %parallel_loop3A_255, %parallel_loop3A_964 : i32
        %parallel_loop3A_966 = arith.constant 1 : i32
        %parallel_loop3A_967 = arith.index_cast %select_n3A_187 : i32 to index
        %parallel_loop3A_968 = arith.index_cast %parallel_loop3A_966 : i32 to index
        %parallel_loop3A_969 = arith.index_cast %parallel_loop3A_965 : i32 to index
        %parallel_loop3A_970 = arith.constant 160 : index
        %parallel_loop3A_971 = tpu.vector_load %arg8[%parallel_loop3A_967, %parallel_loop3A_968, %parallel_loop3A_969, %parallel_loop3A_970] {strides = array<i32>} : memref<3x2x48x224xf32, #tpu.memory_space<vmem>>, vector<1x1x1x16xf32>,
        %parallel_loop3A_972 = vector.shape_cast %parallel_loop3A_971 : vector<1x1x1x16xf32> to vector<16xf32>
        %parallel_loop3A_973 = arith.mulf %get3A_236, %parallel_loop3A_963 : vector<16xf32>
        %parallel_loop3A_974 = arith.mulf %get3A_242, %parallel_loop3A_972 : vector<16xf32>
        %parallel_loop3A_975 = arith.addf %parallel_loop3A_973, %parallel_loop3A_974 : vector<16xf32>
        %parallel_loop3A_976 = arith.constant 3 : i32
        %parallel_loop3A_977 = arith.addi %parallel_loop3A_258, %parallel_loop3A_976 : i32
        %parallel_loop3A_978 = arith.index_cast %select_n3A_203 : i32 to index
        %parallel_loop3A_979 = arith.index_cast %parallel_loop3A_977 : i32 to index
        %parallel_loop3A_980 = arith.constant 0 : index
        %parallel_loop3A_981 = tpu.vector_load %arg9[%parallel_loop3A_978, %parallel_loop3A_979, %parallel_loop3A_980] {strides = array<i32>} : memref<2x168x128xf32, #tpu.memory_space<vmem>>, vector<1x1x16xf32>,
        %parallel_loop3A_982 = vector.shape_cast %parallel_loop3A_981 : vector<1x1x16xf32> to vector<16xf32>
        %parallel_loop3A_983 = vector.shape_cast %parallel_loop3A_975 : vector<16xf32> to vector<1x1x16xf32>
        tpu.vector_store %arg9[%parallel_loop3A_978, %parallel_loop3A_979, %parallel_loop3A_980], %parallel_loop3A_983 {strides = array<i32>} : memref<2x168x128xf32, #tpu.memory_space<vmem>>, vector<1x1x16xf32>,
        %parallel_loop3A_984 = arith.constant 1 : i32
        %parallel_loop3A_985 = arith.addi %parallel_loop3A_255, %parallel_loop3A_984 : i32
        %parallel_loop3A_986 = arith.constant 0 : i32
        %parallel_loop3A_987 = arith.index_cast %select_n3A_187 : i32 to index
        %parallel_loop3A_988 = arith.index_cast %parallel_loop3A_986 : i32 to index
        %parallel_loop3A_989 = arith.index_cast %parallel_loop3A_985 : i32 to index
        %parallel_loop3A_990 = arith.constant 176 : index
        %parallel_loop3A_991 = tpu.vector_load %arg8[%parallel_loop3A_987, %parallel_loop3A_988, %parallel_loop3A_989, %parallel_loop3A_990] {strides = array<i32>} : memref<3x2x48x224xf32, #tpu.memory_space<vmem>>, vector<1x1x1x16xf32>,
        %parallel_loop3A_992 = vector.shape_cast %parallel_loop3A_991 : vector<1x1x1x16xf32> to vector<16xf32>
        %parallel_loop3A_993 = arith.constant 1 : i32
        %parallel_loop3A_994 = arith.addi %parallel_loop3A_255, %parallel_loop3A_993 : i32
        %parallel_loop3A_995 = arith.constant 1 : i32
        %parallel_loop3A_996 = arith.index_cast %select_n3A_187 : i32 to index
        %parallel_loop3A_997 = arith.index_cast %parallel_loop3A_995 : i32 to index
        %parallel_loop3A_998 = arith.index_cast %parallel_loop3A_994 : i32 to index
        %parallel_loop3A_999 = arith.constant 176 : index
        %parallel_loop3A_1000 = tpu.vector_load %arg8[%parallel_loop3A_996, %parallel_loop3A_997, %parallel_loop3A_998, %parallel_loop3A_999] {strides = array<i32>} : memref<3x2x48x224xf32, #tpu.memory_space<vmem>>, vector<1x1x1x16xf32>,
        %parallel_loop3A_1001 = vector.shape_cast %parallel_loop3A_1000 : vector<1x1x1x16xf32> to vector<16xf32>
        %parallel_loop3A_1002 = arith.mulf %get3A_236, %parallel_loop3A_992 : vector<16xf32>
        %parallel_loop3A_1003 = arith.mulf %get3A_242, %parallel_loop3A_1001 : vector<16xf32>
        %parallel_loop3A_1004 = arith.addf %parallel_loop3A_1002, %parallel_loop3A_1003 : vector<16xf32>
        %parallel_loop3A_1005 = arith.constant 3 : i32
        %parallel_loop3A_1006 = arith.addi %parallel_loop3A_258, %parallel_loop3A_1005 : i32
        %parallel_loop3A_1007 = arith.index_cast %select_n3A_203 : i32 to index
        %parallel_loop3A_1008 = arith.index_cast %parallel_loop3A_1006 : i32 to index
        %parallel_loop3A_1009 = arith.constant 16 : index
        %parallel_loop3A_1010 = tpu.vector_load %arg9[%parallel_loop3A_1007, %parallel_loop3A_1008, %parallel_loop3A_1009] {strides = array<i32>} : memref<2x168x128xf32, #tpu.memory_space<vmem>>, vector<1x1x16xf32>,
        %parallel_loop3A_1011 = vector.shape_cast %parallel_loop3A_1010 : vector<1x1x16xf32> to vector<16xf32>
        %parallel_loop3A_1012 = vector.shape_cast %parallel_loop3A_1004 : vector<16xf32> to vector<1x1x16xf32>
        tpu.vector_store %arg9[%parallel_loop3A_1007, %parallel_loop3A_1008, %parallel_loop3A_1009], %parallel_loop3A_1012 {strides = array<i32>} : memref<2x168x128xf32, #tpu.memory_space<vmem>>, vector<1x1x16xf32>,
        %parallel_loop3A_1013 = arith.constant 1 : i32
        %parallel_loop3A_1014 = arith.addi %parallel_loop3A_255, %parallel_loop3A_1013 : i32
        %parallel_loop3A_1015 = arith.constant 0 : i32
        %parallel_loop3A_1016 = arith.index_cast %select_n3A_187 : i32 to index
        %parallel_loop3A_1017 = arith.index_cast %parallel_loop3A_1015 : i32 to index
        %parallel_loop3A_1018 = arith.index_cast %parallel_loop3A_1014 : i32 to index
        %parallel_loop3A_1019 = arith.constant 192 : index
        %parallel_loop3A_1020 = tpu.vector_load %arg8[%parallel_loop3A_1016, %parallel_loop3A_1017, %parallel_loop3A_1018, %parallel_loop3A_1019] {strides = array<i32>} : memref<3x2x48x224xf32, #tpu.memory_space<vmem>>, vector<1x1x1x16xf32>,
        %parallel_loop3A_1021 = vector.shape_cast %parallel_loop3A_1020 : vector<1x1x1x16xf32> to vector<16xf32>
        %parallel_loop3A_1022 = arith.constant 1 : i32
        %parallel_loop3A_1023 = arith.addi %parallel_loop3A_255, %parallel_loop3A_1022 : i32
        %parallel_loop3A_1024 = arith.constant 1 : i32
        %parallel_loop3A_1025 = arith.index_cast %select_n3A_187 : i32 to index
        %parallel_loop3A_1026 = arith.index_cast %parallel_loop3A_1024 : i32 to index
        %parallel_loop3A_1027 = arith.index_cast %parallel_loop3A_1023 : i32 to index
        %parallel_loop3A_1028 = arith.constant 192 : index
        %parallel_loop3A_1029 = tpu.vector_load %arg8[%parallel_loop3A_1025, %parallel_loop3A_1026, %parallel_loop3A_1027, %parallel_loop3A_1028] {strides = array<i32>} : memref<3x2x48x224xf32, #tpu.memory_space<vmem>>, vector<1x1x1x16xf32>,
        %parallel_loop3A_1030 = vector.shape_cast %parallel_loop3A_1029 : vector<1x1x1x16xf32> to vector<16xf32>
        %parallel_loop3A_1031 = arith.mulf %get3A_236, %parallel_loop3A_1021 : vector<16xf32>
        %parallel_loop3A_1032 = arith.mulf %get3A_242, %parallel_loop3A_1030 : vector<16xf32>
        %parallel_loop3A_1033 = arith.addf %parallel_loop3A_1031, %parallel_loop3A_1032 : vector<16xf32>
        %parallel_loop3A_1034 = arith.constant 3 : i32
        %parallel_loop3A_1035 = arith.addi %parallel_loop3A_258, %parallel_loop3A_1034 : i32
        %parallel_loop3A_1036 = arith.index_cast %select_n3A_203 : i32 to index
        %parallel_loop3A_1037 = arith.index_cast %parallel_loop3A_1035 : i32 to index
        %parallel_loop3A_1038 = arith.constant 32 : index
        %parallel_loop3A_1039 = tpu.vector_load %arg9[%parallel_loop3A_1036, %parallel_loop3A_1037, %parallel_loop3A_1038] {strides = array<i32>} : memref<2x168x128xf32, #tpu.memory_space<vmem>>, vector<1x1x16xf32>,
        %parallel_loop3A_1040 = vector.shape_cast %parallel_loop3A_1039 : vector<1x1x16xf32> to vector<16xf32>
        %parallel_loop3A_1041 = vector.shape_cast %parallel_loop3A_1033 : vector<16xf32> to vector<1x1x16xf32>
        tpu.vector_store %arg9[%parallel_loop3A_1036, %parallel_loop3A_1037, %parallel_loop3A_1038], %parallel_loop3A_1041 {strides = array<i32>} : memref<2x168x128xf32, #tpu.memory_space<vmem>>, vector<1x1x16xf32>,
        %parallel_loop3A_1042 = arith.constant 1 : i32
        %parallel_loop3A_1043 = arith.addi %parallel_loop3A_255, %parallel_loop3A_1042 : i32
        %parallel_loop3A_1044 = arith.constant 0 : i32
        %parallel_loop3A_1045 = arith.index_cast %select_n3A_187 : i32 to index
        %parallel_loop3A_1046 = arith.index_cast %parallel_loop3A_1044 : i32 to index
        %parallel_loop3A_1047 = arith.index_cast %parallel_loop3A_1043 : i32 to index
        %parallel_loop3A_1048 = arith.constant 208 : index
        %parallel_loop3A_1049 = tpu.vector_load %arg8[%parallel_loop3A_1045, %parallel_loop3A_1046, %parallel_loop3A_1047, %parallel_loop3A_1048] {strides = array<i32>} : memref<3x2x48x224xf32, #tpu.memory_space<vmem>>, vector<1x1x1x16xf32>,
        %parallel_loop3A_1050 = vector.shape_cast %parallel_loop3A_1049 : vector<1x1x1x16xf32> to vector<16xf32>
        %parallel_loop3A_1051 = arith.constant 1 : i32
        %parallel_loop3A_1052 = arith.addi %parallel_loop3A_255, %parallel_loop3A_1051 : i32
        %parallel_loop3A_1053 = arith.constant 1 : i32
        %parallel_loop3A_1054 = arith.index_cast %select_n3A_187 : i32 to index
        %parallel_loop3A_1055 = arith.index_cast %parallel_loop3A_1053 : i32 to index
        %parallel_loop3A_1056 = arith.index_cast %parallel_loop3A_1052 : i32 to index
        %parallel_loop3A_1057 = arith.constant 208 : index
        %parallel_loop3A_1058 = tpu.vector_load %arg8[%parallel_loop3A_1054, %parallel_loop3A_1055, %parallel_loop3A_1056, %parallel_loop3A_1057] {strides = array<i32>} : memref<3x2x48x224xf32, #tpu.memory_space<vmem>>, vector<1x1x1x16xf32>,
        %parallel_loop3A_1059 = vector.shape_cast %parallel_loop3A_1058 : vector<1x1x1x16xf32> to vector<16xf32>
        %parallel_loop3A_1060 = arith.mulf %get3A_236, %parallel_loop3A_1050 : vector<16xf32>
        %parallel_loop3A_1061 = arith.mulf %get3A_242, %parallel_loop3A_1059 : vector<16xf32>
        %parallel_loop3A_1062 = arith.addf %parallel_loop3A_1060, %parallel_loop3A_1061 : vector<16xf32>
        %parallel_loop3A_1063 = arith.constant 3 : i32
        %parallel_loop3A_1064 = arith.addi %parallel_loop3A_258, %parallel_loop3A_1063 : i32
        %parallel_loop3A_1065 = arith.index_cast %select_n3A_203 : i32 to index
        %parallel_loop3A_1066 = arith.index_cast %parallel_loop3A_1064 : i32 to index
        %parallel_loop3A_1067 = arith.constant 48 : index
        %parallel_loop3A_1068 = tpu.vector_load %arg9[%parallel_loop3A_1065, %parallel_loop3A_1066, %parallel_loop3A_1067] {strides = array<i32>} : memref<2x168x128xf32, #tpu.memory_space<vmem>>, vector<1x1x16xf32>,
        %parallel_loop3A_1069 = vector.shape_cast %parallel_loop3A_1068 : vector<1x1x16xf32> to vector<16xf32>
        %parallel_loop3A_1070 = vector.shape_cast %parallel_loop3A_1062 : vector<16xf32> to vector<1x1x16xf32>
        tpu.vector_store %arg9[%parallel_loop3A_1065, %parallel_loop3A_1066, %parallel_loop3A_1067], %parallel_loop3A_1070 {strides = array<i32>} : memref<2x168x128xf32, #tpu.memory_space<vmem>>, vector<1x1x16xf32>,
        %parallel_loop3A_1071 = arith.constant 2 : i32
        %parallel_loop3A_1072 = arith.addi %parallel_loop3A_255, %parallel_loop3A_1071 : i32
        %parallel_loop3A_1073 = arith.constant 0 : i32
        %parallel_loop3A_1074 = arith.index_cast %select_n3A_187 : i32 to index
        %parallel_loop3A_1075 = arith.index_cast %parallel_loop3A_1073 : i32 to index
        %parallel_loop3A_1076 = arith.index_cast %parallel_loop3A_1072 : i32 to index
        %parallel_loop3A_1077 = arith.constant 0 : index
        %parallel_loop3A_1078 = tpu.vector_load %arg8[%parallel_loop3A_1074, %parallel_loop3A_1075, %parallel_loop3A_1076, %parallel_loop3A_1077] {strides = array<i32>} : memref<3x2x48x224xf32, #tpu.memory_space<vmem>>, vector<1x1x1x16xf32>,
        %parallel_loop3A_1079 = vector.shape_cast %parallel_loop3A_1078 : vector<1x1x1x16xf32> to vector<16xf32>
        %parallel_loop3A_1080 = arith.constant 2 : i32
        %parallel_loop3A_1081 = arith.addi %parallel_loop3A_255, %parallel_loop3A_1080 : i32
        %parallel_loop3A_1082 = arith.constant 1 : i32
        %parallel_loop3A_1083 = arith.index_cast %select_n3A_187 : i32 to index
        %parallel_loop3A_1084 = arith.index_cast %parallel_loop3A_1082 : i32 to index
        %parallel_loop3A_1085 = arith.index_cast %parallel_loop3A_1081 : i32 to index
        %parallel_loop3A_1086 = arith.constant 0 : index
        %parallel_loop3A_1087 = tpu.vector_load %arg8[%parallel_loop3A_1083, %parallel_loop3A_1084, %parallel_loop3A_1085, %parallel_loop3A_1086] {strides = array<i32>} : memref<3x2x48x224xf32, #tpu.memory_space<vmem>>, vector<1x1x1x16xf32>,
        %parallel_loop3A_1088 = vector.shape_cast %parallel_loop3A_1087 : vector<1x1x1x16xf32> to vector<16xf32>
        %parallel_loop3A_1089 = arith.mulf %get3A_236, %parallel_loop3A_1079 : vector<16xf32>
        %parallel_loop3A_1090 = arith.mulf %get3A_242, %parallel_loop3A_1088 : vector<16xf32>
        %parallel_loop3A_1091 = arith.addf %parallel_loop3A_1089, %parallel_loop3A_1090 : vector<16xf32>
        %parallel_loop3A_1092 = arith.constant 3 : i32
        %parallel_loop3A_1093 = arith.addi %parallel_loop3A_258, %parallel_loop3A_1092 : i32
        %parallel_loop3A_1094 = arith.index_cast %select_n3A_203 : i32 to index
        %parallel_loop3A_1095 = arith.index_cast %parallel_loop3A_1093 : i32 to index
        %parallel_loop3A_1096 = arith.constant 64 : index
        %parallel_loop3A_1097 = tpu.vector_load %arg9[%parallel_loop3A_1094, %parallel_loop3A_1095, %parallel_loop3A_1096] {strides = array<i32>} : memref<2x168x128xf32, #tpu.memory_space<vmem>>, vector<1x1x16xf32>,
        %parallel_loop3A_1098 = vector.shape_cast %parallel_loop3A_1097 : vector<1x1x16xf32> to vector<16xf32>
        %parallel_loop3A_1099 = vector.shape_cast %parallel_loop3A_1091 : vector<16xf32> to vector<1x1x16xf32>
        tpu.vector_store %arg9[%parallel_loop3A_1094, %parallel_loop3A_1095, %parallel_loop3A_1096], %parallel_loop3A_1099 {strides = array<i32>} : memref<2x168x128xf32, #tpu.memory_space<vmem>>, vector<1x1x16xf32>,
        %parallel_loop3A_1100 = arith.constant 2 : i32
        %parallel_loop3A_1101 = arith.addi %parallel_loop3A_255, %parallel_loop3A_1100 : i32
        %parallel_loop3A_1102 = arith.constant 0 : i32
        %parallel_loop3A_1103 = arith.index_cast %select_n3A_187 : i32 to index
        %parallel_loop3A_1104 = arith.index_cast %parallel_loop3A_1102 : i32 to index
        %parallel_loop3A_1105 = arith.index_cast %parallel_loop3A_1101 : i32 to index
        %parallel_loop3A_1106 = arith.constant 16 : index
        %parallel_loop3A_1107 = tpu.vector_load %arg8[%parallel_loop3A_1103, %parallel_loop3A_1104, %parallel_loop3A_1105, %parallel_loop3A_1106] {strides = array<i32>} : memref<3x2x48x224xf32, #tpu.memory_space<vmem>>, vector<1x1x1x16xf32>,
        %parallel_loop3A_1108 = vector.shape_cast %parallel_loop3A_1107 : vector<1x1x1x16xf32> to vector<16xf32>
        %parallel_loop3A_1109 = arith.constant 2 : i32
        %parallel_loop3A_1110 = arith.addi %parallel_loop3A_255, %parallel_loop3A_1109 : i32
        %parallel_loop3A_1111 = arith.constant 1 : i32
        %parallel_loop3A_1112 = arith.index_cast %select_n3A_187 : i32 to index
        %parallel_loop3A_1113 = arith.index_cast %parallel_loop3A_1111 : i32 to index
        %parallel_loop3A_1114 = arith.index_cast %parallel_loop3A_1110 : i32 to index
        %parallel_loop3A_1115 = arith.constant 16 : index
        %parallel_loop3A_1116 = tpu.vector_load %arg8[%parallel_loop3A_1112, %parallel_loop3A_1113, %parallel_loop3A_1114, %parallel_loop3A_1115] {strides = array<i32>} : memref<3x2x48x224xf32, #tpu.memory_space<vmem>>, vector<1x1x1x16xf32>,
        %parallel_loop3A_1117 = vector.shape_cast %parallel_loop3A_1116 : vector<1x1x1x16xf32> to vector<16xf32>
        %parallel_loop3A_1118 = arith.mulf %get3A_236, %parallel_loop3A_1108 : vector<16xf32>
        %parallel_loop3A_1119 = arith.mulf %get3A_242, %parallel_loop3A_1117 : vector<16xf32>
        %parallel_loop3A_1120 = arith.addf %parallel_loop3A_1118, %parallel_loop3A_1119 : vector<16xf32>
        %parallel_loop3A_1121 = arith.constant 3 : i32
        %parallel_loop3A_1122 = arith.addi %parallel_loop3A_258, %parallel_loop3A_1121 : i32
        %parallel_loop3A_1123 = arith.index_cast %select_n3A_203 : i32 to index
        %parallel_loop3A_1124 = arith.index_cast %parallel_loop3A_1122 : i32 to index
        %parallel_loop3A_1125 = arith.constant 80 : index
        %parallel_loop3A_1126 = tpu.vector_load %arg9[%parallel_loop3A_1123, %parallel_loop3A_1124, %parallel_loop3A_1125] {strides = array<i32>} : memref<2x168x128xf32, #tpu.memory_space<vmem>>, vector<1x1x16xf32>,
        %parallel_loop3A_1127 = vector.shape_cast %parallel_loop3A_1126 : vector<1x1x16xf32> to vector<16xf32>
        %parallel_loop3A_1128 = vector.shape_cast %parallel_loop3A_1120 : vector<16xf32> to vector<1x1x16xf32>
        tpu.vector_store %arg9[%parallel_loop3A_1123, %parallel_loop3A_1124, %parallel_loop3A_1125], %parallel_loop3A_1128 {strides = array<i32>} : memref<2x168x128xf32, #tpu.memory_space<vmem>>, vector<1x1x16xf32>,
        %parallel_loop3A_1129 = arith.constant 2 : i32
        %parallel_loop3A_1130 = arith.addi %parallel_loop3A_255, %parallel_loop3A_1129 : i32
        %parallel_loop3A_1131 = arith.constant 0 : i32
        %parallel_loop3A_1132 = arith.index_cast %select_n3A_187 : i32 to index
        %parallel_loop3A_1133 = arith.index_cast %parallel_loop3A_1131 : i32 to index
        %parallel_loop3A_1134 = arith.index_cast %parallel_loop3A_1130 : i32 to index
        %parallel_loop3A_1135 = arith.constant 32 : index
        %parallel_loop3A_1136 = tpu.vector_load %arg8[%parallel_loop3A_1132, %parallel_loop3A_1133, %parallel_loop3A_1134, %parallel_loop3A_1135] {strides = array<i32>} : memref<3x2x48x224xf32, #tpu.memory_space<vmem>>, vector<1x1x1x16xf32>,
        %parallel_loop3A_1137 = vector.shape_cast %parallel_loop3A_1136 : vector<1x1x1x16xf32> to vector<16xf32>
        %parallel_loop3A_1138 = arith.constant 2 : i32
        %parallel_loop3A_1139 = arith.addi %parallel_loop3A_255, %parallel_loop3A_1138 : i32
        %parallel_loop3A_1140 = arith.constant 1 : i32
        %parallel_loop3A_1141 = arith.index_cast %select_n3A_187 : i32 to index
        %parallel_loop3A_1142 = arith.index_cast %parallel_loop3A_1140 : i32 to index
        %parallel_loop3A_1143 = arith.index_cast %parallel_loop3A_1139 : i32 to index
        %parallel_loop3A_1144 = arith.constant 32 : index
        %parallel_loop3A_1145 = tpu.vector_load %arg8[%parallel_loop3A_1141, %parallel_loop3A_1142, %parallel_loop3A_1143, %parallel_loop3A_1144] {strides = array<i32>} : memref<3x2x48x224xf32, #tpu.memory_space<vmem>>, vector<1x1x1x16xf32>,
        %parallel_loop3A_1146 = vector.shape_cast %parallel_loop3A_1145 : vector<1x1x1x16xf32> to vector<16xf32>
        %parallel_loop3A_1147 = arith.mulf %get3A_236, %parallel_loop3A_1137 : vector<16xf32>
        %parallel_loop3A_1148 = arith.mulf %get3A_242, %parallel_loop3A_1146 : vector<16xf32>
        %parallel_loop3A_1149 = arith.addf %parallel_loop3A_1147, %parallel_loop3A_1148 : vector<16xf32>
        %parallel_loop3A_1150 = arith.constant 3 : i32
        %parallel_loop3A_1151 = arith.addi %parallel_loop3A_258, %parallel_loop3A_1150 : i32
        %parallel_loop3A_1152 = arith.index_cast %select_n3A_203 : i32 to index
        %parallel_loop3A_1153 = arith.index_cast %parallel_loop3A_1151 : i32 to index
        %parallel_loop3A_1154 = arith.constant 96 : index
        %parallel_loop3A_1155 = tpu.vector_load %arg9[%parallel_loop3A_1152, %parallel_loop3A_1153, %parallel_loop3A_1154] {strides = array<i32>} : memref<2x168x128xf32, #tpu.memory_space<vmem>>, vector<1x1x16xf32>,
        %parallel_loop3A_1156 = vector.shape_cast %parallel_loop3A_1155 : vector<1x1x16xf32> to vector<16xf32>
        %parallel_loop3A_1157 = vector.shape_cast %parallel_loop3A_1149 : vector<16xf32> to vector<1x1x16xf32>
        tpu.vector_store %arg9[%parallel_loop3A_1152, %parallel_loop3A_1153, %parallel_loop3A_1154], %parallel_loop3A_1157 {strides = array<i32>} : memref<2x168x128xf32, #tpu.memory_space<vmem>>, vector<1x1x16xf32>,
        %parallel_loop3A_1158 = arith.constant 2 : i32
        %parallel_loop3A_1159 = arith.addi %parallel_loop3A_255, %parallel_loop3A_1158 : i32
        %parallel_loop3A_1160 = arith.constant 0 : i32
        %parallel_loop3A_1161 = arith.index_cast %select_n3A_187 : i32 to index
        %parallel_loop3A_1162 = arith.index_cast %parallel_loop3A_1160 : i32 to index
        %parallel_loop3A_1163 = arith.index_cast %parallel_loop3A_1159 : i32 to index
        %parallel_loop3A_1164 = arith.constant 48 : index
        %parallel_loop3A_1165 = tpu.vector_load %arg8[%parallel_loop3A_1161, %parallel_loop3A_1162, %parallel_loop3A_1163, %parallel_loop3A_1164] {strides = array<i32>} : memref<3x2x48x224xf32, #tpu.memory_space<vmem>>, vector<1x1x1x16xf32>,
        %parallel_loop3A_1166 = vector.shape_cast %parallel_loop3A_1165 : vector<1x1x1x16xf32> to vector<16xf32>
        %parallel_loop3A_1167 = arith.constant 2 : i32
        %parallel_loop3A_1168 = arith.addi %parallel_loop3A_255, %parallel_loop3A_1167 : i32
        %parallel_loop3A_1169 = arith.constant 1 : i32
        %parallel_loop3A_1170 = arith.index_cast %select_n3A_187 : i32 to index
        %parallel_loop3A_1171 = arith.index_cast %parallel_loop3A_1169 : i32 to index
        %parallel_loop3A_1172 = arith.index_cast %parallel_loop3A_1168 : i32 to index
        %parallel_loop3A_1173 = arith.constant 48 : index
        %parallel_loop3A_1174 = tpu.vector_load %arg8[%parallel_loop3A_1170, %parallel_loop3A_1171, %parallel_loop3A_1172, %parallel_loop3A_1173] {strides = array<i32>} : memref<3x2x48x224xf32, #tpu.memory_space<vmem>>, vector<1x1x1x16xf32>,
        %parallel_loop3A_1175 = vector.shape_cast %parallel_loop3A_1174 : vector<1x1x1x16xf32> to vector<16xf32>
        %parallel_loop3A_1176 = arith.mulf %get3A_236, %parallel_loop3A_1166 : vector<16xf32>
        %parallel_loop3A_1177 = arith.mulf %get3A_242, %parallel_loop3A_1175 : vector<16xf32>
        %parallel_loop3A_1178 = arith.addf %parallel_loop3A_1176, %parallel_loop3A_1177 : vector<16xf32>
        %parallel_loop3A_1179 = arith.constant 3 : i32
        %parallel_loop3A_1180 = arith.addi %parallel_loop3A_258, %parallel_loop3A_1179 : i32
        %parallel_loop3A_1181 = arith.index_cast %select_n3A_203 : i32 to index
        %parallel_loop3A_1182 = arith.index_cast %parallel_loop3A_1180 : i32 to index
        %parallel_loop3A_1183 = arith.constant 112 : index
        %parallel_loop3A_1184 = tpu.vector_load %arg9[%parallel_loop3A_1181, %parallel_loop3A_1182, %parallel_loop3A_1183] {strides = array<i32>} : memref<2x168x128xf32, #tpu.memory_space<vmem>>, vector<1x1x16xf32>,
        %parallel_loop3A_1185 = vector.shape_cast %parallel_loop3A_1184 : vector<1x1x16xf32> to vector<16xf32>
        %parallel_loop3A_1186 = vector.shape_cast %parallel_loop3A_1178 : vector<16xf32> to vector<1x1x16xf32>
        tpu.vector_store %arg9[%parallel_loop3A_1181, %parallel_loop3A_1182, %parallel_loop3A_1183], %parallel_loop3A_1186 {strides = array<i32>} : memref<2x168x128xf32, #tpu.memory_space<vmem>>, vector<1x1x16xf32>,
        %parallel_loop3A_1187 = arith.constant 2 : i32
        %parallel_loop3A_1188 = arith.addi %parallel_loop3A_255, %parallel_loop3A_1187 : i32
        %parallel_loop3A_1189 = arith.constant 0 : i32
        %parallel_loop3A_1190 = arith.index_cast %select_n3A_187 : i32 to index
        %parallel_loop3A_1191 = arith.index_cast %parallel_loop3A_1189 : i32 to index
        %parallel_loop3A_1192 = arith.index_cast %parallel_loop3A_1188 : i32 to index
        %parallel_loop3A_1193 = arith.constant 64 : index
        %parallel_loop3A_1194 = tpu.vector_load %arg8[%parallel_loop3A_1190, %parallel_loop3A_1191, %parallel_loop3A_1192, %parallel_loop3A_1193] {strides = array<i32>} : memref<3x2x48x224xf32, #tpu.memory_space<vmem>>, vector<1x1x1x16xf32>,
        %parallel_loop3A_1195 = vector.shape_cast %parallel_loop3A_1194 : vector<1x1x1x16xf32> to vector<16xf32>
        %parallel_loop3A_1196 = arith.constant 2 : i32
        %parallel_loop3A_1197 = arith.addi %parallel_loop3A_255, %parallel_loop3A_1196 : i32
        %parallel_loop3A_1198 = arith.constant 1 : i32
        %parallel_loop3A_1199 = arith.index_cast %select_n3A_187 : i32 to index
        %parallel_loop3A_1200 = arith.index_cast %parallel_loop3A_1198 : i32 to index
        %parallel_loop3A_1201 = arith.index_cast %parallel_loop3A_1197 : i32 to index
        %parallel_loop3A_1202 = arith.constant 64 : index
        %parallel_loop3A_1203 = tpu.vector_load %arg8[%parallel_loop3A_1199, %parallel_loop3A_1200, %parallel_loop3A_1201, %parallel_loop3A_1202] {strides = array<i32>} : memref<3x2x48x224xf32, #tpu.memory_space<vmem>>, vector<1x1x1x16xf32>,
        %parallel_loop3A_1204 = vector.shape_cast %parallel_loop3A_1203 : vector<1x1x1x16xf32> to vector<16xf32>
        %parallel_loop3A_1205 = arith.mulf %get3A_236, %parallel_loop3A_1195 : vector<16xf32>
        %parallel_loop3A_1206 = arith.mulf %get3A_242, %parallel_loop3A_1204 : vector<16xf32>
        %parallel_loop3A_1207 = arith.addf %parallel_loop3A_1205, %parallel_loop3A_1206 : vector<16xf32>
        %parallel_loop3A_1208 = arith.constant 4 : i32
        %parallel_loop3A_1209 = arith.addi %parallel_loop3A_258, %parallel_loop3A_1208 : i32
        %parallel_loop3A_1210 = arith.index_cast %select_n3A_203 : i32 to index
        %parallel_loop3A_1211 = arith.index_cast %parallel_loop3A_1209 : i32 to index
        %parallel_loop3A_1212 = arith.constant 0 : index
        %parallel_loop3A_1213 = tpu.vector_load %arg9[%parallel_loop3A_1210, %parallel_loop3A_1211, %parallel_loop3A_1212] {strides = array<i32>} : memref<2x168x128xf32, #tpu.memory_space<vmem>>, vector<1x1x16xf32>,
        %parallel_loop3A_1214 = vector.shape_cast %parallel_loop3A_1213 : vector<1x1x16xf32> to vector<16xf32>
        %parallel_loop3A_1215 = vector.shape_cast %parallel_loop3A_1207 : vector<16xf32> to vector<1x1x16xf32>
        tpu.vector_store %arg9[%parallel_loop3A_1210, %parallel_loop3A_1211, %parallel_loop3A_1212], %parallel_loop3A_1215 {strides = array<i32>} : memref<2x168x128xf32, #tpu.memory_space<vmem>>, vector<1x1x16xf32>,
        %parallel_loop3A_1216 = arith.constant 2 : i32
        %parallel_loop3A_1217 = arith.addi %parallel_loop3A_255, %parallel_loop3A_1216 : i32
        %parallel_loop3A_1218 = arith.constant 0 : i32
        %parallel_loop3A_1219 = arith.index_cast %select_n3A_187 : i32 to index
        %parallel_loop3A_1220 = arith.index_cast %parallel_loop3A_1218 : i32 to index
        %parallel_loop3A_1221 = arith.index_cast %parallel_loop3A_1217 : i32 to index
        %parallel_loop3A_1222 = arith.constant 80 : index
        %parallel_loop3A_1223 = tpu.vector_load %arg8[%parallel_loop3A_1219, %parallel_loop3A_1220, %parallel_loop3A_1221, %parallel_loop3A_1222] {strides = array<i32>} : memref<3x2x48x224xf32, #tpu.memory_space<vmem>>, vector<1x1x1x16xf32>,
        %parallel_loop3A_1224 = vector.shape_cast %parallel_loop3A_1223 : vector<1x1x1x16xf32> to vector<16xf32>
        %parallel_loop3A_1225 = arith.constant 2 : i32
        %parallel_loop3A_1226 = arith.addi %parallel_loop3A_255, %parallel_loop3A_1225 : i32
        %parallel_loop3A_1227 = arith.constant 1 : i32
        %parallel_loop3A_1228 = arith.index_cast %select_n3A_187 : i32 to index
        %parallel_loop3A_1229 = arith.index_cast %parallel_loop3A_1227 : i32 to index
        %parallel_loop3A_1230 = arith.index_cast %parallel_loop3A_1226 : i32 to index
        %parallel_loop3A_1231 = arith.constant 80 : index
        %parallel_loop3A_1232 = tpu.vector_load %arg8[%parallel_loop3A_1228, %parallel_loop3A_1229, %parallel_loop3A_1230, %parallel_loop3A_1231] {strides = array<i32>} : memref<3x2x48x224xf32, #tpu.memory_space<vmem>>, vector<1x1x1x16xf32>,
        %parallel_loop3A_1233 = vector.shape_cast %parallel_loop3A_1232 : vector<1x1x1x16xf32> to vector<16xf32>
        %parallel_loop3A_1234 = arith.mulf %get3A_236, %parallel_loop3A_1224 : vector<16xf32>
        %parallel_loop3A_1235 = arith.mulf %get3A_242, %parallel_loop3A_1233 : vector<16xf32>
        %parallel_loop3A_1236 = arith.addf %parallel_loop3A_1234, %parallel_loop3A_1235 : vector<16xf32>
        %parallel_loop3A_1237 = arith.constant 4 : i32
        %parallel_loop3A_1238 = arith.addi %parallel_loop3A_258, %parallel_loop3A_1237 : i32
        %parallel_loop3A_1239 = arith.index_cast %select_n3A_203 : i32 to index
        %parallel_loop3A_1240 = arith.index_cast %parallel_loop3A_1238 : i32 to index
        %parallel_loop3A_1241 = arith.constant 16 : index
        %parallel_loop3A_1242 = tpu.vector_load %arg9[%parallel_loop3A_1239, %parallel_loop3A_1240, %parallel_loop3A_1241] {strides = array<i32>} : memref<2x168x128xf32, #tpu.memory_space<vmem>>, vector<1x1x16xf32>,
        %parallel_loop3A_1243 = vector.shape_cast %parallel_loop3A_1242 : vector<1x1x16xf32> to vector<16xf32>
        %parallel_loop3A_1244 = vector.shape_cast %parallel_loop3A_1236 : vector<16xf32> to vector<1x1x16xf32>
        tpu.vector_store %arg9[%parallel_loop3A_1239, %parallel_loop3A_1240, %parallel_loop3A_1241], %parallel_loop3A_1244 {strides = array<i32>} : memref<2x168x128xf32, #tpu.memory_space<vmem>>, vector<1x1x16xf32>,
        %parallel_loop3A_1245 = arith.constant 2 : i32
        %parallel_loop3A_1246 = arith.addi %parallel_loop3A_255, %parallel_loop3A_1245 : i32
        %parallel_loop3A_1247 = arith.constant 0 : i32
        %parallel_loop3A_1248 = arith.index_cast %select_n3A_187 : i32 to index
        %parallel_loop3A_1249 = arith.index_cast %parallel_loop3A_1247 : i32 to index
        %parallel_loop3A_1250 = arith.index_cast %parallel_loop3A_1246 : i32 to index
        %parallel_loop3A_1251 = arith.constant 96 : index
        %parallel_loop3A_1252 = tpu.vector_load %arg8[%parallel_loop3A_1248, %parallel_loop3A_1249, %parallel_loop3A_1250, %parallel_loop3A_1251] {strides = array<i32>} : memref<3x2x48x224xf32, #tpu.memory_space<vmem>>, vector<1x1x1x16xf32>,
        %parallel_loop3A_1253 = vector.shape_cast %parallel_loop3A_1252 : vector<1x1x1x16xf32> to vector<16xf32>
        %parallel_loop3A_1254 = arith.constant 2 : i32
        %parallel_loop3A_1255 = arith.addi %parallel_loop3A_255, %parallel_loop3A_1254 : i32
        %parallel_loop3A_1256 = arith.constant 1 : i32
        %parallel_loop3A_1257 = arith.index_cast %select_n3A_187 : i32 to index
        %parallel_loop3A_1258 = arith.index_cast %parallel_loop3A_1256 : i32 to index
        %parallel_loop3A_1259 = arith.index_cast %parallel_loop3A_1255 : i32 to index
        %parallel_loop3A_1260 = arith.constant 96 : index
        %parallel_loop3A_1261 = tpu.vector_load %arg8[%parallel_loop3A_1257, %parallel_loop3A_1258, %parallel_loop3A_1259, %parallel_loop3A_1260] {strides = array<i32>} : memref<3x2x48x224xf32, #tpu.memory_space<vmem>>, vector<1x1x1x16xf32>,
        %parallel_loop3A_1262 = vector.shape_cast %parallel_loop3A_1261 : vector<1x1x1x16xf32> to vector<16xf32>
        %parallel_loop3A_1263 = arith.mulf %get3A_236, %parallel_loop3A_1253 : vector<16xf32>
        %parallel_loop3A_1264 = arith.mulf %get3A_242, %parallel_loop3A_1262 : vector<16xf32>
        %parallel_loop3A_1265 = arith.addf %parallel_loop3A_1263, %parallel_loop3A_1264 : vector<16xf32>
        %parallel_loop3A_1266 = arith.constant 4 : i32
        %parallel_loop3A_1267 = arith.addi %parallel_loop3A_258, %parallel_loop3A_1266 : i32
        %parallel_loop3A_1268 = arith.index_cast %select_n3A_203 : i32 to index
        %parallel_loop3A_1269 = arith.index_cast %parallel_loop3A_1267 : i32 to index
        %parallel_loop3A_1270 = arith.constant 32 : index
        %parallel_loop3A_1271 = tpu.vector_load %arg9[%parallel_loop3A_1268, %parallel_loop3A_1269, %parallel_loop3A_1270] {strides = array<i32>} : memref<2x168x128xf32, #tpu.memory_space<vmem>>, vector<1x1x16xf32>,
        %parallel_loop3A_1272 = vector.shape_cast %parallel_loop3A_1271 : vector<1x1x16xf32> to vector<16xf32>
        %parallel_loop3A_1273 = vector.shape_cast %parallel_loop3A_1265 : vector<16xf32> to vector<1x1x16xf32>
        tpu.vector_store %arg9[%parallel_loop3A_1268, %parallel_loop3A_1269, %parallel_loop3A_1270], %parallel_loop3A_1273 {strides = array<i32>} : memref<2x168x128xf32, #tpu.memory_space<vmem>>, vector<1x1x16xf32>,
        %parallel_loop3A_1274 = arith.constant 2 : i32
        %parallel_loop3A_1275 = arith.addi %parallel_loop3A_255, %parallel_loop3A_1274 : i32
        %parallel_loop3A_1276 = arith.constant 0 : i32
        %parallel_loop3A_1277 = arith.index_cast %select_n3A_187 : i32 to index
        %parallel_loop3A_1278 = arith.index_cast %parallel_loop3A_1276 : i32 to index
        %parallel_loop3A_1279 = arith.index_cast %parallel_loop3A_1275 : i32 to index
        %parallel_loop3A_1280 = arith.constant 112 : index
        %parallel_loop3A_1281 = tpu.vector_load %arg8[%parallel_loop3A_1277, %parallel_loop3A_1278, %parallel_loop3A_1279, %parallel_loop3A_1280] {strides = array<i32>} : memref<3x2x48x224xf32, #tpu.memory_space<vmem>>, vector<1x1x1x16xf32>,
        %parallel_loop3A_1282 = vector.shape_cast %parallel_loop3A_1281 : vector<1x1x1x16xf32> to vector<16xf32>
        %parallel_loop3A_1283 = arith.constant 2 : i32
        %parallel_loop3A_1284 = arith.addi %parallel_loop3A_255, %parallel_loop3A_1283 : i32
        %parallel_loop3A_1285 = arith.constant 1 : i32
        %parallel_loop3A_1286 = arith.index_cast %select_n3A_187 : i32 to index
        %parallel_loop3A_1287 = arith.index_cast %parallel_loop3A_1285 : i32 to index
        %parallel_loop3A_1288 = arith.index_cast %parallel_loop3A_1284 : i32 to index
        %parallel_loop3A_1289 = arith.constant 112 : index
        %parallel_loop3A_1290 = tpu.vector_load %arg8[%parallel_loop3A_1286, %parallel_loop3A_1287, %parallel_loop3A_1288, %parallel_loop3A_1289] {strides = array<i32>} : memref<3x2x48x224xf32, #tpu.memory_space<vmem>>, vector<1x1x1x16xf32>,
        %parallel_loop3A_1291 = vector.shape_cast %parallel_loop3A_1290 : vector<1x1x1x16xf32> to vector<16xf32>
        %parallel_loop3A_1292 = arith.mulf %get3A_236, %parallel_loop3A_1282 : vector<16xf32>
        %parallel_loop3A_1293 = arith.mulf %get3A_242, %parallel_loop3A_1291 : vector<16xf32>
        %parallel_loop3A_1294 = arith.addf %parallel_loop3A_1292, %parallel_loop3A_1293 : vector<16xf32>
        %parallel_loop3A_1295 = arith.constant 4 : i32
        %parallel_loop3A_1296 = arith.addi %parallel_loop3A_258, %parallel_loop3A_1295 : i32
        %parallel_loop3A_1297 = arith.index_cast %select_n3A_203 : i32 to index
        %parallel_loop3A_1298 = arith.index_cast %parallel_loop3A_1296 : i32 to index
        %parallel_loop3A_1299 = arith.constant 48 : index
        %parallel_loop3A_1300 = tpu.vector_load %arg9[%parallel_loop3A_1297, %parallel_loop3A_1298, %parallel_loop3A_1299] {strides = array<i32>} : memref<2x168x128xf32, #tpu.memory_space<vmem>>, vector<1x1x16xf32>,
        %parallel_loop3A_1301 = vector.shape_cast %parallel_loop3A_1300 : vector<1x1x16xf32> to vector<16xf32>
        %parallel_loop3A_1302 = vector.shape_cast %parallel_loop3A_1294 : vector<16xf32> to vector<1x1x16xf32>
        tpu.vector_store %arg9[%parallel_loop3A_1297, %parallel_loop3A_1298, %parallel_loop3A_1299], %parallel_loop3A_1302 {strides = array<i32>} : memref<2x168x128xf32, #tpu.memory_space<vmem>>, vector<1x1x16xf32>,
        %parallel_loop3A_1303 = arith.constant 2 : i32
        %parallel_loop3A_1304 = arith.addi %parallel_loop3A_255, %parallel_loop3A_1303 : i32
        %parallel_loop3A_1305 = arith.constant 0 : i32
        %parallel_loop3A_1306 = arith.index_cast %select_n3A_187 : i32 to index
        %parallel_loop3A_1307 = arith.index_cast %parallel_loop3A_1305 : i32 to index
        %parallel_loop3A_1308 = arith.index_cast %parallel_loop3A_1304 : i32 to index
        %parallel_loop3A_1309 = arith.constant 128 : index
        %parallel_loop3A_1310 = tpu.vector_load %arg8[%parallel_loop3A_1306, %parallel_loop3A_1307, %parallel_loop3A_1308, %parallel_loop3A_1309] {strides = array<i32>} : memref<3x2x48x224xf32, #tpu.memory_space<vmem>>, vector<1x1x1x16xf32>,
        %parallel_loop3A_1311 = vector.shape_cast %parallel_loop3A_1310 : vector<1x1x1x16xf32> to vector<16xf32>
        %parallel_loop3A_1312 = arith.constant 2 : i32
        %parallel_loop3A_1313 = arith.addi %parallel_loop3A_255, %parallel_loop3A_1312 : i32
        %parallel_loop3A_1314 = arith.constant 1 : i32
        %parallel_loop3A_1315 = arith.index_cast %select_n3A_187 : i32 to index
        %parallel_loop3A_1316 = arith.index_cast %parallel_loop3A_1314 : i32 to index
        %parallel_loop3A_1317 = arith.index_cast %parallel_loop3A_1313 : i32 to index
        %parallel_loop3A_1318 = arith.constant 128 : index
        %parallel_loop3A_1319 = tpu.vector_load %arg8[%parallel_loop3A_1315, %parallel_loop3A_1316, %parallel_loop3A_1317, %parallel_loop3A_1318] {strides = array<i32>} : memref<3x2x48x224xf32, #tpu.memory_space<vmem>>, vector<1x1x1x16xf32>,
        %parallel_loop3A_1320 = vector.shape_cast %parallel_loop3A_1319 : vector<1x1x1x16xf32> to vector<16xf32>
        %parallel_loop3A_1321 = arith.mulf %get3A_236, %parallel_loop3A_1311 : vector<16xf32>
        %parallel_loop3A_1322 = arith.mulf %get3A_242, %parallel_loop3A_1320 : vector<16xf32>
        %parallel_loop3A_1323 = arith.addf %parallel_loop3A_1321, %parallel_loop3A_1322 : vector<16xf32>
        %parallel_loop3A_1324 = arith.constant 4 : i32
        %parallel_loop3A_1325 = arith.addi %parallel_loop3A_258, %parallel_loop3A_1324 : i32
        %parallel_loop3A_1326 = arith.index_cast %select_n3A_203 : i32 to index
        %parallel_loop3A_1327 = arith.index_cast %parallel_loop3A_1325 : i32 to index
        %parallel_loop3A_1328 = arith.constant 64 : index
        %parallel_loop3A_1329 = tpu.vector_load %arg9[%parallel_loop3A_1326, %parallel_loop3A_1327, %parallel_loop3A_1328] {strides = array<i32>} : memref<2x168x128xf32, #tpu.memory_space<vmem>>, vector<1x1x16xf32>,
        %parallel_loop3A_1330 = vector.shape_cast %parallel_loop3A_1329 : vector<1x1x16xf32> to vector<16xf32>
        %parallel_loop3A_1331 = vector.shape_cast %parallel_loop3A_1323 : vector<16xf32> to vector<1x1x16xf32>
        tpu.vector_store %arg9[%parallel_loop3A_1326, %parallel_loop3A_1327, %parallel_loop3A_1328], %parallel_loop3A_1331 {strides = array<i32>} : memref<2x168x128xf32, #tpu.memory_space<vmem>>, vector<1x1x16xf32>,
        %parallel_loop3A_1332 = arith.constant 2 : i32
        %parallel_loop3A_1333 = arith.addi %parallel_loop3A_255, %parallel_loop3A_1332 : i32
        %parallel_loop3A_1334 = arith.constant 0 : i32
        %parallel_loop3A_1335 = arith.index_cast %select_n3A_187 : i32 to index
        %parallel_loop3A_1336 = arith.index_cast %parallel_loop3A_1334 : i32 to index
        %parallel_loop3A_1337 = arith.index_cast %parallel_loop3A_1333 : i32 to index
        %parallel_loop3A_1338 = arith.constant 144 : index
        %parallel_loop3A_1339 = tpu.vector_load %arg8[%parallel_loop3A_1335, %parallel_loop3A_1336, %parallel_loop3A_1337, %parallel_loop3A_1338] {strides = array<i32>} : memref<3x2x48x224xf32, #tpu.memory_space<vmem>>, vector<1x1x1x16xf32>,
        %parallel_loop3A_1340 = vector.shape_cast %parallel_loop3A_1339 : vector<1x1x1x16xf32> to vector<16xf32>
        %parallel_loop3A_1341 = arith.constant 2 : i32
        %parallel_loop3A_1342 = arith.addi %parallel_loop3A_255, %parallel_loop3A_1341 : i32
        %parallel_loop3A_1343 = arith.constant 1 : i32
        %parallel_loop3A_1344 = arith.index_cast %select_n3A_187 : i32 to index
        %parallel_loop3A_1345 = arith.index_cast %parallel_loop3A_1343 : i32 to index
        %parallel_loop3A_1346 = arith.index_cast %parallel_loop3A_1342 : i32 to index
        %parallel_loop3A_1347 = arith.constant 144 : index
        %parallel_loop3A_1348 = tpu.vector_load %arg8[%parallel_loop3A_1344, %parallel_loop3A_1345, %parallel_loop3A_1346, %parallel_loop3A_1347] {strides = array<i32>} : memref<3x2x48x224xf32, #tpu.memory_space<vmem>>, vector<1x1x1x16xf32>,
        %parallel_loop3A_1349 = vector.shape_cast %parallel_loop3A_1348 : vector<1x1x1x16xf32> to vector<16xf32>
        %parallel_loop3A_1350 = arith.mulf %get3A_236, %parallel_loop3A_1340 : vector<16xf32>
        %parallel_loop3A_1351 = arith.mulf %get3A_242, %parallel_loop3A_1349 : vector<16xf32>
        %parallel_loop3A_1352 = arith.addf %parallel_loop3A_1350, %parallel_loop3A_1351 : vector<16xf32>
        %parallel_loop3A_1353 = arith.constant 4 : i32
        %parallel_loop3A_1354 = arith.addi %parallel_loop3A_258, %parallel_loop3A_1353 : i32
        %parallel_loop3A_1355 = arith.index_cast %select_n3A_203 : i32 to index
        %parallel_loop3A_1356 = arith.index_cast %parallel_loop3A_1354 : i32 to index
        %parallel_loop3A_1357 = arith.constant 80 : index
        %parallel_loop3A_1358 = tpu.vector_load %arg9[%parallel_loop3A_1355, %parallel_loop3A_1356, %parallel_loop3A_1357] {strides = array<i32>} : memref<2x168x128xf32, #tpu.memory_space<vmem>>, vector<1x1x16xf32>,
        %parallel_loop3A_1359 = vector.shape_cast %parallel_loop3A_1358 : vector<1x1x16xf32> to vector<16xf32>
        %parallel_loop3A_1360 = vector.shape_cast %parallel_loop3A_1352 : vector<16xf32> to vector<1x1x16xf32>
        tpu.vector_store %arg9[%parallel_loop3A_1355, %parallel_loop3A_1356, %parallel_loop3A_1357], %parallel_loop3A_1360 {strides = array<i32>} : memref<2x168x128xf32, #tpu.memory_space<vmem>>, vector<1x1x16xf32>,
        %parallel_loop3A_1361 = arith.constant 2 : i32
        %parallel_loop3A_1362 = arith.addi %parallel_loop3A_255, %parallel_loop3A_1361 : i32
        %parallel_loop3A_1363 = arith.constant 0 : i32
        %parallel_loop3A_1364 = arith.index_cast %select_n3A_187 : i32 to index
        %parallel_loop3A_1365 = arith.index_cast %parallel_loop3A_1363 : i32 to index
        %parallel_loop3A_1366 = arith.index_cast %parallel_loop3A_1362 : i32 to index
        %parallel_loop3A_1367 = arith.constant 160 : index
        %parallel_loop3A_1368 = tpu.vector_load %arg8[%parallel_loop3A_1364, %parallel_loop3A_1365, %parallel_loop3A_1366, %parallel_loop3A_1367] {strides = array<i32>} : memref<3x2x48x224xf32, #tpu.memory_space<vmem>>, vector<1x1x1x16xf32>,
        %parallel_loop3A_1369 = vector.shape_cast %parallel_loop3A_1368 : vector<1x1x1x16xf32> to vector<16xf32>
        %parallel_loop3A_1370 = arith.constant 2 : i32
        %parallel_loop3A_1371 = arith.addi %parallel_loop3A_255, %parallel_loop3A_1370 : i32
        %parallel_loop3A_1372 = arith.constant 1 : i32
        %parallel_loop3A_1373 = arith.index_cast %select_n3A_187 : i32 to index
        %parallel_loop3A_1374 = arith.index_cast %parallel_loop3A_1372 : i32 to index
        %parallel_loop3A_1375 = arith.index_cast %parallel_loop3A_1371 : i32 to index
        %parallel_loop3A_1376 = arith.constant 160 : index
        %parallel_loop3A_1377 = tpu.vector_load %arg8[%parallel_loop3A_1373, %parallel_loop3A_1374, %parallel_loop3A_1375, %parallel_loop3A_1376] {strides = array<i32>} : memref<3x2x48x224xf32, #tpu.memory_space<vmem>>, vector<1x1x1x16xf32>,
        %parallel_loop3A_1378 = vector.shape_cast %parallel_loop3A_1377 : vector<1x1x1x16xf32> to vector<16xf32>
        %parallel_loop3A_1379 = arith.mulf %get3A_236, %parallel_loop3A_1369 : vector<16xf32>
        %parallel_loop3A_1380 = arith.mulf %get3A_242, %parallel_loop3A_1378 : vector<16xf32>
        %parallel_loop3A_1381 = arith.addf %parallel_loop3A_1379, %parallel_loop3A_1380 : vector<16xf32>
        %parallel_loop3A_1382 = arith.constant 4 : i32
        %parallel_loop3A_1383 = arith.addi %parallel_loop3A_258, %parallel_loop3A_1382 : i32
        %parallel_loop3A_1384 = arith.index_cast %select_n3A_203 : i32 to index
        %parallel_loop3A_1385 = arith.index_cast %parallel_loop3A_1383 : i32 to index
        %parallel_loop3A_1386 = arith.constant 96 : index
        %parallel_loop3A_1387 = tpu.vector_load %arg9[%parallel_loop3A_1384, %parallel_loop3A_1385, %parallel_loop3A_1386] {strides = array<i32>} : memref<2x168x128xf32, #tpu.memory_space<vmem>>, vector<1x1x16xf32>,
        %parallel_loop3A_1388 = vector.shape_cast %parallel_loop3A_1387 : vector<1x1x16xf32> to vector<16xf32>
        %parallel_loop3A_1389 = vector.shape_cast %parallel_loop3A_1381 : vector<16xf32> to vector<1x1x16xf32>
        tpu.vector_store %arg9[%parallel_loop3A_1384, %parallel_loop3A_1385, %parallel_loop3A_1386], %parallel_loop3A_1389 {strides = array<i32>} : memref<2x168x128xf32, #tpu.memory_space<vmem>>, vector<1x1x16xf32>,
        %parallel_loop3A_1390 = arith.constant 2 : i32
        %parallel_loop3A_1391 = arith.addi %parallel_loop3A_255, %parallel_loop3A_1390 : i32
        %parallel_loop3A_1392 = arith.constant 0 : i32
        %parallel_loop3A_1393 = arith.index_cast %select_n3A_187 : i32 to index
        %parallel_loop3A_1394 = arith.index_cast %parallel_loop3A_1392 : i32 to index
        %parallel_loop3A_1395 = arith.index_cast %parallel_loop3A_1391 : i32 to index
        %parallel_loop3A_1396 = arith.constant 176 : index
        %parallel_loop3A_1397 = tpu.vector_load %arg8[%parallel_loop3A_1393, %parallel_loop3A_1394, %parallel_loop3A_1395, %parallel_loop3A_1396] {strides = array<i32>} : memref<3x2x48x224xf32, #tpu.memory_space<vmem>>, vector<1x1x1x16xf32>,
        %parallel_loop3A_1398 = vector.shape_cast %parallel_loop3A_1397 : vector<1x1x1x16xf32> to vector<16xf32>
        %parallel_loop3A_1399 = arith.constant 2 : i32
        %parallel_loop3A_1400 = arith.addi %parallel_loop3A_255, %parallel_loop3A_1399 : i32
        %parallel_loop3A_1401 = arith.constant 1 : i32
        %parallel_loop3A_1402 = arith.index_cast %select_n3A_187 : i32 to index
        %parallel_loop3A_1403 = arith.index_cast %parallel_loop3A_1401 : i32 to index
        %parallel_loop3A_1404 = arith.index_cast %parallel_loop3A_1400 : i32 to index
        %parallel_loop3A_1405 = arith.constant 176 : index
        %parallel_loop3A_1406 = tpu.vector_load %arg8[%parallel_loop3A_1402, %parallel_loop3A_1403, %parallel_loop3A_1404, %parallel_loop3A_1405] {strides = array<i32>} : memref<3x2x48x224xf32, #tpu.memory_space<vmem>>, vector<1x1x1x16xf32>,
        %parallel_loop3A_1407 = vector.shape_cast %parallel_loop3A_1406 : vector<1x1x1x16xf32> to vector<16xf32>
        %parallel_loop3A_1408 = arith.mulf %get3A_236, %parallel_loop3A_1398 : vector<16xf32>
        %parallel_loop3A_1409 = arith.mulf %get3A_242, %parallel_loop3A_1407 : vector<16xf32>
        %parallel_loop3A_1410 = arith.addf %parallel_loop3A_1408, %parallel_loop3A_1409 : vector<16xf32>
        %parallel_loop3A_1411 = arith.constant 4 : i32
        %parallel_loop3A_1412 = arith.addi %parallel_loop3A_258, %parallel_loop3A_1411 : i32
        %parallel_loop3A_1413 = arith.index_cast %select_n3A_203 : i32 to index
        %parallel_loop3A_1414 = arith.index_cast %parallel_loop3A_1412 : i32 to index
        %parallel_loop3A_1415 = arith.constant 112 : index
        %parallel_loop3A_1416 = tpu.vector_load %arg9[%parallel_loop3A_1413, %parallel_loop3A_1414, %parallel_loop3A_1415] {strides = array<i32>} : memref<2x168x128xf32, #tpu.memory_space<vmem>>, vector<1x1x16xf32>,
        %parallel_loop3A_1417 = vector.shape_cast %parallel_loop3A_1416 : vector<1x1x16xf32> to vector<16xf32>
        %parallel_loop3A_1418 = vector.shape_cast %parallel_loop3A_1410 : vector<16xf32> to vector<1x1x16xf32>
        tpu.vector_store %arg9[%parallel_loop3A_1413, %parallel_loop3A_1414, %parallel_loop3A_1415], %parallel_loop3A_1418 {strides = array<i32>} : memref<2x168x128xf32, #tpu.memory_space<vmem>>, vector<1x1x16xf32>,
        %parallel_loop3A_1419 = arith.constant 2 : i32
        %parallel_loop3A_1420 = arith.addi %parallel_loop3A_255, %parallel_loop3A_1419 : i32
        %parallel_loop3A_1421 = arith.constant 0 : i32
        %parallel_loop3A_1422 = arith.index_cast %select_n3A_187 : i32 to index
        %parallel_loop3A_1423 = arith.index_cast %parallel_loop3A_1421 : i32 to index
        %parallel_loop3A_1424 = arith.index_cast %parallel_loop3A_1420 : i32 to index
        %parallel_loop3A_1425 = arith.constant 192 : index
        %parallel_loop3A_1426 = tpu.vector_load %arg8[%parallel_loop3A_1422, %parallel_loop3A_1423, %parallel_loop3A_1424, %parallel_loop3A_1425] {strides = array<i32>} : memref<3x2x48x224xf32, #tpu.memory_space<vmem>>, vector<1x1x1x16xf32>,
        %parallel_loop3A_1427 = vector.shape_cast %parallel_loop3A_1426 : vector<1x1x1x16xf32> to vector<16xf32>
        %parallel_loop3A_1428 = arith.constant 2 : i32
        %parallel_loop3A_1429 = arith.addi %parallel_loop3A_255, %parallel_loop3A_1428 : i32
        %parallel_loop3A_1430 = arith.constant 1 : i32
        %parallel_loop3A_1431 = arith.index_cast %select_n3A_187 : i32 to index
        %parallel_loop3A_1432 = arith.index_cast %parallel_loop3A_1430 : i32 to index
        %parallel_loop3A_1433 = arith.index_cast %parallel_loop3A_1429 : i32 to index
        %parallel_loop3A_1434 = arith.constant 192 : index
        %parallel_loop3A_1435 = tpu.vector_load %arg8[%parallel_loop3A_1431, %parallel_loop3A_1432, %parallel_loop3A_1433, %parallel_loop3A_1434] {strides = array<i32>} : memref<3x2x48x224xf32, #tpu.memory_space<vmem>>, vector<1x1x1x16xf32>,
        %parallel_loop3A_1436 = vector.shape_cast %parallel_loop3A_1435 : vector<1x1x1x16xf32> to vector<16xf32>
        %parallel_loop3A_1437 = arith.mulf %get3A_236, %parallel_loop3A_1427 : vector<16xf32>
        %parallel_loop3A_1438 = arith.mulf %get3A_242, %parallel_loop3A_1436 : vector<16xf32>
        %parallel_loop3A_1439 = arith.addf %parallel_loop3A_1437, %parallel_loop3A_1438 : vector<16xf32>
        %parallel_loop3A_1440 = arith.constant 5 : i32
        %parallel_loop3A_1441 = arith.addi %parallel_loop3A_258, %parallel_loop3A_1440 : i32
        %parallel_loop3A_1442 = arith.index_cast %select_n3A_203 : i32 to index
        %parallel_loop3A_1443 = arith.index_cast %parallel_loop3A_1441 : i32 to index
        %parallel_loop3A_1444 = arith.constant 0 : index
        %parallel_loop3A_1445 = tpu.vector_load %arg9[%parallel_loop3A_1442, %parallel_loop3A_1443, %parallel_loop3A_1444] {strides = array<i32>} : memref<2x168x128xf32, #tpu.memory_space<vmem>>, vector<1x1x16xf32>,
        %parallel_loop3A_1446 = vector.shape_cast %parallel_loop3A_1445 : vector<1x1x16xf32> to vector<16xf32>
        %parallel_loop3A_1447 = vector.shape_cast %parallel_loop3A_1439 : vector<16xf32> to vector<1x1x16xf32>
        tpu.vector_store %arg9[%parallel_loop3A_1442, %parallel_loop3A_1443, %parallel_loop3A_1444], %parallel_loop3A_1447 {strides = array<i32>} : memref<2x168x128xf32, #tpu.memory_space<vmem>>, vector<1x1x16xf32>,
        %parallel_loop3A_1448 = arith.constant 2 : i32
        %parallel_loop3A_1449 = arith.addi %parallel_loop3A_255, %parallel_loop3A_1448 : i32
        %parallel_loop3A_1450 = arith.constant 0 : i32
        %parallel_loop3A_1451 = arith.index_cast %select_n3A_187 : i32 to index
        %parallel_loop3A_1452 = arith.index_cast %parallel_loop3A_1450 : i32 to index
        %parallel_loop3A_1453 = arith.index_cast %parallel_loop3A_1449 : i32 to index
        %parallel_loop3A_1454 = arith.constant 208 : index
        %parallel_loop3A_1455 = tpu.vector_load %arg8[%parallel_loop3A_1451, %parallel_loop3A_1452, %parallel_loop3A_1453, %parallel_loop3A_1454] {strides = array<i32>} : memref<3x2x48x224xf32, #tpu.memory_space<vmem>>, vector<1x1x1x16xf32>,
        %parallel_loop3A_1456 = vector.shape_cast %parallel_loop3A_1455 : vector<1x1x1x16xf32> to vector<16xf32>
        %parallel_loop3A_1457 = arith.constant 2 : i32
        %parallel_loop3A_1458 = arith.addi %parallel_loop3A_255, %parallel_loop3A_1457 : i32
        %parallel_loop3A_1459 = arith.constant 1 : i32
        %parallel_loop3A_1460 = arith.index_cast %select_n3A_187 : i32 to index
        %parallel_loop3A_1461 = arith.index_cast %parallel_loop3A_1459 : i32 to index
        %parallel_loop3A_1462 = arith.index_cast %parallel_loop3A_1458 : i32 to index
        %parallel_loop3A_1463 = arith.constant 208 : index
        %parallel_loop3A_1464 = tpu.vector_load %arg8[%parallel_loop3A_1460, %parallel_loop3A_1461, %parallel_loop3A_1462, %parallel_loop3A_1463] {strides = array<i32>} : memref<3x2x48x224xf32, #tpu.memory_space<vmem>>, vector<1x1x1x16xf32>,
        %parallel_loop3A_1465 = vector.shape_cast %parallel_loop3A_1464 : vector<1x1x1x16xf32> to vector<16xf32>
        %parallel_loop3A_1466 = arith.mulf %get3A_236, %parallel_loop3A_1456 : vector<16xf32>
        %parallel_loop3A_1467 = arith.mulf %get3A_242, %parallel_loop3A_1465 : vector<16xf32>
        %parallel_loop3A_1468 = arith.addf %parallel_loop3A_1466, %parallel_loop3A_1467 : vector<16xf32>
        %parallel_loop3A_1469 = arith.constant 5 : i32
        %parallel_loop3A_1470 = arith.addi %parallel_loop3A_258, %parallel_loop3A_1469 : i32
        %parallel_loop3A_1471 = arith.index_cast %select_n3A_203 : i32 to index
        %parallel_loop3A_1472 = arith.index_cast %parallel_loop3A_1470 : i32 to index
        %parallel_loop3A_1473 = arith.constant 16 : index
        %parallel_loop3A_1474 = tpu.vector_load %arg9[%parallel_loop3A_1471, %parallel_loop3A_1472, %parallel_loop3A_1473] {strides = array<i32>} : memref<2x168x128xf32, #tpu.memory_space<vmem>>, vector<1x1x16xf32>,
        %parallel_loop3A_1475 = vector.shape_cast %parallel_loop3A_1474 : vector<1x1x16xf32> to vector<16xf32>
        %parallel_loop3A_1476 = vector.shape_cast %parallel_loop3A_1468 : vector<16xf32> to vector<1x1x16xf32>
        tpu.vector_store %arg9[%parallel_loop3A_1471, %parallel_loop3A_1472, %parallel_loop3A_1473], %parallel_loop3A_1476 {strides = array<i32>} : memref<2x168x128xf32, #tpu.memory_space<vmem>>, vector<1x1x16xf32>,
        %parallel_loop3A_1477 = arith.constant 3 : i32
        %parallel_loop3A_1478 = arith.addi %parallel_loop3A_255, %parallel_loop3A_1477 : i32
        %parallel_loop3A_1479 = arith.constant 0 : i32
        %parallel_loop3A_1480 = arith.index_cast %select_n3A_187 : i32 to index
        %parallel_loop3A_1481 = arith.index_cast %parallel_loop3A_1479 : i32 to index
        %parallel_loop3A_1482 = arith.index_cast %parallel_loop3A_1478 : i32 to index
        %parallel_loop3A_1483 = arith.constant 0 : index
        %parallel_loop3A_1484 = tpu.vector_load %arg8[%parallel_loop3A_1480, %parallel_loop3A_1481, %parallel_loop3A_1482, %parallel_loop3A_1483] {strides = array<i32>} : memref<3x2x48x224xf32, #tpu.memory_space<vmem>>, vector<1x1x1x16xf32>,
        %parallel_loop3A_1485 = vector.shape_cast %parallel_loop3A_1484 : vector<1x1x1x16xf32> to vector<16xf32>
        %parallel_loop3A_1486 = arith.constant 3 : i32
        %parallel_loop3A_1487 = arith.addi %parallel_loop3A_255, %parallel_loop3A_1486 : i32
        %parallel_loop3A_1488 = arith.constant 1 : i32
        %parallel_loop3A_1489 = arith.index_cast %select_n3A_187 : i32 to index
        %parallel_loop3A_1490 = arith.index_cast %parallel_loop3A_1488 : i32 to index
        %parallel_loop3A_1491 = arith.index_cast %parallel_loop3A_1487 : i32 to index
        %parallel_loop3A_1492 = arith.constant 0 : index
        %parallel_loop3A_1493 = tpu.vector_load %arg8[%parallel_loop3A_1489, %parallel_loop3A_1490, %parallel_loop3A_1491, %parallel_loop3A_1492] {strides = array<i32>} : memref<3x2x48x224xf32, #tpu.memory_space<vmem>>, vector<1x1x1x16xf32>,
        %parallel_loop3A_1494 = vector.shape_cast %parallel_loop3A_1493 : vector<1x1x1x16xf32> to vector<16xf32>
        %parallel_loop3A_1495 = arith.mulf %get3A_236, %parallel_loop3A_1485 : vector<16xf32>
        %parallel_loop3A_1496 = arith.mulf %get3A_242, %parallel_loop3A_1494 : vector<16xf32>
        %parallel_loop3A_1497 = arith.addf %parallel_loop3A_1495, %parallel_loop3A_1496 : vector<16xf32>
        %parallel_loop3A_1498 = arith.constant 5 : i32
        %parallel_loop3A_1499 = arith.addi %parallel_loop3A_258, %parallel_loop3A_1498 : i32
        %parallel_loop3A_1500 = arith.index_cast %select_n3A_203 : i32 to index
        %parallel_loop3A_1501 = arith.index_cast %parallel_loop3A_1499 : i32 to index
        %parallel_loop3A_1502 = arith.constant 32 : index
        %parallel_loop3A_1503 = tpu.vector_load %arg9[%parallel_loop3A_1500, %parallel_loop3A_1501, %parallel_loop3A_1502] {strides = array<i32>} : memref<2x168x128xf32, #tpu.memory_space<vmem>>, vector<1x1x16xf32>,
        %parallel_loop3A_1504 = vector.shape_cast %parallel_loop3A_1503 : vector<1x1x16xf32> to vector<16xf32>
        %parallel_loop3A_1505 = vector.shape_cast %parallel_loop3A_1497 : vector<16xf32> to vector<1x1x16xf32>
        tpu.vector_store %arg9[%parallel_loop3A_1500, %parallel_loop3A_1501, %parallel_loop3A_1502], %parallel_loop3A_1505 {strides = array<i32>} : memref<2x168x128xf32, #tpu.memory_space<vmem>>, vector<1x1x16xf32>,
        %parallel_loop3A_1506 = arith.constant 3 : i32
        %parallel_loop3A_1507 = arith.addi %parallel_loop3A_255, %parallel_loop3A_1506 : i32
        %parallel_loop3A_1508 = arith.constant 0 : i32
        %parallel_loop3A_1509 = arith.index_cast %select_n3A_187 : i32 to index
        %parallel_loop3A_1510 = arith.index_cast %parallel_loop3A_1508 : i32 to index
        %parallel_loop3A_1511 = arith.index_cast %parallel_loop3A_1507 : i32 to index
        %parallel_loop3A_1512 = arith.constant 16 : index
        %parallel_loop3A_1513 = tpu.vector_load %arg8[%parallel_loop3A_1509, %parallel_loop3A_1510, %parallel_loop3A_1511, %parallel_loop3A_1512] {strides = array<i32>} : memref<3x2x48x224xf32, #tpu.memory_space<vmem>>, vector<1x1x1x16xf32>,
        %parallel_loop3A_1514 = vector.shape_cast %parallel_loop3A_1513 : vector<1x1x1x16xf32> to vector<16xf32>
        %parallel_loop3A_1515 = arith.constant 3 : i32
        %parallel_loop3A_1516 = arith.addi %parallel_loop3A_255, %parallel_loop3A_1515 : i32
        %parallel_loop3A_1517 = arith.constant 1 : i32
        %parallel_loop3A_1518 = arith.index_cast %select_n3A_187 : i32 to index
        %parallel_loop3A_1519 = arith.index_cast %parallel_loop3A_1517 : i32 to index
        %parallel_loop3A_1520 = arith.index_cast %parallel_loop3A_1516 : i32 to index
        %parallel_loop3A_1521 = arith.constant 16 : index
        %parallel_loop3A_1522 = tpu.vector_load %arg8[%parallel_loop3A_1518, %parallel_loop3A_1519, %parallel_loop3A_1520, %parallel_loop3A_1521] {strides = array<i32>} : memref<3x2x48x224xf32, #tpu.memory_space<vmem>>, vector<1x1x1x16xf32>,
        %parallel_loop3A_1523 = vector.shape_cast %parallel_loop3A_1522 : vector<1x1x1x16xf32> to vector<16xf32>
        %parallel_loop3A_1524 = arith.mulf %get3A_236, %parallel_loop3A_1514 : vector<16xf32>
        %parallel_loop3A_1525 = arith.mulf %get3A_242, %parallel_loop3A_1523 : vector<16xf32>
        %parallel_loop3A_1526 = arith.addf %parallel_loop3A_1524, %parallel_loop3A_1525 : vector<16xf32>
        %parallel_loop3A_1527 = arith.constant 5 : i32
        %parallel_loop3A_1528 = arith.addi %parallel_loop3A_258, %parallel_loop3A_1527 : i32
        %parallel_loop3A_1529 = arith.index_cast %select_n3A_203 : i32 to index
        %parallel_loop3A_1530 = arith.index_cast %parallel_loop3A_1528 : i32 to index
        %parallel_loop3A_1531 = arith.constant 48 : index
        %parallel_loop3A_1532 = tpu.vector_load %arg9[%parallel_loop3A_1529, %parallel_loop3A_1530, %parallel_loop3A_1531] {strides = array<i32>} : memref<2x168x128xf32, #tpu.memory_space<vmem>>, vector<1x1x16xf32>,
        %parallel_loop3A_1533 = vector.shape_cast %parallel_loop3A_1532 : vector<1x1x16xf32> to vector<16xf32>
        %parallel_loop3A_1534 = vector.shape_cast %parallel_loop3A_1526 : vector<16xf32> to vector<1x1x16xf32>
        tpu.vector_store %arg9[%parallel_loop3A_1529, %parallel_loop3A_1530, %parallel_loop3A_1531], %parallel_loop3A_1534 {strides = array<i32>} : memref<2x168x128xf32, #tpu.memory_space<vmem>>, vector<1x1x16xf32>,
        %parallel_loop3A_1535 = arith.constant 3 : i32
        %parallel_loop3A_1536 = arith.addi %parallel_loop3A_255, %parallel_loop3A_1535 : i32
        %parallel_loop3A_1537 = arith.constant 0 : i32
        %parallel_loop3A_1538 = arith.index_cast %select_n3A_187 : i32 to index
        %parallel_loop3A_1539 = arith.index_cast %parallel_loop3A_1537 : i32 to index
        %parallel_loop3A_1540 = arith.index_cast %parallel_loop3A_1536 : i32 to index
        %parallel_loop3A_1541 = arith.constant 32 : index
        %parallel_loop3A_1542 = tpu.vector_load %arg8[%parallel_loop3A_1538, %parallel_loop3A_1539, %parallel_loop3A_1540, %parallel_loop3A_1541] {strides = array<i32>} : memref<3x2x48x224xf32, #tpu.memory_space<vmem>>, vector<1x1x1x16xf32>,
        %parallel_loop3A_1543 = vector.shape_cast %parallel_loop3A_1542 : vector<1x1x1x16xf32> to vector<16xf32>
        %parallel_loop3A_1544 = arith.constant 3 : i32
        %parallel_loop3A_1545 = arith.addi %parallel_loop3A_255, %parallel_loop3A_1544 : i32
        %parallel_loop3A_1546 = arith.constant 1 : i32
        %parallel_loop3A_1547 = arith.index_cast %select_n3A_187 : i32 to index
        %parallel_loop3A_1548 = arith.index_cast %parallel_loop3A_1546 : i32 to index
        %parallel_loop3A_1549 = arith.index_cast %parallel_loop3A_1545 : i32 to index
        %parallel_loop3A_1550 = arith.constant 32 : index
        %parallel_loop3A_1551 = tpu.vector_load %arg8[%parallel_loop3A_1547, %parallel_loop3A_1548, %parallel_loop3A_1549, %parallel_loop3A_1550] {strides = array<i32>} : memref<3x2x48x224xf32, #tpu.memory_space<vmem>>, vector<1x1x1x16xf32>,
        %parallel_loop3A_1552 = vector.shape_cast %parallel_loop3A_1551 : vector<1x1x1x16xf32> to vector<16xf32>
        %parallel_loop3A_1553 = arith.mulf %get3A_236, %parallel_loop3A_1543 : vector<16xf32>
        %parallel_loop3A_1554 = arith.mulf %get3A_242, %parallel_loop3A_1552 : vector<16xf32>
        %parallel_loop3A_1555 = arith.addf %parallel_loop3A_1553, %parallel_loop3A_1554 : vector<16xf32>
        %parallel_loop3A_1556 = arith.constant 5 : i32
        %parallel_loop3A_1557 = arith.addi %parallel_loop3A_258, %parallel_loop3A_1556 : i32
        %parallel_loop3A_1558 = arith.index_cast %select_n3A_203 : i32 to index
        %parallel_loop3A_1559 = arith.index_cast %parallel_loop3A_1557 : i32 to index
        %parallel_loop3A_1560 = arith.constant 64 : index
        %parallel_loop3A_1561 = tpu.vector_load %arg9[%parallel_loop3A_1558, %parallel_loop3A_1559, %parallel_loop3A_1560] {strides = array<i32>} : memref<2x168x128xf32, #tpu.memory_space<vmem>>, vector<1x1x16xf32>,
        %parallel_loop3A_1562 = vector.shape_cast %parallel_loop3A_1561 : vector<1x1x16xf32> to vector<16xf32>
        %parallel_loop3A_1563 = vector.shape_cast %parallel_loop3A_1555 : vector<16xf32> to vector<1x1x16xf32>
        tpu.vector_store %arg9[%parallel_loop3A_1558, %parallel_loop3A_1559, %parallel_loop3A_1560], %parallel_loop3A_1563 {strides = array<i32>} : memref<2x168x128xf32, #tpu.memory_space<vmem>>, vector<1x1x16xf32>,
        %parallel_loop3A_1564 = arith.constant 3 : i32
        %parallel_loop3A_1565 = arith.addi %parallel_loop3A_255, %parallel_loop3A_1564 : i32
        %parallel_loop3A_1566 = arith.constant 0 : i32
        %parallel_loop3A_1567 = arith.index_cast %select_n3A_187 : i32 to index
        %parallel_loop3A_1568 = arith.index_cast %parallel_loop3A_1566 : i32 to index
        %parallel_loop3A_1569 = arith.index_cast %parallel_loop3A_1565 : i32 to index
        %parallel_loop3A_1570 = arith.constant 48 : index
        %parallel_loop3A_1571 = tpu.vector_load %arg8[%parallel_loop3A_1567, %parallel_loop3A_1568, %parallel_loop3A_1569, %parallel_loop3A_1570] {strides = array<i32>} : memref<3x2x48x224xf32, #tpu.memory_space<vmem>>, vector<1x1x1x16xf32>,
        %parallel_loop3A_1572 = vector.shape_cast %parallel_loop3A_1571 : vector<1x1x1x16xf32> to vector<16xf32>
        %parallel_loop3A_1573 = arith.constant 3 : i32
        %parallel_loop3A_1574 = arith.addi %parallel_loop3A_255, %parallel_loop3A_1573 : i32
        %parallel_loop3A_1575 = arith.constant 1 : i32
        %parallel_loop3A_1576 = arith.index_cast %select_n3A_187 : i32 to index
        %parallel_loop3A_1577 = arith.index_cast %parallel_loop3A_1575 : i32 to index
        %parallel_loop3A_1578 = arith.index_cast %parallel_loop3A_1574 : i32 to index
        %parallel_loop3A_1579 = arith.constant 48 : index
        %parallel_loop3A_1580 = tpu.vector_load %arg8[%parallel_loop3A_1576, %parallel_loop3A_1577, %parallel_loop3A_1578, %parallel_loop3A_1579] {strides = array<i32>} : memref<3x2x48x224xf32, #tpu.memory_space<vmem>>, vector<1x1x1x16xf32>,
        %parallel_loop3A_1581 = vector.shape_cast %parallel_loop3A_1580 : vector<1x1x1x16xf32> to vector<16xf32>
        %parallel_loop3A_1582 = arith.mulf %get3A_236, %parallel_loop3A_1572 : vector<16xf32>
        %parallel_loop3A_1583 = arith.mulf %get3A_242, %parallel_loop3A_1581 : vector<16xf32>
        %parallel_loop3A_1584 = arith.addf %parallel_loop3A_1582, %parallel_loop3A_1583 : vector<16xf32>
        %parallel_loop3A_1585 = arith.constant 5 : i32
        %parallel_loop3A_1586 = arith.addi %parallel_loop3A_258, %parallel_loop3A_1585 : i32
        %parallel_loop3A_1587 = arith.index_cast %select_n3A_203 : i32 to index
        %parallel_loop3A_1588 = arith.index_cast %parallel_loop3A_1586 : i32 to index
        %parallel_loop3A_1589 = arith.constant 80 : index
        %parallel_loop3A_1590 = tpu.vector_load %arg9[%parallel_loop3A_1587, %parallel_loop3A_1588, %parallel_loop3A_1589] {strides = array<i32>} : memref<2x168x128xf32, #tpu.memory_space<vmem>>, vector<1x1x16xf32>,
        %parallel_loop3A_1591 = vector.shape_cast %parallel_loop3A_1590 : vector<1x1x16xf32> to vector<16xf32>
        %parallel_loop3A_1592 = vector.shape_cast %parallel_loop3A_1584 : vector<16xf32> to vector<1x1x16xf32>
        tpu.vector_store %arg9[%parallel_loop3A_1587, %parallel_loop3A_1588, %parallel_loop3A_1589], %parallel_loop3A_1592 {strides = array<i32>} : memref<2x168x128xf32, #tpu.memory_space<vmem>>, vector<1x1x16xf32>,
        %parallel_loop3A_1593 = arith.constant 3 : i32
        %parallel_loop3A_1594 = arith.addi %parallel_loop3A_255, %parallel_loop3A_1593 : i32
        %parallel_loop3A_1595 = arith.constant 0 : i32
        %parallel_loop3A_1596 = arith.index_cast %select_n3A_187 : i32 to index
        %parallel_loop3A_1597 = arith.index_cast %parallel_loop3A_1595 : i32 to index
        %parallel_loop3A_1598 = arith.index_cast %parallel_loop3A_1594 : i32 to index
        %parallel_loop3A_1599 = arith.constant 64 : index
        %parallel_loop3A_1600 = tpu.vector_load %arg8[%parallel_loop3A_1596, %parallel_loop3A_1597, %parallel_loop3A_1598, %parallel_loop3A_1599] {strides = array<i32>} : memref<3x2x48x224xf32, #tpu.memory_space<vmem>>, vector<1x1x1x16xf32>,
        %parallel_loop3A_1601 = vector.shape_cast %parallel_loop3A_1600 : vector<1x1x1x16xf32> to vector<16xf32>
        %parallel_loop3A_1602 = arith.constant 3 : i32
        %parallel_loop3A_1603 = arith.addi %parallel_loop3A_255, %parallel_loop3A_1602 : i32
        %parallel_loop3A_1604 = arith.constant 1 : i32
        %parallel_loop3A_1605 = arith.index_cast %select_n3A_187 : i32 to index
        %parallel_loop3A_1606 = arith.index_cast %parallel_loop3A_1604 : i32 to index
        %parallel_loop3A_1607 = arith.index_cast %parallel_loop3A_1603 : i32 to index
        %parallel_loop3A_1608 = arith.constant 64 : index
        %parallel_loop3A_1609 = tpu.vector_load %arg8[%parallel_loop3A_1605, %parallel_loop3A_1606, %parallel_loop3A_1607, %parallel_loop3A_1608] {strides = array<i32>} : memref<3x2x48x224xf32, #tpu.memory_space<vmem>>, vector<1x1x1x16xf32>,
        %parallel_loop3A_1610 = vector.shape_cast %parallel_loop3A_1609 : vector<1x1x1x16xf32> to vector<16xf32>
        %parallel_loop3A_1611 = arith.mulf %get3A_236, %parallel_loop3A_1601 : vector<16xf32>
        %parallel_loop3A_1612 = arith.mulf %get3A_242, %parallel_loop3A_1610 : vector<16xf32>
        %parallel_loop3A_1613 = arith.addf %parallel_loop3A_1611, %parallel_loop3A_1612 : vector<16xf32>
        %parallel_loop3A_1614 = arith.constant 5 : i32
        %parallel_loop3A_1615 = arith.addi %parallel_loop3A_258, %parallel_loop3A_1614 : i32
        %parallel_loop3A_1616 = arith.index_cast %select_n3A_203 : i32 to index
        %parallel_loop3A_1617 = arith.index_cast %parallel_loop3A_1615 : i32 to index
        %parallel_loop3A_1618 = arith.constant 96 : index
        %parallel_loop3A_1619 = tpu.vector_load %arg9[%parallel_loop3A_1616, %parallel_loop3A_1617, %parallel_loop3A_1618] {strides = array<i32>} : memref<2x168x128xf32, #tpu.memory_space<vmem>>, vector<1x1x16xf32>,
        %parallel_loop3A_1620 = vector.shape_cast %parallel_loop3A_1619 : vector<1x1x16xf32> to vector<16xf32>
        %parallel_loop3A_1621 = vector.shape_cast %parallel_loop3A_1613 : vector<16xf32> to vector<1x1x16xf32>
        tpu.vector_store %arg9[%parallel_loop3A_1616, %parallel_loop3A_1617, %parallel_loop3A_1618], %parallel_loop3A_1621 {strides = array<i32>} : memref<2x168x128xf32, #tpu.memory_space<vmem>>, vector<1x1x16xf32>,
        %parallel_loop3A_1622 = arith.constant 3 : i32
        %parallel_loop3A_1623 = arith.addi %parallel_loop3A_255, %parallel_loop3A_1622 : i32
        %parallel_loop3A_1624 = arith.constant 0 : i32
        %parallel_loop3A_1625 = arith.index_cast %select_n3A_187 : i32 to index
        %parallel_loop3A_1626 = arith.index_cast %parallel_loop3A_1624 : i32 to index
        %parallel_loop3A_1627 = arith.index_cast %parallel_loop3A_1623 : i32 to index
        %parallel_loop3A_1628 = arith.constant 80 : index
        %parallel_loop3A_1629 = tpu.vector_load %arg8[%parallel_loop3A_1625, %parallel_loop3A_1626, %parallel_loop3A_1627, %parallel_loop3A_1628] {strides = array<i32>} : memref<3x2x48x224xf32, #tpu.memory_space<vmem>>, vector<1x1x1x16xf32>,
        %parallel_loop3A_1630 = vector.shape_cast %parallel_loop3A_1629 : vector<1x1x1x16xf32> to vector<16xf32>
        %parallel_loop3A_1631 = arith.constant 3 : i32
        %parallel_loop3A_1632 = arith.addi %parallel_loop3A_255, %parallel_loop3A_1631 : i32
        %parallel_loop3A_1633 = arith.constant 1 : i32
        %parallel_loop3A_1634 = arith.index_cast %select_n3A_187 : i32 to index
        %parallel_loop3A_1635 = arith.index_cast %parallel_loop3A_1633 : i32 to index
        %parallel_loop3A_1636 = arith.index_cast %parallel_loop3A_1632 : i32 to index
        %parallel_loop3A_1637 = arith.constant 80 : index
        %parallel_loop3A_1638 = tpu.vector_load %arg8[%parallel_loop3A_1634, %parallel_loop3A_1635, %parallel_loop3A_1636, %parallel_loop3A_1637] {strides = array<i32>} : memref<3x2x48x224xf32, #tpu.memory_space<vmem>>, vector<1x1x1x16xf32>,
        %parallel_loop3A_1639 = vector.shape_cast %parallel_loop3A_1638 : vector<1x1x1x16xf32> to vector<16xf32>
        %parallel_loop3A_1640 = arith.mulf %get3A_236, %parallel_loop3A_1630 : vector<16xf32>
        %parallel_loop3A_1641 = arith.mulf %get3A_242, %parallel_loop3A_1639 : vector<16xf32>
        %parallel_loop3A_1642 = arith.addf %parallel_loop3A_1640, %parallel_loop3A_1641 : vector<16xf32>
        %parallel_loop3A_1643 = arith.constant 5 : i32
        %parallel_loop3A_1644 = arith.addi %parallel_loop3A_258, %parallel_loop3A_1643 : i32
        %parallel_loop3A_1645 = arith.index_cast %select_n3A_203 : i32 to index
        %parallel_loop3A_1646 = arith.index_cast %parallel_loop3A_1644 : i32 to index
        %parallel_loop3A_1647 = arith.constant 112 : index
        %parallel_loop3A_1648 = tpu.vector_load %arg9[%parallel_loop3A_1645, %parallel_loop3A_1646, %parallel_loop3A_1647] {strides = array<i32>} : memref<2x168x128xf32, #tpu.memory_space<vmem>>, vector<1x1x16xf32>,
        %parallel_loop3A_1649 = vector.shape_cast %parallel_loop3A_1648 : vector<1x1x16xf32> to vector<16xf32>
        %parallel_loop3A_1650 = vector.shape_cast %parallel_loop3A_1642 : vector<16xf32> to vector<1x1x16xf32>
        tpu.vector_store %arg9[%parallel_loop3A_1645, %parallel_loop3A_1646, %parallel_loop3A_1647], %parallel_loop3A_1650 {strides = array<i32>} : memref<2x168x128xf32, #tpu.memory_space<vmem>>, vector<1x1x16xf32>,
        %parallel_loop3A_1651 = arith.constant 3 : i32
        %parallel_loop3A_1652 = arith.addi %parallel_loop3A_255, %parallel_loop3A_1651 : i32
        %parallel_loop3A_1653 = arith.constant 0 : i32
        %parallel_loop3A_1654 = arith.index_cast %select_n3A_187 : i32 to index
        %parallel_loop3A_1655 = arith.index_cast %parallel_loop3A_1653 : i32 to index
        %parallel_loop3A_1656 = arith.index_cast %parallel_loop3A_1652 : i32 to index
        %parallel_loop3A_1657 = arith.constant 96 : index
        %parallel_loop3A_1658 = tpu.vector_load %arg8[%parallel_loop3A_1654, %parallel_loop3A_1655, %parallel_loop3A_1656, %parallel_loop3A_1657] {strides = array<i32>} : memref<3x2x48x224xf32, #tpu.memory_space<vmem>>, vector<1x1x1x16xf32>,
        %parallel_loop3A_1659 = vector.shape_cast %parallel_loop3A_1658 : vector<1x1x1x16xf32> to vector<16xf32>
        %parallel_loop3A_1660 = arith.constant 3 : i32
        %parallel_loop3A_1661 = arith.addi %parallel_loop3A_255, %parallel_loop3A_1660 : i32
        %parallel_loop3A_1662 = arith.constant 1 : i32
        %parallel_loop3A_1663 = arith.index_cast %select_n3A_187 : i32 to index
        %parallel_loop3A_1664 = arith.index_cast %parallel_loop3A_1662 : i32 to index
        %parallel_loop3A_1665 = arith.index_cast %parallel_loop3A_1661 : i32 to index
        %parallel_loop3A_1666 = arith.constant 96 : index
        %parallel_loop3A_1667 = tpu.vector_load %arg8[%parallel_loop3A_1663, %parallel_loop3A_1664, %parallel_loop3A_1665, %parallel_loop3A_1666] {strides = array<i32>} : memref<3x2x48x224xf32, #tpu.memory_space<vmem>>, vector<1x1x1x16xf32>,
        %parallel_loop3A_1668 = vector.shape_cast %parallel_loop3A_1667 : vector<1x1x1x16xf32> to vector<16xf32>
        %parallel_loop3A_1669 = arith.mulf %get3A_236, %parallel_loop3A_1659 : vector<16xf32>
        %parallel_loop3A_1670 = arith.mulf %get3A_242, %parallel_loop3A_1668 : vector<16xf32>
        %parallel_loop3A_1671 = arith.addf %parallel_loop3A_1669, %parallel_loop3A_1670 : vector<16xf32>
        %parallel_loop3A_1672 = arith.constant 6 : i32
        %parallel_loop3A_1673 = arith.addi %parallel_loop3A_258, %parallel_loop3A_1672 : i32
        %parallel_loop3A_1674 = arith.index_cast %select_n3A_203 : i32 to index
        %parallel_loop3A_1675 = arith.index_cast %parallel_loop3A_1673 : i32 to index
        %parallel_loop3A_1676 = arith.constant 0 : index
        %parallel_loop3A_1677 = tpu.vector_load %arg9[%parallel_loop3A_1674, %parallel_loop3A_1675, %parallel_loop3A_1676] {strides = array<i32>} : memref<2x168x128xf32, #tpu.memory_space<vmem>>, vector<1x1x16xf32>,
        %parallel_loop3A_1678 = vector.shape_cast %parallel_loop3A_1677 : vector<1x1x16xf32> to vector<16xf32>
        %parallel_loop3A_1679 = vector.shape_cast %parallel_loop3A_1671 : vector<16xf32> to vector<1x1x16xf32>
        tpu.vector_store %arg9[%parallel_loop3A_1674, %parallel_loop3A_1675, %parallel_loop3A_1676], %parallel_loop3A_1679 {strides = array<i32>} : memref<2x168x128xf32, #tpu.memory_space<vmem>>, vector<1x1x16xf32>,
        %parallel_loop3A_1680 = arith.constant 3 : i32
        %parallel_loop3A_1681 = arith.addi %parallel_loop3A_255, %parallel_loop3A_1680 : i32
        %parallel_loop3A_1682 = arith.constant 0 : i32
        %parallel_loop3A_1683 = arith.index_cast %select_n3A_187 : i32 to index
        %parallel_loop3A_1684 = arith.index_cast %parallel_loop3A_1682 : i32 to index
        %parallel_loop3A_1685 = arith.index_cast %parallel_loop3A_1681 : i32 to index
        %parallel_loop3A_1686 = arith.constant 112 : index
        %parallel_loop3A_1687 = tpu.vector_load %arg8[%parallel_loop3A_1683, %parallel_loop3A_1684, %parallel_loop3A_1685, %parallel_loop3A_1686] {strides = array<i32>} : memref<3x2x48x224xf32, #tpu.memory_space<vmem>>, vector<1x1x1x16xf32>,
        %parallel_loop3A_1688 = vector.shape_cast %parallel_loop3A_1687 : vector<1x1x1x16xf32> to vector<16xf32>
        %parallel_loop3A_1689 = arith.constant 3 : i32
        %parallel_loop3A_1690 = arith.addi %parallel_loop3A_255, %parallel_loop3A_1689 : i32
        %parallel_loop3A_1691 = arith.constant 1 : i32
        %parallel_loop3A_1692 = arith.index_cast %select_n3A_187 : i32 to index
        %parallel_loop3A_1693 = arith.index_cast %parallel_loop3A_1691 : i32 to index
        %parallel_loop3A_1694 = arith.index_cast %parallel_loop3A_1690 : i32 to index
        %parallel_loop3A_1695 = arith.constant 112 : index
        %parallel_loop3A_1696 = tpu.vector_load %arg8[%parallel_loop3A_1692, %parallel_loop3A_1693, %parallel_loop3A_1694, %parallel_loop3A_1695] {strides = array<i32>} : memref<3x2x48x224xf32, #tpu.memory_space<vmem>>, vector<1x1x1x16xf32>,
        %parallel_loop3A_1697 = vector.shape_cast %parallel_loop3A_1696 : vector<1x1x1x16xf32> to vector<16xf32>
        %parallel_loop3A_1698 = arith.mulf %get3A_236, %parallel_loop3A_1688 : vector<16xf32>
        %parallel_loop3A_1699 = arith.mulf %get3A_242, %parallel_loop3A_1697 : vector<16xf32>
        %parallel_loop3A_1700 = arith.addf %parallel_loop3A_1698, %parallel_loop3A_1699 : vector<16xf32>
        %parallel_loop3A_1701 = arith.constant 6 : i32
        %parallel_loop3A_1702 = arith.addi %parallel_loop3A_258, %parallel_loop3A_1701 : i32
        %parallel_loop3A_1703 = arith.index_cast %select_n3A_203 : i32 to index
        %parallel_loop3A_1704 = arith.index_cast %parallel_loop3A_1702 : i32 to index
        %parallel_loop3A_1705 = arith.constant 16 : index
        %parallel_loop3A_1706 = tpu.vector_load %arg9[%parallel_loop3A_1703, %parallel_loop3A_1704, %parallel_loop3A_1705] {strides = array<i32>} : memref<2x168x128xf32, #tpu.memory_space<vmem>>, vector<1x1x16xf32>,
        %parallel_loop3A_1707 = vector.shape_cast %parallel_loop3A_1706 : vector<1x1x16xf32> to vector<16xf32>
        %parallel_loop3A_1708 = vector.shape_cast %parallel_loop3A_1700 : vector<16xf32> to vector<1x1x16xf32>
        tpu.vector_store %arg9[%parallel_loop3A_1703, %parallel_loop3A_1704, %parallel_loop3A_1705], %parallel_loop3A_1708 {strides = array<i32>} : memref<2x168x128xf32, #tpu.memory_space<vmem>>, vector<1x1x16xf32>,
        %parallel_loop3A_1709 = arith.constant 3 : i32
        %parallel_loop3A_1710 = arith.addi %parallel_loop3A_255, %parallel_loop3A_1709 : i32
        %parallel_loop3A_1711 = arith.constant 0 : i32
        %parallel_loop3A_1712 = arith.index_cast %select_n3A_187 : i32 to index
        %parallel_loop3A_1713 = arith.index_cast %parallel_loop3A_1711 : i32 to index
        %parallel_loop3A_1714 = arith.index_cast %parallel_loop3A_1710 : i32 to index
        %parallel_loop3A_1715 = arith.constant 128 : index
        %parallel_loop3A_1716 = tpu.vector_load %arg8[%parallel_loop3A_1712, %parallel_loop3A_1713, %parallel_loop3A_1714, %parallel_loop3A_1715] {strides = array<i32>} : memref<3x2x48x224xf32, #tpu.memory_space<vmem>>, vector<1x1x1x16xf32>,
        %parallel_loop3A_1717 = vector.shape_cast %parallel_loop3A_1716 : vector<1x1x1x16xf32> to vector<16xf32>
        %parallel_loop3A_1718 = arith.constant 3 : i32
        %parallel_loop3A_1719 = arith.addi %parallel_loop3A_255, %parallel_loop3A_1718 : i32
        %parallel_loop3A_1720 = arith.constant 1 : i32
        %parallel_loop3A_1721 = arith.index_cast %select_n3A_187 : i32 to index
        %parallel_loop3A_1722 = arith.index_cast %parallel_loop3A_1720 : i32 to index
        %parallel_loop3A_1723 = arith.index_cast %parallel_loop3A_1719 : i32 to index
        %parallel_loop3A_1724 = arith.constant 128 : index
        %parallel_loop3A_1725 = tpu.vector_load %arg8[%parallel_loop3A_1721, %parallel_loop3A_1722, %parallel_loop3A_1723, %parallel_loop3A_1724] {strides = array<i32>} : memref<3x2x48x224xf32, #tpu.memory_space<vmem>>, vector<1x1x1x16xf32>,
        %parallel_loop3A_1726 = vector.shape_cast %parallel_loop3A_1725 : vector<1x1x1x16xf32> to vector<16xf32>
        %parallel_loop3A_1727 = arith.mulf %get3A_236, %parallel_loop3A_1717 : vector<16xf32>
        %parallel_loop3A_1728 = arith.mulf %get3A_242, %parallel_loop3A_1726 : vector<16xf32>
        %parallel_loop3A_1729 = arith.addf %parallel_loop3A_1727, %parallel_loop3A_1728 : vector<16xf32>
        %parallel_loop3A_1730 = arith.constant 6 : i32
        %parallel_loop3A_1731 = arith.addi %parallel_loop3A_258, %parallel_loop3A_1730 : i32
        %parallel_loop3A_1732 = arith.index_cast %select_n3A_203 : i32 to index
        %parallel_loop3A_1733 = arith.index_cast %parallel_loop3A_1731 : i32 to index
        %parallel_loop3A_1734 = arith.constant 32 : index
        %parallel_loop3A_1735 = tpu.vector_load %arg9[%parallel_loop3A_1732, %parallel_loop3A_1733, %parallel_loop3A_1734] {strides = array<i32>} : memref<2x168x128xf32, #tpu.memory_space<vmem>>, vector<1x1x16xf32>,
        %parallel_loop3A_1736 = vector.shape_cast %parallel_loop3A_1735 : vector<1x1x16xf32> to vector<16xf32>
        %parallel_loop3A_1737 = vector.shape_cast %parallel_loop3A_1729 : vector<16xf32> to vector<1x1x16xf32>
        tpu.vector_store %arg9[%parallel_loop3A_1732, %parallel_loop3A_1733, %parallel_loop3A_1734], %parallel_loop3A_1737 {strides = array<i32>} : memref<2x168x128xf32, #tpu.memory_space<vmem>>, vector<1x1x16xf32>,
        %parallel_loop3A_1738 = arith.constant 3 : i32
        %parallel_loop3A_1739 = arith.addi %parallel_loop3A_255, %parallel_loop3A_1738 : i32
        %parallel_loop3A_1740 = arith.constant 0 : i32
        %parallel_loop3A_1741 = arith.index_cast %select_n3A_187 : i32 to index
        %parallel_loop3A_1742 = arith.index_cast %parallel_loop3A_1740 : i32 to index
        %parallel_loop3A_1743 = arith.index_cast %parallel_loop3A_1739 : i32 to index
        %parallel_loop3A_1744 = arith.constant 144 : index
        %parallel_loop3A_1745 = tpu.vector_load %arg8[%parallel_loop3A_1741, %parallel_loop3A_1742, %parallel_loop3A_1743, %parallel_loop3A_1744] {strides = array<i32>} : memref<3x2x48x224xf32, #tpu.memory_space<vmem>>, vector<1x1x1x16xf32>,
        %parallel_loop3A_1746 = vector.shape_cast %parallel_loop3A_1745 : vector<1x1x1x16xf32> to vector<16xf32>
        %parallel_loop3A_1747 = arith.constant 3 : i32
        %parallel_loop3A_1748 = arith.addi %parallel_loop3A_255, %parallel_loop3A_1747 : i32
        %parallel_loop3A_1749 = arith.constant 1 : i32
        %parallel_loop3A_1750 = arith.index_cast %select_n3A_187 : i32 to index
        %parallel_loop3A_1751 = arith.index_cast %parallel_loop3A_1749 : i32 to index
        %parallel_loop3A_1752 = arith.index_cast %parallel_loop3A_1748 : i32 to index
        %parallel_loop3A_1753 = arith.constant 144 : index
        %parallel_loop3A_1754 = tpu.vector_load %arg8[%parallel_loop3A_1750, %parallel_loop3A_1751, %parallel_loop3A_1752, %parallel_loop3A_1753] {strides = array<i32>} : memref<3x2x48x224xf32, #tpu.memory_space<vmem>>, vector<1x1x1x16xf32>,
        %parallel_loop3A_1755 = vector.shape_cast %parallel_loop3A_1754 : vector<1x1x1x16xf32> to vector<16xf32>
        %parallel_loop3A_1756 = arith.mulf %get3A_236, %parallel_loop3A_1746 : vector<16xf32>
        %parallel_loop3A_1757 = arith.mulf %get3A_242, %parallel_loop3A_1755 : vector<16xf32>
        %parallel_loop3A_1758 = arith.addf %parallel_loop3A_1756, %parallel_loop3A_1757 : vector<16xf32>
        %parallel_loop3A_1759 = arith.constant 6 : i32
        %parallel_loop3A_1760 = arith.addi %parallel_loop3A_258, %parallel_loop3A_1759 : i32
        %parallel_loop3A_1761 = arith.index_cast %select_n3A_203 : i32 to index
        %parallel_loop3A_1762 = arith.index_cast %parallel_loop3A_1760 : i32 to index
        %parallel_loop3A_1763 = arith.constant 48 : index
        %parallel_loop3A_1764 = tpu.vector_load %arg9[%parallel_loop3A_1761, %parallel_loop3A_1762, %parallel_loop3A_1763] {strides = array<i32>} : memref<2x168x128xf32, #tpu.memory_space<vmem>>, vector<1x1x16xf32>,
        %parallel_loop3A_1765 = vector.shape_cast %parallel_loop3A_1764 : vector<1x1x16xf32> to vector<16xf32>
        %parallel_loop3A_1766 = vector.shape_cast %parallel_loop3A_1758 : vector<16xf32> to vector<1x1x16xf32>
        tpu.vector_store %arg9[%parallel_loop3A_1761, %parallel_loop3A_1762, %parallel_loop3A_1763], %parallel_loop3A_1766 {strides = array<i32>} : memref<2x168x128xf32, #tpu.memory_space<vmem>>, vector<1x1x16xf32>,
        %parallel_loop3A_1767 = arith.constant 3 : i32
        %parallel_loop3A_1768 = arith.addi %parallel_loop3A_255, %parallel_loop3A_1767 : i32
        %parallel_loop3A_1769 = arith.constant 0 : i32
        %parallel_loop3A_1770 = arith.index_cast %select_n3A_187 : i32 to index
        %parallel_loop3A_1771 = arith.index_cast %parallel_loop3A_1769 : i32 to index
        %parallel_loop3A_1772 = arith.index_cast %parallel_loop3A_1768 : i32 to index
        %parallel_loop3A_1773 = arith.constant 160 : index
        %parallel_loop3A_1774 = tpu.vector_load %arg8[%parallel_loop3A_1770, %parallel_loop3A_1771, %parallel_loop3A_1772, %parallel_loop3A_1773] {strides = array<i32>} : memref<3x2x48x224xf32, #tpu.memory_space<vmem>>, vector<1x1x1x16xf32>,
        %parallel_loop3A_1775 = vector.shape_cast %parallel_loop3A_1774 : vector<1x1x1x16xf32> to vector<16xf32>
        %parallel_loop3A_1776 = arith.constant 3 : i32
        %parallel_loop3A_1777 = arith.addi %parallel_loop3A_255, %parallel_loop3A_1776 : i32
        %parallel_loop3A_1778 = arith.constant 1 : i32
        %parallel_loop3A_1779 = arith.index_cast %select_n3A_187 : i32 to index
        %parallel_loop3A_1780 = arith.index_cast %parallel_loop3A_1778 : i32 to index
        %parallel_loop3A_1781 = arith.index_cast %parallel_loop3A_1777 : i32 to index
        %parallel_loop3A_1782 = arith.constant 160 : index
        %parallel_loop3A_1783 = tpu.vector_load %arg8[%parallel_loop3A_1779, %parallel_loop3A_1780, %parallel_loop3A_1781, %parallel_loop3A_1782] {strides = array<i32>} : memref<3x2x48x224xf32, #tpu.memory_space<vmem>>, vector<1x1x1x16xf32>,
        %parallel_loop3A_1784 = vector.shape_cast %parallel_loop3A_1783 : vector<1x1x1x16xf32> to vector<16xf32>
        %parallel_loop3A_1785 = arith.mulf %get3A_236, %parallel_loop3A_1775 : vector<16xf32>
        %parallel_loop3A_1786 = arith.mulf %get3A_242, %parallel_loop3A_1784 : vector<16xf32>
        %parallel_loop3A_1787 = arith.addf %parallel_loop3A_1785, %parallel_loop3A_1786 : vector<16xf32>
        %parallel_loop3A_1788 = arith.constant 6 : i32
        %parallel_loop3A_1789 = arith.addi %parallel_loop3A_258, %parallel_loop3A_1788 : i32
        %parallel_loop3A_1790 = arith.index_cast %select_n3A_203 : i32 to index
        %parallel_loop3A_1791 = arith.index_cast %parallel_loop3A_1789 : i32 to index
        %parallel_loop3A_1792 = arith.constant 64 : index
        %parallel_loop3A_1793 = tpu.vector_load %arg9[%parallel_loop3A_1790, %parallel_loop3A_1791, %parallel_loop3A_1792] {strides = array<i32>} : memref<2x168x128xf32, #tpu.memory_space<vmem>>, vector<1x1x16xf32>,
        %parallel_loop3A_1794 = vector.shape_cast %parallel_loop3A_1793 : vector<1x1x16xf32> to vector<16xf32>
        %parallel_loop3A_1795 = vector.shape_cast %parallel_loop3A_1787 : vector<16xf32> to vector<1x1x16xf32>
        tpu.vector_store %arg9[%parallel_loop3A_1790, %parallel_loop3A_1791, %parallel_loop3A_1792], %parallel_loop3A_1795 {strides = array<i32>} : memref<2x168x128xf32, #tpu.memory_space<vmem>>, vector<1x1x16xf32>,
        %parallel_loop3A_1796 = arith.constant 3 : i32
        %parallel_loop3A_1797 = arith.addi %parallel_loop3A_255, %parallel_loop3A_1796 : i32
        %parallel_loop3A_1798 = arith.constant 0 : i32
        %parallel_loop3A_1799 = arith.index_cast %select_n3A_187 : i32 to index
        %parallel_loop3A_1800 = arith.index_cast %parallel_loop3A_1798 : i32 to index
        %parallel_loop3A_1801 = arith.index_cast %parallel_loop3A_1797 : i32 to index
        %parallel_loop3A_1802 = arith.constant 176 : index
        %parallel_loop3A_1803 = tpu.vector_load %arg8[%parallel_loop3A_1799, %parallel_loop3A_1800, %parallel_loop3A_1801, %parallel_loop3A_1802] {strides = array<i32>} : memref<3x2x48x224xf32, #tpu.memory_space<vmem>>, vector<1x1x1x16xf32>,
        %parallel_loop3A_1804 = vector.shape_cast %parallel_loop3A_1803 : vector<1x1x1x16xf32> to vector<16xf32>
        %parallel_loop3A_1805 = arith.constant 3 : i32
        %parallel_loop3A_1806 = arith.addi %parallel_loop3A_255, %parallel_loop3A_1805 : i32
        %parallel_loop3A_1807 = arith.constant 1 : i32
        %parallel_loop3A_1808 = arith.index_cast %select_n3A_187 : i32 to index
        %parallel_loop3A_1809 = arith.index_cast %parallel_loop3A_1807 : i32 to index
        %parallel_loop3A_1810 = arith.index_cast %parallel_loop3A_1806 : i32 to index
        %parallel_loop3A_1811 = arith.constant 176 : index
        %parallel_loop3A_1812 = tpu.vector_load %arg8[%parallel_loop3A_1808, %parallel_loop3A_1809, %parallel_loop3A_1810, %parallel_loop3A_1811] {strides = array<i32>} : memref<3x2x48x224xf32, #tpu.memory_space<vmem>>, vector<1x1x1x16xf32>,
        %parallel_loop3A_1813 = vector.shape_cast %parallel_loop3A_1812 : vector<1x1x1x16xf32> to vector<16xf32>
        %parallel_loop3A_1814 = arith.mulf %get3A_236, %parallel_loop3A_1804 : vector<16xf32>
        %parallel_loop3A_1815 = arith.mulf %get3A_242, %parallel_loop3A_1813 : vector<16xf32>
        %parallel_loop3A_1816 = arith.addf %parallel_loop3A_1814, %parallel_loop3A_1815 : vector<16xf32>
        %parallel_loop3A_1817 = arith.constant 6 : i32
        %parallel_loop3A_1818 = arith.addi %parallel_loop3A_258, %parallel_loop3A_1817 : i32
        %parallel_loop3A_1819 = arith.index_cast %select_n3A_203 : i32 to index
        %parallel_loop3A_1820 = arith.index_cast %parallel_loop3A_1818 : i32 to index
        %parallel_loop3A_1821 = arith.constant 80 : index
        %parallel_loop3A_1822 = tpu.vector_load %arg9[%parallel_loop3A_1819, %parallel_loop3A_1820, %parallel_loop3A_1821] {strides = array<i32>} : memref<2x168x128xf32, #tpu.memory_space<vmem>>, vector<1x1x16xf32>,
        %parallel_loop3A_1823 = vector.shape_cast %parallel_loop3A_1822 : vector<1x1x16xf32> to vector<16xf32>
        %parallel_loop3A_1824 = vector.shape_cast %parallel_loop3A_1816 : vector<16xf32> to vector<1x1x16xf32>
        tpu.vector_store %arg9[%parallel_loop3A_1819, %parallel_loop3A_1820, %parallel_loop3A_1821], %parallel_loop3A_1824 {strides = array<i32>} : memref<2x168x128xf32, #tpu.memory_space<vmem>>, vector<1x1x16xf32>,
        %parallel_loop3A_1825 = arith.constant 3 : i32
        %parallel_loop3A_1826 = arith.addi %parallel_loop3A_255, %parallel_loop3A_1825 : i32
        %parallel_loop3A_1827 = arith.constant 0 : i32
        %parallel_loop3A_1828 = arith.index_cast %select_n3A_187 : i32 to index
        %parallel_loop3A_1829 = arith.index_cast %parallel_loop3A_1827 : i32 to index
        %parallel_loop3A_1830 = arith.index_cast %parallel_loop3A_1826 : i32 to index
        %parallel_loop3A_1831 = arith.constant 192 : index
        %parallel_loop3A_1832 = tpu.vector_load %arg8[%parallel_loop3A_1828, %parallel_loop3A_1829, %parallel_loop3A_1830, %parallel_loop3A_1831] {strides = array<i32>} : memref<3x2x48x224xf32, #tpu.memory_space<vmem>>, vector<1x1x1x16xf32>,
        %parallel_loop3A_1833 = vector.shape_cast %parallel_loop3A_1832 : vector<1x1x1x16xf32> to vector<16xf32>
        %parallel_loop3A_1834 = arith.constant 3 : i32
        %parallel_loop3A_1835 = arith.addi %parallel_loop3A_255, %parallel_loop3A_1834 : i32
        %parallel_loop3A_1836 = arith.constant 1 : i32
        %parallel_loop3A_1837 = arith.index_cast %select_n3A_187 : i32 to index
        %parallel_loop3A_1838 = arith.index_cast %parallel_loop3A_1836 : i32 to index
        %parallel_loop3A_1839 = arith.index_cast %parallel_loop3A_1835 : i32 to index
        %parallel_loop3A_1840 = arith.constant 192 : index
        %parallel_loop3A_1841 = tpu.vector_load %arg8[%parallel_loop3A_1837, %parallel_loop3A_1838, %parallel_loop3A_1839, %parallel_loop3A_1840] {strides = array<i32>} : memref<3x2x48x224xf32, #tpu.memory_space<vmem>>, vector<1x1x1x16xf32>,
        %parallel_loop3A_1842 = vector.shape_cast %parallel_loop3A_1841 : vector<1x1x1x16xf32> to vector<16xf32>
        %parallel_loop3A_1843 = arith.mulf %get3A_236, %parallel_loop3A_1833 : vector<16xf32>
        %parallel_loop3A_1844 = arith.mulf %get3A_242, %parallel_loop3A_1842 : vector<16xf32>
        %parallel_loop3A_1845 = arith.addf %parallel_loop3A_1843, %parallel_loop3A_1844 : vector<16xf32>
        %parallel_loop3A_1846 = arith.constant 6 : i32
        %parallel_loop3A_1847 = arith.addi %parallel_loop3A_258, %parallel_loop3A_1846 : i32
        %parallel_loop3A_1848 = arith.index_cast %select_n3A_203 : i32 to index
        %parallel_loop3A_1849 = arith.index_cast %parallel_loop3A_1847 : i32 to index
        %parallel_loop3A_1850 = arith.constant 96 : index
        %parallel_loop3A_1851 = tpu.vector_load %arg9[%parallel_loop3A_1848, %parallel_loop3A_1849, %parallel_loop3A_1850] {strides = array<i32>} : memref<2x168x128xf32, #tpu.memory_space<vmem>>, vector<1x1x16xf32>,
        %parallel_loop3A_1852 = vector.shape_cast %parallel_loop3A_1851 : vector<1x1x16xf32> to vector<16xf32>
        %parallel_loop3A_1853 = vector.shape_cast %parallel_loop3A_1845 : vector<16xf32> to vector<1x1x16xf32>
        tpu.vector_store %arg9[%parallel_loop3A_1848, %parallel_loop3A_1849, %parallel_loop3A_1850], %parallel_loop3A_1853 {strides = array<i32>} : memref<2x168x128xf32, #tpu.memory_space<vmem>>, vector<1x1x16xf32>,
        %parallel_loop3A_1854 = arith.constant 3 : i32
        %parallel_loop3A_1855 = arith.addi %parallel_loop3A_255, %parallel_loop3A_1854 : i32
        %parallel_loop3A_1856 = arith.constant 0 : i32
        %parallel_loop3A_1857 = arith.index_cast %select_n3A_187 : i32 to index
        %parallel_loop3A_1858 = arith.index_cast %parallel_loop3A_1856 : i32 to index
        %parallel_loop3A_1859 = arith.index_cast %parallel_loop3A_1855 : i32 to index
        %parallel_loop3A_1860 = arith.constant 208 : index
        %parallel_loop3A_1861 = tpu.vector_load %arg8[%parallel_loop3A_1857, %parallel_loop3A_1858, %parallel_loop3A_1859, %parallel_loop3A_1860] {strides = array<i32>} : memref<3x2x48x224xf32, #tpu.memory_space<vmem>>, vector<1x1x1x16xf32>,
        %parallel_loop3A_1862 = vector.shape_cast %parallel_loop3A_1861 : vector<1x1x1x16xf32> to vector<16xf32>
        %parallel_loop3A_1863 = arith.constant 3 : i32
        %parallel_loop3A_1864 = arith.addi %parallel_loop3A_255, %parallel_loop3A_1863 : i32
        %parallel_loop3A_1865 = arith.constant 1 : i32
        %parallel_loop3A_1866 = arith.index_cast %select_n3A_187 : i32 to index
        %parallel_loop3A_1867 = arith.index_cast %parallel_loop3A_1865 : i32 to index
        %parallel_loop3A_1868 = arith.index_cast %parallel_loop3A_1864 : i32 to index
        %parallel_loop3A_1869 = arith.constant 208 : index
        %parallel_loop3A_1870 = tpu.vector_load %arg8[%parallel_loop3A_1866, %parallel_loop3A_1867, %parallel_loop3A_1868, %parallel_loop3A_1869] {strides = array<i32>} : memref<3x2x48x224xf32, #tpu.memory_space<vmem>>, vector<1x1x1x16xf32>,
        %parallel_loop3A_1871 = vector.shape_cast %parallel_loop3A_1870 : vector<1x1x1x16xf32> to vector<16xf32>
        %parallel_loop3A_1872 = arith.mulf %get3A_236, %parallel_loop3A_1862 : vector<16xf32>
        %parallel_loop3A_1873 = arith.mulf %get3A_242, %parallel_loop3A_1871 : vector<16xf32>
        %parallel_loop3A_1874 = arith.addf %parallel_loop3A_1872, %parallel_loop3A_1873 : vector<16xf32>
        %parallel_loop3A_1875 = arith.constant 6 : i32
        %parallel_loop3A_1876 = arith.addi %parallel_loop3A_258, %parallel_loop3A_1875 : i32
        %parallel_loop3A_1877 = arith.index_cast %select_n3A_203 : i32 to index
        %parallel_loop3A_1878 = arith.index_cast %parallel_loop3A_1876 : i32 to index
        %parallel_loop3A_1879 = arith.constant 112 : index
        %parallel_loop3A_1880 = tpu.vector_load %arg9[%parallel_loop3A_1877, %parallel_loop3A_1878, %parallel_loop3A_1879] {strides = array<i32>} : memref<2x168x128xf32, #tpu.memory_space<vmem>>, vector<1x1x16xf32>,
        %parallel_loop3A_1881 = vector.shape_cast %parallel_loop3A_1880 : vector<1x1x16xf32> to vector<16xf32>
        %parallel_loop3A_1882 = vector.shape_cast %parallel_loop3A_1874 : vector<16xf32> to vector<1x1x16xf32>
        tpu.vector_store %arg9[%parallel_loop3A_1877, %parallel_loop3A_1878, %parallel_loop3A_1879], %parallel_loop3A_1882 {strides = array<i32>} : memref<2x168x128xf32, #tpu.memory_space<vmem>>, vector<1x1x16xf32>,
      } {sc.loop_unroll_factor = 1 : i64, sc.parallel_access}
      %eq3A_247 = arith.constant 1 : i32
      %eq3A_248 = arith.cmpi eq, %select_n3A_171, %eq3A_247 : i32
      %convert_element_type3A_249 = arith.extui %eq3A_248 : i1 to i32
      %cond3A_250 = arith.constant 0 : i32
      %cond3A_251 = arith.cmpi ne, %convert_element_type3A_249, %cond3A_250 : i32
      scf.if %cond3A_251 {
        %eq3A_253 = arith.constant 0 : i32
        %eq3A_254 = arith.cmpi eq, %select_n3A_203, %eq3A_253 : i32
        %convert_element_type3A_255 = arith.extui %eq3A_254 : i1 to i32
        %cond3A_256 = arith.constant 0 : i32
        %cond3A_257 = arith.cmpi ne, %convert_element_type3A_255, %cond3A_256 : i32
        scf.if %cond3A_257 {
          %add3A_263 = arith.addi %mul3A_2, %select_n3A : i32
          %dma_start3A_264 = arith.constant 0 : i32
          %dma_start3A_265 = arith.constant 0 : i32
          %dma_start3A_266 = arith.constant 0 : i32
          %dma_start3A_267 = tpu.memref_slice %arg9[%dma_start3A_264, %dma_start3A_265, %dma_start3A_266] : memref<2x168x128xf32, #tpu.memory_space<vmem>> -> memref<1x168x128xf32, #tpu.memory_space<vmem>>
          %dma_start3A_268 = tpu.memref_squeeze %dma_start3A_267 : memref<1x168x128xf32, #tpu.memory_space<vmem>> -> memref<168x128xf32, #tpu.memory_space<vmem>>
          %dma_start3A_269 = arith.constant 0 : i32
          %dma_start3A_270 = arith.constant 0 : i32
          %dma_start3A_271 = tpu.memref_slice %arg5[%add3A_263, %dma_start3A_269, %dma_start3A_270] : memref<1024x168x128xf32, #tpu.memory_space<hbm>> -> memref<1x168x128xf32, #tpu.memory_space<hbm>>
          %dma_start3A_272 = tpu.memref_squeeze %dma_start3A_271 : memref<1x168x128xf32, #tpu.memory_space<hbm>> -> memref<168x128xf32, #tpu.memory_space<hbm>>
          %dma_start3A_273 = arith.constant 0 : i32
          %dma_start3A_274 = arith.constant 0 : i32
          %dma_start3A_275 = tpu.memref_slice %arg5[%add3A_263, %dma_start3A_273, %dma_start3A_274] : memref<1024x168x128xf32, #tpu.memory_space<hbm>> -> memref<1x168x128xf32, #tpu.memory_space<hbm>>
          %dma_start3A_276 = tpu.memref_squeeze %dma_start3A_275 : memref<1x168x128xf32, #tpu.memory_space<hbm>> -> memref<168x128xf32, #tpu.memory_space<hbm>>
          %dma_start3A_277 = arith.constant 0 : i32
          %dma_start3A_278 = arith.constant 0 : i32
          %dma_start3A_279 = tpu.memref_slice %arg9[%dma_start3A_264, %dma_start3A_277, %dma_start3A_278] : memref<2x168x128xf32, #tpu.memory_space<vmem>> -> memref<1x168x128xf32, #tpu.memory_space<vmem>>
          %dma_start3A_280 = tpu.memref_squeeze %dma_start3A_279 : memref<1x168x128xf32, #tpu.memory_space<vmem>> -> memref<168x128xf32, #tpu.memory_space<vmem>>
          tpu.enqueue_dma source(%dma_start3A_280 : memref<168x128xf32, #tpu.memory_space<vmem>>) target(%dma_start3A_276 : memref<168x128xf32, #tpu.memory_space<hbm>>) target_semaphore(%arg13 : memref<!tpu.dma_semaphore, #tpu.memory_space<semaphore_mem>>)
        } else {
        }
        %eq3A_258 = arith.constant 1 : i32
        %eq3A_259 = arith.cmpi eq, %select_n3A_203, %eq3A_258 : i32
        %convert_element_type3A_260 = arith.extui %eq3A_259 : i1 to i32
        %cond3A_261 = arith.constant 0 : i32
        %cond3A_262 = arith.cmpi ne, %convert_element_type3A_260, %cond3A_261 : i32
        scf.if %cond3A_262 {
          %add3A_263 = arith.addi %mul3A_2, %select_n3A : i32
          %dma_start3A_264 = arith.constant 1 : i32
          %dma_start3A_265 = arith.constant 0 : i32
          %dma_start3A_266 = arith.constant 0 : i32
          %dma_start3A_267 = tpu.memref_slice %arg9[%dma_start3A_264, %dma_start3A_265, %dma_start3A_266] : memref<2x168x128xf32, #tpu.memory_space<vmem>> -> memref<1x168x128xf32, #tpu.memory_space<vmem>>
          %dma_start3A_268 = tpu.memref_squeeze %dma_start3A_267 : memref<1x168x128xf32, #tpu.memory_space<vmem>> -> memref<168x128xf32, #tpu.memory_space<vmem>>
          %dma_start3A_269 = arith.constant 0 : i32
          %dma_start3A_270 = arith.constant 0 : i32
          %dma_start3A_271 = tpu.memref_slice %arg5[%add3A_263, %dma_start3A_269, %dma_start3A_270] : memref<1024x168x128xf32, #tpu.memory_space<hbm>> -> memref<1x168x128xf32, #tpu.memory_space<hbm>>
          %dma_start3A_272 = tpu.memref_squeeze %dma_start3A_271 : memref<1x168x128xf32, #tpu.memory_space<hbm>> -> memref<168x128xf32, #tpu.memory_space<hbm>>
          %dma_start3A_273 = arith.constant 0 : i32
          %dma_start3A_274 = arith.constant 0 : i32
          %dma_start3A_275 = tpu.memref_slice %arg5[%add3A_263, %dma_start3A_273, %dma_start3A_274] : memref<1024x168x128xf32, #tpu.memory_space<hbm>> -> memref<1x168x128xf32, #tpu.memory_space<hbm>>
          %dma_start3A_276 = tpu.memref_squeeze %dma_start3A_275 : memref<1x168x128xf32, #tpu.memory_space<hbm>> -> memref<168x128xf32, #tpu.memory_space<hbm>>
          %dma_start3A_277 = arith.constant 0 : i32
          %dma_start3A_278 = arith.constant 0 : i32
          %dma_start3A_279 = tpu.memref_slice %arg9[%dma_start3A_264, %dma_start3A_277, %dma_start3A_278] : memref<2x168x128xf32, #tpu.memory_space<vmem>> -> memref<1x168x128xf32, #tpu.memory_space<vmem>>
          %dma_start3A_280 = tpu.memref_squeeze %dma_start3A_279 : memref<1x168x128xf32, #tpu.memory_space<vmem>> -> memref<168x128xf32, #tpu.memory_space<vmem>>
          tpu.enqueue_dma source(%dma_start3A_280 : memref<168x128xf32, #tpu.memory_space<vmem>>) target(%dma_start3A_276 : memref<168x128xf32, #tpu.memory_space<hbm>>) target_semaphore(%arg14 : memref<!tpu.dma_semaphore, #tpu.memory_space<semaphore_mem>>)
        } else {
        }
      } else {
      }
      %scan3A_252 = arith.constant 0 : i32
      scf.yield %scan3A_252 : i32
    }
    %scan3A_102 = arith.constant 64 : i32
    %add3A_103 = arith.constant 30 : i32
    %add3A_104 = arith.addi %mul3A_2, %add3A_103 : i32
    %dma_wait3A = arith.constant 0 : i32
    %dma_wait3A_105 = arith.constant 0 : i32
    %dma_wait3A_106 = arith.constant 0 : i32
    %dma_wait3A_107 = tpu.memref_slice %arg9[%dma_wait3A, %dma_wait3A_105, %dma_wait3A_106] : memref<2x168x128xf32, #tpu.memory_space<vmem>> -> memref<1x168x128xf32, #tpu.memory_space<vmem>>
    %dma_wait3A_108 = tpu.memref_squeeze %dma_wait3A_107 : memref<1x168x128xf32, #tpu.memory_space<vmem>> -> memref<168x128xf32, #tpu.memory_space<vmem>>
    %dma_wait3A_109 = arith.constant 0 : i32
    %dma_wait3A_110 = arith.constant 0 : i32
    %dma_wait3A_111 = tpu.memref_slice %arg5[%add3A_104, %dma_wait3A_109, %dma_wait3A_110] : memref<1024x168x128xf32, #tpu.memory_space<hbm>> -> memref<1x168x128xf32, #tpu.memory_space<hbm>>
    %dma_wait3A_112 = tpu.memref_squeeze %dma_wait3A_111 : memref<1x168x128xf32, #tpu.memory_space<hbm>> -> memref<168x128xf32, #tpu.memory_space<hbm>>
    %dma_wait3A_113 = arith.constant 0 : i32
    %dma_wait3A_114 = arith.constant 0 : i32
    %dma_wait3A_115 = tpu.memref_slice %arg5[%add3A_104, %dma_wait3A_113, %dma_wait3A_114] : memref<1024x168x128xf32, #tpu.memory_space<hbm>> -> memref<1x168x128xf32, #tpu.memory_space<hbm>>
    %dma_wait3A_116 = tpu.memref_squeeze %dma_wait3A_115 : memref<1x168x128xf32, #tpu.memory_space<hbm>> -> memref<168x128xf32, #tpu.memory_space<hbm>>
    %dma_wait3A_117 = arith.constant 0 : i32
    %dma_wait3A_118 = arith.constant 0 : i32
    %dma_wait3A_119 = tpu.memref_slice %arg9[%dma_wait3A, %dma_wait3A_117, %dma_wait3A_118] : memref<2x168x128xf32, #tpu.memory_space<vmem>> -> memref<1x168x128xf32, #tpu.memory_space<vmem>>
    %dma_wait3A_120 = tpu.memref_squeeze %dma_wait3A_119 : memref<1x168x128xf32, #tpu.memory_space<vmem>> -> memref<168x128xf32, #tpu.memory_space<vmem>>
    tpu.wait_dma2 semaphore(%arg13 : memref<!tpu.dma_semaphore, #tpu.memory_space<semaphore_mem>>) src(%dma_wait3A_120 : memref<168x128xf32, #tpu.memory_space<vmem>>) dst(%dma_wait3A_116 : memref<168x128xf32, #tpu.memory_space<hbm>>)
    %add3A_121 = arith.constant 31 : i32
    %add3A_122 = arith.addi %mul3A_2, %add3A_121 : i32
    %dma_wait3A_123 = arith.constant 1 : i32
    %dma_wait3A_124 = arith.constant 0 : i32
    %dma_wait3A_125 = arith.constant 0 : i32
    %dma_wait3A_126 = tpu.memref_slice %arg9[%dma_wait3A_123, %dma_wait3A_124, %dma_wait3A_125] : memref<2x168x128xf32, #tpu.memory_space<vmem>> -> memref<1x168x128xf32, #tpu.memory_space<vmem>>
    %dma_wait3A_127 = tpu.memref_squeeze %dma_wait3A_126 : memref<1x168x128xf32, #tpu.memory_space<vmem>> -> memref<168x128xf32, #tpu.memory_space<vmem>>
    %dma_wait3A_128 = arith.constant 0 : i32
    %dma_wait3A_129 = arith.constant 0 : i32
    %dma_wait3A_130 = tpu.memref_slice %arg5[%add3A_122, %dma_wait3A_128, %dma_wait3A_129] : memref<1024x168x128xf32, #tpu.memory_space<hbm>> -> memref<1x168x128xf32, #tpu.memory_space<hbm>>
    %dma_wait3A_131 = tpu.memref_squeeze %dma_wait3A_130 : memref<1x168x128xf32, #tpu.memory_space<hbm>> -> memref<168x128xf32, #tpu.memory_space<hbm>>
    %dma_wait3A_132 = arith.constant 0 : i32
    %dma_wait3A_133 = arith.constant 0 : i32
    %dma_wait3A_134 = tpu.memref_slice %arg5[%add3A_122, %dma_wait3A_132, %dma_wait3A_133] : memref<1024x168x128xf32, #tpu.memory_space<hbm>> -> memref<1x168x128xf32, #tpu.memory_space<hbm>>
    %dma_wait3A_135 = tpu.memref_squeeze %dma_wait3A_134 : memref<1x168x128xf32, #tpu.memory_space<hbm>> -> memref<168x128xf32, #tpu.memory_space<hbm>>
    %dma_wait3A_136 = arith.constant 0 : i32
    %dma_wait3A_137 = arith.constant 0 : i32
    %dma_wait3A_138 = tpu.memref_slice %arg9[%dma_wait3A_123, %dma_wait3A_136, %dma_wait3A_137] : memref<2x168x128xf32, #tpu.memory_space<vmem>> -> memref<1x168x128xf32, #tpu.memory_space<vmem>>
    %dma_wait3A_139 = tpu.memref_squeeze %dma_wait3A_138 : memref<1x168x128xf32, #tpu.memory_space<vmem>> -> memref<168x128xf32, #tpu.memory_space<vmem>>
    tpu.wait_dma2 semaphore(%arg14 : memref<!tpu.dma_semaphore, #tpu.memory_space<semaphore_mem>>) src(%dma_wait3A_139 : memref<168x128xf32, #tpu.memory_space<vmem>>) dst(%dma_wait3A_135 : memref<168x128xf32, #tpu.memory_space<hbm>>)
    return
  }
}

</mosaic_0001>

<sc_bundles>
// kernel: kernel.3.cloned.1.call-start
scs
__scs_entry_jumppad:
0x0: {  	(pc) =	sbr.rel $0x88, $3  }
0x1: {  	(tag) =	ssettag $0x0;
	lr =	simm.s32 $0x1  }
0x2: {  	[smem:$0x3F9F] =	sst lr;
	_ =	strace $0xD0000000  }
0x3: {  	_ = 	snop  }
0x4: {  	_ = 	snop  }
0x5: {  	_ = 	snop  }
0x6: {  	_ = 	snop  }
0x7: {  	_ = 	snop  }
__scs_overlays_trampoline_lowered:
0x8: {  	[smem:$0x3FAE] =	sst s0  }
0x9: {  	[smem:$0x3FAF] =	sst s1  }
0xa: {  	[smem:$0x3FB0] =	sst s2  }
0xb: {  	[smem:$0x3FB1] =	sst s3  }
0xc: {  	[smem:$0x3FB2] =	sst s4  }
0xd: {  	[smem:$0x3FB3] =	sst s5  }
0xe: {  	[smem:$0x3FB4] =	sst s6  }
0xf: {  	[smem:$0x3FB5] =	sst s7  }
0x10: {  	[smem:$0x3FB6] =	sst s8  }
0x11: {  	[smem:$0x3FB7] =	sst s9;
	s0 =	simm.s32 @!p0 $0x0  }
0x12: {  	s1 =	sld [smem:$0x3F9D];
	s0 =	simm.s32 @p0 $0x1  }
0x13: {  	[smem:$0x3FB8] =	sst s0;
	s0 =	simm.s32 @!p1 $0x0  }
0x14: {  	s2 =	sld [smem:$0x3F9C];
	s0 =	simm.s32 @p1 $0x1  }
0x15: {  	[smem:$0x3FB9] =	sst s0;
	s0 =	simm.s32 @!p2 $0x0  }
0x16: {  	s3 =	sld [smem:$0x3FDB];
	s0 =	simm.s32 @p2 $0x1  }
0x17: {  	s4 =	simm.s32 $0x1BF5;
	[smem:$0x3FBB] =	sst s0  }
0x18: {  	s0 =	sld [smem:$0x3F9E];
	_ =	swait.ge [sflag:s4], $0x0  }
0x19: {  	s7 =	sld [smem:$0x3F9F]  }
0x1a: {  	s8 =	sadd.s32 $0xFFFFE003, lr  }
0x1b: {  	s9 =	sadd.s32 $0xFFFFFEF7, lr;
	s5 =	simm.s32 $0xFFFFFFFF;
	p2 =	slt.u32 s8, $0xFFFFF086  }
0x1c: {  	p1 =	slt.u32 s9, $0xF7A;
	s5 =	simm.s32 @!p2 $0x0  }
0x1d: {  	s5 =	simm.s32 @p1 $0x1;
	p0 =	seq.s32 s7, s2  }
0x1e: {  	s7 =	smul.u32 @!p0 $0xF7A, s2;
	p2 =	seq.s32 @!p0 s5, $0x0  }
0x1f: {  	s9 =	smul.u32 $0xF7A, s1;
	s8 =	simm.s32 @!p0 $0x1BF5;
	p2 =	por !p2, p0  }
0x20: {  	[sflag:s8] =	ssyncset.s32 @!p0 $0xFFFFF086;
	s6 =	sadd.s32 @!p0 s3, s7;
	s7 =	simm.s32 @!p0 $0x108  }
0x21: {  	s3 =	sadd.s32 s3, s9;
	s6 =	sadd.s32 @!p0 $0x88, s6;
	s7 =	simm.s32 @p2 $0x1082  }
0x22: {  	[simem:s7], [sflag:s8] =	dma.local @!p0 [hbm:s6], $0xF7A  }
0x23: {  	s9 =	sor.u32 $0xD0000000, s2;
	s6 =	simm.s32 $0x108;
	_ =	swait.ge @!p0 [sflag:s8], $0x0  }
0x24: {  	s3 =	sadd.s32 $0x88, s3;
	s6 =	simm.s32 @!p1 $0x1082;
	[sflag:s4] =	ssyncset.s32 $0xFFFFF086  }
0x25: {  	[simem:s6], [sflag:s4] =	dma.local [hbm:s3], $0xF7A  }
0x26: {  	[smem:$0x3F9F] =	sst s1;
	(tag) =	ssettag s2;
	_ =	strace s9  }
0x27: {  	s1 =	sld [smem:$0x3FAF]  }
0x28: {  	s2 =	sld [smem:$0x3FB0]  }
0x29: {  	s4 =	sld [smem:$0x3FB2]  }
0x2a: {  	p0 =	seq.s32 s5, $0x0;
	s5 =	sld [smem:$0x3FB3]  }
0x2b: {  	s6 =	sld [smem:$0x3FB4]  }
0x2c: {  	s7 =	sld [smem:$0x3FB5]  }
0x2d: {  	s3 =	simm.s32 $0x108;
	s8 =	sld [smem:$0x3FB6]  }
0x2e: {  	s3 =	simm.s32 @!p0 $0x1082;
	s9 =	sld [smem:$0x3FB7]  }
0x2f: {  	lr =	sadd.s32 s0, s3;
	s0 =	sld [smem:$0x3FAE]  }
0x30: {  	s3 =	sld [smem:$0x3FB1]  }
0x31: {  	[smem:$0x3FBA] =	sst s10  }
0x32: {  	s10 =	sld [smem:$0x3FB8];
	_ =	sdelay $0x3  }
0x33: {  	p0 =	seq.s32 s10, $0x1;
	s10 =	sld [smem:$0x3FBA];
	_ =	sdelay $0x3  }
0x34: {  	[smem:$0x3FBA] =	sst s10  }
0x35: {  	s10 =	sld [smem:$0x3FB9];
	_ =	sdelay $0x3  }
0x36: {  	p1 =	seq.s32 s10, $0x1;
	s10 =	sld [smem:$0x3FBA];
	_ =	sdelay $0x3  }
0x37: {  	[smem:$0x3FBA] =	sst s10  }
0x38: {  	s10 =	sld [smem:$0x3FBB]  }
0x39: {  	_ = 	snop;
	(pc) =	sbr.ind lr, $3  }
0x3a: {  	_ = 	snop  }
0x3b: {  	_ = 	snop  }
0x3c: {  	p2 =	seq.s32 s10, $0x1;
	s10 =	sld [smem:$0x3FBA]  }
0x3d: {  	_ =	shalt  }
0x3e: {  	_ =	shalt  }
0x3f: {  	_ =	shalt  }
0x40: {  	_ =	shalt  }
0x41: {  	_ =	shalt  }
0x42: {  	_ =	shalt  }
0x43: {  	_ =	shalt  }
0x44: {  	_ =	shalt  }
0x45: {  	_ =	shalt  }
0x46: {  	_ =	shalt  }
0x47: {  	_ =	shalt  }
0x48: {  	_ =	shalt  }
0x49: {  	_ =	shalt  }
0x4a: {  	_ =	shalt  }
0x4b: {  	_ =	shalt  }
0x4c: {  	_ =	shalt  }
0x4d: {  	_ =	shalt  }
0x4e: {  	_ =	shalt  }
0x4f: {  	_ =	shalt  }
0x50: {  	_ =	shalt  }
0x51: {  	_ =	shalt  }
0x52: {  	_ =	shalt  }
0x53: {  	_ =	shalt  }
0x54: {  	_ =	shalt  }
0x55: {  	_ =	shalt  }
0x56: {  	_ =	shalt  }
0x57: {  	_ =	shalt  }
0x58: {  	_ =	shalt  }
0x59: {  	_ =	shalt  }
0x5a: {  	_ =	shalt  }
0x5b: {  	_ =	shalt  }
0x5c: {  	_ =	shalt  }
0x5d: {  	_ =	shalt  }
0x5e: {  	_ =	shalt  }
0x5f: {  	_ =	shalt  }
0x60: {  	_ =	shalt  }
0x61: {  	_ =	shalt  }
0x62: {  	_ =	shalt  }
0x63: {  	_ =	shalt  }
0x64: {  	_ =	shalt  }
0x65: {  	_ =	shalt  }
0x66: {  	_ =	shalt  }
0x67: {  	_ =	shalt  }
0x68: {  	_ =	shalt  }
0x69: {  	_ =	shalt  }
0x6a: {  	_ =	shalt  }
0x6b: {  	_ =	shalt  }
0x6c: {  	_ =	shalt  }
0x6d: {  	_ =	shalt  }
0x6e: {  	_ =	shalt  }
0x6f: {  	_ =	shalt  }
0x70: {  	_ =	shalt  }
0x71: {  	_ =	shalt  }
0x72: {  	_ =	shalt  }
0x73: {  	_ =	shalt  }
0x74: {  	_ =	shalt  }
0x75: {  	_ =	shalt  }
0x76: {  	_ =	shalt  }
0x77: {  	_ =	shalt  }
0x78: {  	_ =	shalt  }
0x79: {  	_ =	shalt  }
0x7a: {  	_ =	shalt  }
0x7b: {  	_ =	shalt  }
0x7c: {  	_ =	shalt  }
0x7d: {  	_ =	shalt  }
0x7e: {  	_ =	shalt  }
0x7f: {  	_ =	shalt  }
0x80: {  	_ =	shalt  }
0x81: {  	_ =	shalt  }
0x82: {  	_ =	shalt  }
0x83: {  	_ =	shalt  }
0x84: {  	_ =	shalt  }
0x85: {  	_ =	shalt  }
0x86: {  	_ =	shalt  }
0x87: {  	_ =	shalt  }
.Lfunc_end0:
.L_simem_size_0:
called_computation_lowered:
.L_overlay_start_0:
0x88: {  	s2 =	sld [smem:$0x3FD9]  }
0x89: {  	s3 =	sld [smem:$0x3FFE];
	_ =	sdelay $0x1  }
0x8a: {  	s1 =	srdreg.scid  }
0x8b: {  	s0 =	sand.u32 $0x1, s1  }
0x8c: {  	s17 =	sshll.u32 s0, $0xA;
	s2 =	sadd.s32 s3, s2  }
0x8d: {  	s2 =	sadd.s32 s2, s17  }
0x8e: {  	[smem:$0x3FC6] =	sst s2  }
0x8f: {  	_ = 	snop  }
0x90: {  	s2 =	sld [smem:$0x3FC9]  }
0x91: {  	s18 =	sld [smem:$0x3FD0];
	(tm) =	ssettm $0x1  }
0x92: {  	s4 =	sld [smem:$0x3FFB];
	_ =	sdelay $0x3  }
0x93: {  	_ =	strace s4  }
0x94: {  	s4 =	sld [smem:$0x3FFC];
	_ =	sdelay $0x3  }
0x95: {  	_ =	strace s4  }
0x96: {  	s4 =	sld [smem:$0x3FFD];
	_ =	sdelay $0x3  }
0x97: {  	_ =	strace s4  }
0x98: {  	_ =	strace $0x8FFFFFFF  }
0x99: {  	s19 =	sld [smem:$0x3FDB];
	_ =	sdelay $0x1  }
0x9a: {  	s5 =	simm.s32 $_scs_section_size  }
0x9b: {  	s6 =	simm.s32 $_size__tile_overlayer_lowered;
	s7 =	simm.s32 $_tile_overlayer_lowered  }
0x9c: {  	s22 =	simm.s32 $0x1BFF;
	s21 =	sshll.u32 s7, $0x1;
	s4 =	sadd.s32 s5, s19  }
0x9d: {  	s8 =	simm.s32 $0x0;
	s20 =	sshll.u32 s6, $0x1;
	s6 =	sadd.s32 s21, s4  }
0x9e: {  	[timem:s8], [sflag:s22] =	dma.local [hbm:s6], s20  }
0x9f: {  	_ =	swait.ge [sflag:s22], s20  }
0xa0: {  	s5 =	ssub.s32 $0x0, s20;
	[sflag:s22] =	ssyncset.done $0x0  }
0xa1: {  	[sflag:s22] =	ssyncadd.s32 s5;
	_ =	sdelay $0x1  }
0xa2: {  	s23 =	simm.s32 $0x1B8B  }
0xa3: {  	_ =	swait.ge [sflag:s23], $0x1  }
0xa4: {  	[sflag:s23] =	ssyncset.done $0x0  }
0xa5: {  	s25 =	simm.s32 $0x1B8E;
	s24 =	sld [smem:$0x3FFE];
	[sflag:s23] =	ssyncadd.s32 $0xFFFFFFFF  }
0xa6: {  	s26 =	simm.s32 $execute0_lowered;
	[smem:$0x3FD2] =	sst s25  }
0xa7: {  	s6 =	sshll.u32 s26, $0x1;
	_ =	strace $0x80000046;
	[dreg:$0x1] =	wrdreg $0xFFFFFFFF  }
0xa8: {  	s28 =	simm.s32 $_size_execute0_lowered;
	s4 =	sadd.s32 s4, s6;
	[dreg:$0x0] =	wrdreg $0x0  }
0xa9: {  	s6 =	sshll.u32 s28, $0x1;
	[dreg:$0x2] =	wrdreg s4  }
0xaa: {  	[dreg:$0x3] =	wrdreg s6  }
0xab: {  	[dreg:$0x4] =	wrdreg $0xC0  }
0xac: {  	_ =	task [dreg:s8], $0x5FFFF  }
0xad: {  	[dreg:$0x1] =	wrdreg $0xFFFFFFFF  }
0xae: {  	[dreg:$0x0] =	wrdreg $0x60  }
0xaf: {  	[dreg:$0x2] =	wrdreg s2  }
0xb0: {  	[dreg:$0x3] =	wrdreg s24  }
0xb1: {  	[dreg:$0x4] =	wrdreg s18  }
0xb2: {  	[dreg:$0x5] =	wrdreg $0x9  }
0xb3: {  	_ =	task.clear_ibuf [dreg:s8], $0x6FFFF;
	_ =	strace $0x90000046  }
0xb4: {  	s29 =	simm.s32 $0x9;
	_ =	strace $0x80000048  }
0xb5: {  	_ =	swait.ge [sflag:s29], $0x1  }
0xb6: {  	[sflag:s29] =	ssyncadd.s32 $0xFFFFFFFF  }
0xb7: {  	_ =	strace $0x90000048  }
0xb8: {  	_ =	sfence  }
0xb9: {  	s30 =	sld [smem:$0x0];
	_ =	sdelay $0x2  }
0xba: {  	s31 =	sshll.u32 s1, $0xD;
	s1 =	sshrl.u32 s1, $0x2  }
0xbb: {  	s3 =	sand.u32 $0x4000, s31;
	s1 =	sadd.s32 s1, s30  }
0xbc: {  	s0 =	sor.u32 s3, s0;
	s1 =	sshll.u32 s1, $0x11  }
0xbd: {  	s0 =	sor.u32 s1, s0  }
0xbe: {  	s0 =	sadd.s32 $0x8F2B, s0  }
0xbf: {  	[sflag:s0] =	ssyncadd.remote.s32 $0x1  }
0xc0: {  	_ =	sfence.sel $0xFFFF  }
0xc1: {  	[dreg:$0x0] =	wrdreg $0xFFFFFFFF;
	(pc) =	sbr.abs _section_cstart, $3  }
0xc2: {  	[dreg:$0x1] =	wrdreg $0xFFFFFFFF  }
0xc3: {  	_ =	task.clear_ibuf [dreg:s8], $0x2FFFF;
	_ =	strace $0x9FFFFFFF  }
0xc4: {  	(tm) =	ssettm $0x7FFFFFFF  }
0xc5: {  	_ =	shalt  }
tec
execute0_lowered:
.L_overlay_start_1:
0x0: {  	(tag) =	ssettag $0x1  }
0x1: {  	s0 =	rddreg [dreg:$0x1];
	s2 =	srdreg.scid  }
0x2: {  	s3 =	stileid.u32;
	s5 =	simm.s32 $0x0;
	s2 =	sand.u32 $0x1, s2  }
0x3: {  	s3 =	sshll.u32 s3, $0x6;
	[smem:$0x7FF] =	sst s5;
	s4 =	sshll.u32 s2, $0x5  }
0x4: {  	s1 =	rddreg [dreg:$0x2];
	_ =	strace $0x80000047;
	s4 =	sor.u32 s4, s3  }
0x5: {  	s2 =	ssub.s32 $0x2, s2;
	s3 =	sshll.u32 s4, $0x4;
	[dreg:$0xa] =	wrdreg s4  }
0x6: {  	s31 =	sshll.u32 s4, $0x5;
	s3 =	sadd.s32 s3, s0;
	s0 =	sadd.s32 $0x4800, s0  }
0x7: {  	s29 =	sshrl.u32 s2, $0x1;
	s1 =	sadd.s32 s1, s31;
	[dreg:$0xb] =	wrdreg s0  }
0x8: {  	s0 =	ssub.s32 s2, s29;
	s30 =	sadd.s32 $0x800, s3;
	[dreg:$0xd] =	wrdreg s1  }
0x9: {  	[dreg:$0xc] =	wrdreg s30;
	s0 =	smax.u32 s0, $0x1  }
0xa: {  	s2 =	simm.s32 $0x0;
	[dreg:$0xe] =	wrdreg s0  }
.LBB2_1:
0xb: {  	[dreg:$0xf] =	wrdreg s2  }
0xc: {  	s0 =	simm.s32 $0x0;
	s1 =	rddreg [dreg:$0xc];
	s21 =	simm.s32 $0x6  }
0xd: {  	[tilespmem:s0], [sflag:$0x6] =	stream.linear.gather [hbm4b:s1+s0], $0x1000, $0x38;
	[tilespmem:$0x1F800] =	vst v63  }
0xe: {  	_ =	swait.ge [sflag:s21], $0x1000  }
0xf: {  	[sflag:s21] =	ssyncset.done $0x0  }
0x10: {  	s3 =	simm.s32 $0x1000;
	s22 =	rddreg [dreg:$0xd];
	[sflag:s21] =	ssyncadd.s32 $0xFFFFF000  }
0x11: {  	[tilespmem:s3], [sflag:$0x6] =	stream.linear.gather [hbm4b:s22+s0], $0x2000, $0x38;
	[tilespmem:$0x1F800] =	vst v63  }
0x12: {  	_ =	swait.ge [sflag:s21], $0x2000  }
0x13: {  	[sflag:s21] =	ssyncset.done $0x0  }
0x14: {  	[sflag:s21] =	ssyncadd.s32 $0xFFFFE000  }
0x15: {  	v0 =	vld [tilespmem:$0x0];
	_ =	sdelay $0x4  }
0x16: {  	(v2sf) =	vpush v0, $0x1;
	v1 =	vmul.u32 $0x540000, v0;
	_ =	sdelay $0x1  }
0x17: {  	(v2sf) =	vpush v1, $0x0;
	_ =	sdelay $0xc  }
0x18: {  	s23 =	spop (v2sf)  }
0x19: {  	s24 =	sshll.u32 s23, $0x8  }
0x1a: {  	s0 =	sshll.u32 s23, $0x7;
	s1 =	sand.u32 $0xFFFFF800, s24;
	s25 =	spop (v2sf)  }
0x1b: {  	s0 =	sand.u32 $0x380, s0;
	s1 =	sadd.s32 s25, s1  }
0x1c: {  	s0 =	sor.u32 s0, s1  }
0x1d: {  	s4 =	simm.s32 $0x80;
	s3 =	rddreg [dreg:$0x0];
	s0 =	sshrl.u32 s0, $0x3  }
0x1e: {  	s5 =	simm.s32 $0xE000;
	s26 =	simm.s32 $0x3000;
	s0 =	sadd.s32 s3, s0  }
0x1f: {  	[tilespmem:s26], [sflag:$0x1] =	stream.strided.gather [hbm4b:s0+s4], $0x400, s5, s4, $0x38;
	[tilespmem:$0x1F800] =	vst v63  }
0x20: {  	s29 =	simm.s32 $0x3400;
	s28 =	sadd.s32 $0x80, s0  }
0x21: {  	[tilespmem:s29], [sflag:$0x1] =	stream.strided.gather [hbm4b:s28+s4], $0x400, s5, s4, $0x38;
	[tilespmem:$0x1F800] =	vst v63  }
0x22: {  	s31 =	simm.s32 $0x3800;
	s30 =	sadd.s32 $0xE000, s0  }
0x23: {  	(v2sf) =	vpush v0, $0x3;
	[tilespmem:s31], [sflag:$0x1] =	stream.strided.gather [hbm4b:s30+s4], $0x400, s5, s4, $0x38;
	[tilespmem:$0x1F800] =	vst v63  }
0x24: {  	s7 =	simm.s32 $0x3C00;
	s6 =	sadd.s32 $0xE080, s0  }
0x25: {  	[tilespmem:s7], [sflag:$0x1] =	stream.strided.gather [hbm4b:s6+s4], $0x400, s5, s4, $0x38;
	[tilespmem:$0x1F800] =	vst v63  }
0x26: {  	s9 =	simm.s32 $0x4000;
	s8 =	sadd.s32 $0x1C000, s0  }
0x27: {  	(v2sf) =	vpush v1, $0x2;
	[tilespmem:s9], [sflag:$0x1] =	stream.strided.gather [hbm4b:s8+s4], $0x400, s5, s4, $0x38;
	[tilespmem:$0x1F800] =	vst v63  }
0x28: {  	s10 =	simm.s32 $0x4400;
	s1 =	sadd.s32 $0x80, s8  }
0x29: {  	[tilespmem:s10], [sflag:$0x1] =	stream.strided.gather [hbm4b:s1+s4], $0x400, s5, s4, $0x38;
	[tilespmem:$0x1F800] =	vst v63  }
0x2a: {  	s12 =	simm.s32 $0x4800;
	s11 =	sadd.s32 $0x2A000, s0  }
0x2b: {  	[tilespmem:s12], [sflag:$0x1] =	stream.strided.gather [hbm4b:s11+s4], $0x400, s5, s4, $0x38;
	[tilespmem:$0x1F800] =	vst v63  }
0x2c: {  	s13 =	simm.s32 $0x4C00;
	s1 =	sadd.s32 $0x80, s11  }
0x2d: {  	[tilespmem:s13], [sflag:$0x1] =	stream.strided.gather [hbm4b:s1+s4], $0x400, s5, s4, $0x38;
	[tilespmem:$0x1F800] =	vst v63  }
0x2e: {  	s15 =	simm.s32 $0x5000;
	s14 =	sadd.s32 $0x38000, s0  }
0x2f: {  	[tilespmem:s15], [sflag:$0x1] =	stream.strided.gather [hbm4b:s14+s4], $0x400, s5, s4, $0x38;
	[tilespmem:$0x1F800] =	vst v63  }
0x30: {  	s16 =	simm.s32 $0x5400;
	s1 =	sadd.s32 $0x80, s14  }
0x31: {  	[tilespmem:s16], [sflag:$0x1] =	stream.strided.gather [hbm4b:s1+s4], $0x400, s5, s4, $0x38;
	[tilespmem:$0x1F800] =	vst v63  }
0x32: {  	s17 =	simm.s32 $0x5800;
	s0 =	sadd.s32 $0x46000, s0;
	s19 =	spop (v2sf)  }
0x33: {  	[tilespmem:s17], [sflag:$0x1] =	stream.strided.gather [hbm4b:s0+s4], $0x400, s5, s4, $0x38;
	[tilespmem:$0x1F800] =	vst v63  }
0x34: {  	s18 =	simm.s32 $0x5C00;
	s20 =	sshll.u32 s19, $0x8;
	s0 =	sadd.s32 $0x80, s0  }
0x35: {  	[tilespmem:s18], [sflag:$0x1] =	stream.strided.gather [hbm4b:s0+s4], $0x400, s5, s4, $0x38;
	[tilespmem:$0x1F800] =	vst v63  }
0x36: {  	s21 =	spop (v2sf);
	s1 =	sand.u32 $0xFFFFF800, s20;
	s0 =	sshll.u32 s19, $0x7  }
0x37: {  	s1 =	sadd.s32 s21, s1;
	s0 =	sand.u32 $0x380, s0  }
0x38: {  	s0 =	sor.u32 s0, s1  }
0x39: {  	s0 =	sshrl.u32 s0, $0x3  }
0x3a: {  	s22 =	simm.s32 $0x6000;
	s0 =	sadd.s32 s3, s0  }
0x3b: {  	[tilespmem:s22], [sflag:$0x1] =	stream.strided.gather [hbm4b:s0+s4], $0x400, s5, s4, $0x38;
	[tilespmem:$0x1F800] =	vst v63  }
0x3c: {  	s24 =	simm.s32 $0x6400;
	s23 =	sadd.s32 $0x80, s0  }
0x3d: {  	[tilespmem:s24], [sflag:$0x1] =	stream.strided.gather [hbm4b:s23+s4], $0x400, s5, s4, $0x38;
	[tilespmem:$0x1F800] =	vst v63  }
0x3e: {  	s26 =	simm.s32 $0x6800;
	s25 =	sadd.s32 $0xE000, s0  }
0x3f: {  	[tilespmem:s26], [sflag:$0x1] =	stream.strided.gather [hbm4b:s25+s4], $0x400, s5, s4, $0x38;
	[tilespmem:$0x1F800] =	vst v63  }
0x40: {  	s29 =	simm.s32 $0x6C00;
	s28 =	sadd.s32 $0xE080, s0  }
0x41: {  	[tilespmem:s29], [sflag:$0x1] =	stream.strided.gather [hbm4b:s28+s4], $0x400, s5, s4, $0x38;
	[tilespmem:$0x1F800] =	vst v63  }
0x42: {  	s31 =	simm.s32 $0x7000;
	s30 =	sadd.s32 $0x1C000, s0  }
0x43: {  	[tilespmem:s31], [sflag:$0x1] =	stream.strided.gather [hbm4b:s30+s4], $0x400, s5, s4, $0x38;
	[tilespmem:$0x1F800] =	vst v63  }
0x44: {  	s6 =	simm.s32 $0x7400;
	s1 =	sadd.s32 $0x80, s30  }
0x45: {  	[tilespmem:s6], [sflag:$0x1] =	stream.strided.gather [hbm4b:s1+s4], $0x400, s5, s4, $0x38;
	[tilespmem:$0x1F800] =	vst v63  }
0x46: {  	s8 =	simm.s32 $0x7800;
	s7 =	sadd.s32 $0x2A000, s0  }
0x47: {  	[tilespmem:s8], [sflag:$0x1] =	stream.strided.gather [hbm4b:s7+s4], $0x400, s5, s4, $0x38;
	[tilespmem:$0x1F800] =	vst v63  }
0x48: {  	s9 =	simm.s32 $0x7C00;
	s1 =	sadd.s32 $0x80, s7  }
0x49: {  	[tilespmem:s9], [sflag:$0x1] =	stream.strided.gather [hbm4b:s1+s4], $0x400, s5, s4, $0x38;
	[tilespmem:$0x1F800] =	vst v63  }
0x4a: {  	s11 =	simm.s32 $0x8000;
	s10 =	sadd.s32 $0x38000, s0  }
0x4b: {  	[tilespmem:s11], [sflag:$0x1] =	stream.strided.gather [hbm4b:s10+s4], $0x400, s5, s4, $0x38;
	[tilespmem:$0x1F800] =	vst v63  }
0x4c: {  	s12 =	simm.s32 $0x8400;
	s1 =	sadd.s32 $0x80, s10  }
0x4d: {  	[tilespmem:s12], [sflag:$0x1] =	stream.strided.gather [hbm4b:s1+s4], $0x400, s5, s4, $0x38;
	[tilespmem:$0x1F800] =	vst v63  }
0x4e: {  	s13 =	simm.s32 $0x8800;
	s0 =	sadd.s32 $0x46000, s0  }
0x4f: {  	[tilespmem:s13], [sflag:$0x1] =	stream.strided.gather [hbm4b:s0+s4], $0x400, s5, s4, $0x38;
	[tilespmem:$0x1F800] =	vst v63  }
0x50: {  	s14 =	simm.s32 $0x8C00;
	s0 =	sadd.s32 $0x80, s0  }
0x51: {  	[tilespmem:s14], [sflag:$0x1] =	stream.strided.gather [hbm4b:s0+s4], $0x400, s5, s4, $0x38;
	[tilespmem:$0x1F800] =	vst v63  }
0x52: {  	v62 =	vld [tilespmem:$0x0];
	_ =	sdelay $0x4  }
0x53: {  	(v2sf) =	vpush v62, $0x1;
	v63 =	vmul.u32 $0x540000, v62;
	_ =	sdelay $0x1  }
0x54: {  	(v2sf) =	vpush v63, $0x0;
	_ =	sdelay $0xc  }
0x55: {  	s15 =	spop (v2sf)  }
0x56: {  	s16 =	sshll.u32 s15, $0x8  }
0x57: {  	s0 =	sshll.u32 s15, $0x7;
	s1 =	sand.u32 $0xFFFFF800, s16;
	s17 =	spop (v2sf)  }
0x58: {  	s0 =	sand.u32 $0x380, s0;
	s1 =	sadd.s32 s1, s17  }
0x59: {  	s0 =	sor.u32 s0, s1  }
0x5a: {  	s0 =	sadd.s32 $0x2A0000, s0  }
0x5b: {  	s0 =	sshrl.u32 s0, $0x3  }
0x5c: {  	s18 =	simm.s32 $0x9000;
	s0 =	sadd.s32 s3, s0  }
0x5d: {  	[tilespmem:s18], [sflag:$0x2] =	stream.strided.gather [hbm4b:s0+s4], $0x400, s5, s4, $0x38;
	[tilespmem:$0x1F800] =	vst v63  }
0x5e: {  	s20 =	simm.s32 $0x9400;
	s19 =	sadd.s32 $0x80, s0  }
0x5f: {  	[tilespmem:s20], [sflag:$0x2] =	stream.strided.gather [hbm4b:s19+s4], $0x400, s5, s4, $0x38;
	[tilespmem:$0x1F800] =	vst v63  }
0x60: {  	s22 =	simm.s32 $0x9800;
	s21 =	sadd.s32 $0xE000, s0  }
0x61: {  	(v2sf) =	vpush v62, $0x3;
	[tilespmem:s22], [sflag:$0x2] =	stream.strided.gather [hbm4b:s21+s4], $0x400, s5, s4, $0x38;
	[tilespmem:$0x1F800] =	vst v63  }
0x62: {  	s24 =	simm.s32 $0x9C00;
	s23 =	sadd.s32 $0xE080, s0  }
0x63: {  	[tilespmem:s24], [sflag:$0x2] =	stream.strided.gather [hbm4b:s23+s4], $0x400, s5, s4, $0x38;
	[tilespmem:$0x1F800] =	vst v63  }
0x64: {  	s26 =	simm.s32 $0xA000;
	s25 =	sadd.s32 $0x1C000, s0  }
0x65: {  	(v2sf) =	vpush v63, $0x2;
	[tilespmem:s26], [sflag:$0x2] =	stream.strided.gather [hbm4b:s25+s4], $0x400, s5, s4, $0x38;
	[tilespmem:$0x1F800] =	vst v63  }
0x66: {  	s28 =	simm.s32 $0xA400;
	s1 =	sadd.s32 $0x80, s25  }
0x67: {  	[tilespmem:s28], [sflag:$0x2] =	stream.strided.gather [hbm4b:s1+s4], $0x400, s5, s4, $0x38;
	[tilespmem:$0x1F800] =	vst v63  }
0x68: {  	s30 =	simm.s32 $0xA800;
	s29 =	sadd.s32 $0x2A000, s0  }
0x69: {  	[tilespmem:s30], [sflag:$0x2] =	stream.strided.gather [hbm4b:s29+s4], $0x400, s5, s4, $0x38;
	[tilespmem:$0x1F800] =	vst v63  }
0x6a: {  	s31 =	simm.s32 $0xAC00;
	s1 =	sadd.s32 $0x80, s29  }
0x6b: {  	[tilespmem:s31], [sflag:$0x2] =	stream.strided.gather [hbm4b:s1+s4], $0x400, s5, s4, $0x38;
	[tilespmem:$0x1F800] =	vst v63  }
0x6c: {  	s7 =	simm.s32 $0xB000;
	s6 =	sadd.s32 $0x38000, s0  }
0x6d: {  	[tilespmem:s7], [sflag:$0x2] =	stream.strided.gather [hbm4b:s6+s4], $0x400, s5, s4, $0x38;
	[tilespmem:$0x1F800] =	vst v63  }
0x6e: {  	s8 =	simm.s32 $0xB400;
	s1 =	sadd.s32 $0x80, s6  }
0x6f: {  	[tilespmem:s8], [sflag:$0x2] =	stream.strided.gather [hbm4b:s1+s4], $0x400, s5, s4, $0x38;
	[tilespmem:$0x1F800] =	vst v63  }
0x70: {  	s9 =	simm.s32 $0xB800;
	s0 =	sadd.s32 $0x46000, s0;
	s10 =	spop (v2sf)  }
0x71: {  	[tilespmem:s9], [sflag:$0x2] =	stream.strided.gather [hbm4b:s0+s4], $0x400, s5, s4, $0x38;
	[tilespmem:$0x1F800] =	vst v63  }
0x72: {  	s11 =	simm.s32 $0xBC00;
	s12 =	sshll.u32 s10, $0x8;
	s0 =	sadd.s32 $0x80, s0  }
0x73: {  	[tilespmem:s11], [sflag:$0x2] =	stream.strided.gather [hbm4b:s0+s4], $0x400, s5, s4, $0x38;
	[tilespmem:$0x1F800] =	vst v63  }
0x74: {  	s13 =	spop (v2sf);
	s1 =	sshll.u32 s10, $0x7;
	s0 =	sand.u32 $0xFFFFF800, s12  }
0x75: {  	s1 =	sand.u32 $0x380, s1;
	s0 =	sadd.s32 s0, s13  }
0x76: {  	s0 =	sor.u32 s1, s0  }
0x77: {  	s0 =	sadd.s32 $0x2A0000, s0  }
0x78: {  	s0 =	sshrl.u32 s0, $0x3  }
0x79: {  	s14 =	simm.s32 $0xC000;
	s0 =	sadd.s32 s3, s0  }
0x7a: {  	[tilespmem:s14], [sflag:$0x2] =	stream.strided.gather [hbm4b:s0+s4], $0x400, s5, s4, $0x38;
	[tilespmem:$0x1F800] =	vst v63  }
0x7b: {  	s16 =	simm.s32 $0xC400;
	s15 =	sadd.s32 $0x80, s0  }
0x7c: {  	[tilespmem:s16], [sflag:$0x2] =	stream.strided.gather [hbm4b:s15+s4], $0x400, s5, s4, $0x38;
	[tilespmem:$0x1F800] =	vst v63  }
0x7d: {  	s18 =	simm.s32 $0xC800;
	s17 =	sadd.s32 $0xE000, s0  }
0x7e: {  	[tilespmem:s18], [sflag:$0x2] =	stream.strided.gather [hbm4b:s17+s4], $0x400, s5, s4, $0x38;
	[tilespmem:$0x1F800] =	vst v63  }
0x7f: {  	s20 =	simm.s32 $0xCC00;
	s19 =	sadd.s32 $0xE080, s0  }
0x80: {  	[tilespmem:s20], [sflag:$0x2] =	stream.strided.gather [hbm4b:s19+s4], $0x400, s5, s4, $0x38;
	[tilespmem:$0x1F800] =	vst v63  }
0x81: {  	s22 =	simm.s32 $0xD000;
	s21 =	sadd.s32 $0x1C000, s0  }
0x82: {  	[tilespmem:s22], [sflag:$0x2] =	stream.strided.gather [hbm4b:s21+s4], $0x400, s5, s4, $0x38;
	[tilespmem:$0x1F800] =	vst v63  }
0x83: {  	s23 =	simm.s32 $0xD400;
	s1 =	sadd.s32 $0x80, s21  }
0x84: {  	[tilespmem:s23], [sflag:$0x2] =	stream.strided.gather [hbm4b:s1+s4], $0x400, s5, s4, $0x38;
	[tilespmem:$0x1F800] =	vst v63  }
0x85: {  	s25 =	simm.s32 $0xD800;
	s24 =	sadd.s32 $0x2A000, s0  }
0x86: {  	[tilespmem:s25], [sflag:$0x2] =	stream.strided.gather [hbm4b:s24+s4], $0x400, s5, s4, $0x38;
	[tilespmem:$0x1F800] =	vst v63  }
0x87: {  	s26 =	simm.s32 $0xDC00;
	s1 =	sadd.s32 $0x80, s24  }
0x88: {  	[tilespmem:s26], [sflag:$0x2] =	stream.strided.gather [hbm4b:s1+s4], $0x400, s5, s4, $0x38;
	[tilespmem:$0x1F800] =	vst v63  }
0x89: {  	s28 =	sadd.s32 $0x38000, s0  }
0x8a: {  	[tilespmem:s5], [sflag:$0x2] =	stream.strided.gather [hbm4b:s28+s4], $0x400, s5, s4, $0x38;
	[tilespmem:$0x1F800] =	vst v63  }
0x8b: {  	s29 =	simm.s32 $0xE400;
	s1 =	sadd.s32 $0x80, s28  }
0x8c: {  	[tilespmem:s29], [sflag:$0x2] =	stream.strided.gather [hbm4b:s1+s4], $0x400, s5, s4, $0x38;
	[tilespmem:$0x1F800] =	vst v63  }
0x8d: {  	p0 =	por $0x0, $0x0;
	s30 =	simm.s32 $0xE800;
	s0 =	sadd.s32 $0x46000, s0  }
0x8e: {  	[tilespmem:s30], [sflag:$0x2] =	stream.strided.gather [hbm4b:s0+s4], $0x400, s5, s4, $0x38;
	[tilespmem:$0x1F800] =	vst v63  }
0x8f: {  	s31 =	simm.s32 $0xEC00;
	s10 =	simm.s32 $0x0;
	s0 =	sadd.s32 $0x80, s0  }
0x90: {  	[tilespmem:s31], [sflag:$0x2] =	stream.strided.gather [hbm4b:s0+s4], $0x400, s5, s4, $0x38;
	[tilespmem:$0x1F800] =	vst v63  }
.LBB2_2:
0x91: {  	s0 =	smul.u32 $0xAB, s10;
	_ =	sdelay $0x1  }
0x92: {  	s0 =	sshrl.u32 s0, $0x9  }
0x93: {  	s0 =	sand.u32 $0x7F, s0  }
0x94: {  	s0 =	smul.u32 $0x3, s0;
	_ =	sdelay $0x1  }
0x95: {  	s11 =	sshrl.u32 s10, $0x1;
	s1 =	simm.s32 $0x1;
	s0 =	ssub.s32 s10, s0  }
0x96: {  	s2 =	sand.u32 $0x1, s11;
	s1 =	simm.s32 @!p0 $0x0;
	s0 =	sand.u32 $0xFF, s0  }
0x97: {  	[dreg:$0x11] =	wrdreg s2;
	s2 =	smul.u32 $0x15000, s2;
	p1 =	seq.s32 s0, $0x0  }
0x98: {  	s1 =	smul.u32 $0xA800, s1;
	p2 =	seq.s32 @!p1 s0, $0x2  }
0x99: {  	p2 =	por !p2, p1  }
0x9a: {  	s2 =	sadd.s32 s1, s2;
	s1 =	simm.s32 @!p2 $0x3  }
0x9b: {  	s1 =	simm.s32 @p2 $0x2  }
0x9c: {  	s1 =	simm.s32 @p1 $0x1  }
0x9d: {  	p1 =	sgt.u32 s10, $0x3D;
	_ =	swait.ge [sflag:s1], $0x3000  }
.Ltmp0:
0x9e: {  	[sflag:s1] =	ssyncset.done $0x0;
	(pc) =	sbr.rel @p1 .LBB2_8-.Ltmp0, $4  }
0x9f: {  	[sflag:s1] =	ssyncadd.s32 $0xFFFFD000  }
0xa0: {  	_ =	swait.ge [sflag:s1], $0x3000  }
0xa1: {  	s2 =	sshrl.u32 s2, $0x2;
	[sflag:s1] =	ssyncset.done $0x0  }
0xa2: {  	s12 =	sand.u32 $0x1, s10;
	s28 =	sadd.s32 $0x151C0, s2;
	[sflag:s1] =	ssyncadd.s32 $0xFFFFD000  }
0xa3: {  	s2 =	sadd.s32 $0x2, s10  }
0xa4: {  	s1 =	sshll.u32 s2, $0x6  }
0xa5: {  	s1 =	sand.u32 $0x1F80, s1  }
0xa6: {  	v0 =	vld [tilespmem:s1+$0x0];
	_ =	sdelay $0x4  }
0xa7: {  	(v2sf) =	vpush v0, $0x0  }
0xa8: {  	(v2sf) =	vpush v0, $0x1;
	_ =	sdelay $0x9  }
0xa9: {  	s29 =	smul.u32 $0xAB, s2;
	_ =	sdelay $0x1  }
0xaa: {  	s1 =	sshrl.u32 s29, $0x9  }
0xab: {  	s4 =	sand.u32 $0x7F, s1  }
0xac: {  	p1 =	seq.s32 s12, $0x1;
	s4 =	smul.u32 $0x3, s4;
	s3 =	spop (v2sf)  }
0xad: {  	s1 =	simm.s32 $0x2A0000;
	s3 =	smul.u32 $0x540000, s3;
	s5 =	spop (v2sf)  }
0xae: {  	s1 =	simm.s32 @!p1 $0x0;
	s6 =	sshll.u32 s5, $0x8  }
0xaf: {  	s2 =	ssub.s32 s2, s4;
	s3 =	sadd.s32 s1, s3;
	s6 =	sand.u32 $0xFFFFF800, s6  }
0xb0: {  	s3 =	sadd.s32 s6, s3;
	s6 =	sand.u32 $0xFF, s2  }
0xb1: {  	s5 =	sshll.u32 s5, $0x7;
	p1 =	seq.s32 s6, $0x2  }
.Ltmp1:
0xb2: {  	s5 =	sand.u32 $0x380, s5;
	(pc) =	sbr.rel @p1 .LBB2_7-.Ltmp1, $4  }
0xb3: {  	s3 =	sor.u32 s5, s3  }
0xb4: {  	s31 =	rddreg [dreg:$0x0];
	s30 =	sshrl.u32 s3, $0x3  }
0xb5: {  	s2 =	sadd.s32 s31, s30  }
0xb6: {  	s5 =	sadd.s32 $0x80, s2;
	s4 =	sadd.s32 $0xE000, s2;
	s3 =	sadd.s32 $0x1C000, s2  }
0xb7: {  	p1 =	seq.s32 s6, $0x1  }
.Ltmp2:
0xb8: {  	_ = 	snop;
	(pc) =	sbr.rel @!p1 .LBB2_5-.Ltmp2, $2  }
0xb9: {  	_ =	sdelay $0x2  }
0xba: {  	s6 =	sadd.s32 $0x80, s4;
	s7 =	simm.s32 $0x80;
	s8 =	simm.s32 $0xE000  }
0xbb: {  	s9 =	simm.s32 $0x9000  }
0xbc: {  	[tilespmem:s9], [sflag:$0x2] =	stream.strided.gather [hbm4b:s2+s7], $0x400, s8, s7, $0x38;
	[tilespmem:$0x1F800] =	vst v63  }
0xbd: {  	s13 =	simm.s32 $0x9400  }
0xbe: {  	(v2sf) =	vpush v0, $0x2;
	[tilespmem:s13], [sflag:$0x2] =	stream.strided.gather [hbm4b:s5+s7], $0x400, s8, s7, $0x38;
	[tilespmem:$0x1F800] =	vst v63  }
0xbf: {  	s14 =	simm.s32 $0x9800  }
0xc0: {  	(v2sf) =	vpush v0, $0x3;
	[tilespmem:s14], [sflag:$0x2] =	stream.strided.gather [hbm4b:s4+s7], $0x400, s8, s7, $0x38;
	[tilespmem:$0x1F800] =	vst v63  }
0xc1: {  	s15 =	simm.s32 $0x9C00  }
0xc2: {  	[tilespmem:s15], [sflag:$0x2] =	stream.strided.gather [hbm4b:s6+s7], $0x400, s8, s7, $0x38;
	[tilespmem:$0x1F800] =	vst v63  }
0xc3: {  	s16 =	simm.s32 $0xA000  }
0xc4: {  	[tilespmem:s16], [sflag:$0x2] =	stream.strided.gather [hbm4b:s3+s7], $0x400, s8, s7, $0x38;
	[tilespmem:$0x1F800] =	vst v63  }
0xc5: {  	s17 =	sadd.s32 $0x80, s3;
	s18 =	simm.s32 $0xA400  }
0xc6: {  	[tilespmem:s18], [sflag:$0x2] =	stream.strided.gather [hbm4b:s17+s7], $0x400, s8, s7, $0x38;
	[tilespmem:$0x1F800] =	vst v63  }
0xc7: {  	s19 =	sadd.s32 $0x2A000, s2;
	s20 =	simm.s32 $0xA800  }
0xc8: {  	[tilespmem:s20], [sflag:$0x2] =	stream.strided.gather [hbm4b:s19+s7], $0x400, s8, s7, $0x38;
	[tilespmem:$0x1F800] =	vst v63  }
0xc9: {  	s21 =	simm.s32 $0xAC00;
	s3 =	sadd.s32 $0x80, s19  }
0xca: {  	[tilespmem:s21], [sflag:$0x2] =	stream.strided.gather [hbm4b:s3+s7], $0x400, s8, s7, $0x38;
	[tilespmem:$0x1F800] =	vst v63  }
0xcb: {  	s22 =	sadd.s32 $0x38000, s2;
	s23 =	simm.s32 $0xB000;
	s24 =	simm.s32 $0xB400  }
0xcc: {  	[tilespmem:s23], [sflag:$0x2] =	stream.strided.gather [hbm4b:s22+s7], $0x400, s8, s7, $0x38;
	[tilespmem:$0x1F800] =	vst v63  }
0xcd: {  	s25 =	sadd.s32 $0x46000, s2;
	s3 =	sadd.s32 $0x80, s22;
	s29 =	spop (v2sf)  }
0xce: {  	[tilespmem:s24], [sflag:$0x2] =	stream.strided.gather [hbm4b:s3+s7], $0x400, s8, s7, $0x38;
	[tilespmem:$0x1F800] =	vst v63  }
0xcf: {  	s26 =	simm.s32 $0xB800;
	s30 =	simm.s32 $0xBC00;
	s31 =	spop (v2sf)  }
0xd0: {  	[tilespmem:s26], [sflag:$0x2] =	stream.strided.gather [hbm4b:s25+s7], $0x400, s8, s7, $0x38;
	[tilespmem:$0x1F800] =	vst v63  }
0xd1: {  	s2 =	sadd.s32 $0x80, s25;
	s5 =	sshll.u32 s31, $0x8;
	s3 =	smul.u32 $0x540000, s29  }
0xd2: {  	[tilespmem:s30], [sflag:$0x2] =	stream.strided.gather [hbm4b:s2+s7], $0x400, s8, s7, $0x38;
	[tilespmem:$0x1F800] =	vst v63  }
0xd3: {  	s6 =	sand.u32 $0xFFFFF800, s5;
	s1 =	sadd.s32 s1, s3;
	s2 =	sshll.u32 s31, $0x7  }
0xd4: {  	s1 =	sadd.s32 s6, s1;
	s2 =	sand.u32 $0x380, s2  }
0xd5: {  	s1 =	sor.u32 s2, s1  }
0xd6: {  	s9 =	rddreg [dreg:$0x0];
	s1 =	sshrl.u32 s1, $0x3  }
0xd7: {  	s13 =	simm.s32 $0xC000;
	s1 =	sadd.s32 s9, s1  }
0xd8: {  	[tilespmem:s13], [sflag:$0x2] =	stream.strided.gather [hbm4b:s1+s7], $0x400, s8, s7, $0x38;
	[tilespmem:$0x1F800] =	vst v63  }
0xd9: {  	s15 =	simm.s32 $0xC400;
	s14 =	sadd.s32 $0x80, s1  }
0xda: {  	[tilespmem:s15], [sflag:$0x2] =	stream.strided.gather [hbm4b:s14+s7], $0x400, s8, s7, $0x38;
	[tilespmem:$0x1F800] =	vst v63  }
0xdb: {  	s17 =	simm.s32 $0xC800;
	s16 =	sadd.s32 $0xE000, s1  }
0xdc: {  	[tilespmem:s17], [sflag:$0x2] =	stream.strided.gather [hbm4b:s16+s7], $0x400, s8, s7, $0x38;
	[tilespmem:$0x1F800] =	vst v63  }
0xdd: {  	s19 =	simm.s32 $0xCC00;
	s18 =	sadd.s32 $0xE080, s1  }
0xde: {  	[tilespmem:s19], [sflag:$0x2] =	stream.strided.gather [hbm4b:s18+s7], $0x400, s8, s7, $0x38;
	[tilespmem:$0x1F800] =	vst v63  }
0xdf: {  	s21 =	simm.s32 $0xD000;
	s20 =	sadd.s32 $0x1C000, s1  }
0xe0: {  	[tilespmem:s21], [sflag:$0x2] =	stream.strided.gather [hbm4b:s20+s7], $0x400, s8, s7, $0x38;
	[tilespmem:$0x1F800] =	vst v63  }
0xe1: {  	s22 =	simm.s32 $0xD400;
	s2 =	sadd.s32 $0x80, s20  }
0xe2: {  	[tilespmem:s22], [sflag:$0x2] =	stream.strided.gather [hbm4b:s2+s7], $0x400, s8, s7, $0x38;
	[tilespmem:$0x1F800] =	vst v63  }
0xe3: {  	s24 =	simm.s32 $0xD800;
	s23 =	sadd.s32 $0x2A000, s1  }
0xe4: {  	[tilespmem:s24], [sflag:$0x2] =	stream.strided.gather [hbm4b:s23+s7], $0x400, s8, s7, $0x38;
	[tilespmem:$0x1F800] =	vst v63  }
0xe5: {  	s25 =	simm.s32 $0xDC00;
	s2 =	sadd.s32 $0x80, s23  }
0xe6: {  	[tilespmem:s25], [sflag:$0x2] =	stream.strided.gather [hbm4b:s2+s7], $0x400, s8, s7, $0x38;
	[tilespmem:$0x1F800] =	vst v63  }
0xe7: {  	s26 =	sadd.s32 $0x38000, s1  }
0xe8: {  	[tilespmem:s8], [sflag:$0x2] =	stream.strided.gather [hbm4b:s26+s7], $0x400, s8, s7, $0x38;
	[tilespmem:$0x1F800] =	vst v63  }
0xe9: {  	s29 =	simm.s32 $0xE400;
	s2 =	sadd.s32 $0x80, s26  }
0xea: {  	[tilespmem:s29], [sflag:$0x2] =	stream.strided.gather [hbm4b:s2+s7], $0x400, s8, s7, $0x38;
	[tilespmem:$0x1F800] =	vst v63  }
.Ltmp3:
0xeb: {  	_ = 	snop;
	(pc) =	sbr.rel .LBB2_8-.Ltmp3, $4  }
0xec: {  	s30 =	simm.s32 $0xE800;
	s1 =	sadd.s32 $0x46000, s1  }
0xed: {  	[tilespmem:s30], [sflag:$0x2] =	stream.strided.gather [hbm4b:s1+s7], $0x400, s8, s7, $0x38;
	[tilespmem:$0x1F800] =	vst v63  }
0xee: {  	s31 =	simm.s32 $0xEC00;
	s1 =	sadd.s32 $0x80, s1  }
0xef: {  	[tilespmem:s31], [sflag:$0x2] =	stream.strided.gather [hbm4b:s1+s7], $0x400, s8, s7, $0x38;
	[tilespmem:$0x1F800] =	vst v63  }
.LBB2_7:
0xf0: {  	s6 =	simm.s32 $0x80;
	s7 =	simm.s32 $0xE000;
	s8 =	simm.s32 $0xF000  }
0xf1: {  	[tilespmem:s8], [sflag:$0x3] =	stream.strided.gather [hbm4b:s2+s6], $0x400, s7, s6, $0x38;
	[tilespmem:$0x1F800] =	vst v63  }
0xf2: {  	s31 =	simm.s32 $0xF400  }
0xf3: {  	(v2sf) =	vpush v0, $0x2;
	[tilespmem:s31], [sflag:$0x3] =	stream.strided.gather [hbm4b:s5+s6], $0x400, s7, s6, $0x38;
	[tilespmem:$0x1F800] =	vst v63  }
0xf4: {  	s9 =	simm.s32 $0xF800  }
0xf5: {  	(v2sf) =	vpush v0, $0x3;
	[tilespmem:s9], [sflag:$0x3] =	stream.strided.gather [hbm4b:s4+s6], $0x400, s7, s6, $0x38;
	[tilespmem:$0x1F800] =	vst v63  }
0xf6: {  	s13 =	sadd.s32 $0x80, s4;
	s14 =	simm.s32 $0xFC00  }
0xf7: {  	[tilespmem:s14], [sflag:$0x3] =	stream.strided.gather [hbm4b:s13+s6], $0x400, s7, s6, $0x38;
	[tilespmem:$0x1F800] =	vst v63  }
0xf8: {  	s15 =	simm.s32 $0x10000  }
0xf9: {  	[tilespmem:s15], [sflag:$0x3] =	stream.strided.gather [hbm4b:s3+s6], $0x400, s7, s6, $0x38;
	[tilespmem:$0x1F800] =	vst v63  }
0xfa: {  	s16 =	sadd.s32 $0x80, s3;
	s17 =	simm.s32 $0x10400  }
0xfb: {  	[tilespmem:s17], [sflag:$0x3] =	stream.strided.gather [hbm4b:s16+s6], $0x400, s7, s6, $0x38;
	[tilespmem:$0x1F800] =	vst v63  }
0xfc: {  	s18 =	sadd.s32 $0x2A000, s2;
	s19 =	simm.s32 $0x10800  }
0xfd: {  	[tilespmem:s19], [sflag:$0x3] =	stream.strided.gather [hbm4b:s18+s6], $0x400, s7, s6, $0x38;
	[tilespmem:$0x1F800] =	vst v63  }
0xfe: {  	s20 =	simm.s32 $0x10C00;
	s3 =	sadd.s32 $0x80, s18  }
0xff: {  	[tilespmem:s20], [sflag:$0x3] =	stream.strided.gather [hbm4b:s3+s6], $0x400, s7, s6, $0x38;
	[tilespmem:$0x1F800] =	vst v63  }
0x100: {  	s21 =	sadd.s32 $0x38000, s2;
	s22 =	simm.s32 $0x11000;
	s23 =	simm.s32 $0x11400  }
0x101: {  	[tilespmem:s22], [sflag:$0x3] =	stream.strided.gather [hbm4b:s21+s6], $0x400, s7, s6, $0x38;
	[tilespmem:$0x1F800] =	vst v63  }
0x102: {  	s24 =	sadd.s32 $0x46000, s2;
	s3 =	sadd.s32 $0x80, s21;
	s26 =	spop (v2sf)  }
0x103: {  	[tilespmem:s23], [sflag:$0x3] =	stream.strided.gather [hbm4b:s3+s6], $0x400, s7, s6, $0x38;
	[tilespmem:$0x1F800] =	vst v63  }
0x104: {  	s25 =	simm.s32 $0x11800;
	s29 =	simm.s32 $0x11C00;
	s30 =	spop (v2sf)  }
0x105: {  	[tilespmem:s25], [sflag:$0x3] =	stream.strided.gather [hbm4b:s24+s6], $0x400, s7, s6, $0x38;
	[tilespmem:$0x1F800] =	vst v63  }
0x106: {  	s2 =	sadd.s32 $0x80, s24;
	s31 =	sshll.u32 s30, $0x8;
	s3 =	smul.u32 $0x540000, s26  }
0x107: {  	[tilespmem:s29], [sflag:$0x3] =	stream.strided.gather [hbm4b:s2+s6], $0x400, s7, s6, $0x38;
	[tilespmem:$0x1F800] =	vst v63  }
0x108: {  	s5 =	sand.u32 $0xFFFFF800, s31;
	s1 =	sadd.s32 s1, s3;
	s2 =	sshll.u32 s30, $0x7  }
0x109: {  	s1 =	sadd.s32 s5, s1;
	s2 =	sand.u32 $0x380, s2  }
0x10a: {  	s1 =	sor.u32 s2, s1  }
0x10b: {  	s8 =	rddreg [dreg:$0x0];
	s1 =	sshrl.u32 s1, $0x3  }
0x10c: {  	s9 =	simm.s32 $0x12000;
	s1 =	sadd.s32 s8, s1  }
0x10d: {  	[tilespmem:s9], [sflag:$0x3] =	stream.strided.gather [hbm4b:s1+s6], $0x400, s7, s6, $0x38;
	[tilespmem:$0x1F800] =	vst v63  }
0x10e: {  	s14 =	simm.s32 $0x12400;
	s13 =	sadd.s32 $0x80, s1  }
0x10f: {  	[tilespmem:s14], [sflag:$0x3] =	stream.strided.gather [hbm4b:s13+s6], $0x400, s7, s6, $0x38;
	[tilespmem:$0x1F800] =	vst v63  }
0x110: {  	s16 =	simm.s32 $0x12800;
	s15 =	sadd.s32 $0xE000, s1  }
0x111: {  	[tilespmem:s16], [sflag:$0x3] =	stream.strided.gather [hbm4b:s15+s6], $0x400, s7, s6, $0x38;
	[tilespmem:$0x1F800] =	vst v63  }
0x112: {  	s18 =	simm.s32 $0x12C00;
	s17 =	sadd.s32 $0xE080, s1  }
0x113: {  	[tilespmem:s18], [sflag:$0x3] =	stream.strided.gather [hbm4b:s17+s6], $0x400, s7, s6, $0x38;
	[tilespmem:$0x1F800] =	vst v63  }
0x114: {  	s20 =	simm.s32 $0x13000;
	s19 =	sadd.s32 $0x1C000, s1  }
0x115: {  	[tilespmem:s20], [sflag:$0x3] =	stream.strided.gather [hbm4b:s19+s6], $0x400, s7, s6, $0x38;
	[tilespmem:$0x1F800] =	vst v63  }
0x116: {  	s21 =	simm.s32 $0x13400;
	s2 =	sadd.s32 $0x80, s19  }
0x117: {  	[tilespmem:s21], [sflag:$0x3] =	stream.strided.gather [hbm4b:s2+s6], $0x400, s7, s6, $0x38;
	[tilespmem:$0x1F800] =	vst v63  }
0x118: {  	s23 =	simm.s32 $0x13800;
	s22 =	sadd.s32 $0x2A000, s1  }
0x119: {  	[tilespmem:s23], [sflag:$0x3] =	stream.strided.gather [hbm4b:s22+s6], $0x400, s7, s6, $0x38;
	[tilespmem:$0x1F800] =	vst v63  }
0x11a: {  	s24 =	simm.s32 $0x13C00;
	s2 =	sadd.s32 $0x80, s22  }
0x11b: {  	[tilespmem:s24], [sflag:$0x3] =	stream.strided.gather [hbm4b:s2+s6], $0x400, s7, s6, $0x38;
	[tilespmem:$0x1F800] =	vst v63  }
0x11c: {  	s26 =	simm.s32 $0x14000;
	s25 =	sadd.s32 $0x38000, s1  }
0x11d: {  	[tilespmem:s26], [sflag:$0x3] =	stream.strided.gather [hbm4b:s25+s6], $0x400, s7, s6, $0x38;
	[tilespmem:$0x1F800] =	vst v63  }
0x11e: {  	s29 =	simm.s32 $0x14400;
	s2 =	sadd.s32 $0x80, s25  }
0x11f: {  	[tilespmem:s29], [sflag:$0x3] =	stream.strided.gather [hbm4b:s2+s6], $0x400, s7, s6, $0x38;
	[tilespmem:$0x1F800] =	vst v63  }
.Ltmp4:
0x120: {  	_ = 	snop;
	(pc) =	sbr.rel .LBB2_8-.Ltmp4, $4  }
0x121: {  	s30 =	simm.s32 $0x14800;
	s1 =	sadd.s32 $0x46000, s1  }
0x122: {  	[tilespmem:s30], [sflag:$0x3] =	stream.strided.gather [hbm4b:s1+s6], $0x400, s7, s6, $0x38;
	[tilespmem:$0x1F800] =	vst v63  }
0x123: {  	s31 =	simm.s32 $0x14C00;
	s1 =	sadd.s32 $0x80, s1  }
0x124: {  	[tilespmem:s31], [sflag:$0x3] =	stream.strided.gather [hbm4b:s1+s6], $0x400, s7, s6, $0x38;
	[tilespmem:$0x1F800] =	vst v63  }
.LBB2_5:
0x125: {  	s9 =	simm.s32 $0x3000  }
0x126: {  	[tilespmem:s9], [sflag:$0x1] =	stream.strided.gather [hbm4b:s2+s7], $0x400, s8, s7, $0x38;
	[tilespmem:$0x1F800] =	vst v63  }
0x127: {  	s31 =	simm.s32 $0x3400  }
0x128: {  	(v2sf) =	vpush v0, $0x2;
	[tilespmem:s31], [sflag:$0x1] =	stream.strided.gather [hbm4b:s5+s7], $0x400, s8, s7, $0x38;
	[tilespmem:$0x1F800] =	vst v63  }
0x129: {  	s13 =	simm.s32 $0x3800  }
0x12a: {  	(v2sf) =	vpush v0, $0x3;
	[tilespmem:s13], [sflag:$0x1] =	stream.strided.gather [hbm4b:s4+s7], $0x400, s8, s7, $0x38;
	[tilespmem:$0x1F800] =	vst v63  }
0x12b: {  	s14 =	simm.s32 $0x3C00  }
0x12c: {  	[tilespmem:s14], [sflag:$0x1] =	stream.strided.gather [hbm4b:s6+s7], $0x400, s8, s7, $0x38;
	[tilespmem:$0x1F800] =	vst v63  }
0x12d: {  	s15 =	simm.s32 $0x4000  }
0x12e: {  	[tilespmem:s15], [sflag:$0x1] =	stream.strided.gather [hbm4b:s3+s7], $0x400, s8, s7, $0x38;
	[tilespmem:$0x1F800] =	vst v63  }
0x12f: {  	s16 =	sadd.s32 $0x80, s3;
	s17 =	simm.s32 $0x4400  }
0x130: {  	[tilespmem:s17], [sflag:$0x1] =	stream.strided.gather [hbm4b:s16+s7], $0x400, s8, s7, $0x38;
	[tilespmem:$0x1F800] =	vst v63  }
0x131: {  	s18 =	sadd.s32 $0x2A000, s2;
	s19 =	simm.s32 $0x4800  }
0x132: {  	[tilespmem:s19], [sflag:$0x1] =	stream.strided.gather [hbm4b:s18+s7], $0x400, s8, s7, $0x38;
	[tilespmem:$0x1F800] =	vst v63  }
0x133: {  	s20 =	simm.s32 $0x4C00;
	s3 =	sadd.s32 $0x80, s18  }
0x134: {  	[tilespmem:s20], [sflag:$0x1] =	stream.strided.gather [hbm4b:s3+s7], $0x400, s8, s7, $0x38;
	[tilespmem:$0x1F800] =	vst v63  }
0x135: {  	s21 =	sadd.s32 $0x38000, s2;
	s22 =	simm.s32 $0x5000;
	s23 =	simm.s32 $0x5400  }
0x136: {  	[tilespmem:s22], [sflag:$0x1] =	stream.strided.gather [hbm4b:s21+s7], $0x400, s8, s7, $0x38;
	[tilespmem:$0x1F800] =	vst v63  }
0x137: {  	s24 =	sadd.s32 $0x46000, s2;
	s3 =	sadd.s32 $0x80, s21;
	s26 =	spop (v2sf)  }
0x138: {  	[tilespmem:s23], [sflag:$0x1] =	stream.strided.gather [hbm4b:s3+s7], $0x400, s8, s7, $0x38;
	[tilespmem:$0x1F800] =	vst v63  }
0x139: {  	s25 =	simm.s32 $0x5800;
	s29 =	simm.s32 $0x5C00;
	s30 =	spop (v2sf)  }
0x13a: {  	[tilespmem:s25], [sflag:$0x1] =	stream.strided.gather [hbm4b:s24+s7], $0x400, s8, s7, $0x38;
	[tilespmem:$0x1F800] =	vst v63  }
0x13b: {  	s2 =	sadd.s32 $0x80, s24;
	s31 =	sshll.u32 s30, $0x8;
	s3 =	smul.u32 $0x540000, s26  }
0x13c: {  	[tilespmem:s29], [sflag:$0x1] =	stream.strided.gather [hbm4b:s2+s7], $0x400, s8, s7, $0x38;
	[tilespmem:$0x1F800] =	vst v63  }
0x13d: {  	s5 =	sand.u32 $0xFFFFF800, s31;
	s1 =	sadd.s32 s1, s3;
	s2 =	sshll.u32 s30, $0x7  }
0x13e: {  	s1 =	sadd.s32 s5, s1;
	s2 =	sand.u32 $0x380, s2  }
0x13f: {  	s1 =	sor.u32 s2, s1  }
0x140: {  	s6 =	rddreg [dreg:$0x0];
	s1 =	sshrl.u32 s1, $0x3  }
0x141: {  	s9 =	simm.s32 $0x6000;
	s1 =	sadd.s32 s6, s1  }
0x142: {  	[tilespmem:s9], [sflag:$0x1] =	stream.strided.gather [hbm4b:s1+s7], $0x400, s8, s7, $0x38;
	[tilespmem:$0x1F800] =	vst v63  }
0x143: {  	s14 =	simm.s32 $0x6400;
	s13 =	sadd.s32 $0x80, s1  }
0x144: {  	[tilespmem:s14], [sflag:$0x1] =	stream.strided.gather [hbm4b:s13+s7], $0x400, s8, s7, $0x38;
	[tilespmem:$0x1F800] =	vst v63  }
0x145: {  	s16 =	simm.s32 $0x6800;
	s15 =	sadd.s32 $0xE000, s1  }
0x146: {  	[tilespmem:s16], [sflag:$0x1] =	stream.strided.gather [hbm4b:s15+s7], $0x400, s8, s7, $0x38;
	[tilespmem:$0x1F800] =	vst v63  }
0x147: {  	s18 =	simm.s32 $0x6C00;
	s17 =	sadd.s32 $0xE080, s1  }
0x148: {  	[tilespmem:s18], [sflag:$0x1] =	stream.strided.gather [hbm4b:s17+s7], $0x400, s8, s7, $0x38;
	[tilespmem:$0x1F800] =	vst v63  }
0x149: {  	s20 =	simm.s32 $0x7000;
	s19 =	sadd.s32 $0x1C000, s1  }
0x14a: {  	[tilespmem:s20], [sflag:$0x1] =	stream.strided.gather [hbm4b:s19+s7], $0x400, s8, s7, $0x38;
	[tilespmem:$0x1F800] =	vst v63  }
0x14b: {  	s21 =	simm.s32 $0x7400;
	s2 =	sadd.s32 $0x80, s19  }
0x14c: {  	[tilespmem:s21], [sflag:$0x1] =	stream.strided.gather [hbm4b:s2+s7], $0x400, s8, s7, $0x38;
	[tilespmem:$0x1F800] =	vst v63  }
0x14d: {  	s23 =	simm.s32 $0x7800;
	s22 =	sadd.s32 $0x2A000, s1  }
0x14e: {  	[tilespmem:s23], [sflag:$0x1] =	stream.strided.gather [hbm4b:s22+s7], $0x400, s8, s7, $0x38;
	[tilespmem:$0x1F800] =	vst v63  }
0x14f: {  	s24 =	simm.s32 $0x7C00;
	s2 =	sadd.s32 $0x80, s22  }
0x150: {  	[tilespmem:s24], [sflag:$0x1] =	stream.strided.gather [hbm4b:s2+s7], $0x400, s8, s7, $0x38;
	[tilespmem:$0x1F800] =	vst v63  }
0x151: {  	s26 =	simm.s32 $0x8000;
	s25 =	sadd.s32 $0x38000, s1  }
0x152: {  	[tilespmem:s26], [sflag:$0x1] =	stream.strided.gather [hbm4b:s25+s7], $0x400, s8, s7, $0x38;
	[tilespmem:$0x1F800] =	vst v63  }
0x153: {  	s29 =	simm.s32 $0x8400;
	s2 =	sadd.s32 $0x80, s25  }
0x154: {  	[tilespmem:s29], [sflag:$0x1] =	stream.strided.gather [hbm4b:s2+s7], $0x400, s8, s7, $0x38;
	[tilespmem:$0x1F800] =	vst v63  }
0x155: {  	s30 =	simm.s32 $0x8800;
	s1 =	sadd.s32 $0x46000, s1  }
0x156: {  	[tilespmem:s30], [sflag:$0x1] =	stream.strided.gather [hbm4b:s1+s7], $0x400, s8, s7, $0x38;
	[tilespmem:$0x1F800] =	vst v63  }
0x157: {  	s31 =	simm.s32 $0x8C00;
	s1 =	sadd.s32 $0x80, s1  }
0x158: {  	[tilespmem:s31], [sflag:$0x1] =	stream.strided.gather [hbm4b:s1+s7], $0x400, s8, s7, $0x38;
	[tilespmem:$0x1F800] =	vst v63  }
.LBB2_8:
0x159: {  	p1 =	slt.u32 s10, $0x4  }
0x15a: {  	p2 =	sne.s32 @!p1 s12, $0x0  }
0x15b: {  	p3 =	por p2, p1  }
0x15c: {  	s1 =	sand.u32 @!p3 $0x1, s11  }
0x15d: {  	p4 =	seq.s32 @!p3 s1, $0x1  }
0x15e: {  	p2 =	por @!p1 !p4, p2  }
0x15f: {  	[dreg:$0x10] =	wrdreg s10;
	s1 =	simm.s32 @!p3 $0x5;
	p1 =	por !p2, p1  }
0x160: {  	[dreg:$0x13] =	wrdreg s12;
	s0 =	smul.u32 $0x18000, s0;
	s1 =	simm.s32 @!p1 $0x4  }
0x161: {  	s20 =	sshll.u32 s11, $0x8;
	s2 =	simm.s32 $0x0;
	_ =	swait.ge @!p3 [sflag:s1], $0x5400  }
0x162: {  	s3 =	sand.u32 $0x3FFFFF00, s20;
	s0 =	sshrl.u32 s0, $0x2;
	[sflag:s1] =	ssyncset.done @!p3 $0x0  }
0x163: {  	s21 =	sand.u32 $0x3800, s2;
	s22 =	sadd.s32 $0x3000, s0;
	[sflag:s1] =	ssyncadd.s32 @!p3 $0xFFFFAC00  }
0x164: {  	s4 =	sand.u32 $0x200, s2;
	s1 =	sadd.s32 s21, s22;
	v0 =	vld [tilespmem:s3+$0x1000]  }
0x165: {  	[dreg:$0x12] =	wrdreg s11;
	v1 =	vld [tilespmem:s3+$0x1080];
	s2 =	sadd.s32 s4, s1;
	s3 =	sadd.s32 $0x3000, s1  }
0x166: {  	v2 =	vld [tilespmem:s2+$0x0];
	s5 =	sadd.s32 s4, s3  }
0x167: {  	v3 =	vld [tilespmem:s5+$0x0];
	_ =	sdelay $0x4  }
0x168: {  	v2 =	vmul.f32 v2, v0;
	v3 =	vmul.f32 v3, v1;
	_ =	sdelay $0x1  }
0x169: {  	v2 =	vadd.f32 v3, v2;
	_ =	sdelay $0x1  }
0x16a: {  	[tilespmem:s28+$0xFFFFFE40] =	vst v2  }
0x16b: {  	v2 =	vld [tilespmem:s2+$0x10]  }
0x16c: {  	v3 =	vld [tilespmem:s5+$0x10];
	_ =	sdelay $0x4  }
0x16d: {  	v2 =	vmul.f32 v2, v0;
	v3 =	vmul.f32 v3, v1;
	_ =	sdelay $0x1  }
0x16e: {  	v2 =	vadd.f32 v3, v2;
	_ =	sdelay $0x1  }
0x16f: {  	[tilespmem:s28+$0xFFFFFE50] =	vst v2  }
0x170: {  	v2 =	vld [tilespmem:s2+$0x20]  }
0x171: {  	v3 =	vld [tilespmem:s5+$0x20];
	_ =	sdelay $0x4  }
0x172: {  	v2 =	vmul.f32 v2, v0;
	v3 =	vmul.f32 v3, v1;
	_ =	sdelay $0x1  }
0x173: {  	v2 =	vadd.f32 v3, v2;
	_ =	sdelay $0x1  }
0x174: {  	[tilespmem:s28+$0xFFFFFE60] =	vst v2  }
0x175: {  	v2 =	vld [tilespmem:s2+$0x30]  }
0x176: {  	v3 =	vld [tilespmem:s5+$0x30];
	_ =	sdelay $0x4  }
0x177: {  	v2 =	vmul.f32 v2, v0;
	v3 =	vmul.f32 v3, v1;
	_ =	sdelay $0x1  }
0x178: {  	v2 =	vadd.f32 v3, v2;
	_ =	sdelay $0x1  }
0x179: {  	[tilespmem:s28+$0xFFFFFE70] =	vst v2  }
0x17a: {  	v2 =	vld [tilespmem:s2+$0x40]  }
0x17b: {  	v3 =	vld [tilespmem:s5+$0x40];
	_ =	sdelay $0x4  }
0x17c: {  	v2 =	vmul.f32 v2, v0;
	v3 =	vmul.f32 v3, v1;
	_ =	sdelay $0x1  }
0x17d: {  	v2 =	vadd.f32 v3, v2;
	_ =	sdelay $0x1  }
0x17e: {  	[tilespmem:s28+$0xFFFFFE80] =	vst v2  }
0x17f: {  	v2 =	vld [tilespmem:s2+$0x50]  }
0x180: {  	v3 =	vld [tilespmem:s5+$0x50];
	_ =	sdelay $0x4  }
0x181: {  	v2 =	vmul.f32 v2, v0;
	v3 =	vmul.f32 v3, v1;
	_ =	sdelay $0x1  }
0x182: {  	v2 =	vadd.f32 v3, v2;
	_ =	sdelay $0x1  }
0x183: {  	[tilespmem:s28+$0xFFFFFE90] =	vst v2  }
0x184: {  	v2 =	vld [tilespmem:s2+$0x60]  }
0x185: {  	v3 =	vld [tilespmem:s5+$0x60];
	_ =	sdelay $0x4  }
0x186: {  	v2 =	vmul.f32 v2, v0;
	v3 =	vmul.f32 v3, v1;
	_ =	sdelay $0x1  }
0x187: {  	v2 =	vadd.f32 v3, v2;
	_ =	sdelay $0x1  }
0x188: {  	[tilespmem:s28+$0xFFFFFEA0] =	vst v2  }
0x189: {  	v2 =	vld [tilespmem:s2+$0x70]  }
0x18a: {  	v3 =	vld [tilespmem:s5+$0x70];
	_ =	sdelay $0x4  }
0x18b: {  	v2 =	vmul.f32 v2, v0;
	v3 =	vmul.f32 v3, v1;
	_ =	sdelay $0x1  }
0x18c: {  	v2 =	vadd.f32 v3, v2;
	_ =	sdelay $0x1  }
0x18d: {  	[tilespmem:s28+$0xFFFFFEB0] =	vst v2  }
0x18e: {  	v2 =	vld [tilespmem:s2+$0x400]  }
0x18f: {  	v3 =	vld [tilespmem:s5+$0x400];
	_ =	sdelay $0x2  }
0x190: {  	s23 =	simm.s32 $0x400  }
0x191: {  	s0 =	sand.u32 $0x3800, s23  }
0x192: {  	s6 =	simm.s32 $0x200;
	s26 =	sadd.s32 s0, s22;
	v2 =	vmul.f32 v2, v0;
	v3 =	vmul.f32 v3, v1  }
0x193: {  	s31 =	sand.u32 $0x200, s6;
	s13 =	sadd.s32 $0x3000, s26  }
0x194: {  	s8 =	sadd.s32 s31, s13;
	v2 =	vadd.f32 v3, v2  }
0x195: {  	s0 =	sadd.s32 s31, s26;
	v4 =	vld [tilespmem:s8+$0x0]  }
0x196: {  	v3 =	vld [tilespmem:s0+$0x0];
	[tilespmem:s28+$0xFFFFFEC0] =	vst v2  }
0x197: {  	v2 =	vld [tilespmem:s2+$0x410]  }
0x198: {  	v5 =	vld [tilespmem:s5+$0x410];
	_ =	sdelay $0x2  }
0x199: {  	v4 =	vmul.f32 v4, v1;
	v3 =	vmul.f32 v3, v0;
	_ =	sdelay $0x1  }
0x19a: {  	v3 =	vadd.f32 v4, v3;
	v2 =	vmul.f32 v2, v0;
	v4 =	vmul.f32 v5, v1  }
0x19b: {  	s17 =	sadd.s32 $0x380, s28  }
0x19c: {  	[tilespmem:s17+$0xFFFFFE40] =	vst v3;
	v2 =	vadd.f32 v4, v2  }
0x19d: {  	v3 =	vld [tilespmem:s0+$0x10]  }
0x19e: {  	v4 =	vld [tilespmem:s8+$0x10];
	[tilespmem:s28+$0xFFFFFED0] =	vst v2  }
0x19f: {  	v2 =	vld [tilespmem:s2+$0x420]  }
0x1a0: {  	v5 =	vld [tilespmem:s5+$0x420];
	_ =	sdelay $0x2  }
0x1a1: {  	v3 =	vmul.f32 v3, v0;
	v4 =	vmul.f32 v4, v1;
	_ =	sdelay $0x1  }
0x1a2: {  	v3 =	vadd.f32 v4, v3;
	v2 =	vmul.f32 v2, v0;
	v4 =	vmul.f32 v5, v1;
	_ =	sdelay $0x1  }
0x1a3: {  	v2 =	vadd.f32 v4, v2;
	_ =	sdelay $0x1  }
0x1a4: {  	[tilespmem:s28+$0xFFFFFEE0] =	vst v2  }
0x1a5: {  	v2 =	vld [tilespmem:s2+$0x430]  }
0x1a6: {  	v5 =	vld [tilespmem:s5+$0x430];
	_ =	sdelay $0x1  }
0x1a7: {  	[tilespmem:s17+$0xFFFFFE50] =	vst v3  }
0x1a8: {  	v3 =	vld [tilespmem:s0+$0x20]  }
0x1a9: {  	v4 =	vld [tilespmem:s8+$0x20]  }
0x1aa: {  	v2 =	vmul.f32 v2, v0;
	v5 =	vmul.f32 v5, v1;
	_ =	sdelay $0x1  }
0x1ab: {  	v2 =	vadd.f32 v5, v2;
	_ =	sdelay $0x1  }
0x1ac: {  	v3 =	vmul.f32 v3, v0;
	v4 =	vmul.f32 v4, v1;
	[tilespmem:s28+$0xFFFFFEF0] =	vst v2  }
0x1ad: {  	v2 =	vld [tilespmem:s2+$0x440]  }
0x1ae: {  	v3 =	vadd.f32 v4, v3;
	v4 =	vld [tilespmem:s5+$0x440];
	_ =	sdelay $0x4  }
0x1af: {  	v2 =	vmul.f32 v2, v0;
	v4 =	vmul.f32 v4, v1;
	_ =	sdelay $0x1  }
0x1b0: {  	v2 =	vadd.f32 v4, v2  }
0x1b1: {  	[tilespmem:s17+$0xFFFFFE60] =	vst v3  }
0x1b2: {  	v3 =	vld [tilespmem:s0+$0x30];
	[tilespmem:s28+$0xFFFFFF00] =	vst v2  }
0x1b3: {  	v2 =	vld [tilespmem:s2+$0x450]  }
0x1b4: {  	v4 =	vld [tilespmem:s5+$0x450]  }
0x1b5: {  	v5 =	vld [tilespmem:s8+$0x30];
	_ =	sdelay $0x3  }
0x1b6: {  	v2 =	vmul.f32 v2, v0;
	v4 =	vmul.f32 v4, v1  }
0x1b7: {  	v3 =	vmul.f32 v3, v0;
	v5 =	vmul.f32 v5, v1  }
0x1b8: {  	v2 =	vadd.f32 v4, v2  }
0x1b9: {  	s24 =	sor.u32 $0x80, s4;
	v3 =	vadd.f32 v5, v3  }
0x1ba: {  	s9 =	sadd.s32 s24, s1;
	[tilespmem:s28+$0xFFFFFF10] =	vst v2  }
0x1bb: {  	s5 =	sadd.s32 s24, s3;
	v2 =	vld [tilespmem:s9+$0x0];
	[tilespmem:s17+$0xFFFFFE70] =	vst v3  }
0x1bc: {  	v3 =	vld [tilespmem:s5+$0x0]  }
0x1bd: {  	v4 =	vld [tilespmem:s0+$0x40]  }
0x1be: {  	v5 =	vld [tilespmem:s8+$0x40];
	_ =	sdelay $0x2  }
0x1bf: {  	v2 =	vmul.f32 v2, v0;
	v3 =	vmul.f32 v3, v1;
	_ =	sdelay $0x1  }
0x1c0: {  	v4 =	vmul.f32 v4, v0;
	v5 =	vmul.f32 v5, v1;
	v2 =	vadd.f32 v3, v2;
	_ =	sdelay $0x1  }
0x1c1: {  	v3 =	vadd.f32 v5, v4;
	[tilespmem:s28+$0xFFFFFF20] =	vst v2  }
0x1c2: {  	v2 =	vld [tilespmem:s9+$0x10]  }
0x1c3: {  	[tilespmem:s17+$0xFFFFFE80] =	vst v3;
	v3 =	vld [tilespmem:s5+$0x10]  }
0x1c4: {  	v4 =	vld [tilespmem:s0+$0x50]  }
0x1c5: {  	v5 =	vld [tilespmem:s8+$0x50];
	_ =	sdelay $0x2  }
0x1c6: {  	v2 =	vmul.f32 v2, v0;
	v3 =	vmul.f32 v3, v1;
	_ =	sdelay $0x1  }
0x1c7: {  	v4 =	vmul.f32 v4, v0;
	v5 =	vmul.f32 v5, v1;
	v2 =	vadd.f32 v3, v2;
	_ =	sdelay $0x1  }
0x1c8: {  	v3 =	vadd.f32 v5, v4;
	[tilespmem:s28+$0xFFFFFF30] =	vst v2  }
0x1c9: {  	v2 =	vld [tilespmem:s9+$0x20]  }
0x1ca: {  	[tilespmem:s17+$0xFFFFFE90] =	vst v3;
	v3 =	vld [tilespmem:s5+$0x20]  }
0x1cb: {  	v4 =	vld [tilespmem:s0+$0x60]  }
0x1cc: {  	v5 =	vld [tilespmem:s8+$0x60];
	_ =	sdelay $0x2  }
0x1cd: {  	v2 =	vmul.f32 v2, v0;
	v3 =	vmul.f32 v3, v1;
	_ =	sdelay $0x1  }
0x1ce: {  	v4 =	vmul.f32 v4, v0;
	v5 =	vmul.f32 v5, v1;
	v2 =	vadd.f32 v3, v2;
	_ =	sdelay $0x1  }
0x1cf: {  	v3 =	vadd.f32 v5, v4;
	[tilespmem:s28+$0xFFFFFF40] =	vst v2  }
0x1d0: {  	v2 =	vld [tilespmem:s9+$0x30]  }
0x1d1: {  	[tilespmem:s17+$0xFFFFFEA0] =	vst v3;
	v3 =	vld [tilespmem:s5+$0x30]  }
0x1d2: {  	v4 =	vld [tilespmem:s0+$0x70]  }
0x1d3: {  	v5 =	vld [tilespmem:s8+$0x70];
	_ =	sdelay $0x2  }
0x1d4: {  	v2 =	vmul.f32 v2, v0;
	v3 =	vmul.f32 v3, v1;
	_ =	sdelay $0x1  }
0x1d5: {  	v4 =	vmul.f32 v4, v0;
	v5 =	vmul.f32 v5, v1;
	v2 =	vadd.f32 v3, v2;
	_ =	sdelay $0x1  }
0x1d6: {  	v3 =	vadd.f32 v5, v4;
	[tilespmem:s28+$0xFFFFFF50] =	vst v2  }
0x1d7: {  	v2 =	vld [tilespmem:s9+$0x40]  }
0x1d8: {  	[tilespmem:s17+$0xFFFFFEB0] =	vst v3;
	v3 =	vld [tilespmem:s5+$0x40]  }
0x1d9: {  	v4 =	vld [tilespmem:s0+$0x400]  }
0x1da: {  	v5 =	vld [tilespmem:s8+$0x400];
	_ =	sdelay $0x2  }
0x1db: {  	v2 =	vmul.f32 v2, v0;
	v3 =	vmul.f32 v3, v1;
	_ =	sdelay $0x1  }
0x1dc: {  	v4 =	vmul.f32 v4, v0;
	v5 =	vmul.f32 v5, v1;
	v2 =	vadd.f32 v3, v2;
	_ =	sdelay $0x1  }
0x1dd: {  	v3 =	vadd.f32 v5, v4;
	[tilespmem:s28+$0xFFFFFF60] =	vst v2  }
0x1de: {  	v2 =	vld [tilespmem:s9+$0x50]  }
0x1df: {  	[tilespmem:s17+$0xFFFFFEC0] =	vst v3;
	v3 =	vld [tilespmem:s5+$0x50]  }
0x1e0: {  	v4 =	vld [tilespmem:s0+$0x410]  }
0x1e1: {  	v5 =	vld [tilespmem:s8+$0x410];
	_ =	sdelay $0x2  }
0x1e2: {  	v2 =	vmul.f32 v2, v0;
	v3 =	vmul.f32 v3, v1;
	_ =	sdelay $0x1  }
0x1e3: {  	v4 =	vmul.f32 v4, v0;
	v5 =	vmul.f32 v5, v1;
	v2 =	vadd.f32 v3, v2;
	_ =	sdelay $0x1  }
0x1e4: {  	v3 =	vadd.f32 v5, v4;
	[tilespmem:s28+$0xFFFFFF70] =	vst v2  }
0x1e5: {  	v2 =	vld [tilespmem:s9+$0x60]  }
0x1e6: {  	[tilespmem:s17+$0xFFFFFED0] =	vst v3;
	v3 =	vld [tilespmem:s5+$0x60]  }
0x1e7: {  	v4 =	vld [tilespmem:s0+$0x420]  }
0x1e8: {  	s25 =	simm.s32 $0x800;
	v5 =	vld [tilespmem:s8+$0x420]  }
0x1e9: {  	s6 =	sand.u32 $0x3800, s25  }
0x1ea: {  	s7 =	simm.s32 $0x400;
	s11 =	sadd.s32 s6, s22  }
0x1eb: {  	s25 =	sand.u32 $0x200, s7;
	s21 =	sadd.s32 $0x3000, s11;
	v2 =	vmul.f32 v2, v0;
	v3 =	vmul.f32 v3, v1  }
0x1ec: {  	s7 =	sadd.s32 s25, s21  }
0x1ed: {  	s6 =	sadd.s32 s25, s11;
	v6 =	vld [tilespmem:s7+$0x0];
	v4 =	vmul.f32 v4, v0;
	v5 =	vmul.f32 v5, v1;
	v2 =	vadd.f32 v3, v2  }
0x1ee: {  	v3 =	vld [tilespmem:s6+$0x0]  }
0x1ef: {  	v4 =	vadd.f32 v5, v4;
	[tilespmem:s28+$0xFFFFFF80] =	vst v2  }
0x1f0: {  	v2 =	vld [tilespmem:s9+$0x70]  }
0x1f1: {  	[tilespmem:s17+$0xFFFFFEE0] =	vst v4;
	v4 =	vld [tilespmem:s5+$0x70]  }
0x1f2: {  	v5 =	vld [tilespmem:s0+$0x430]  }
0x1f3: {  	v6 =	vmul.f32 v6, v1;
	v7 =	vld [tilespmem:s8+$0x430];
	v3 =	vmul.f32 v3, v0;
	_ =	sdelay $0x1  }
0x1f4: {  	v3 =	vadd.f32 v6, v3  }
0x1f5: {  	s2 =	sadd.s32 $0x380, s17;
	v2 =	vmul.f32 v2, v0;
	v4 =	vmul.f32 v4, v1  }
0x1f6: {  	[tilespmem:s2+$0xFFFFFE40] =	vst v3  }
0x1f7: {  	v3 =	vmul.f32 v5, v0;
	v5 =	vmul.f32 v7, v1;
	v2 =	vadd.f32 v4, v2;
	v4 =	vld [tilespmem:s6+$0x10]  }
0x1f8: {  	v6 =	vld [tilespmem:s7+$0x10]  }
0x1f9: {  	v3 =	vadd.f32 v5, v3;
	[tilespmem:s28+$0xFFFFFF90] =	vst v2  }
0x1fa: {  	v2 =	vld [tilespmem:s9+$0x400]  }
0x1fb: {  	[tilespmem:s17+$0xFFFFFEF0] =	vst v3;
	v3 =	vld [tilespmem:s5+$0x400]  }
0x1fc: {  	v5 =	vld [tilespmem:s0+$0x440]  }
0x1fd: {  	v7 =	vld [tilespmem:s8+$0x440];
	v4 =	vmul.f32 v4, v0;
	v6 =	vmul.f32 v6, v1;
	_ =	sdelay $0x1  }
0x1fe: {  	v4 =	vadd.f32 v6, v4  }
0x1ff: {  	v2 =	vmul.f32 v2, v0;
	v3 =	vmul.f32 v3, v1  }
0x200: {  	[tilespmem:s2+$0xFFFFFE50] =	vst v4  }
0x201: {  	v4 =	vmul.f32 v5, v0;
	v5 =	vmul.f32 v7, v1;
	v2 =	vadd.f32 v3, v2;
	v3 =	vld [tilespmem:s6+$0x20]  }
0x202: {  	v6 =	vld [tilespmem:s7+$0x20]  }
0x203: {  	v4 =	vadd.f32 v5, v4;
	[tilespmem:s28+$0xFFFFFFA0] =	vst v2  }
0x204: {  	v2 =	vld [tilespmem:s9+$0x410]  }
0x205: {  	[tilespmem:s17+$0xFFFFFF00] =	vst v4;
	v4 =	vld [tilespmem:s5+$0x410]  }
0x206: {  	v5 =	vld [tilespmem:s0+$0x450]  }
0x207: {  	v7 =	vld [tilespmem:s8+$0x450];
	v3 =	vmul.f32 v3, v0;
	v6 =	vmul.f32 v6, v1;
	_ =	sdelay $0x1  }
0x208: {  	v3 =	vadd.f32 v6, v3  }
0x209: {  	v2 =	vmul.f32 v2, v0;
	v4 =	vmul.f32 v4, v1  }
0x20a: {  	[tilespmem:s2+$0xFFFFFE60] =	vst v3  }
0x20b: {  	v3 =	vmul.f32 v5, v0;
	v5 =	vmul.f32 v7, v1;
	v2 =	vadd.f32 v4, v2;
	v4 =	vld [tilespmem:s6+$0x30]  }
0x20c: {  	v6 =	vld [tilespmem:s7+$0x30]  }
0x20d: {  	v3 =	vadd.f32 v5, v3;
	[tilespmem:s28+$0xFFFFFFB0] =	vst v2  }
0x20e: {  	s0 =	sor.u32 $0x80, s31;
	v2 =	vld [tilespmem:s9+$0x420]  }
0x20f: {  	s10 =	sadd.s32 s0, s26;
	[tilespmem:s17+$0xFFFFFF10] =	vst v3;
	v3 =	vld [tilespmem:s5+$0x420]  }
0x210: {  	s16 =	sadd.s32 s0, s13;
	v5 =	vld [tilespmem:s10+$0x0];
	[dreg:$0x14] =	wrdreg s13  }
0x211: {  	v7 =	vld [tilespmem:s16+$0x0];
	v4 =	vmul.f32 v4, v0;
	v6 =	vmul.f32 v6, v1;
	_ =	sdelay $0x1  }
0x212: {  	v4 =	vadd.f32 v6, v4  }
0x213: {  	v2 =	vmul.f32 v2, v0;
	v3 =	vmul.f32 v3, v1  }
0x214: {  	[tilespmem:s2+$0xFFFFFE70] =	vst v4  }
0x215: {  	v4 =	vmul.f32 v5, v0;
	v5 =	vmul.f32 v7, v1;
	v2 =	vadd.f32 v3, v2;
	v3 =	vld [tilespmem:s6+$0x40]  }
0x216: {  	v6 =	vld [tilespmem:s7+$0x40]  }
0x217: {  	v4 =	vadd.f32 v5, v4;
	[tilespmem:s28+$0xFFFFFFC0] =	vst v2  }
0x218: {  	v2 =	vld [tilespmem:s9+$0x430]  }
0x219: {  	[tilespmem:s17+$0xFFFFFF20] =	vst v4;
	v4 =	vld [tilespmem:s5+$0x430]  }
0x21a: {  	v5 =	vld [tilespmem:s10+$0x10]  }
0x21b: {  	v7 =	vld [tilespmem:s16+$0x10];
	v3 =	vmul.f32 v3, v0;
	v6 =	vmul.f32 v6, v1;
	_ =	sdelay $0x1  }
0x21c: {  	v3 =	vadd.f32 v6, v3  }
0x21d: {  	v2 =	vmul.f32 v2, v0;
	v4 =	vmul.f32 v4, v1  }
0x21e: {  	[tilespmem:s2+$0xFFFFFE80] =	vst v3  }
0x21f: {  	v3 =	vmul.f32 v5, v0;
	v5 =	vmul.f32 v7, v1;
	v6 =	vld [tilespmem:s7+$0x50];
	v2 =	vadd.f32 v4, v2  }
0x220: {  	v4 =	vld [tilespmem:s6+$0x50]  }
0x221: {  	v3 =	vadd.f32 v5, v3;
	[tilespmem:s28+$0xFFFFFFD0] =	vst v2  }
0x222: {  	v2 =	vld [tilespmem:s9+$0x440]  }
0x223: {  	[tilespmem:s17+$0xFFFFFF30] =	vst v3;
	v3 =	vld [tilespmem:s5+$0x440]  }
0x224: {  	v5 =	vld [tilespmem:s10+$0x20]  }
0x225: {  	v7 =	vld [tilespmem:s16+$0x20];
	v6 =	vmul.f32 v6, v1;
	v4 =	vmul.f32 v4, v0;
	_ =	sdelay $0x1  }
0x226: {  	v4 =	vadd.f32 v6, v4  }
0x227: {  	v2 =	vmul.f32 v2, v0;
	v3 =	vmul.f32 v3, v1  }
0x228: {  	[tilespmem:s2+$0xFFFFFE90] =	vst v4  }
0x229: {  	v4 =	vmul.f32 v5, v0;
	v5 =	vmul.f32 v7, v1;
	v2 =	vadd.f32 v3, v2;
	v3 =	vld [tilespmem:s6+$0x60]  }
0x22a: {  	v6 =	vld [tilespmem:s7+$0x60]  }
0x22b: {  	v4 =	vadd.f32 v5, v4;
	[tilespmem:s28+$0xFFFFFFE0] =	vst v2  }
0x22c: {  	v2 =	vld [tilespmem:s9+$0x450]  }
0x22d: {  	[tilespmem:s17+$0xFFFFFF40] =	vst v4;
	v4 =	vld [tilespmem:s5+$0x450]  }
0x22e: {  	v5 =	vld [tilespmem:s10+$0x30]  }
0x22f: {  	v7 =	vld [tilespmem:s16+$0x30];
	v3 =	vmul.f32 v3, v0;
	v6 =	vmul.f32 v6, v1;
	_ =	sdelay $0x1  }
0x230: {  	v3 =	vadd.f32 v6, v3  }
0x231: {  	v2 =	vmul.f32 v2, v0;
	v4 =	vmul.f32 v4, v1  }
0x232: {  	[tilespmem:s2+$0xFFFFFEA0] =	vst v3  }
0x233: {  	v3 =	vmul.f32 v5, v0;
	v5 =	vmul.f32 v7, v1;
	v2 =	vadd.f32 v4, v2;
	v4 =	vld [tilespmem:s6+$0x70]  }
0x234: {  	s19 =	sor.u32 $0x100, s4;
	v6 =	vld [tilespmem:s7+$0x70]  }
0x235: {  	s12 =	sadd.s32 s19, s1;
	v3 =	vadd.f32 v5, v3;
	[tilespmem:s28+$0xFFFFFFF0] =	vst v2  }
0x236: {  	s9 =	sadd.s32 s19, s3;
	v2 =	vld [tilespmem:s12+$0x0]  }
0x237: {  	[tilespmem:s17+$0xFFFFFF50] =	vst v3;
	v3 =	vld [tilespmem:s9+$0x0]  }
0x238: {  	v5 =	vld [tilespmem:s10+$0x40]  }
0x239: {  	v7 =	vld [tilespmem:s16+$0x40];
	v4 =	vmul.f32 v4, v0;
	v6 =	vmul.f32 v6, v1;
	_ =	sdelay $0x1  }
0x23a: {  	v4 =	vadd.f32 v6, v4  }
0x23b: {  	v2 =	vmul.f32 v2, v0;
	v3 =	vmul.f32 v3, v1  }
0x23c: {  	[tilespmem:s2+$0xFFFFFEB0] =	vst v4  }
0x23d: {  	v4 =	vmul.f32 v5, v0;
	v5 =	vmul.f32 v7, v1;
	v2 =	vadd.f32 v3, v2;
	v3 =	vld [tilespmem:s6+$0x400]  }
0x23e: {  	v6 =	vld [tilespmem:s7+$0x400]  }
0x23f: {  	v4 =	vadd.f32 v5, v4;
	[tilespmem:s28+$0x0] =	vst v2  }
0x240: {  	v2 =	vld [tilespmem:s12+$0x10]  }
0x241: {  	[tilespmem:s17+$0xFFFFFF60] =	vst v4;
	v4 =	vld [tilespmem:s9+$0x10]  }
0x242: {  	v5 =	vld [tilespmem:s10+$0x50]  }
0x243: {  	v7 =	vld [tilespmem:s16+$0x50];
	v3 =	vmul.f32 v3, v0;
	v6 =	vmul.f32 v6, v1;
	_ =	sdelay $0x1  }
0x244: {  	v3 =	vadd.f32 v6, v3  }
0x245: {  	v2 =	vmul.f32 v2, v0;
	v4 =	vmul.f32 v4, v1  }
0x246: {  	[tilespmem:s2+$0xFFFFFEC0] =	vst v3  }
0x247: {  	v3 =	vmul.f32 v5, v0;
	v5 =	vmul.f32 v7, v1;
	v2 =	vadd.f32 v4, v2;
	v4 =	vld [tilespmem:s6+$0x410]  }
0x248: {  	v6 =	vld [tilespmem:s7+$0x410]  }
0x249: {  	v3 =	vadd.f32 v5, v3;
	[tilespmem:s28+$0x10] =	vst v2  }
0x24a: {  	v2 =	vld [tilespmem:s12+$0x20]  }
0x24b: {  	[tilespmem:s17+$0xFFFFFF70] =	vst v3;
	v3 =	vld [tilespmem:s9+$0x20]  }
0x24c: {  	v5 =	vld [tilespmem:s10+$0x60]  }
0x24d: {  	v7 =	vld [tilespmem:s16+$0x60];
	v4 =	vmul.f32 v4, v0;
	v6 =	vmul.f32 v6, v1;
	_ =	sdelay $0x1  }
0x24e: {  	v4 =	vadd.f32 v6, v4  }
0x24f: {  	v2 =	vmul.f32 v2, v0;
	v3 =	vmul.f32 v3, v1  }
0x250: {  	[tilespmem:s2+$0xFFFFFED0] =	vst v4  }
0x251: {  	v4 =	vmul.f32 v5, v0;
	v5 =	vmul.f32 v7, v1;
	v2 =	vadd.f32 v3, v2;
	v3 =	vld [tilespmem:s6+$0x420]  }
0x252: {  	v6 =	vld [tilespmem:s7+$0x420]  }
0x253: {  	v4 =	vadd.f32 v5, v4;
	[tilespmem:s28+$0x20] =	vst v2  }
0x254: {  	s20 =	simm.s32 $0xC00;
	v2 =	vld [tilespmem:s12+$0x30]  }
0x255: {  	s23 =	simm.s32 $0x600;
	s5 =	sand.u32 $0x3800, s20;
	[tilespmem:s17+$0xFFFFFF80] =	vst v4;
	v4 =	vld [tilespmem:s9+$0x30]  }
0x256: {  	s18 =	sand.u32 $0x200, s23;
	s14 =	sadd.s32 s5, s22;
	v5 =	vld [tilespmem:s10+$0x70]  }
0x257: {  	s5 =	sadd.s32 s18, s14;
	s15 =	sadd.s32 $0x3000, s14;
	v7 =	vld [tilespmem:s16+$0x70];
	v3 =	vmul.f32 v3, v0;
	v6 =	vmul.f32 v6, v1  }
0x258: {  	v8 =	vld [tilespmem:s5+$0x0];
	s8 =	sadd.s32 s18, s15  }
0x259: {  	v9 =	vld [tilespmem:s8+$0x0];
	v3 =	vadd.f32 v6, v3  }
0x25a: {  	v2 =	vmul.f32 v2, v0;
	v4 =	vmul.f32 v4, v1  }
0x25b: {  	[tilespmem:s2+$0xFFFFFEE0] =	vst v3  }
0x25c: {  	v3 =	vmul.f32 v5, v0;
	v5 =	vmul.f32 v7, v1;
	v2 =	vadd.f32 v4, v2;
	v4 =	vld [tilespmem:s6+$0x430]  }
0x25d: {  	v6 =	vld [tilespmem:s7+$0x430]  }
0x25e: {  	v3 =	vadd.f32 v5, v3;
	v5 =	vmul.f32 v9, v1;
	[tilespmem:s28+$0x30] =	vst v2;
	v2 =	vmul.f32 v8, v0  }
0x25f: {  	v7 =	vld [tilespmem:s12+$0x40]  }
0x260: {  	[tilespmem:s17+$0xFFFFFF90] =	vst v3;
	v3 =	vld [tilespmem:s9+$0x40];
	v2 =	vadd.f32 v5, v2  }
0x261: {  	s19 =	sadd.s32 $0x380, s2;
	v5 =	vld [tilespmem:s10+$0x400]  }
0x262: {  	v8 =	vld [tilespmem:s16+$0x400];
	[tilespmem:s19+$0xFFFFFE40] =	vst v2;
	v2 =	vmul.f32 v4, v0;
	v4 =	vmul.f32 v6, v1  }
0x263: {  	v6 =	vld [tilespmem:s5+$0x10]  }
0x264: {  	v9 =	vld [tilespmem:s8+$0x10];
	v2 =	vadd.f32 v4, v2  }
0x265: {  	v4 =	vmul.f32 v7, v0;
	v3 =	vmul.f32 v3, v1  }
0x266: {  	[tilespmem:s2+$0xFFFFFEF0] =	vst v2  }
0x267: {  	v2 =	vmul.f32 v5, v0;
	v5 =	vmul.f32 v8, v1;
	v3 =	vadd.f32 v3, v4;
	v4 =	vld [tilespmem:s6+$0x440]  }
0x268: {  	v7 =	vld [tilespmem:s7+$0x440]  }
0x269: {  	v2 =	vadd.f32 v5, v2;
	[tilespmem:s28+$0x40] =	vst v3;
	v3 =	vmul.f32 v6, v0;
	v5 =	vmul.f32 v9, v1  }
0x26a: {  	v6 =	vld [tilespmem:s12+$0x50]  }
0x26b: {  	[tilespmem:s17+$0xFFFFFFA0] =	vst v2;
	v2 =	vld [tilespmem:s9+$0x50];
	v3 =	vadd.f32 v5, v3  }
0x26c: {  	v5 =	vld [tilespmem:s10+$0x410]  }
0x26d: {  	v8 =	vld [tilespmem:s16+$0x410];
	[tilespmem:s19+$0xFFFFFE50] =	vst v3;
	v3 =	vmul.f32 v4, v0;
	v4 =	vmul.f32 v7, v1  }
0x26e: {  	v7 =	vld [tilespmem:s5+$0x20]  }
0x26f: {  	v9 =	vld [tilespmem:s8+$0x20];
	v3 =	vadd.f32 v4, v3  }
0x270: {  	v4 =	vmul.f32 v6, v0;
	v2 =	vmul.f32 v2, v1  }
0x271: {  	[tilespmem:s2+$0xFFFFFF00] =	vst v3  }
0x272: {  	v3 =	vmul.f32 v5, v0;
	v5 =	vmul.f32 v8, v1;
	v2 =	vadd.f32 v2, v4;
	v4 =	vld [tilespmem:s6+$0x450]  }
0x273: {  	v6 =	vld [tilespmem:s7+$0x450]  }
0x274: {  	v3 =	vadd.f32 v5, v3;
	v5 =	vmul.f32 v9, v1;
	[tilespmem:s28+$0x50] =	vst v2;
	v2 =	vmul.f32 v7, v0  }
0x275: {  	v7 =	vld [tilespmem:s12+$0x60]  }
0x276: {  	[tilespmem:s17+$0xFFFFFFB0] =	vst v3;
	v3 =	vld [tilespmem:s9+$0x60];
	v2 =	vadd.f32 v5, v2  }
0x277: {  	v5 =	vld [tilespmem:s10+$0x420]  }
0x278: {  	v8 =	vld [tilespmem:s16+$0x420];
	[tilespmem:s19+$0xFFFFFE60] =	vst v2;
	v2 =	vmul.f32 v4, v0;
	v4 =	vmul.f32 v6, v1  }
0x279: {  	v6 =	vld [tilespmem:s5+$0x30]  }
0x27a: {  	v9 =	vld [tilespmem:s8+$0x30];
	v2 =	vadd.f32 v4, v2  }
0x27b: {  	s24 =	sor.u32 $0x80, s25;
	v4 =	vmul.f32 v7, v0;
	v3 =	vmul.f32 v3, v1  }
0x27c: {  	s6 =	sadd.s32 s24, s11;
	[tilespmem:s2+$0xFFFFFF10] =	vst v2  }
0x27d: {  	s7 =	sadd.s32 s24, s21;
	v2 =	vmul.f32 v5, v0;
	v5 =	vmul.f32 v8, v1;
	v3 =	vadd.f32 v3, v4;
	v4 =	vld [tilespmem:s6+$0x0]  }
0x27e: {  	v7 =	vld [tilespmem:s7+$0x0]  }
0x27f: {  	v2 =	vadd.f32 v5, v2;
	[tilespmem:s28+$0x60] =	vst v3;
	v3 =	vmul.f32 v6, v0;
	v5 =	vmul.f32 v9, v1  }
0x280: {  	v6 =	vld [tilespmem:s12+$0x70]  }
0x281: {  	[tilespmem:s17+$0xFFFFFFC0] =	vst v2;
	v2 =	vld [tilespmem:s9+$0x70];
	v3 =	vadd.f32 v5, v3  }
0x282: {  	v5 =	vld [tilespmem:s10+$0x430]  }
0x283: {  	v8 =	vld [tilespmem:s16+$0x430];
	[tilespmem:s19+$0xFFFFFE70] =	vst v3;
	v3 =	vmul.f32 v4, v0;
	v4 =	vmul.f32 v7, v1  }
0x284: {  	v7 =	vld [tilespmem:s5+$0x40]  }
0x285: {  	v9 =	vld [tilespmem:s8+$0x40];
	v3 =	vadd.f32 v4, v3  }
0x286: {  	v4 =	vmul.f32 v6, v0;
	v2 =	vmul.f32 v2, v1  }
0x287: {  	[tilespmem:s2+$0xFFFFFF20] =	vst v3  }
0x288: {  	v3 =	vmul.f32 v5, v0;
	v5 =	vmul.f32 v8, v1;
	v2 =	vadd.f32 v2, v4;
	v4 =	vld [tilespmem:s6+$0x10]  }
0x289: {  	v6 =	vld [tilespmem:s7+$0x10]  }
0x28a: {  	v3 =	vadd.f32 v5, v3;
	v5 =	vmul.f32 v9, v1;
	[tilespmem:s28+$0x70] =	vst v2;
	v2 =	vmul.f32 v7, v0  }
0x28b: {  	v7 =	vld [tilespmem:s12+$0x400]  }
0x28c: {  	[tilespmem:s17+$0xFFFFFFD0] =	vst v3;
	v3 =	vld [tilespmem:s9+$0x400];
	v2 =	vadd.f32 v5, v2  }
0x28d: {  	v5 =	vld [tilespmem:s10+$0x440]  }
0x28e: {  	v8 =	vld [tilespmem:s16+$0x440];
	[tilespmem:s19+$0xFFFFFE80] =	vst v2;
	v2 =	vmul.f32 v4, v0;
	v4 =	vmul.f32 v6, v1  }
0x28f: {  	v6 =	vld [tilespmem:s5+$0x50]  }
0x290: {  	v9 =	vld [tilespmem:s8+$0x50];
	v2 =	vadd.f32 v4, v2  }
0x291: {  	v4 =	vmul.f32 v7, v0;
	v3 =	vmul.f32 v3, v1  }
0x292: {  	[tilespmem:s2+$0xFFFFFF30] =	vst v2  }
0x293: {  	v2 =	vmul.f32 v5, v0;
	v5 =	vmul.f32 v8, v1;
	v3 =	vadd.f32 v3, v4;
	v4 =	vld [tilespmem:s6+$0x20]  }
0x294: {  	v7 =	vld [tilespmem:s7+$0x20]  }
0x295: {  	v2 =	vadd.f32 v5, v2;
	[tilespmem:s28+$0x80] =	vst v3;
	v3 =	vmul.f32 v6, v0;
	v5 =	vmul.f32 v9, v1  }
0x296: {  	v6 =	vld [tilespmem:s12+$0x410]  }
0x297: {  	[tilespmem:s17+$0xFFFFFFE0] =	vst v2;
	v2 =	vld [tilespmem:s9+$0x410];
	v3 =	vadd.f32 v5, v3  }
0x298: {  	v5 =	vld [tilespmem:s10+$0x450]  }
0x299: {  	v8 =	vld [tilespmem:s16+$0x450];
	[tilespmem:s19+$0xFFFFFE90] =	vst v3;
	v3 =	vmul.f32 v4, v0;
	v4 =	vmul.f32 v7, v1  }
0x29a: {  	v7 =	vld [tilespmem:s5+$0x60]  }
0x29b: {  	v9 =	vld [tilespmem:s8+$0x60];
	v3 =	vadd.f32 v4, v3  }
0x29c: {  	v4 =	vmul.f32 v6, v0;
	v2 =	vmul.f32 v2, v1  }
0x29d: {  	[tilespmem:s2+$0xFFFFFF40] =	vst v3  }
0x29e: {  	v3 =	vmul.f32 v5, v0;
	v5 =	vmul.f32 v8, v1;
	v2 =	vadd.f32 v2, v4;
	v4 =	vld [tilespmem:s6+$0x30]  }
0x29f: {  	v6 =	vld [tilespmem:s7+$0x30]  }
0x2a0: {  	v3 =	vadd.f32 v5, v3;
	v5 =	vmul.f32 v9, v1;
	[tilespmem:s28+$0x90] =	vst v2;
	v2 =	vmul.f32 v7, v0  }
0x2a1: {  	s16 =	sor.u32 $0x100, s31;
	v7 =	vld [tilespmem:s12+$0x420]  }
0x2a2: {  	s29 =	sadd.s32 s16, s26;
	[tilespmem:s17+$0xFFFFFFF0] =	vst v3;
	v3 =	vld [tilespmem:s9+$0x420];
	v2 =	vadd.f32 v5, v2  }
0x2a3: {  	s0 =	sadd.s32 s16, s13;
	v5 =	vld [tilespmem:s29+$0x0]  }
0x2a4: {  	v8 =	vld [tilespmem:s0+$0x0];
	[tilespmem:s19+$0xFFFFFEA0] =	vst v2;
	v2 =	vmul.f32 v4, v0;
	v4 =	vmul.f32 v6, v1  }
0x2a5: {  	v6 =	vld [tilespmem:s5+$0x70]  }
0x2a6: {  	v9 =	vld [tilespmem:s8+$0x70];
	v2 =	vadd.f32 v4, v2  }
0x2a7: {  	v4 =	vmul.f32 v7, v0;
	v3 =	vmul.f32 v3, v1  }
0x2a8: {  	[tilespmem:s2+$0xFFFFFF50] =	vst v2  }
0x2a9: {  	v2 =	vmul.f32 v5, v0;
	v5 =	vmul.f32 v8, v1;
	v3 =	vadd.f32 v3, v4;
	v4 =	vld [tilespmem:s6+$0x40]  }
0x2aa: {  	v7 =	vld [tilespmem:s7+$0x40]  }
0x2ab: {  	v2 =	vadd.f32 v5, v2;
	[tilespmem:s28+$0xA0] =	vst v3;
	v3 =	vmul.f32 v6, v0;
	v5 =	vmul.f32 v9, v1  }
0x2ac: {  	v6 =	vld [tilespmem:s12+$0x430]  }
0x2ad: {  	[tilespmem:s17+$0x0] =	vst v2;
	v2 =	vld [tilespmem:s9+$0x430];
	v3 =	vadd.f32 v5, v3  }
0x2ae: {  	v5 =	vld [tilespmem:s29+$0x10]  }
0x2af: {  	v8 =	vld [tilespmem:s0+$0x10];
	[tilespmem:s19+$0xFFFFFEB0] =	vst v3;
	v3 =	vmul.f32 v4, v0;
	v4 =	vmul.f32 v7, v1  }
0x2b0: {  	v7 =	vld [tilespmem:s5+$0x400]  }
0x2b1: {  	v9 =	vld [tilespmem:s8+$0x400];
	v3 =	vadd.f32 v4, v3  }
0x2b2: {  	v4 =	vmul.f32 v6, v0;
	v2 =	vmul.f32 v2, v1  }
0x2b3: {  	[tilespmem:s2+$0xFFFFFF60] =	vst v3  }
0x2b4: {  	v3 =	vmul.f32 v5, v0;
	v5 =	vmul.f32 v8, v1;
	v2 =	vadd.f32 v2, v4;
	v4 =	vld [tilespmem:s6+$0x50]  }
0x2b5: {  	v6 =	vld [tilespmem:s7+$0x50]  }
0x2b6: {  	v3 =	vadd.f32 v5, v3;
	v5 =	vmul.f32 v9, v1;
	[tilespmem:s28+$0xB0] =	vst v2;
	v2 =	vmul.f32 v7, v0  }
0x2b7: {  	v7 =	vld [tilespmem:s12+$0x440]  }
0x2b8: {  	[tilespmem:s17+$0x10] =	vst v3;
	v3 =	vld [tilespmem:s9+$0x440];
	v2 =	vadd.f32 v5, v2  }
0x2b9: {  	v5 =	vld [tilespmem:s29+$0x20]  }
0x2ba: {  	v8 =	vld [tilespmem:s0+$0x20];
	[tilespmem:s19+$0xFFFFFEC0] =	vst v2;
	v2 =	vmul.f32 v4, v0;
	v4 =	vmul.f32 v6, v1  }
0x2bb: {  	v6 =	vld [tilespmem:s5+$0x410]  }
0x2bc: {  	v9 =	vld [tilespmem:s8+$0x410];
	v2 =	vadd.f32 v4, v2  }
0x2bd: {  	v4 =	vmul.f32 v7, v0;
	v3 =	vmul.f32 v3, v1  }
0x2be: {  	[tilespmem:s2+$0xFFFFFF70] =	vst v2  }
0x2bf: {  	v2 =	vmul.f32 v5, v0;
	v5 =	vmul.f32 v8, v1;
	v3 =	vadd.f32 v3, v4;
	v4 =	vld [tilespmem:s6+$0x60]  }
0x2c0: {  	v7 =	vld [tilespmem:s7+$0x60]  }
0x2c1: {  	v2 =	vadd.f32 v5, v2;
	[tilespmem:s28+$0xC0] =	vst v3;
	v3 =	vmul.f32 v6, v0;
	v5 =	vmul.f32 v9, v1  }
0x2c2: {  	v6 =	vld [tilespmem:s12+$0x450]  }
0x2c3: {  	s20 =	simm.s32 $0x1000;
	[tilespmem:s17+$0x20] =	vst v2;
	v2 =	vld [tilespmem:s9+$0x450];
	v3 =	vadd.f32 v5, v3  }
0x2c4: {  	s24 =	sand.u32 $0x3800, s20;
	v5 =	vld [tilespmem:s29+$0x30]  }
0x2c5: {  	s23 =	simm.s32 $0x800;
	s24 =	sadd.s32 s24, s22;
	v8 =	vld [tilespmem:s0+$0x30];
	[tilespmem:s19+$0xFFFFFED0] =	vst v3;
	v3 =	vmul.f32 v4, v0;
	v4 =	vmul.f32 v7, v1  }
0x2c6: {  	s10 =	sand.u32 $0x200, s23;
	s16 =	sadd.s32 $0x3000, s24;
	v7 =	vld [tilespmem:s5+$0x420]  }
0x2c7: {  	s12 =	sadd.s32 s10, s16;
	v9 =	vld [tilespmem:s8+$0x420];
	v3 =	vadd.f32 v4, v3  }
0x2c8: {  	s13 =	sadd.s32 s10, s24;
	v10 =	vld [tilespmem:s12+$0x0];
	v4 =	vmul.f32 v6, v0;
	v2 =	vmul.f32 v2, v1  }
0x2c9: {  	v6 =	vld [tilespmem:s13+$0x0];
	[tilespmem:s2+$0xFFFFFF80] =	vst v3  }
0x2ca: {  	v3 =	vmul.f32 v5, v0;
	v5 =	vmul.f32 v8, v1;
	v2 =	vadd.f32 v2, v4;
	v4 =	vld [tilespmem:s6+$0x70]  }
0x2cb: {  	s4 =	sor.u32 $0x180, s4;
	v8 =	vld [tilespmem:s7+$0x70]  }
0x2cc: {  	s9 =	sadd.s32 s4, s1;
	v3 =	vadd.f32 v5, v3;
	v5 =	vmul.f32 v9, v1;
	[tilespmem:s28+$0xD0] =	vst v2;
	v2 =	vmul.f32 v7, v0  }
0x2cd: {  	s20 =	sadd.s32 s4, s3;
	v7 =	vld [tilespmem:s9+$0x0]  }
0x2ce: {  	v9 =	vmul.f32 v10, v1;
	v6 =	vmul.f32 v6, v0;
	[tilespmem:s17+$0x30] =	vst v3;
	v3 =	vld [tilespmem:s20+$0x0];
	v2 =	vadd.f32 v5, v2  }
0x2cf: {  	v5 =	vld [tilespmem:s29+$0x40]  }
0x2d0: {  	v10 =	vld [tilespmem:s0+$0x40];
	v6 =	vadd.f32 v9, v6;
	[tilespmem:s19+$0xFFFFFEE0] =	vst v2;
	v2 =	vmul.f32 v4, v0;
	v4 =	vmul.f32 v8, v1  }
0x2d1: {  	s23 =	sadd.s32 $0x380, s19;
	v8 =	vld [tilespmem:s5+$0x430]  }
0x2d2: {  	[tilespmem:s23+$0xFFFFFE40] =	vst v6;
	v6 =	vld [tilespmem:s8+$0x430];
	v2 =	vadd.f32 v4, v2  }
0x2d3: {  	v9 =	vld [tilespmem:s12+$0x10];
	v4 =	vmul.f32 v7, v0;
	v3 =	vmul.f32 v3, v1  }
0x2d4: {  	v7 =	vld [tilespmem:s13+$0x10];
	[tilespmem:s2+$0xFFFFFF90] =	vst v2  }
0x2d5: {  	v2 =	vmul.f32 v5, v0;
	v5 =	vmul.f32 v10, v1;
	v3 =	vadd.f32 v3, v4;
	v4 =	vld [tilespmem:s6+$0x400]  }
0x2d6: {  	v10 =	vld [tilespmem:s7+$0x400]  }
0x2d7: {  	v2 =	vadd.f32 v5, v2;
	[tilespmem:s28+$0xE0] =	vst v3;
	v3 =	vmul.f32 v8, v0;
	v5 =	vmul.f32 v6, v1  }
0x2d8: {  	v6 =	vld [tilespmem:s9+$0x10]  }
0x2d9: {  	v8 =	vmul.f32 v9, v1;
	v7 =	vmul.f32 v7, v0;
	[tilespmem:s17+$0x40] =	vst v2;
	v2 =	vld [tilespmem:s20+$0x10];
	v3 =	vadd.f32 v5, v3  }
0x2da: {  	v5 =	vld [tilespmem:s29+$0x50]  }
0x2db: {  	v9 =	vld [tilespmem:s0+$0x50];
	v7 =	vadd.f32 v8, v7;
	[tilespmem:s19+$0xFFFFFEF0] =	vst v3;
	v3 =	vmul.f32 v4, v0;
	v4 =	vmul.f32 v10, v1  }
0x2dc: {  	v8 =	vld [tilespmem:s5+$0x440]  }
0x2dd: {  	[tilespmem:s23+$0xFFFFFE50] =	vst v7;
	v7 =	vld [tilespmem:s8+$0x440];
	v3 =	vadd.f32 v4, v3  }
0x2de: {  	v4 =	vmul.f32 v6, v0;
	v6 =	vld [tilespmem:s13+$0x20];
	v2 =	vmul.f32 v2, v1  }
0x2df: {  	v10 =	vld [tilespmem:s12+$0x20];
	[tilespmem:s2+$0xFFFFFFA0] =	vst v3  }
0x2e0: {  	v3 =	vmul.f32 v5, v0;
	v5 =	vmul.f32 v9, v1;
	v2 =	vadd.f32 v2, v4;
	v4 =	vld [tilespmem:s6+$0x410]  }
0x2e1: {  	v9 =	vld [tilespmem:s7+$0x410]  }
0x2e2: {  	v3 =	vadd.f32 v5, v3;
	v5 =	vmul.f32 v7, v1;
	[tilespmem:s28+$0xF0] =	vst v2;
	v2 =	vmul.f32 v8, v0  }
0x2e3: {  	v7 =	vld [tilespmem:s9+$0x20]  }
0x2e4: {  	v6 =	vmul.f32 v6, v0;
	v8 =	vmul.f32 v10, v1;
	[tilespmem:s17+$0x50] =	vst v3;
	v3 =	vld [tilespmem:s20+$0x20];
	v2 =	vadd.f32 v5, v2  }
0x2e5: {  	v5 =	vld [tilespmem:s29+$0x60]  }
0x2e6: {  	v10 =	vld [tilespmem:s0+$0x60];
	v6 =	vadd.f32 v8, v6;
	[tilespmem:s19+$0xFFFFFF00] =	vst v2;
	v2 =	vmul.f32 v4, v0;
	v4 =	vmul.f32 v9, v1  }
0x2e7: {  	v8 =	vld [tilespmem:s5+$0x450]  }
0x2e8: {  	[tilespmem:s23+$0xFFFFFE60] =	vst v6;
	v6 =	vld [tilespmem:s8+$0x450];
	v2 =	vadd.f32 v4, v2  }
0x2e9: {  	v9 =	vld [tilespmem:s12+$0x30];
	v4 =	vmul.f32 v7, v0;
	v3 =	vmul.f32 v3, v1  }
0x2ea: {  	v7 =	vld [tilespmem:s13+$0x30];
	[tilespmem:s2+$0xFFFFFFB0] =	vst v2  }
0x2eb: {  	v2 =	vmul.f32 v5, v0;
	v5 =	vmul.f32 v10, v1;
	v3 =	vadd.f32 v3, v4;
	v4 =	vld [tilespmem:s6+$0x420]  }
0x2ec: {  	v10 =	vld [tilespmem:s7+$0x420]  }
0x2ed: {  	v2 =	vadd.f32 v5, v2;
	[tilespmem:s28+$0x100] =	vst v3;
	v3 =	vmul.f32 v8, v0;
	v5 =	vmul.f32 v6, v1  }
0x2ee: {  	v6 =	vld [tilespmem:s9+$0x30]  }
0x2ef: {  	v8 =	vmul.f32 v9, v1;
	v7 =	vmul.f32 v7, v0;
	[tilespmem:s17+$0x60] =	vst v2;
	v2 =	vld [tilespmem:s20+$0x30];
	v3 =	vadd.f32 v5, v3  }
0x2f0: {  	s8 =	sor.u32 $0x80, s18;
	v5 =	vld [tilespmem:s29+$0x70]  }
0x2f1: {  	s5 =	sadd.s32 s8, s14;
	v9 =	vld [tilespmem:s0+$0x70];
	v7 =	vadd.f32 v8, v7;
	[tilespmem:s19+$0xFFFFFF10] =	vst v3;
	v3 =	vmul.f32 v4, v0;
	v4 =	vmul.f32 v10, v1  }
0x2f2: {  	s4 =	sadd.s32 s8, s15;
	v8 =	vld [tilespmem:s5+$0x0]  }
0x2f3: {  	[tilespmem:s23+$0xFFFFFE70] =	vst v7;
	v7 =	vld [tilespmem:s4+$0x0];
	v3 =	vadd.f32 v4, v3  }
0x2f4: {  	v4 =	vmul.f32 v6, v0;
	v6 =	vld [tilespmem:s13+$0x40];
	v2 =	vmul.f32 v2, v1  }
0x2f5: {  	v10 =	vld [tilespmem:s12+$0x40];
	[tilespmem:s2+$0xFFFFFFC0] =	vst v3  }
0x2f6: {  	v3 =	vmul.f32 v5, v0;
	v5 =	vmul.f32 v9, v1;
	v2 =	vadd.f32 v2, v4;
	v4 =	vld [tilespmem:s6+$0x430]  }
0x2f7: {  	v9 =	vld [tilespmem:s7+$0x430]  }
0x2f8: {  	v3 =	vadd.f32 v5, v3;
	v5 =	vmul.f32 v7, v1;
	[tilespmem:s28+$0x110] =	vst v2;
	v2 =	vmul.f32 v8, v0  }
0x2f9: {  	v7 =	vld [tilespmem:s9+$0x40]  }
0x2fa: {  	v6 =	vmul.f32 v6, v0;
	v8 =	vmul.f32 v10, v1;
	[tilespmem:s17+$0x70] =	vst v3;
	v3 =	vld [tilespmem:s20+$0x40];
	v2 =	vadd.f32 v5, v2  }
0x2fb: {  	v5 =	vld [tilespmem:s29+$0x400]  }
0x2fc: {  	v10 =	vld [tilespmem:s0+$0x400];
	v6 =	vadd.f32 v8, v6;
	[tilespmem:s19+$0xFFFFFF20] =	vst v2;
	v2 =	vmul.f32 v4, v0;
	v4 =	vmul.f32 v9, v1  }
0x2fd: {  	v8 =	vld [tilespmem:s5+$0x10]  }
0x2fe: {  	[tilespmem:s23+$0xFFFFFE80] =	vst v6;
	v6 =	vld [tilespmem:s4+$0x10];
	v2 =	vadd.f32 v4, v2  }
0x2ff: {  	v9 =	vld [tilespmem:s12+$0x50];
	v4 =	vmul.f32 v7, v0;
	v3 =	vmul.f32 v3, v1  }
0x300: {  	v7 =	vld [tilespmem:s13+$0x50];
	[tilespmem:s2+$0xFFFFFFD0] =	vst v2  }
0x301: {  	v2 =	vmul.f32 v5, v0;
	v5 =	vmul.f32 v10, v1;
	v3 =	vadd.f32 v3, v4;
	v4 =	vld [tilespmem:s6+$0x440]  }
0x302: {  	v10 =	vld [tilespmem:s7+$0x440]  }
0x303: {  	v2 =	vadd.f32 v5, v2;
	[tilespmem:s28+$0x120] =	vst v3;
	v3 =	vmul.f32 v8, v0;
	v5 =	vmul.f32 v6, v1  }
0x304: {  	v6 =	vld [tilespmem:s9+$0x50]  }
0x305: {  	v8 =	vmul.f32 v9, v1;
	v7 =	vmul.f32 v7, v0;
	[tilespmem:s17+$0x80] =	vst v2;
	v2 =	vld [tilespmem:s20+$0x50];
	v3 =	vadd.f32 v5, v3  }
0x306: {  	v5 =	vld [tilespmem:s29+$0x410]  }
0x307: {  	v9 =	vld [tilespmem:s0+$0x410];
	v7 =	vadd.f32 v8, v7;
	[tilespmem:s19+$0xFFFFFF30] =	vst v3;
	v3 =	vmul.f32 v4, v0;
	v4 =	vmul.f32 v10, v1  }
0x308: {  	v8 =	vld [tilespmem:s5+$0x20]  }
0x309: {  	[tilespmem:s23+$0xFFFFFE90] =	vst v7;
	v7 =	vld [tilespmem:s4+$0x20];
	v3 =	vadd.f32 v4, v3  }
0x30a: {  	v4 =	vmul.f32 v6, v0;
	v6 =	vld [tilespmem:s13+$0x60];
	v2 =	vmul.f32 v2, v1  }
0x30b: {  	v10 =	vld [tilespmem:s12+$0x60];
	[tilespmem:s2+$0xFFFFFFE0] =	vst v3  }
0x30c: {  	v3 =	vmul.f32 v5, v0;
	v5 =	vmul.f32 v9, v1;
	v2 =	vadd.f32 v2, v4;
	v4 =	vld [tilespmem:s6+$0x450]  }
0x30d: {  	v9 =	vld [tilespmem:s7+$0x450]  }
0x30e: {  	v3 =	vadd.f32 v5, v3;
	v5 =	vmul.f32 v7, v1;
	[tilespmem:s28+$0x130] =	vst v2;
	v2 =	vmul.f32 v8, v0  }
0x30f: {  	v7 =	vld [tilespmem:s9+$0x60]  }
0x310: {  	v6 =	vmul.f32 v6, v0;
	v8 =	vmul.f32 v10, v1;
	[tilespmem:s17+$0x90] =	vst v3;
	v3 =	vld [tilespmem:s20+$0x60];
	v2 =	vadd.f32 v5, v2  }
0x311: {  	v5 =	vld [tilespmem:s29+$0x420]  }
0x312: {  	v10 =	vld [tilespmem:s0+$0x420];
	v6 =	vadd.f32 v8, v6;
	[tilespmem:s19+$0xFFFFFF40] =	vst v2;
	v2 =	vmul.f32 v4, v0;
	v4 =	vmul.f32 v9, v1  }
0x313: {  	v8 =	vld [tilespmem:s5+$0x30]  }
0x314: {  	[tilespmem:s23+$0xFFFFFEA0] =	vst v6;
	v6 =	vld [tilespmem:s4+$0x30];
	v2 =	vadd.f32 v4, v2  }
0x315: {  	v9 =	vld [tilespmem:s12+$0x70];
	v4 =	vmul.f32 v7, v0;
	v3 =	vmul.f32 v3, v1  }
0x316: {  	s30 =	smov.u32 s18;
	s18 =	sor.u32 $0x100, s25;
	v7 =	vld [tilespmem:s13+$0x70];
	[tilespmem:s2+$0xFFFFFFF0] =	vst v2  }
0x317: {  	s6 =	sadd.s32 s18, s11;
	v2 =	vmul.f32 v5, v0;
	v5 =	vmul.f32 v10, v1;
	v3 =	vadd.f32 v3, v4;
	[dreg:$0x4] =	wrdreg s11  }
0x318: {  	s8 =	sadd.s32 s18, s21;
	v4 =	vld [tilespmem:s6+$0x0]  }
0x319: {  	v10 =	vld [tilespmem:s8+$0x0];
	v2 =	vadd.f32 v5, v2;
	[tilespmem:s28+$0x140] =	vst v3;
	v3 =	vmul.f32 v8, v0;
	v5 =	vmul.f32 v6, v1  }
0x31a: {  	v6 =	vld [tilespmem:s9+$0x70]  }
0x31b: {  	v8 =	vmul.f32 v9, v1;
	v7 =	vmul.f32 v7, v0;
	[tilespmem:s17+$0xA0] =	vst v2;
	v2 =	vld [tilespmem:s20+$0x70];
	v3 =	vadd.f32 v5, v3  }
0x31c: {  	v5 =	vld [tilespmem:s29+$0x430]  }
0x31d: {  	v9 =	vld [tilespmem:s0+$0x430];
	v7 =	vadd.f32 v8, v7;
	[tilespmem:s19+$0xFFFFFF50] =	vst v3  }
0x31e: {  	v3 =	vld [tilespmem:s5+$0x40]  }
0x31f: {  	v4 =	vmul.f32 v4, v0;
	v8 =	vmul.f32 v10, v1;
	[tilespmem:s23+$0xFFFFFEB0] =	vst v7;
	v7 =	vld [tilespmem:s4+$0x40]  }
0x320: {  	v6 =	vmul.f32 v6, v0;
	v10 =	vld [tilespmem:s13+$0x400];
	v2 =	vmul.f32 v2, v1  }
0x321: {  	v4 =	vadd.f32 v8, v4;
	v8 =	vld [tilespmem:s12+$0x400]  }
0x322: {  	v5 =	vmul.f32 v5, v0;
	v9 =	vmul.f32 v9, v1;
	v2 =	vadd.f32 v2, v6  }
0x323: {  	[tilespmem:s2+$0x0] =	vst v4  }
0x324: {  	v4 =	vld [tilespmem:s6+$0x10];
	v5 =	vadd.f32 v9, v5;
	[tilespmem:s28+$0x150] =	vst v2  }
0x325: {  	v2 =	vmul.f32 v3, v0;
	v3 =	vmul.f32 v7, v1;
	v6 =	vld [tilespmem:s9+$0x400]  }
0x326: {  	v7 =	vmul.f32 v10, v0;
	[tilespmem:s17+$0xB0] =	vst v5;
	v5 =	vld [tilespmem:s20+$0x400];
	v8 =	vmul.f32 v8, v1  }
0x327: {  	v2 =	vadd.f32 v3, v2;
	v3 =	vld [tilespmem:s29+$0x440]  }
0x328: {  	v9 =	vld [tilespmem:s0+$0x440];
	v7 =	vadd.f32 v8, v7  }
0x329: {  	[tilespmem:s19+$0xFFFFFF60] =	vst v2;
	v2 =	vld [tilespmem:s8+$0x10]  }
0x32a: {  	s1 =	smov.u32 s15;
	s11 =	simm.s32 $0x1400;
	v8 =	vld [tilespmem:s5+$0x50];
	[tilespmem:s23+$0xFFFFFEC0] =	vst v7  }
0x32b: {  	s7 =	simm.s32 $0xA00;
	s15 =	sand.u32 $0x3800, s11;
	v7 =	vld [tilespmem:s4+$0x50];
	[dreg:$0x5] =	wrdreg s22  }
0x32c: {  	s18 =	sand.u32 $0x200, s7;
	v6 =	vmul.f32 v6, v0;
	v5 =	vmul.f32 v5, v1;
	s22 =	sadd.s32 s15, s22;
	v10 =	vld [tilespmem:s13+$0x410]  }
0x32d: {  	v11 =	vld [tilespmem:s12+$0x410];
	s15 =	sadd.s32 s18, s22;
	[dreg:$0x6] =	wrdreg s22  }
0x32e: {  	s3 =	smov.u32 s14;
	v3 =	vmul.f32 v3, v0;
	v9 =	vmul.f32 v9, v1;
	s14 =	sadd.s32 $0x3000, s22;
	v5 =	vadd.f32 v5, v6;
	v6 =	vld [tilespmem:s15+$0x0];
	[dreg:$0x7] =	wrdreg s18  }
0x32f: {  	v4 =	vmul.f32 v4, v0;
	[dreg:$0x8] =	wrdreg s14;
	s14 =	sadd.s32 s18, s14;
	v2 =	vmul.f32 v2, v1  }
0x330: {  	v12 =	vld [tilespmem:s14+$0x0];
	v3 =	vadd.f32 v9, v3;
	[tilespmem:s28+$0x160] =	vst v5  }
0x331: {  	v5 =	vmul.f32 v8, v0;
	v7 =	vmul.f32 v7, v1;
	v2 =	vadd.f32 v2, v4;
	v4 =	vld [tilespmem:s9+$0x410]  }
0x332: {  	[tilespmem:s17+$0xC0] =	vst v3;
	v3 =	vld [tilespmem:s20+$0x410]  }
0x333: {  	v8 =	vld [tilespmem:s29+$0x450];
	v9 =	vmul.f32 v10, v0;
	v10 =	vmul.f32 v11, v1;
	v5 =	vadd.f32 v7, v5;
	[tilespmem:s2+$0x10] =	vst v2  }
0x334: {  	v2 =	vld [tilespmem:s6+$0x20]  }
0x335: {  	v7 =	vadd.f32 v10, v9;
	[tilespmem:s19+$0xFFFFFF70] =	vst v5;
	v5 =	vld [tilespmem:s8+$0x20]  }
0x336: {  	v6 =	vmul.f32 v6, v0;
	v9 =	vmul.f32 v12, v1;
	v10 =	vld [tilespmem:s5+$0x60]  }
0x337: {  	[tilespmem:s23+$0xFFFFFED0] =	vst v7;
	v7 =	vld [tilespmem:s4+$0x60];
	v4 =	vmul.f32 v4, v0;
	v3 =	vmul.f32 v3, v1  }
0x338: {  	v6 =	vadd.f32 v9, v6;
	v9 =	vld [tilespmem:s13+$0x420]  }
0x339: {  	s29 =	sadd.s32 $0x380, s23;
	v11 =	vld [tilespmem:s12+$0x420];
	v3 =	vadd.f32 v3, v4  }
0x33a: {  	v4 =	vld [tilespmem:s0+$0x450];
	[tilespmem:s29+$0xFFFFFE40] =	vst v6;
	v2 =	vmul.f32 v2, v0;
	v5 =	vmul.f32 v5, v1  }
0x33b: {  	v6 =	vld [tilespmem:s15+$0x10];
	[tilespmem:s28+$0x170] =	vst v3  }
0x33c: {  	v3 =	vmul.f32 v10, v0;
	v7 =	vmul.f32 v7, v1;
	v2 =	vadd.f32 v5, v2;
	v5 =	vld [tilespmem:s9+$0x420]  }
0x33d: {  	v10 =	vld [tilespmem:s20+$0x420]  }
0x33e: {  	v60 =	vld [tilespmem:s14+$0x10];
	v9 =	vmul.f32 v9, v0;
	v11 =	vmul.f32 v11, v1;
	v3 =	vadd.f32 v7, v3;
	[tilespmem:s2+$0x20] =	vst v2  }
0x33f: {  	v8 =	vmul.f32 v8, v0;
	v4 =	vmul.f32 v4, v1;
	v2 =	vld [tilespmem:s6+$0x30]  }
0x340: {  	v7 =	vadd.f32 v11, v9;
	[tilespmem:s19+$0xFFFFFF80] =	vst v3;
	v3 =	vld [tilespmem:s8+$0x30]  }
0x341: {  	v4 =	vadd.f32 v4, v8;
	v9 =	vld [tilespmem:s5+$0x70]  }
0x342: {  	[tilespmem:s23+$0xFFFFFEE0] =	vst v7;
	v7 =	vld [tilespmem:s4+$0x70];
	v5 =	vmul.f32 v5, v0;
	v8 =	vmul.f32 v10, v1  }
0x343: {  	s18 =	sor.u32 $0x180, s31;
	v6 =	vmul.f32 v6, v0;
	v11 =	vmul.f32 v60, v1;
	v10 =	vld [tilespmem:s13+$0x430];
	[tilespmem:s17+$0xD0] =	vst v4  }
0x344: {  	s31 =	sadd.s32 s18, s26;
	v61 =	vld [tilespmem:s12+$0x430];
	v4 =	vadd.f32 v8, v5;
	s22 =	rddreg [dreg:$0x14]  }
0x345: {  	v6 =	vadd.f32 v11, v6;
	v5 =	vld [tilespmem:s31+$0x0];
	s0 =	sadd.s32 s18, s22;
	v2 =	vmul.f32 v2, v0;
	v3 =	vmul.f32 v3, v1  }
0x346: {  	v8 =	vld [tilespmem:s0+$0x0];
	[tilespmem:s28+$0x180] =	vst v4  }
0x347: {  	[tilespmem:s29+$0xFFFFFE50] =	vst v6;
	v4 =	vmul.f32 v9, v0;
	v7 =	vmul.f32 v7, v1;
	v6 =	vld [tilespmem:s20+$0x430];
	v2 =	vadd.f32 v3, v2  }
0x348: {  	v3 =	vld [tilespmem:s9+$0x430]  }
0x349: {  	v9 =	vld [tilespmem:s15+$0x20];
	v10 =	vmul.f32 v10, v0;
	v11 =	vmul.f32 v61, v1;
	v4 =	vadd.f32 v7, v4;
	[tilespmem:s2+$0x30] =	vst v2  }
0x34a: {  	v2 =	vld [tilespmem:s6+$0x40]  }
0x34b: {  	v7 =	vadd.f32 v11, v10;
	[tilespmem:s19+$0xFFFFFF90] =	vst v4;
	v4 =	vld [tilespmem:s8+$0x40]  }
0x34c: {  	v5 =	vmul.f32 v5, v0;
	v8 =	vmul.f32 v8, v1;
	v10 =	vld [tilespmem:s5+$0x400]  }
0x34d: {  	[tilespmem:s23+$0xFFFFFEF0] =	vst v7;
	v7 =	vld [tilespmem:s4+$0x400];
	v6 =	vmul.f32 v6, v1;
	v3 =	vmul.f32 v3, v0  }
0x34e: {  	v11 =	vld [tilespmem:s13+$0x440];
	v5 =	vadd.f32 v8, v5  }
0x34f: {  	v8 =	vld [tilespmem:s12+$0x440];
	v3 =	vadd.f32 v6, v3  }
0x350: {  	v6 =	vld [tilespmem:s14+$0x20];
	[tilespmem:s17+$0xE0] =	vst v5;
	v2 =	vmul.f32 v2, v0;
	v4 =	vmul.f32 v4, v1  }
0x351: {  	v5 =	vld [tilespmem:s31+$0x10];
	[tilespmem:s28+$0x190] =	vst v3  }
0x352: {  	v3 =	vmul.f32 v10, v0;
	v7 =	vmul.f32 v7, v1;
	v2 =	vadd.f32 v4, v2;
	v4 =	vld [tilespmem:s9+$0x440]  }
0x353: {  	v10 =	vld [tilespmem:s20+$0x440]  }
0x354: {  	v11 =	vmul.f32 v11, v0;
	v8 =	vmul.f32 v8, v1;
	v3 =	vadd.f32 v7, v3;
	[tilespmem:s2+$0x40] =	vst v2;
	v2 =	vld [tilespmem:s0+$0x10]  }
0x355: {  	v7 =	vld [tilespmem:s6+$0x50]  }
0x356: {  	v9 =	vmul.f32 v9, v0;
	v6 =	vmul.f32 v6, v1;
	v8 =	vadd.f32 v8, v11;
	[tilespmem:s19+$0xFFFFFFA0] =	vst v3;
	v3 =	vld [tilespmem:s8+$0x50]  }
0x357: {  	v11 =	vld [tilespmem:s5+$0x410]  }
0x358: {  	v6 =	vadd.f32 v6, v9;
	[tilespmem:s23+$0xFFFFFF00] =	vst v8;
	v8 =	vld [tilespmem:s4+$0x410];
	v4 =	vmul.f32 v4, v0;
	v9 =	vmul.f32 v10, v1  }
0x359: {  	v5 =	vmul.f32 v5, v0;
	v10 =	vld [tilespmem:s13+$0x450];
	v2 =	vmul.f32 v2, v1  }
0x35a: {  	v62 =	vld [tilespmem:s12+$0x450];
	[tilespmem:s29+$0xFFFFFE60] =	vst v6;
	v4 =	vadd.f32 v9, v4  }
0x35b: {  	v6 =	vld [tilespmem:s15+$0x30];
	v7 =	vmul.f32 v7, v0;
	v3 =	vmul.f32 v3, v1;
	v2 =	vadd.f32 v2, v5  }
0x35c: {  	v5 =	vld [tilespmem:s14+$0x30];
	[tilespmem:s28+$0x1A0] =	vst v4  }
0x35d: {  	v4 =	vmul.f32 v11, v0;
	v8 =	vmul.f32 v8, v1;
	v9 =	vld [tilespmem:s9+$0x450];
	v3 =	vadd.f32 v3, v7;
	[tilespmem:s17+$0xF0] =	vst v2  }
0x35e: {  	v2 =	vld [tilespmem:s31+$0x20]  }
0x35f: {  	v7 =	vmul.f32 v10, v0;
	v10 =	vmul.f32 v62, v1;
	v4 =	vadd.f32 v8, v4;
	[tilespmem:s2+$0x50] =	vst v3;
	v3 =	vld [tilespmem:s0+$0x20]  }
0x360: {  	v8 =	vld [tilespmem:s6+$0x60]  }
0x361: {  	v6 =	vmul.f32 v6, v0;
	v7 =	vadd.f32 v10, v7;
	[tilespmem:s19+$0xFFFFFFB0] =	vst v4;
	v4 =	vld [tilespmem:s8+$0x60];
	v5 =	vmul.f32 v5, v1  }
0x362: {  	s26 =	sor.u32 $0x80, s10;
	v10 =	vld [tilespmem:s5+$0x420]  }
0x363: {  	s7 =	smov.u32 s16;
	s12 =	sadd.s32 s26, s24;
	[tilespmem:s23+$0xFFFFFF10] =	vst v7;
	v5 =	vadd.f32 v5, v6;
	v6 =	vld [tilespmem:s4+$0x420]  }
0x364: {  	s9 =	sadd.s32 s26, s7;
	v7 =	vld [tilespmem:s12+$0x0];
	v2 =	vmul.f32 v2, v0;
	v3 =	vmul.f32 v3, v1  }
0x365: {  	[tilespmem:s29+$0xFFFFFE70] =	vst v5;
	v5 =	vld [tilespmem:s9+$0x0]  }
0x366: {  	v8 =	vmul.f32 v8, v0;
	v4 =	vmul.f32 v4, v1;
	v11 =	vld [tilespmem:s15+$0x40];
	v2 =	vadd.f32 v3, v2  }
0x367: {  	v3 =	vld [tilespmem:s14+$0x40]  }
0x368: {  	v63 =	vld [tilespmem:s20+$0x450];
	v10 =	vmul.f32 v10, v0;
	v8 =	vadd.f32 v4, v8;
	v6 =	vmul.f32 v6, v1;
	[tilespmem:s17+$0x100] =	vst v2  }
0x369: {  	v4 =	vld [tilespmem:s31+$0x30]  }
0x36a: {  	v2 =	vmul.f32 v7, v0;
	[tilespmem:s2+$0x60] =	vst v8;
	v7 =	vmul.f32 v5, v1;
	v10 =	vadd.f32 v6, v10;
	v5 =	vld [tilespmem:s0+$0x30]  }
0x36b: {  	v6 =	vld [tilespmem:s6+$0x70]  }
0x36c: {  	v11 =	vmul.f32 v11, v0;
	v13 =	vmul.f32 v3, v1;
	v14 =	vadd.f32 v7, v2;
	[tilespmem:s19+$0xFFFFFFC0] =	vst v10;
	v7 =	vld [tilespmem:s8+$0x70]  }
0x36d: {  	v8 =	vld [tilespmem:s5+$0x430]  }
0x36e: {  	s16 =	smov.u32 s24;
	s13 =	simm.s32 $0xC00;
	v3 =	vmul.f32 v63, v1;
	v2 =	vmul.f32 v9, v0;
	v10 =	vadd.f32 v13, v11;
	v9 =	vld [tilespmem:s4+$0x430];
	[tilespmem:s23+$0xFFFFFF20] =	vst v14  }
.LBB2_9:
0x36f: {  	_ = 	snop  }
0x370: {  	v11 =	vld [tilespmem:s12+$0x10];
	v2 =	vadd.f32 v3, v2;
	[tilespmem:s29+$0xFFFFFE80] =	vst v10  }
0x371: {  	[dreg:$0x9] =	wrdreg s7;
	s11 =	sadd.s32 $0x400, s11;
	v4 =	vmul.f32 v4, v0;
	v5 =	vmul.f32 v5, v1;
	v3 =	vld [tilespmem:s9+$0x10]  }
0x372: {  	s26 =	rddreg [dreg:$0x5];
	s20 =	sand.u32 $0x3800, s11;
	v10 =	vld [tilespmem:s15+$0x50];
	v6 =	vmul.f32 v6, v0;
	v7 =	vmul.f32 v7, v1;
	[tilespmem:s28+$0x1B0] =	vst v2  }
0x373: {  	s22 =	sand.u32 $0x200, s13;
	s7 =	smov.u32 s21;
	s21 =	sadd.s32 s20, s26;
	v4 =	vadd.f32 v5, v4;
	v2 =	vld [tilespmem:s14+$0x50]  }
0x374: {  	s28 =	smov.u32 s17;
	s18 =	sadd.s32 s22, s21;
	v8 =	vmul.f32 v8, v0;
	v9 =	vmul.f32 v9, v1;
	v6 =	vadd.f32 v7, v6  }
0x375: {  	s17 =	smov.u32 s2;
	v5 =	vld [tilespmem:s18+$0x0];
	[tilespmem:s28+$0x110] =	vst v4  }
0x376: {  	v7 =	vmul.f32 v11, v0;
	v8 =	vadd.f32 v9, v8;
	v4 =	vld [tilespmem:s31+$0x40];
	v3 =	vmul.f32 v3, v1;
	[tilespmem:s17+$0x70] =	vst v6  }
0x377: {  	s2 =	smov.u32 s19;
	v6 =	vld [tilespmem:s0+$0x40]  }
0x378: {  	v10 =	vmul.f32 v10, v0;
	v9 =	vld [tilespmem:s6+$0x400];
	[tilespmem:s2+$0xFFFFFFD0] =	vst v8;
	v2 =	vmul.f32 v2, v1;
	v3 =	vadd.f32 v3, v7  }
0x379: {  	s19 =	smov.u32 s23;
	v7 =	vld [tilespmem:s8+$0x400]  }
0x37a: {  	v8 =	vld [tilespmem:s5+$0x440];
	v2 =	vadd.f32 v2, v10;
	[tilespmem:s19+$0xFFFFFF30] =	vst v3  }
0x37b: {  	v3 =	vld [tilespmem:s4+$0x440]  }
0x37c: {  	v10 =	vld [tilespmem:s12+$0x20];
	[tilespmem:s29+$0xFFFFFE90] =	vst v2  }
0x37d: {  	v4 =	vmul.f32 v4, v0;
	v6 =	vmul.f32 v6, v1;
	v2 =	vld [tilespmem:s9+$0x20]  }
0x37e: {  	v9 =	vmul.f32 v9, v0;
	v11 =	vld [tilespmem:s15+$0x60];
	v7 =	vmul.f32 v7, v1  }
0x37f: {  	s24 =	sadd.s32 $0x3000, s21;
	v4 =	vadd.f32 v6, v4;
	v6 =	vld [tilespmem:s14+$0x60]  }
0x380: {  	s20 =	sadd.s32 s22, s24;
	v8 =	vmul.f32 v8, v0;
	v7 =	vadd.f32 v7, v9;
	v3 =	vmul.f32 v3, v1  }
0x381: {  	v12 =	vld [tilespmem:s20+$0x0];
	[tilespmem:s28+$0x120] =	vst v4  }
0x382: {  	v9 =	vmul.f32 v10, v0;
	v4 =	vld [tilespmem:s31+$0x50];
	[tilespmem:s17+$0x80] =	vst v7;
	v2 =	vmul.f32 v2, v1;
	v3 =	vadd.f32 v3, v8  }
0x383: {  	v7 =	vld [tilespmem:s0+$0x50]  }
0x384: {  	v8 =	vld [tilespmem:s6+$0x410];
	v10 =	vmul.f32 v11, v0;
	v6 =	vmul.f32 v6, v1;
	v2 =	vadd.f32 v2, v9;
	[tilespmem:s2+$0xFFFFFFE0] =	vst v3  }
0x385: {  	v3 =	vld [tilespmem:s8+$0x410]  }
0x386: {  	v5 =	vmul.f32 v5, v0;
	v11 =	vmul.f32 v12, v1;
	v9 =	vld [tilespmem:s5+$0x450];
	v6 =	vadd.f32 v6, v10;
	[tilespmem:s19+$0xFFFFFF40] =	vst v2  }
0x387: {  	s5 =	smov.u32 s12;
	v2 =	vld [tilespmem:s4+$0x450]  }
0x388: {  	v5 =	vadd.f32 v11, v5;
	s4 =	smov.u32 s9;
	v10 =	vld [tilespmem:s5+$0x30];
	[tilespmem:s29+$0xFFFFFEA0] =	vst v6  }
0x389: {  	s23 =	smov.u32 s29;
	v4 =	vmul.f32 v4, v0;
	v7 =	vmul.f32 v7, v1;
	s29 =	sadd.s32 $0x380, s29;
	v6 =	vld [tilespmem:s4+$0x30]  }
0x38a: {  	v8 =	vmul.f32 v8, v0;
	v11 =	vld [tilespmem:s15+$0x70];
	[tilespmem:s29+$0xFFFFFE40] =	vst v5;
	v3 =	vmul.f32 v3, v1  }
0x38b: {  	v4 =	vadd.f32 v7, v4;
	v5 =	vld [tilespmem:s14+$0x70]  }
0x38c: {  	v9 =	vmul.f32 v9, v0;
	v2 =	vmul.f32 v2, v1;
	v3 =	vadd.f32 v3, v8  }
0x38d: {  	v7 =	vld [tilespmem:s18+$0x10];
	[tilespmem:s28+$0x130] =	vst v4  }
0x38e: {  	v4 =	vld [tilespmem:s31+$0x60];
	v8 =	vmul.f32 v10, v0;
	v6 =	vmul.f32 v6, v1;
	v2 =	vadd.f32 v2, v9;
	[tilespmem:s17+$0x90] =	vst v3  }
0x38f: {  	v3 =	vld [tilespmem:s0+$0x60]  }
0x390: {  	s12 =	sor.u32 $0x100, s30;
	v10 =	vmul.f32 v11, v0;
	v5 =	vmul.f32 v5, v1;
	v9 =	vld [tilespmem:s6+$0x420];
	v6 =	vadd.f32 v6, v8;
	[tilespmem:s2+$0xFFFFFFF0] =	vst v2  }
0x391: {  	s26 =	sadd.s32 s12, s3;
	v2 =	vld [tilespmem:s8+$0x420]  }
0x392: {  	s9 =	sadd.s32 s12, s1;
	v5 =	vadd.f32 v5, v10;
	v8 =	vld [tilespmem:s26+$0x0];
	[tilespmem:s19+$0xFFFFFF50] =	vst v6  }
0x393: {  	v6 =	vld [tilespmem:s9+$0x0]  }
0x394: {  	v10 =	vld [tilespmem:s5+$0x40];
	[tilespmem:s23+$0xFFFFFEB0] =	vst v5  }
0x395: {  	v4 =	vmul.f32 v4, v0;
	v5 =	vld [tilespmem:s4+$0x40];
	v3 =	vmul.f32 v3, v1  }
0x396: {  	v11 =	vld [tilespmem:s15+$0x400];
	v9 =	vmul.f32 v9, v0;
	v2 =	vmul.f32 v2, v1  }
0x397: {  	v3 =	vadd.f32 v3, v4;
	v4 =	vld [tilespmem:s14+$0x400]  }
0x398: {  	v8 =	vmul.f32 v8, v0;
	v6 =	vmul.f32 v6, v1;
	v2 =	vadd.f32 v2, v9  }
0x399: {  	v60 =	vld [tilespmem:s20+$0x10];
	[tilespmem:s28+$0x140] =	vst v3  }
0x39a: {  	v9 =	vmul.f32 v10, v0;
	v5 =	vmul.f32 v5, v1;
	v3 =	vld [tilespmem:s31+$0x70];
	v6 =	vadd.f32 v6, v8;
	[tilespmem:s17+$0xA0] =	vst v2  }
0x39b: {  	v2 =	vld [tilespmem:s0+$0x70]  }
0x39c: {  	v10 =	vmul.f32 v11, v0;
	v5 =	vadd.f32 v5, v9;
	v8 =	vld [tilespmem:s6+$0x430];
	v4 =	vmul.f32 v4, v1;
	[tilespmem:s2+$0x0] =	vst v6  }
0x39d: {  	v6 =	vld [tilespmem:s8+$0x430]  }
0x39e: {  	v7 =	vmul.f32 v7, v0;
	v11 =	vmul.f32 v60, v1;
	v9 =	vld [tilespmem:s26+$0x10];
	[tilespmem:s19+$0xFFFFFF60] =	vst v5;
	v4 =	vadd.f32 v4, v10  }
0x39f: {  	v5 =	vld [tilespmem:s9+$0x10]  }
0x3a0: {  	v7 =	vadd.f32 v11, v7;
	v10 =	vld [tilespmem:s5+$0x50];
	[tilespmem:s23+$0xFFFFFEC0] =	vst v4  }
0x3a1: {  	v3 =	vmul.f32 v3, v0;
	v2 =	vmul.f32 v2, v1;
	v4 =	vld [tilespmem:s4+$0x50]  }
0x3a2: {  	v11 =	vld [tilespmem:s15+$0x410];
	v8 =	vmul.f32 v8, v0;
	[tilespmem:s29+$0xFFFFFE50] =	vst v7;
	v6 =	vmul.f32 v6, v1  }
0x3a3: {  	v2 =	vadd.f32 v2, v3;
	v3 =	vld [tilespmem:s14+$0x410]  }
0x3a4: {  	v9 =	vmul.f32 v9, v0;
	v5 =	vmul.f32 v5, v1;
	v6 =	vadd.f32 v6, v8  }
0x3a5: {  	v7 =	vld [tilespmem:s18+$0x20];
	[tilespmem:s28+$0x150] =	vst v2  }
0x3a6: {  	v8 =	vmul.f32 v10, v0;
	v5 =	vadd.f32 v5, v9;
	v2 =	vld [tilespmem:s31+$0x400];
	v4 =	vmul.f32 v4, v1;
	[tilespmem:s17+$0xB0] =	vst v6  }
0x3a7: {  	v6 =	vld [tilespmem:s0+$0x400]  }
0x3a8: {  	v10 =	vmul.f32 v11, v0;
	v9 =	vld [tilespmem:s6+$0x440];
	[tilespmem:s2+$0x10] =	vst v5;
	v3 =	vmul.f32 v3, v1;
	v4 =	vadd.f32 v4, v8  }
0x3a9: {  	v5 =	vld [tilespmem:s8+$0x440]  }
0x3aa: {  	v8 =	vld [tilespmem:s26+$0x20];
	v3 =	vadd.f32 v3, v10;
	[tilespmem:s19+$0xFFFFFF70] =	vst v4  }
0x3ab: {  	v4 =	vld [tilespmem:s9+$0x20]  }
0x3ac: {  	v10 =	vld [tilespmem:s5+$0x60];
	[tilespmem:s23+$0xFFFFFED0] =	vst v3  }
0x3ad: {  	v2 =	vmul.f32 v2, v0;
	v6 =	vmul.f32 v6, v1;
	v3 =	vld [tilespmem:s4+$0x60]  }
0x3ae: {  	v9 =	vmul.f32 v9, v0;
	v11 =	vld [tilespmem:s15+$0x420];
	v5 =	vmul.f32 v5, v1  }
0x3af: {  	v2 =	vadd.f32 v6, v2;
	v6 =	vld [tilespmem:s14+$0x420]  }
0x3b0: {  	v8 =	vmul.f32 v8, v0;
	v5 =	vadd.f32 v5, v9;
	v4 =	vmul.f32 v4, v1  }
0x3b1: {  	v61 =	vld [tilespmem:s20+$0x20];
	[tilespmem:s28+$0x160] =	vst v2  }
0x3b2: {  	v9 =	vmul.f32 v10, v0;
	v2 =	vld [tilespmem:s31+$0x410];
	[tilespmem:s17+$0xC0] =	vst v5;
	v3 =	vmul.f32 v3, v1;
	v4 =	vadd.f32 v4, v8  }
0x3b3: {  	v5 =	vld [tilespmem:s0+$0x410]  }
0x3b4: {  	v8 =	vld [tilespmem:s6+$0x450];
	v10 =	vmul.f32 v11, v0;
	v6 =	vmul.f32 v6, v1;
	v3 =	vadd.f32 v3, v9;
	[tilespmem:s2+$0x20] =	vst v4  }
0x3b5: {  	s6 =	smov.u32 s26;
	v4 =	vld [tilespmem:s8+$0x450]  }
0x3b6: {  	v7 =	vmul.f32 v7, v0;
	v11 =	vmul.f32 v61, v1;
	s8 =	smov.u32 s9;
	v9 =	vld [tilespmem:s6+$0x30];
	v6 =	vadd.f32 v6, v10;
	[tilespmem:s19+$0xFFFFFF80] =	vst v3  }
0x3b7: {  	v3 =	vld [tilespmem:s8+$0x30]  }
0x3b8: {  	v7 =	vadd.f32 v11, v7;
	v10 =	vld [tilespmem:s5+$0x70];
	[tilespmem:s23+$0xFFFFFEE0] =	vst v6  }
0x3b9: {  	v2 =	vmul.f32 v2, v0;
	v5 =	vmul.f32 v5, v1;
	v6 =	vld [tilespmem:s4+$0x70]  }
0x3ba: {  	v8 =	vmul.f32 v8, v0;
	v11 =	vld [tilespmem:s15+$0x430];
	[tilespmem:s29+$0xFFFFFE60] =	vst v7;
	v4 =	vmul.f32 v4, v1  }
0x3bb: {  	v2 =	vadd.f32 v5, v2;
	v5 =	vld [tilespmem:s14+$0x430]  }
0x3bc: {  	v9 =	vmul.f32 v9, v0;
	v3 =	vmul.f32 v3, v1;
	v4 =	vadd.f32 v4, v8  }
0x3bd: {  	s12 =	rddreg [dreg:$0x7];
	v7 =	vld [tilespmem:s18+$0x30];
	[tilespmem:s28+$0x170] =	vst v2  }
0x3be: {  	s9 =	sor.u32 $0x180, s25;
	s25 =	rddreg [dreg:$0x4];
	v2 =	vld [tilespmem:s31+$0x420];
	v8 =	vmul.f32 v10, v0;
	v6 =	vmul.f32 v6, v1;
	v3 =	vadd.f32 v3, v9;
	[tilespmem:s17+$0xD0] =	vst v4  }
0x3bf: {  	s26 =	smov.u32 s30;
	s30 =	smov.u32 s10;
	s25 =	sadd.s32 s9, s25;
	v4 =	vld [tilespmem:s0+$0x420]  }
0x3c0: {  	s10 =	smov.u32 s12;
	s12 =	smov.u32 s22;
	s22 =	sadd.s32 s9, s7;
	v10 =	vmul.f32 v11, v0;
	v5 =	vmul.f32 v5, v1;
	v9 =	vld [tilespmem:s25+$0x0];
	v6 =	vadd.f32 v6, v8;
	[tilespmem:s2+$0x30] =	vst v3  }
0x3c1: {  	v3 =	vld [tilespmem:s22+$0x0]  }
0x3c2: {  	v5 =	vadd.f32 v5, v10;
	v8 =	vld [tilespmem:s6+$0x40];
	[tilespmem:s19+$0xFFFFFF90] =	vst v6  }
0x3c3: {  	v6 =	vld [tilespmem:s8+$0x40]  }
0x3c4: {  	v10 =	vld [tilespmem:s5+$0x400];
	[tilespmem:s23+$0xFFFFFEF0] =	vst v5  }
0x3c5: {  	v2 =	vmul.f32 v2, v0;
	v5 =	vld [tilespmem:s4+$0x400];
	v4 =	vmul.f32 v4, v1  }
0x3c6: {  	v11 =	vld [tilespmem:s15+$0x440];
	v9 =	vmul.f32 v9, v0;
	v3 =	vmul.f32 v3, v1  }
0x3c7: {  	v2 =	vadd.f32 v4, v2;
	v4 =	vld [tilespmem:s14+$0x440]  }
0x3c8: {  	v8 =	vmul.f32 v8, v0;
	v6 =	vmul.f32 v6, v1;
	v3 =	vadd.f32 v3, v9  }
0x3c9: {  	v62 =	vld [tilespmem:s20+$0x30];
	[tilespmem:s28+$0x180] =	vst v2  }
0x3ca: {  	v9 =	vmul.f32 v10, v0;
	v5 =	vmul.f32 v5, v1;
	v2 =	vld [tilespmem:s31+$0x430];
	v6 =	vadd.f32 v6, v8;
	[tilespmem:s17+$0xE0] =	vst v3  }
0x3cb: {  	v3 =	vld [tilespmem:s0+$0x430]  }
0x3cc: {  	v10 =	vmul.f32 v11, v0;
	v5 =	vadd.f32 v5, v9;
	v8 =	vld [tilespmem:s25+$0x10];
	v4 =	vmul.f32 v4, v1;
	[tilespmem:s2+$0x40] =	vst v6  }
0x3cd: {  	v6 =	vld [tilespmem:s22+$0x10]  }
0x3ce: {  	v7 =	vmul.f32 v7, v0;
	v11 =	vmul.f32 v62, v1;
	v9 =	vld [tilespmem:s6+$0x50];
	[tilespmem:s19+$0xFFFFFFA0] =	vst v5;
	v4 =	vadd.f32 v4, v10  }
0x3cf: {  	v5 =	vld [tilespmem:s8+$0x50]  }
0x3d0: {  	v7 =	vadd.f32 v11, v7;
	v10 =	vld [tilespmem:s5+$0x410];
	[tilespmem:s23+$0xFFFFFF00] =	vst v4  }
0x3d1: {  	v2 =	vmul.f32 v2, v0;
	v3 =	vmul.f32 v3, v1;
	v4 =	vld [tilespmem:s4+$0x410]  }
0x3d2: {  	v11 =	vld [tilespmem:s15+$0x450];
	v8 =	vmul.f32 v8, v0;
	[tilespmem:s29+$0xFFFFFE70] =	vst v7;
	v6 =	vmul.f32 v6, v1  }
0x3d3: {  	v2 =	vadd.f32 v3, v2;
	v3 =	vld [tilespmem:s14+$0x450]  }
0x3d4: {  	s15 =	smov.u32 s18;
	v9 =	vmul.f32 v9, v0;
	v5 =	vmul.f32 v5, v1;
	v6 =	vadd.f32 v6, v8  }
0x3d5: {  	v7 =	vld [tilespmem:s15+$0x40];
	[tilespmem:s28+$0x190] =	vst v2  }
0x3d6: {  	[dreg:$0x7] =	wrdreg s12;
	v8 =	vmul.f32 v10, v0;
	v5 =	vadd.f32 v5, v9;
	v2 =	vld [tilespmem:s31+$0x440];
	v4 =	vmul.f32 v4, v1;
	[tilespmem:s17+$0xF0] =	vst v6  }
0x3d7: {  	s7 =	smov.u32 s3;
	s9 =	rddreg [dreg:$0x6];
	v6 =	vld [tilespmem:s0+$0x440]  }
0x3d8: {  	s3 =	smov.u32 s16;
	s16 =	smov.u32 s21;
	[dreg:$0x4] =	wrdreg s7;
	v10 =	vmul.f32 v11, v0;
	v9 =	vld [tilespmem:s25+$0x20];
	[tilespmem:s2+$0x50] =	vst v5;
	v3 =	vmul.f32 v3, v1;
	v4 =	vadd.f32 v4, v8  }
0x3d9: {  	[dreg:$0x6] =	wrdreg s16;
	v5 =	vld [tilespmem:s22+$0x20]  }
0x3da: {  	s12 =	smov.u32 s9;
	s9 =	rddreg [dreg:$0x9];
	v8 =	vld [tilespmem:s6+$0x60];
	v3 =	vadd.f32 v3, v10;
	[tilespmem:s19+$0xFFFFFFB0] =	vst v4  }
0x3db: {  	s16 =	rddreg [dreg:$0x8];
	v4 =	vld [tilespmem:s8+$0x60]  }
0x3dc: {  	s7 =	smov.u32 s16;
	s16 =	smov.u32 s24;
	s24 =	sor.u32 $0x80, s10;
	v10 =	vld [tilespmem:s5+$0x420];
	[tilespmem:s23+$0xFFFFFF10] =	vst v3  }
0x3dd: {  	[dreg:$0x8] =	wrdreg s16;
	s16 =	smov.u32 s12;
	s12 =	sadd.s32 s24, s12;
	v2 =	vmul.f32 v2, v0;
	v6 =	vmul.f32 v6, v1;
	v3 =	vld [tilespmem:s4+$0x420]  }
0x3de: {  	s21 =	smov.u32 s1;
	s1 =	smov.u32 s9;
	s9 =	sadd.s32 s24, s7;
	v9 =	vmul.f32 v9, v0;
	v11 =	vld [tilespmem:s12+$0x0];
	v5 =	vmul.f32 v5, v1  }
0x3df: {  	v2 =	vadd.f32 v6, v2;
	v6 =	vld [tilespmem:s9+$0x0]  }
0x3e0: {  	s14 =	smov.u32 s20;
	v8 =	vmul.f32 v8, v0;
	v5 =	vadd.f32 v5, v9;
	v4 =	vmul.f32 v4, v1  }
0x3e1: {  	v63 =	vld [tilespmem:s14+$0x40];
	[tilespmem:s28+$0x1A0] =	vst v2  }
0x3e2: {  	v9 =	vmul.f32 v10, v0;
	v2 =	vld [tilespmem:s31+$0x450];
	[tilespmem:s17+$0x100] =	vst v5;
	v3 =	vmul.f32 v3, v1;
	v8 =	vadd.f32 v4, v8  }
0x3e3: {  	s31 =	smov.u32 s25;
	v10 =	vld [tilespmem:s0+$0x450]  }
0x3e4: {  	p1 =	sne.s32 s13, $0x1600;
	s0 =	smov.u32 s22;
	v4 =	vld [tilespmem:s31+$0x30];
	v11 =	vmul.f32 v11, v0;
	v13 =	vmul.f32 v6, v1;
	v3 =	vadd.f32 v3, v9;
	[tilespmem:s2+$0x60] =	vst v8  }
.Ltmp5:
0x3e5: {  	v5 =	vld [tilespmem:s0+$0x30];
	(pc) =	sbr.rel @p1 .LBB2_9-.Ltmp5, $4  }
0x3e6: {  	v6 =	vld [tilespmem:s6+$0x70];
	v11 =	vadd.f32 v13, v11;
	[tilespmem:s19+$0xFFFFFFC0] =	vst v3  }
0x3e7: {  	v12 =	vmul.f32 v63, v1;
	v9 =	vmul.f32 v7, v0;
	v7 =	vld [tilespmem:s8+$0x70]  }
0x3e8: {  	v8 =	vld [tilespmem:s5+$0x430];
	[tilespmem:s23+$0xFFFFFF20] =	vst v11  }
0x3e9: {  	s13 =	sadd.s32 $0x200, s13;
	s25 =	smov.u32 s26;
	v2 =	vmul.f32 v2, v0;
	v3 =	vmul.f32 v10, v1;
	v10 =	vadd.f32 v12, v9;
	v9 =	vld [tilespmem:s4+$0x430]  }
0x3ea: {  	_ = 	snop  }
0x3eb: {  	[tilespmem:s29+$0xFFFFFE80] =	vst v10  }
0x3ec: {  	v10 =	vld [tilespmem:s15+$0x50]  }
0x3ed: {  	v11 =	vld [tilespmem:s14+$0x50];
	_ =	sdelay $0x4  }
0x3ee: {  	v10 =	vmul.f32 v10, v0;
	v11 =	vmul.f32 v11, v1;
	_ =	sdelay $0x1  }
0x3ef: {  	v10 =	vadd.f32 v11, v10;
	_ =	sdelay $0x1  }
0x3f0: {  	[tilespmem:s29+$0xFFFFFE90] =	vst v10  }
0x3f1: {  	v10 =	vld [tilespmem:s15+$0x60]  }
0x3f2: {  	v45 =	vld [tilespmem:s14+$0x60];
	_ =	sdelay $0x4  }
0x3f3: {  	v10 =	vmul.f32 v10, v0;
	v11 =	vmul.f32 v45, v1;
	_ =	sdelay $0x1  }
0x3f4: {  	v10 =	vadd.f32 v11, v10;
	_ =	sdelay $0x1  }
0x3f5: {  	[tilespmem:s29+$0xFFFFFEA0] =	vst v10  }
0x3f6: {  	v10 =	vld [tilespmem:s15+$0x70]  }
0x3f7: {  	v46 =	vld [tilespmem:s14+$0x70];
	_ =	sdelay $0x4  }
0x3f8: {  	v10 =	vmul.f32 v10, v0;
	v11 =	vmul.f32 v46, v1;
	_ =	sdelay $0x1  }
0x3f9: {  	v10 =	vadd.f32 v11, v10;
	_ =	sdelay $0x1  }
0x3fa: {  	[tilespmem:s29+$0xFFFFFEB0] =	vst v10  }
0x3fb: {  	v10 =	vld [tilespmem:s15+$0x400]  }
0x3fc: {  	v47 =	vld [tilespmem:s14+$0x400];
	_ =	sdelay $0x4  }
0x3fd: {  	v10 =	vmul.f32 v10, v0;
	v11 =	vmul.f32 v47, v1;
	_ =	sdelay $0x1  }
0x3fe: {  	v10 =	vadd.f32 v11, v10;
	_ =	sdelay $0x1  }
0x3ff: {  	[tilespmem:s29+$0xFFFFFEC0] =	vst v10  }
0x400: {  	v10 =	vld [tilespmem:s15+$0x410]  }
0x401: {  	v48 =	vld [tilespmem:s14+$0x410];
	_ =	sdelay $0x4  }
0x402: {  	v10 =	vmul.f32 v10, v0;
	v11 =	vmul.f32 v48, v1;
	_ =	sdelay $0x1  }
0x403: {  	v10 =	vadd.f32 v11, v10;
	_ =	sdelay $0x1  }
0x404: {  	[tilespmem:s29+$0xFFFFFED0] =	vst v10  }
0x405: {  	v10 =	vld [tilespmem:s15+$0x420]  }
0x406: {  	v49 =	vld [tilespmem:s14+$0x420];
	_ =	sdelay $0x4  }
0x407: {  	v10 =	vmul.f32 v10, v0;
	v11 =	vmul.f32 v49, v1;
	_ =	sdelay $0x1  }
0x408: {  	v10 =	vadd.f32 v11, v10;
	_ =	sdelay $0x1  }
0x409: {  	[tilespmem:s29+$0xFFFFFEE0] =	vst v10  }
0x40a: {  	v10 =	vld [tilespmem:s15+$0x430]  }
0x40b: {  	v50 =	vld [tilespmem:s14+$0x430];
	_ =	sdelay $0x4  }
0x40c: {  	v10 =	vmul.f32 v10, v0;
	v11 =	vmul.f32 v50, v1;
	_ =	sdelay $0x1  }
0x40d: {  	v10 =	vadd.f32 v11, v10;
	_ =	sdelay $0x1  }
0x40e: {  	[tilespmem:s29+$0xFFFFFEF0] =	vst v10  }
0x40f: {  	v10 =	vld [tilespmem:s15+$0x440]  }
0x410: {  	v51 =	vld [tilespmem:s14+$0x440];
	_ =	sdelay $0x4  }
0x411: {  	v10 =	vmul.f32 v10, v0;
	v11 =	vmul.f32 v51, v1;
	_ =	sdelay $0x1  }
0x412: {  	v10 =	vadd.f32 v11, v10;
	_ =	sdelay $0x1  }
0x413: {  	[tilespmem:s29+$0xFFFFFF00] =	vst v10  }
0x414: {  	v10 =	vld [tilespmem:s15+$0x450]  }
0x415: {  	v52 =	vld [tilespmem:s14+$0x450];
	_ =	sdelay $0x4  }
0x416: {  	v10 =	vmul.f32 v10, v0;
	v11 =	vmul.f32 v52, v1;
	_ =	sdelay $0x1  }
0x417: {  	v10 =	vadd.f32 v11, v10;
	_ =	sdelay $0x1  }
0x418: {  	s15 =	rddreg [dreg:$0x7];
	[tilespmem:s29+$0xFFFFFF10] =	vst v10  }
0x419: {  	s13 =	sor.u32 $0x80, s15;
	s14 =	rddreg [dreg:$0x6]  }
0x41a: {  	s18 =	rddreg [dreg:$0x8];
	s11 =	sadd.s32 s13, s14  }
0x41b: {  	s13 =	sadd.s32 s13, s18;
	v10 =	vld [tilespmem:s11+$0x0]  }
0x41c: {  	v53 =	vld [tilespmem:s13+$0x0];
	_ =	sdelay $0x4  }
0x41d: {  	v10 =	vmul.f32 v10, v0;
	v11 =	vmul.f32 v53, v1;
	_ =	sdelay $0x1  }
0x41e: {  	v10 =	vadd.f32 v11, v10  }
0x41f: {  	v54 =	vld [tilespmem:s12+$0x10]  }
0x420: {  	v12 =	vld [tilespmem:s9+$0x10];
	[tilespmem:s29+$0xFFFFFF20] =	vst v10  }
0x421: {  	v10 =	vld [tilespmem:s11+$0x10]  }
0x422: {  	v13 =	vld [tilespmem:s13+$0x10];
	_ =	sdelay $0x2  }
0x423: {  	v12 =	vmul.f32 v12, v1;
	v11 =	vmul.f32 v54, v0;
	_ =	sdelay $0x1  }
0x424: {  	v11 =	vadd.f32 v12, v11;
	v10 =	vmul.f32 v10, v0;
	v55 =	vmul.f32 v13, v1;
	_ =	sdelay $0x1  }
0x425: {  	[tilespmem:s23+$0xFFFFFF30] =	vst v11;
	v10 =	vadd.f32 v55, v10  }
0x426: {  	v11 =	vld [tilespmem:s12+$0x20]  }
0x427: {  	v56 =	vld [tilespmem:s9+$0x20];
	[tilespmem:s29+$0xFFFFFF30] =	vst v10  }
0x428: {  	v10 =	vld [tilespmem:s11+$0x20]  }
0x429: {  	v57 =	vld [tilespmem:s13+$0x20];
	_ =	sdelay $0x2  }
0x42a: {  	v11 =	vmul.f32 v11, v0;
	v12 =	vmul.f32 v56, v1;
	_ =	sdelay $0x1  }
0x42b: {  	v11 =	vadd.f32 v12, v11;
	v10 =	vmul.f32 v10, v0;
	v58 =	vmul.f32 v57, v1;
	_ =	sdelay $0x1  }
0x42c: {  	[tilespmem:s23+$0xFFFFFF40] =	vst v11;
	v10 =	vadd.f32 v58, v10  }
0x42d: {  	v11 =	vld [tilespmem:s12+$0x30]  }
0x42e: {  	v59 =	vld [tilespmem:s9+$0x30];
	[tilespmem:s29+$0xFFFFFF40] =	vst v10  }
0x42f: {  	v10 =	vld [tilespmem:s11+$0x30]  }
0x430: {  	v60 =	vld [tilespmem:s13+$0x30];
	_ =	sdelay $0x2  }
0x431: {  	v11 =	vmul.f32 v11, v0;
	v12 =	vmul.f32 v59, v1;
	_ =	sdelay $0x1  }
0x432: {  	v11 =	vadd.f32 v12, v11;
	v10 =	vmul.f32 v10, v0;
	v61 =	vmul.f32 v60, v1;
	_ =	sdelay $0x1  }
0x433: {  	[tilespmem:s23+$0xFFFFFF50] =	vst v11;
	v10 =	vadd.f32 v61, v10  }
0x434: {  	v11 =	vld [tilespmem:s12+$0x40]  }
0x435: {  	v62 =	vld [tilespmem:s9+$0x40];
	[tilespmem:s29+$0xFFFFFF50] =	vst v10  }
0x436: {  	v10 =	vld [tilespmem:s11+$0x40]  }
0x437: {  	v63 =	vld [tilespmem:s13+$0x40];
	_ =	sdelay $0x2  }
0x438: {  	v11 =	vmul.f32 v11, v0;
	v12 =	vmul.f32 v62, v1;
	_ =	sdelay $0x1  }
0x439: {  	v11 =	vadd.f32 v12, v11;
	v10 =	vmul.f32 v10, v0;
	v16 =	vmul.f32 v63, v1;
	_ =	sdelay $0x1  }
0x43a: {  	[tilespmem:s23+$0xFFFFFF60] =	vst v11;
	v10 =	vadd.f32 v16, v10  }
0x43b: {  	v11 =	vld [tilespmem:s12+$0x50]  }
0x43c: {  	v17 =	vld [tilespmem:s9+$0x50];
	[tilespmem:s29+$0xFFFFFF60] =	vst v10  }
0x43d: {  	v10 =	vld [tilespmem:s11+$0x50]  }
0x43e: {  	v18 =	vld [tilespmem:s13+$0x50];
	_ =	sdelay $0x2  }
0x43f: {  	v11 =	vmul.f32 v11, v0;
	v12 =	vmul.f32 v17, v1;
	_ =	sdelay $0x1  }
0x440: {  	v11 =	vadd.f32 v12, v11;
	v10 =	vmul.f32 v10, v0;
	v19 =	vmul.f32 v18, v1;
	_ =	sdelay $0x1  }
0x441: {  	[tilespmem:s23+$0xFFFFFF70] =	vst v11;
	v10 =	vadd.f32 v19, v10  }
0x442: {  	v11 =	vld [tilespmem:s12+$0x60]  }
0x443: {  	v20 =	vld [tilespmem:s9+$0x60];
	[tilespmem:s29+$0xFFFFFF70] =	vst v10  }
0x444: {  	v10 =	vld [tilespmem:s11+$0x60]  }
0x445: {  	v21 =	vld [tilespmem:s13+$0x60];
	_ =	sdelay $0x2  }
0x446: {  	v11 =	vmul.f32 v11, v0;
	v12 =	vmul.f32 v20, v1;
	_ =	sdelay $0x1  }
0x447: {  	v11 =	vadd.f32 v12, v11;
	v10 =	vmul.f32 v10, v0;
	v22 =	vmul.f32 v21, v1;
	_ =	sdelay $0x1  }
0x448: {  	[tilespmem:s23+$0xFFFFFF80] =	vst v11;
	v10 =	vadd.f32 v22, v10  }
0x449: {  	v11 =	vld [tilespmem:s12+$0x70]  }
0x44a: {  	v23 =	vld [tilespmem:s9+$0x70];
	[tilespmem:s29+$0xFFFFFF80] =	vst v10  }
0x44b: {  	v10 =	vld [tilespmem:s11+$0x70]  }
0x44c: {  	v24 =	vld [tilespmem:s13+$0x70];
	_ =	sdelay $0x2  }
0x44d: {  	v11 =	vmul.f32 v11, v0;
	v12 =	vmul.f32 v23, v1;
	_ =	sdelay $0x1  }
0x44e: {  	v11 =	vadd.f32 v12, v11;
	v10 =	vmul.f32 v10, v0;
	v25 =	vmul.f32 v24, v1;
	_ =	sdelay $0x1  }
0x44f: {  	[tilespmem:s23+$0xFFFFFF90] =	vst v11;
	v10 =	vadd.f32 v25, v10  }
0x450: {  	v11 =	vld [tilespmem:s12+$0x400]  }
0x451: {  	v26 =	vld [tilespmem:s9+$0x400];
	[tilespmem:s29+$0xFFFFFF90] =	vst v10  }
0x452: {  	v10 =	vld [tilespmem:s11+$0x400]  }
0x453: {  	v27 =	vld [tilespmem:s13+$0x400];
	_ =	sdelay $0x2  }
0x454: {  	v11 =	vmul.f32 v11, v0;
	v12 =	vmul.f32 v26, v1;
	_ =	sdelay $0x1  }
0x455: {  	v11 =	vadd.f32 v12, v11;
	v10 =	vmul.f32 v10, v0;
	v28 =	vmul.f32 v27, v1;
	_ =	sdelay $0x1  }
0x456: {  	[tilespmem:s23+$0xFFFFFFA0] =	vst v11;
	v10 =	vadd.f32 v28, v10  }
0x457: {  	v11 =	vld [tilespmem:s12+$0x410]  }
0x458: {  	v29 =	vld [tilespmem:s9+$0x410];
	[tilespmem:s29+$0xFFFFFFA0] =	vst v10  }
0x459: {  	v10 =	vld [tilespmem:s11+$0x410]  }
0x45a: {  	v30 =	vld [tilespmem:s13+$0x410];
	_ =	sdelay $0x2  }
0x45b: {  	v11 =	vmul.f32 v11, v0;
	v12 =	vmul.f32 v29, v1;
	_ =	sdelay $0x1  }
0x45c: {  	v11 =	vadd.f32 v12, v11;
	v10 =	vmul.f32 v10, v0;
	v31 =	vmul.f32 v30, v1;
	_ =	sdelay $0x1  }
0x45d: {  	[tilespmem:s23+$0xFFFFFFB0] =	vst v11;
	v10 =	vadd.f32 v31, v10  }
0x45e: {  	v11 =	vld [tilespmem:s12+$0x420]  }
0x45f: {  	v32 =	vld [tilespmem:s9+$0x420];
	[tilespmem:s29+$0xFFFFFFB0] =	vst v10  }
0x460: {  	v10 =	vld [tilespmem:s11+$0x420]  }
0x461: {  	v33 =	vld [tilespmem:s13+$0x420];
	_ =	sdelay $0x2  }
0x462: {  	v11 =	vmul.f32 v11, v0;
	v12 =	vmul.f32 v32, v1;
	_ =	sdelay $0x1  }
0x463: {  	v11 =	vadd.f32 v12, v11;
	v10 =	vmul.f32 v10, v0;
	v34 =	vmul.f32 v33, v1;
	_ =	sdelay $0x1  }
0x464: {  	[tilespmem:s23+$0xFFFFFFC0] =	vst v11;
	v10 =	vadd.f32 v34, v10  }
0x465: {  	v11 =	vld [tilespmem:s12+$0x430]  }
0x466: {  	v35 =	vld [tilespmem:s9+$0x430];
	[tilespmem:s29+$0xFFFFFFC0] =	vst v10  }
0x467: {  	v8 =	vmul.f32 v8, v0;
	v9 =	vmul.f32 v9, v1;
	v10 =	vld [tilespmem:s11+$0x430]  }
0x468: {  	v36 =	vld [tilespmem:s13+$0x430]  }
0x469: {  	v8 =	vadd.f32 v9, v8;
	_ =	sdelay $0x1  }
0x46a: {  	[tilespmem:s19+$0xFFFFFFD0] =	vst v8;
	v37 =	vmul.f32 v11, v0;
	v38 =	vmul.f32 v35, v1  }
0x46b: {  	v42 =	vld [tilespmem:s5+$0x440]  }
0x46c: {  	v43 =	vld [tilespmem:s4+$0x440];
	v39 =	vadd.f32 v38, v37;
	v40 =	vmul.f32 v10, v0;
	v41 =	vmul.f32 v36, v1;
	_ =	sdelay $0x1  }
0x46d: {  	[tilespmem:s23+$0xFFFFFFD0] =	vst v39;
	v44 =	vadd.f32 v41, v40  }
0x46e: {  	v45 =	vld [tilespmem:s12+$0x440]  }
0x46f: {  	v46 =	vld [tilespmem:s9+$0x440];
	[tilespmem:s29+$0xFFFFFFD0] =	vst v44  }
0x470: {  	v12 =	vmul.f32 v43, v1;
	v11 =	vmul.f32 v42, v0;
	v8 =	vld [tilespmem:s11+$0x440]  }
0x471: {  	v47 =	vld [tilespmem:s13+$0x440]  }
0x472: {  	v11 =	vadd.f32 v12, v11;
	_ =	sdelay $0x1  }
0x473: {  	[tilespmem:s19+$0xFFFFFFE0] =	vst v11;
	v9 =	vmul.f32 v45, v0;
	v10 =	vmul.f32 v46, v1  }
0x474: {  	v11 =	vld [tilespmem:s5+$0x450]  }
0x475: {  	v49 =	vld [tilespmem:s4+$0x450];
	v9 =	vadd.f32 v10, v9;
	v8 =	vmul.f32 v8, v0;
	v48 =	vmul.f32 v47, v1;
	_ =	sdelay $0x1  }
0x476: {  	[tilespmem:s23+$0xFFFFFFE0] =	vst v9;
	v8 =	vadd.f32 v48, v8  }
0x477: {  	v9 =	vld [tilespmem:s12+$0x450]  }
0x478: {  	v50 =	vld [tilespmem:s9+$0x450];
	[tilespmem:s29+$0xFFFFFFE0] =	vst v8  }
0x479: {  	v11 =	vmul.f32 v11, v0;
	v12 =	vmul.f32 v49, v1;
	v8 =	vld [tilespmem:s11+$0x450]  }
0x47a: {  	v51 =	vld [tilespmem:s13+$0x450]  }
0x47b: {  	v11 =	vadd.f32 v12, v11  }
0x47c: {  	s12 =	sor.u32 $0x100, s30  }
0x47d: {  	[tilespmem:s19+$0xFFFFFFF0] =	vst v11;
	s5 =	sadd.s32 s12, s1;
	v9 =	vmul.f32 v9, v0;
	v10 =	vmul.f32 v50, v1  }
0x47e: {  	v53 =	vld [tilespmem:s5+$0x0];
	s13 =	sadd.s32 s12, s3  }
0x47f: {  	v9 =	vadd.f32 v10, v9;
	v11 =	vld [tilespmem:s13+$0x0];
	v8 =	vmul.f32 v8, v0;
	v52 =	vmul.f32 v51, v1  }
0x480: {  	s20 =	sor.u32 $0x100, s10  }
0x481: {  	s22 =	sadd.s32 s20, s16;
	[tilespmem:s23+$0xFFFFFFF0] =	vst v9;
	v8 =	vadd.f32 v52, v8  }
0x482: {  	s24 =	sor.u32 $0x100, s15;
	s11 =	sadd.s32 s20, s7;
	v9 =	vld [tilespmem:s22+$0x0]  }
0x483: {  	s26 =	sadd.s32 s24, s14;
	v54 =	vld [tilespmem:s11+$0x0];
	[tilespmem:s29+$0xFFFFFFF0] =	vst v8  }
0x484: {  	v12 =	vmul.f32 v53, v1;
	s12 =	sadd.s32 s24, s18;
	v11 =	vmul.f32 v11, v0;
	v8 =	vld [tilespmem:s26+$0x0]  }
0x485: {  	v55 =	vld [tilespmem:s12+$0x0]  }
0x486: {  	v11 =	vadd.f32 v12, v11;
	_ =	sdelay $0x1  }
0x487: {  	v9 =	vmul.f32 v9, v0;
	v10 =	vmul.f32 v54, v1;
	[tilespmem:s19+$0x0] =	vst v11  }
0x488: {  	v11 =	vld [tilespmem:s13+$0x10]  }
0x489: {  	v9 =	vadd.f32 v10, v9;
	v57 =	vld [tilespmem:s5+$0x10];
	v8 =	vmul.f32 v8, v0;
	v56 =	vmul.f32 v55, v1;
	_ =	sdelay $0x1  }
0x48a: {  	[tilespmem:s23+$0x0] =	vst v9;
	v8 =	vadd.f32 v56, v8  }
0x48b: {  	v9 =	vld [tilespmem:s22+$0x10]  }
0x48c: {  	v58 =	vld [tilespmem:s11+$0x10];
	[tilespmem:s29+$0x0] =	vst v8  }
0x48d: {  	v11 =	vmul.f32 v11, v0;
	v12 =	vmul.f32 v57, v1;
	v8 =	vld [tilespmem:s26+$0x10]  }
0x48e: {  	v59 =	vld [tilespmem:s12+$0x10]  }
0x48f: {  	v11 =	vadd.f32 v12, v11;
	_ =	sdelay $0x1  }
0x490: {  	v9 =	vmul.f32 v9, v0;
	v10 =	vmul.f32 v58, v1;
	[tilespmem:s19+$0x10] =	vst v11  }
0x491: {  	v11 =	vld [tilespmem:s13+$0x20]  }
0x492: {  	v9 =	vadd.f32 v10, v9;
	v61 =	vld [tilespmem:s5+$0x20];
	v8 =	vmul.f32 v8, v0;
	v60 =	vmul.f32 v59, v1;
	_ =	sdelay $0x1  }
0x493: {  	[tilespmem:s23+$0x10] =	vst v9;
	v8 =	vadd.f32 v60, v8  }
0x494: {  	v9 =	vld [tilespmem:s22+$0x20]  }
0x495: {  	v62 =	vld [tilespmem:s11+$0x20];
	[tilespmem:s29+$0x10] =	vst v8  }
0x496: {  	v11 =	vmul.f32 v11, v0;
	v12 =	vmul.f32 v61, v1;
	v8 =	vld [tilespmem:s26+$0x20]  }
0x497: {  	v63 =	vld [tilespmem:s12+$0x20]  }
0x498: {  	v11 =	vadd.f32 v12, v11;
	_ =	sdelay $0x1  }
0x499: {  	v9 =	vmul.f32 v9, v0;
	v10 =	vmul.f32 v62, v1;
	[tilespmem:s19+$0x20] =	vst v11  }
0x49a: {  	v11 =	vld [tilespmem:s13+$0x30]  }
0x49b: {  	v9 =	vadd.f32 v10, v9;
	v17 =	vld [tilespmem:s5+$0x30];
	v8 =	vmul.f32 v8, v0;
	v16 =	vmul.f32 v63, v1;
	_ =	sdelay $0x1  }
0x49c: {  	[tilespmem:s23+$0x20] =	vst v9;
	v8 =	vadd.f32 v16, v8  }
0x49d: {  	v9 =	vld [tilespmem:s22+$0x30]  }
0x49e: {  	v18 =	vld [tilespmem:s11+$0x30];
	[tilespmem:s29+$0x20] =	vst v8  }
0x49f: {  	v11 =	vmul.f32 v11, v0;
	v12 =	vmul.f32 v17, v1;
	v8 =	vld [tilespmem:s26+$0x30]  }
0x4a0: {  	v19 =	vld [tilespmem:s12+$0x30]  }
0x4a1: {  	v11 =	vadd.f32 v12, v11;
	_ =	sdelay $0x1  }
0x4a2: {  	v9 =	vmul.f32 v9, v0;
	v10 =	vmul.f32 v18, v1;
	[tilespmem:s19+$0x30] =	vst v11  }
0x4a3: {  	v11 =	vld [tilespmem:s13+$0x40]  }
0x4a4: {  	v9 =	vadd.f32 v10, v9;
	v21 =	vld [tilespmem:s5+$0x40];
	v8 =	vmul.f32 v8, v0;
	v20 =	vmul.f32 v19, v1;
	_ =	sdelay $0x1  }
0x4a5: {  	[tilespmem:s23+$0x30] =	vst v9;
	v8 =	vadd.f32 v20, v8  }
0x4a6: {  	v9 =	vld [tilespmem:s22+$0x40]  }
0x4a7: {  	v22 =	vld [tilespmem:s11+$0x40];
	[tilespmem:s29+$0x30] =	vst v8  }
0x4a8: {  	v11 =	vmul.f32 v11, v0;
	v12 =	vmul.f32 v21, v1;
	v8 =	vld [tilespmem:s26+$0x40]  }
0x4a9: {  	v23 =	vld [tilespmem:s12+$0x40]  }
0x4aa: {  	v11 =	vadd.f32 v12, v11;
	_ =	sdelay $0x1  }
0x4ab: {  	v9 =	vmul.f32 v9, v0;
	v10 =	vmul.f32 v22, v1;
	[tilespmem:s19+$0x40] =	vst v11  }
0x4ac: {  	v11 =	vld [tilespmem:s13+$0x50]  }
0x4ad: {  	v9 =	vadd.f32 v10, v9;
	v25 =	vld [tilespmem:s5+$0x50];
	v8 =	vmul.f32 v8, v0;
	v24 =	vmul.f32 v23, v1;
	_ =	sdelay $0x1  }
0x4ae: {  	[tilespmem:s23+$0x40] =	vst v9;
	v8 =	vadd.f32 v24, v8  }
0x4af: {  	v9 =	vld [tilespmem:s22+$0x50]  }
0x4b0: {  	v26 =	vld [tilespmem:s11+$0x50];
	[tilespmem:s29+$0x40] =	vst v8  }
0x4b1: {  	v11 =	vmul.f32 v11, v0;
	v12 =	vmul.f32 v25, v1;
	v8 =	vld [tilespmem:s26+$0x50]  }
0x4b2: {  	v27 =	vld [tilespmem:s12+$0x50]  }
0x4b3: {  	v11 =	vadd.f32 v12, v11;
	_ =	sdelay $0x1  }
0x4b4: {  	v9 =	vmul.f32 v9, v0;
	v10 =	vmul.f32 v26, v1;
	[tilespmem:s19+$0x50] =	vst v11  }
0x4b5: {  	v11 =	vld [tilespmem:s13+$0x60]  }
0x4b6: {  	v9 =	vadd.f32 v10, v9;
	v29 =	vld [tilespmem:s5+$0x60];
	v8 =	vmul.f32 v8, v0;
	v28 =	vmul.f32 v27, v1;
	_ =	sdelay $0x1  }
0x4b7: {  	[tilespmem:s23+$0x50] =	vst v9;
	v8 =	vadd.f32 v28, v8  }
0x4b8: {  	v9 =	vld [tilespmem:s22+$0x60]  }
0x4b9: {  	v30 =	vld [tilespmem:s11+$0x60];
	[tilespmem:s29+$0x50] =	vst v8  }
0x4ba: {  	v11 =	vmul.f32 v11, v0;
	v12 =	vmul.f32 v29, v1;
	v8 =	vld [tilespmem:s26+$0x60]  }
0x4bb: {  	v31 =	vld [tilespmem:s12+$0x60]  }
0x4bc: {  	v11 =	vadd.f32 v12, v11;
	_ =	sdelay $0x1  }
0x4bd: {  	v9 =	vmul.f32 v9, v0;
	v10 =	vmul.f32 v30, v1;
	[tilespmem:s19+$0x60] =	vst v11  }
0x4be: {  	v11 =	vld [tilespmem:s13+$0x70]  }
0x4bf: {  	v9 =	vadd.f32 v10, v9;
	v33 =	vld [tilespmem:s5+$0x70];
	v8 =	vmul.f32 v8, v0;
	v32 =	vmul.f32 v31, v1;
	_ =	sdelay $0x1  }
0x4c0: {  	[tilespmem:s23+$0x60] =	vst v9;
	v8 =	vadd.f32 v32, v8  }
0x4c1: {  	v6 =	vmul.f32 v6, v0;
	v7 =	vmul.f32 v7, v1;
	v9 =	vld [tilespmem:s22+$0x70]  }
0x4c2: {  	v34 =	vld [tilespmem:s11+$0x70];
	[tilespmem:s29+$0x60] =	vst v8  }
0x4c3: {  	v6 =	vadd.f32 v7, v6;
	v36 =	vmul.f32 v11, v0;
	v37 =	vmul.f32 v33, v1;
	v8 =	vld [tilespmem:s26+$0x70]  }
0x4c4: {  	v35 =	vld [tilespmem:s12+$0x70]  }
0x4c5: {  	[tilespmem:s2+$0x70] =	vst v6;
	v38 =	vadd.f32 v37, v36  }
0x4c6: {  	v42 =	vld [tilespmem:s8+$0x400]  }
0x4c7: {  	v41 =	vld [tilespmem:s6+$0x400];
	v39 =	vmul.f32 v9, v0;
	v40 =	vmul.f32 v34, v1;
	[tilespmem:s19+$0x70] =	vst v38  }
0x4c8: {  	v46 =	vld [tilespmem:s13+$0x400]  }
0x4c9: {  	v43 =	vadd.f32 v40, v39;
	v47 =	vld [tilespmem:s5+$0x400];
	v44 =	vmul.f32 v8, v0;
	v45 =	vmul.f32 v35, v1;
	_ =	sdelay $0x1  }
0x4ca: {  	[tilespmem:s23+$0x70] =	vst v43;
	v48 =	vadd.f32 v45, v44  }
0x4cb: {  	v51 =	vmul.f32 v41, v0;
	v52 =	vmul.f32 v42, v1;
	v49 =	vld [tilespmem:s22+$0x400]  }
0x4cc: {  	v50 =	vld [tilespmem:s11+$0x400];
	[tilespmem:s29+$0x70] =	vst v48  }
0x4cd: {  	v6 =	vadd.f32 v52, v51;
	v9 =	vmul.f32 v46, v0;
	v55 =	vmul.f32 v47, v1;
	v53 =	vld [tilespmem:s26+$0x400]  }
0x4ce: {  	v54 =	vld [tilespmem:s12+$0x400]  }
0x4cf: {  	[tilespmem:s2+$0x80] =	vst v6;
	v56 =	vadd.f32 v55, v9  }
0x4d0: {  	v57 =	vld [tilespmem:s6+$0x410]  }
0x4d1: {  	v58 =	vld [tilespmem:s8+$0x410];
	v7 =	vmul.f32 v49, v0;
	v8 =	vmul.f32 v50, v1;
	[tilespmem:s19+$0x80] =	vst v56  }
0x4d2: {  	v62 =	vld [tilespmem:s13+$0x410]  }
0x4d3: {  	v59 =	vadd.f32 v8, v7;
	v63 =	vld [tilespmem:s5+$0x410];
	v60 =	vmul.f32 v53, v0;
	v61 =	vmul.f32 v54, v1;
	_ =	sdelay $0x1  }
0x4d4: {  	[tilespmem:s23+$0x80] =	vst v59;
	v16 =	vadd.f32 v61, v60  }
0x4d5: {  	v19 =	vmul.f32 v57, v0;
	v20 =	vmul.f32 v58, v1;
	v17 =	vld [tilespmem:s22+$0x410]  }
0x4d6: {  	v18 =	vld [tilespmem:s11+$0x410];
	[tilespmem:s29+$0x80] =	vst v16  }
0x4d7: {  	v6 =	vadd.f32 v20, v19;
	v23 =	vmul.f32 v62, v0;
	v24 =	vmul.f32 v63, v1;
	v21 =	vld [tilespmem:s26+$0x410]  }
0x4d8: {  	v22 =	vld [tilespmem:s12+$0x410]  }
0x4d9: {  	[tilespmem:s2+$0x90] =	vst v6;
	v25 =	vadd.f32 v24, v23  }
0x4da: {  	v26 =	vld [tilespmem:s6+$0x420]  }
0x4db: {  	v27 =	vld [tilespmem:s8+$0x420];
	v7 =	vmul.f32 v17, v0;
	v8 =	vmul.f32 v18, v1;
	[tilespmem:s19+$0x90] =	vst v25  }
0x4dc: {  	v31 =	vld [tilespmem:s13+$0x420]  }
0x4dd: {  	v28 =	vadd.f32 v8, v7;
	v32 =	vld [tilespmem:s5+$0x420];
	v29 =	vmul.f32 v21, v0;
	v30 =	vmul.f32 v22, v1;
	_ =	sdelay $0x1  }
0x4de: {  	[tilespmem:s23+$0x90] =	vst v28;
	v33 =	vadd.f32 v30, v29  }
0x4df: {  	v36 =	vmul.f32 v26, v0;
	v37 =	vmul.f32 v27, v1;
	v34 =	vld [tilespmem:s22+$0x420]  }
0x4e0: {  	v35 =	vld [tilespmem:s11+$0x420];
	[tilespmem:s29+$0x90] =	vst v33  }
0x4e1: {  	v6 =	vadd.f32 v37, v36;
	v40 =	vmul.f32 v31, v0;
	v41 =	vmul.f32 v32, v1;
	v38 =	vld [tilespmem:s26+$0x420]  }
0x4e2: {  	v39 =	vld [tilespmem:s12+$0x420]  }
0x4e3: {  	[tilespmem:s2+$0xA0] =	vst v6;
	v42 =	vadd.f32 v41, v40  }
0x4e4: {  	v43 =	vld [tilespmem:s6+$0x430]  }
0x4e5: {  	v44 =	vld [tilespmem:s8+$0x430];
	v7 =	vmul.f32 v34, v0;
	v8 =	vmul.f32 v35, v1;
	[tilespmem:s19+$0xA0] =	vst v42  }
0x4e6: {  	v48 =	vld [tilespmem:s13+$0x430]  }
0x4e7: {  	v45 =	vadd.f32 v8, v7;
	v49 =	vld [tilespmem:s5+$0x430];
	v46 =	vmul.f32 v38, v0;
	v47 =	vmul.f32 v39, v1;
	_ =	sdelay $0x1  }
0x4e8: {  	[tilespmem:s23+$0xA0] =	vst v45;
	v50 =	vadd.f32 v47, v46  }
0x4e9: {  	v53 =	vmul.f32 v43, v0;
	v54 =	vmul.f32 v44, v1;
	v51 =	vld [tilespmem:s22+$0x430]  }
0x4ea: {  	v52 =	vld [tilespmem:s11+$0x430];
	[tilespmem:s29+$0xA0] =	vst v50  }
0x4eb: {  	v6 =	vadd.f32 v54, v53;
	v57 =	vmul.f32 v48, v0;
	v58 =	vmul.f32 v49, v1;
	v55 =	vld [tilespmem:s26+$0x430]  }
0x4ec: {  	v56 =	vld [tilespmem:s12+$0x430]  }
0x4ed: {  	[tilespmem:s2+$0xB0] =	vst v6;
	v59 =	vadd.f32 v58, v57  }
0x4ee: {  	v60 =	vld [tilespmem:s6+$0x440]  }
0x4ef: {  	v61 =	vld [tilespmem:s8+$0x440];
	v7 =	vmul.f32 v51, v0;
	v8 =	vmul.f32 v52, v1;
	[tilespmem:s19+$0xB0] =	vst v59  }
0x4f0: {  	v17 =	vld [tilespmem:s13+$0x440]  }
0x4f1: {  	v62 =	vadd.f32 v8, v7;
	v18 =	vld [tilespmem:s5+$0x440];
	v63 =	vmul.f32 v55, v0;
	v16 =	vmul.f32 v56, v1;
	_ =	sdelay $0x1  }
0x4f2: {  	[tilespmem:s23+$0xB0] =	vst v62;
	v19 =	vadd.f32 v16, v63  }
0x4f3: {  	v22 =	vmul.f32 v60, v0;
	v23 =	vmul.f32 v61, v1;
	v20 =	vld [tilespmem:s22+$0x440]  }
0x4f4: {  	v21 =	vld [tilespmem:s11+$0x440];
	[tilespmem:s29+$0xB0] =	vst v19  }
0x4f5: {  	v6 =	vadd.f32 v23, v22;
	v26 =	vmul.f32 v17, v0;
	v27 =	vmul.f32 v18, v1;
	v24 =	vld [tilespmem:s26+$0x440]  }
0x4f6: {  	v25 =	vld [tilespmem:s12+$0x440]  }
0x4f7: {  	[tilespmem:s2+$0xC0] =	vst v6;
	v28 =	vadd.f32 v27, v26  }
0x4f8: {  	v29 =	vld [tilespmem:s6+$0x450]  }
0x4f9: {  	v30 =	vld [tilespmem:s8+$0x450];
	v7 =	vmul.f32 v20, v0;
	v8 =	vmul.f32 v21, v1;
	[tilespmem:s19+$0xC0] =	vst v28  }
0x4fa: {  	v34 =	vld [tilespmem:s13+$0x450]  }
0x4fb: {  	v31 =	vadd.f32 v8, v7;
	v35 =	vld [tilespmem:s5+$0x450];
	v32 =	vmul.f32 v24, v0;
	v33 =	vmul.f32 v25, v1;
	_ =	sdelay $0x1  }
0x4fc: {  	[tilespmem:s23+$0xC0] =	vst v31;
	v36 =	vadd.f32 v33, v32  }
0x4fd: {  	v37 =	vld [tilespmem:s22+$0x450]  }
0x4fe: {  	v9 =	vmul.f32 v29, v0;
	v10 =	vmul.f32 v30, v1;
	v38 =	vld [tilespmem:s11+$0x450];
	[tilespmem:s29+$0xC0] =	vst v36  }
0x4ff: {  	v40 =	vmul.f32 v34, v0;
	v41 =	vmul.f32 v35, v1;
	v6 =	vld [tilespmem:s26+$0x450]  }
0x500: {  	v9 =	vadd.f32 v10, v9;
	v39 =	vld [tilespmem:s12+$0x450]  }
0x501: {  	v42 =	vadd.f32 v41, v40  }
0x502: {  	[tilespmem:s2+$0xD0] =	vst v9;
	s13 =	sor.u32 $0x180, s30  }
0x503: {  	s20 =	sadd.s32 s13, s3;
	v7 =	vmul.f32 v37, v0;
	v8 =	vmul.f32 v38, v1;
	s11 =	rddreg [dreg:$0x4];
	[tilespmem:s19+$0xD0] =	vst v42  }
0x504: {  	s9 =	sor.u32 $0x180, s25;
	s8 =	sadd.s32 s13, s1;
	v9 =	vld [tilespmem:s20+$0x0]  }
0x505: {  	v7 =	vadd.f32 v8, v7;
	s12 =	sadd.s32 s9, s21;
	v46 =	vld [tilespmem:s8+$0x0];
	v6 =	vmul.f32 v6, v0;
	v45 =	vmul.f32 v39, v1  }
0x506: {  	s21 =	sor.u32 $0x180, s10;
	s4 =	sadd.s32 s9, s11;
	v44 =	vld [tilespmem:s12+$0x0]  }
0x507: {  	[tilespmem:s23+$0xD0] =	vst v7;
	s22 =	sadd.s32 s21, s16;
	v43 =	vld [tilespmem:s4+$0x0];
	v6 =	vadd.f32 v45, v6  }
0x508: {  	s24 =	sor.u32 $0x180, s15;
	s9 =	sadd.s32 s21, s7;
	v7 =	vld [tilespmem:s22+$0x0]  }
0x509: {  	s25 =	sadd.s32 s24, s14;
	v47 =	vld [tilespmem:s9+$0x0];
	[tilespmem:s29+$0xD0] =	vst v6  }
0x50a: {  	s26 =	sadd.s32 s24, s18;
	v9 =	vmul.f32 v9, v0;
	v52 =	vmul.f32 v46, v1;
	v50 =	vld [tilespmem:s25+$0x0]  }
0x50b: {  	v51 =	vld [tilespmem:s26+$0x0]  }
0x50c: {  	v49 =	vmul.f32 v44, v1;
	v48 =	vmul.f32 v43, v0;
	v53 =	vadd.f32 v52, v9;
	_ =	sdelay $0x1  }
0x50d: {  	v7 =	vmul.f32 v7, v0;
	v8 =	vmul.f32 v47, v1;
	v6 =	vadd.f32 v49, v48;
	[tilespmem:s19+$0xE0] =	vst v53  }
0x50e: {  	v59 =	vld [tilespmem:s20+$0x10]  }
0x50f: {  	v56 =	vadd.f32 v8, v7;
	[tilespmem:s2+$0xE0] =	vst v6;
	v60 =	vld [tilespmem:s8+$0x10];
	v57 =	vmul.f32 v50, v0;
	v58 =	vmul.f32 v51, v1  }
0x510: {  	v54 =	vld [tilespmem:s4+$0x10]  }
0x511: {  	[tilespmem:s23+$0xE0] =	vst v56;
	v55 =	vld [tilespmem:s12+$0x10];
	v61 =	vadd.f32 v58, v57  }
0x512: {  	v62 =	vld [tilespmem:s22+$0x10]  }
0x513: {  	v63 =	vld [tilespmem:s9+$0x10];
	[tilespmem:s29+$0xE0] =	vst v61  }
0x514: {  	v20 =	vmul.f32 v59, v0;
	v21 =	vmul.f32 v60, v1;
	v18 =	vld [tilespmem:s25+$0x10]  }
0x515: {  	v19 =	vld [tilespmem:s26+$0x10]  }
0x516: {  	v16 =	vmul.f32 v54, v0;
	v17 =	vmul.f32 v55, v1;
	v22 =	vadd.f32 v21, v20;
	_ =	sdelay $0x1  }
0x517: {  	v7 =	vmul.f32 v62, v0;
	v8 =	vmul.f32 v63, v1;
	v6 =	vadd.f32 v17, v16;
	[tilespmem:s19+$0xF0] =	vst v22  }
0x518: {  	v28 =	vld [tilespmem:s20+$0x20]  }
0x519: {  	v25 =	vadd.f32 v8, v7;
	[tilespmem:s2+$0xF0] =	vst v6;
	v29 =	vld [tilespmem:s8+$0x20];
	v26 =	vmul.f32 v18, v0;
	v27 =	vmul.f32 v19, v1  }
0x51a: {  	v23 =	vld [tilespmem:s4+$0x20]  }
0x51b: {  	[tilespmem:s23+$0xF0] =	vst v25;
	v24 =	vld [tilespmem:s12+$0x20];
	v30 =	vadd.f32 v27, v26  }
0x51c: {  	v31 =	vld [tilespmem:s22+$0x20]  }
0x51d: {  	v32 =	vld [tilespmem:s9+$0x20];
	[tilespmem:s29+$0xF0] =	vst v30  }
0x51e: {  	v37 =	vmul.f32 v28, v0;
	v38 =	vmul.f32 v29, v1;
	v35 =	vld [tilespmem:s25+$0x20]  }
0x51f: {  	v36 =	vld [tilespmem:s26+$0x20]  }
0x520: {  	v33 =	vmul.f32 v23, v0;
	v34 =	vmul.f32 v24, v1;
	v39 =	vadd.f32 v38, v37;
	_ =	sdelay $0x1  }
0x521: {  	v7 =	vmul.f32 v31, v0;
	v8 =	vmul.f32 v32, v1;
	v6 =	vadd.f32 v34, v33;
	[tilespmem:s19+$0x100] =	vst v39  }
0x522: {  	v45 =	vld [tilespmem:s20+$0x30]  }
0x523: {  	v42 =	vadd.f32 v8, v7;
	[tilespmem:s2+$0x100] =	vst v6;
	v46 =	vld [tilespmem:s8+$0x30];
	v43 =	vmul.f32 v35, v0;
	v44 =	vmul.f32 v36, v1  }
0x524: {  	v40 =	vld [tilespmem:s4+$0x30]  }
0x525: {  	[tilespmem:s23+$0x100] =	vst v42;
	v41 =	vld [tilespmem:s12+$0x30];
	v47 =	vadd.f32 v44, v43  }
0x526: {  	v4 =	vmul.f32 v4, v0;
	v5 =	vmul.f32 v5, v1;
	v48 =	vld [tilespmem:s22+$0x30]  }
0x527: {  	v49 =	vld [tilespmem:s9+$0x30];
	[tilespmem:s29+$0x100] =	vst v47  }
0x528: {  	v4 =	vadd.f32 v5, v4;
	v55 =	vmul.f32 v45, v0;
	v56 =	vmul.f32 v46, v1;
	v52 =	vld [tilespmem:s25+$0x30]  }
0x529: {  	v53 =	vld [tilespmem:s26+$0x30]  }
0x52a: {  	[tilespmem:s17+$0x110] =	vst v4;
	v50 =	vmul.f32 v40, v0;
	v51 =	vmul.f32 v41, v1;
	v59 =	vadd.f32 v56, v55  }
0x52b: {  	v57 =	vld [tilespmem:s31+$0x40]  }
0x52c: {  	v58 =	vld [tilespmem:s0+$0x40];
	v60 =	vmul.f32 v48, v0;
	v61 =	vmul.f32 v49, v1;
	v54 =	vadd.f32 v51, v50;
	[tilespmem:s19+$0x110] =	vst v59  }
0x52d: {  	v18 =	vld [tilespmem:s20+$0x40]  }
0x52e: {  	v15 =	vadd.f32 v61, v60;
	[tilespmem:s2+$0x110] =	vst v54;
	v19 =	vld [tilespmem:s8+$0x40];
	v16 =	vmul.f32 v52, v0;
	v17 =	vmul.f32 v53, v1  }
0x52f: {  	v62 =	vld [tilespmem:s4+$0x40]  }
0x530: {  	[tilespmem:s23+$0x110] =	vst v15;
	v63 =	vld [tilespmem:s12+$0x40];
	v20 =	vadd.f32 v17, v16  }
0x531: {  	v21 =	vmul.f32 v57, v0;
	v22 =	vmul.f32 v58, v1;
	v23 =	vld [tilespmem:s22+$0x40]  }
0x532: {  	v24 =	vld [tilespmem:s9+$0x40];
	[tilespmem:s29+$0x110] =	vst v20  }
0x533: {  	v25 =	vadd.f32 v22, v21;
	v31 =	vmul.f32 v18, v0;
	v32 =	vmul.f32 v19, v1;
	v28 =	vld [tilespmem:s25+$0x40]  }
0x534: {  	v29 =	vld [tilespmem:s26+$0x40]  }
0x535: {  	[tilespmem:s17+$0x120] =	vst v25;
	v26 =	vmul.f32 v62, v0;
	v27 =	vmul.f32 v63, v1;
	v35 =	vadd.f32 v32, v31  }
0x536: {  	v33 =	vld [tilespmem:s31+$0x50]  }
0x537: {  	v34 =	vld [tilespmem:s0+$0x50];
	v36 =	vmul.f32 v23, v0;
	v37 =	vmul.f32 v24, v1;
	v30 =	vadd.f32 v27, v26;
	[tilespmem:s19+$0x120] =	vst v35  }
0x538: {  	v43 =	vld [tilespmem:s20+$0x50]  }
0x539: {  	v40 =	vadd.f32 v37, v36;
	[tilespmem:s2+$0x120] =	vst v30;
	v44 =	vld [tilespmem:s8+$0x50];
	v41 =	vmul.f32 v28, v0;
	v42 =	vmul.f32 v29, v1  }
0x53a: {  	v38 =	vld [tilespmem:s4+$0x50]  }
0x53b: {  	[tilespmem:s23+$0x120] =	vst v40;
	v39 =	vld [tilespmem:s12+$0x50];
	v45 =	vadd.f32 v42, v41  }
0x53c: {  	v46 =	vmul.f32 v33, v0;
	v47 =	vmul.f32 v34, v1;
	v48 =	vld [tilespmem:s22+$0x50]  }
0x53d: {  	v49 =	vld [tilespmem:s9+$0x50];
	[tilespmem:s29+$0x120] =	vst v45  }
0x53e: {  	v50 =	vadd.f32 v47, v46;
	v56 =	vmul.f32 v43, v0;
	v57 =	vmul.f32 v44, v1;
	v53 =	vld [tilespmem:s25+$0x50]  }
0x53f: {  	v54 =	vld [tilespmem:s26+$0x50]  }
0x540: {  	[tilespmem:s17+$0x130] =	vst v50;
	v51 =	vmul.f32 v38, v0;
	v52 =	vmul.f32 v39, v1;
	v60 =	vadd.f32 v57, v56  }
0x541: {  	v58 =	vld [tilespmem:s31+$0x60]  }
0x542: {  	v59 =	vld [tilespmem:s0+$0x60];
	v61 =	vmul.f32 v48, v0;
	v62 =	vmul.f32 v49, v1;
	v55 =	vadd.f32 v52, v51;
	[tilespmem:s19+$0x130] =	vst v60  }
0x543: {  	v20 =	vld [tilespmem:s20+$0x60]  }
0x544: {  	v17 =	vadd.f32 v62, v61;
	[tilespmem:s2+$0x130] =	vst v55;
	v21 =	vld [tilespmem:s8+$0x60];
	v18 =	vmul.f32 v53, v0;
	v19 =	vmul.f32 v54, v1  }
0x545: {  	v63 =	vld [tilespmem:s4+$0x60]  }
0x546: {  	[tilespmem:s23+$0x130] =	vst v17;
	v16 =	vld [tilespmem:s12+$0x60];
	v22 =	vadd.f32 v19, v18  }
0x547: {  	v23 =	vmul.f32 v58, v0;
	v24 =	vmul.f32 v59, v1;
	v25 =	vld [tilespmem:s22+$0x60]  }
0x548: {  	v26 =	vld [tilespmem:s9+$0x60];
	[tilespmem:s29+$0x130] =	vst v22  }
0x549: {  	v27 =	vadd.f32 v24, v23;
	v33 =	vmul.f32 v20, v0;
	v34 =	vmul.f32 v21, v1;
	v30 =	vld [tilespmem:s25+$0x60]  }
0x54a: {  	v31 =	vld [tilespmem:s26+$0x60]  }
0x54b: {  	[tilespmem:s17+$0x140] =	vst v27;
	v28 =	vmul.f32 v63, v0;
	v29 =	vmul.f32 v16, v1;
	v37 =	vadd.f32 v34, v33  }
0x54c: {  	v35 =	vld [tilespmem:s31+$0x70]  }
0x54d: {  	v36 =	vld [tilespmem:s0+$0x70];
	v38 =	vmul.f32 v25, v0;
	v39 =	vmul.f32 v26, v1;
	v32 =	vadd.f32 v29, v28;
	[tilespmem:s19+$0x140] =	vst v37  }
0x54e: {  	v45 =	vld [tilespmem:s20+$0x70]  }
0x54f: {  	v42 =	vadd.f32 v39, v38;
	[tilespmem:s2+$0x140] =	vst v32;
	v46 =	vld [tilespmem:s8+$0x70];
	v43 =	vmul.f32 v30, v0;
	v44 =	vmul.f32 v31, v1  }
0x550: {  	v40 =	vld [tilespmem:s4+$0x70]  }
0x551: {  	[tilespmem:s23+$0x140] =	vst v42;
	v41 =	vld [tilespmem:s12+$0x70];
	v47 =	vadd.f32 v44, v43  }
0x552: {  	v48 =	vmul.f32 v35, v0;
	v49 =	vmul.f32 v36, v1;
	v50 =	vld [tilespmem:s22+$0x70]  }
0x553: {  	v51 =	vld [tilespmem:s9+$0x70];
	[tilespmem:s29+$0x140] =	vst v47  }
0x554: {  	v52 =	vadd.f32 v49, v48;
	v58 =	vmul.f32 v45, v0;
	v59 =	vmul.f32 v46, v1;
	v55 =	vld [tilespmem:s25+$0x70]  }
0x555: {  	v56 =	vld [tilespmem:s26+$0x70]  }
0x556: {  	[tilespmem:s17+$0x150] =	vst v52;
	v53 =	vmul.f32 v40, v0;
	v54 =	vmul.f32 v41, v1;
	v62 =	vadd.f32 v59, v58  }
0x557: {  	v60 =	vld [tilespmem:s31+$0x400]  }
0x558: {  	v61 =	vld [tilespmem:s0+$0x400];
	v63 =	vmul.f32 v50, v0;
	v16 =	vmul.f32 v51, v1;
	v57 =	vadd.f32 v54, v53;
	[tilespmem:s19+$0x150] =	vst v62  }
0x559: {  	v22 =	vld [tilespmem:s20+$0x400]  }
0x55a: {  	v19 =	vadd.f32 v16, v63;
	[tilespmem:s2+$0x150] =	vst v57;
	v23 =	vld [tilespmem:s8+$0x400];
	v20 =	vmul.f32 v55, v0;
	v21 =	vmul.f32 v56, v1  }
0x55b: {  	v17 =	vld [tilespmem:s4+$0x400]  }
0x55c: {  	[tilespmem:s23+$0x150] =	vst v19;
	v18 =	vld [tilespmem:s12+$0x400];
	v24 =	vadd.f32 v21, v20  }
0x55d: {  	v25 =	vmul.f32 v60, v0;
	v26 =	vmul.f32 v61, v1;
	v27 =	vld [tilespmem:s22+$0x400]  }
0x55e: {  	v28 =	vld [tilespmem:s9+$0x400];
	[tilespmem:s29+$0x150] =	vst v24  }
0x55f: {  	v29 =	vadd.f32 v26, v25;
	v35 =	vmul.f32 v22, v0;
	v36 =	vmul.f32 v23, v1;
	v32 =	vld [tilespmem:s25+$0x400]  }
0x560: {  	v33 =	vld [tilespmem:s26+$0x400]  }
0x561: {  	[tilespmem:s17+$0x160] =	vst v29;
	v30 =	vmul.f32 v17, v0;
	v31 =	vmul.f32 v18, v1;
	v39 =	vadd.f32 v36, v35  }
0x562: {  	v37 =	vld [tilespmem:s31+$0x410]  }
0x563: {  	v38 =	vld [tilespmem:s0+$0x410];
	v40 =	vmul.f32 v27, v0;
	v41 =	vmul.f32 v28, v1;
	v34 =	vadd.f32 v31, v30;
	[tilespmem:s19+$0x160] =	vst v39  }
0x564: {  	v47 =	vld [tilespmem:s20+$0x410]  }
0x565: {  	v44 =	vadd.f32 v41, v40;
	[tilespmem:s2+$0x160] =	vst v34;
	v48 =	vld [tilespmem:s8+$0x410];
	v45 =	vmul.f32 v32, v0;
	v46 =	vmul.f32 v33, v1  }
0x566: {  	v42 =	vld [tilespmem:s4+$0x410]  }
0x567: {  	[tilespmem:s23+$0x160] =	vst v44;
	v43 =	vld [tilespmem:s12+$0x410];
	v49 =	vadd.f32 v46, v45  }
0x568: {  	v50 =	vmul.f32 v37, v0;
	v51 =	vmul.f32 v38, v1;
	v52 =	vld [tilespmem:s22+$0x410]  }
0x569: {  	v53 =	vld [tilespmem:s9+$0x410];
	[tilespmem:s29+$0x160] =	vst v49  }
0x56a: {  	v54 =	vadd.f32 v51, v50;
	v60 =	vmul.f32 v47, v0;
	v61 =	vmul.f32 v48, v1;
	v57 =	vld [tilespmem:s25+$0x410]  }
0x56b: {  	v58 =	vld [tilespmem:s26+$0x410]  }
0x56c: {  	[tilespmem:s17+$0x170] =	vst v54;
	v55 =	vmul.f32 v42, v0;
	v56 =	vmul.f32 v43, v1;
	v14 =	vadd.f32 v61, v60  }
0x56d: {  	v62 =	vld [tilespmem:s31+$0x420]  }
0x56e: {  	v63 =	vld [tilespmem:s0+$0x420];
	v15 =	vmul.f32 v52, v0;
	v16 =	vmul.f32 v53, v1;
	v59 =	vadd.f32 v56, v55;
	[tilespmem:s19+$0x170] =	vst v14  }
0x56f: {  	v22 =	vld [tilespmem:s20+$0x420]  }
0x570: {  	v19 =	vadd.f32 v16, v15;
	[tilespmem:s2+$0x170] =	vst v59;
	v23 =	vld [tilespmem:s8+$0x420];
	v20 =	vmul.f32 v57, v0;
	v21 =	vmul.f32 v58, v1  }
0x571: {  	v17 =	vld [tilespmem:s4+$0x420]  }
0x572: {  	[tilespmem:s23+$0x170] =	vst v19;
	v18 =	vld [tilespmem:s12+$0x420];
	v24 =	vadd.f32 v21, v20  }
0x573: {  	v25 =	vmul.f32 v62, v0;
	v26 =	vmul.f32 v63, v1;
	v27 =	vld [tilespmem:s22+$0x420]  }
0x574: {  	v28 =	vld [tilespmem:s9+$0x420];
	[tilespmem:s29+$0x170] =	vst v24  }
0x575: {  	v29 =	vadd.f32 v26, v25;
	v35 =	vmul.f32 v22, v0;
	v36 =	vmul.f32 v23, v1;
	v32 =	vld [tilespmem:s25+$0x420]  }
0x576: {  	v33 =	vld [tilespmem:s26+$0x420]  }
0x577: {  	[tilespmem:s17+$0x180] =	vst v29;
	v30 =	vmul.f32 v17, v0;
	v31 =	vmul.f32 v18, v1;
	v39 =	vadd.f32 v36, v35  }
0x578: {  	v37 =	vld [tilespmem:s31+$0x430]  }
0x579: {  	v38 =	vld [tilespmem:s0+$0x430];
	v40 =	vmul.f32 v27, v0;
	v41 =	vmul.f32 v28, v1;
	v34 =	vadd.f32 v31, v30;
	[tilespmem:s19+$0x180] =	vst v39  }
0x57a: {  	v47 =	vld [tilespmem:s20+$0x430]  }
0x57b: {  	v44 =	vadd.f32 v41, v40;
	[tilespmem:s2+$0x180] =	vst v34;
	v48 =	vld [tilespmem:s8+$0x430];
	v45 =	vmul.f32 v32, v0;
	v46 =	vmul.f32 v33, v1  }
0x57c: {  	v42 =	vld [tilespmem:s4+$0x430]  }
0x57d: {  	[tilespmem:s23+$0x180] =	vst v44;
	v43 =	vld [tilespmem:s12+$0x430];
	v49 =	vadd.f32 v46, v45  }
0x57e: {  	v50 =	vmul.f32 v37, v0;
	v51 =	vmul.f32 v38, v1;
	v52 =	vld [tilespmem:s22+$0x430]  }
0x57f: {  	v53 =	vld [tilespmem:s9+$0x430];
	[tilespmem:s29+$0x180] =	vst v49  }
0x580: {  	v54 =	vadd.f32 v51, v50;
	v60 =	vmul.f32 v47, v0;
	v61 =	vmul.f32 v48, v1;
	v57 =	vld [tilespmem:s25+$0x430]  }
0x581: {  	v58 =	vld [tilespmem:s26+$0x430]  }
0x582: {  	[tilespmem:s17+$0x190] =	vst v54;
	v55 =	vmul.f32 v42, v0;
	v56 =	vmul.f32 v43, v1;
	v15 =	vadd.f32 v61, v60  }
0x583: {  	v62 =	vld [tilespmem:s31+$0x440]  }
0x584: {  	v63 =	vld [tilespmem:s0+$0x440];
	v16 =	vmul.f32 v52, v0;
	v17 =	vmul.f32 v53, v1;
	v59 =	vadd.f32 v56, v55;
	[tilespmem:s19+$0x190] =	vst v15  }
0x585: {  	v23 =	vld [tilespmem:s20+$0x440]  }
0x586: {  	v20 =	vadd.f32 v17, v16;
	[tilespmem:s2+$0x190] =	vst v59;
	v24 =	vld [tilespmem:s8+$0x440];
	v21 =	vmul.f32 v57, v0;
	v22 =	vmul.f32 v58, v1  }
0x587: {  	v18 =	vld [tilespmem:s4+$0x440]  }
0x588: {  	[tilespmem:s23+$0x190] =	vst v20;
	v19 =	vld [tilespmem:s12+$0x440];
	v25 =	vadd.f32 v22, v21  }
0x589: {  	v26 =	vmul.f32 v62, v0;
	v27 =	vmul.f32 v63, v1;
	v28 =	vld [tilespmem:s22+$0x440]  }
0x58a: {  	v29 =	vld [tilespmem:s9+$0x440];
	[tilespmem:s29+$0x190] =	vst v25  }
0x58b: {  	v30 =	vadd.f32 v27, v26;
	v36 =	vmul.f32 v23, v0;
	v37 =	vmul.f32 v24, v1;
	v33 =	vld [tilespmem:s25+$0x440]  }
0x58c: {  	v34 =	vld [tilespmem:s26+$0x440]  }
0x58d: {  	[tilespmem:s17+$0x1A0] =	vst v30;
	v31 =	vmul.f32 v18, v0;
	v32 =	vmul.f32 v19, v1;
	v40 =	vadd.f32 v37, v36  }
0x58e: {  	v38 =	vld [tilespmem:s31+$0x450]  }
0x58f: {  	v39 =	vld [tilespmem:s0+$0x450];
	v41 =	vmul.f32 v28, v0;
	v42 =	vmul.f32 v29, v1;
	v35 =	vadd.f32 v32, v31;
	[tilespmem:s19+$0x1A0] =	vst v40  }
0x590: {  	v48 =	vld [tilespmem:s20+$0x450]  }
0x591: {  	v45 =	vadd.f32 v42, v41;
	[tilespmem:s2+$0x1A0] =	vst v35;
	v49 =	vld [tilespmem:s8+$0x450];
	v46 =	vmul.f32 v33, v0;
	v47 =	vmul.f32 v34, v1  }
0x592: {  	v43 =	vld [tilespmem:s4+$0x450]  }
0x593: {  	[tilespmem:s23+$0x1A0] =	vst v45;
	v44 =	vld [tilespmem:s12+$0x450];
	v50 =	vadd.f32 v47, v46  }
0x594: {  	v51 =	vld [tilespmem:s22+$0x450]  }
0x595: {  	v52 =	vld [tilespmem:s9+$0x450];
	[tilespmem:s29+$0x1A0] =	vst v50  }
0x596: {  	v4 =	vld [tilespmem:s25+$0x450]  }
0x597: {  	v11 =	vmul.f32 v38, v0;
	v12 =	vmul.f32 v39, v1;
	v53 =	vld [tilespmem:s26+$0x450]  }
0x598: {  	v2 =	vadd.f32 v3, v2;
	v54 =	vmul.f32 v43, v0;
	v55 =	vmul.f32 v44, v1  }
0x599: {  	v56 =	vadd.f32 v12, v11  }
0x59a: {  	[tilespmem:s28+$0x1B0] =	vst v2;
	v9 =	vmul.f32 v48, v0;
	v10 =	vmul.f32 v49, v1;
	v57 =	vadd.f32 v55, v54  }
0x59b: {  	[tilespmem:s17+$0x1B0] =	vst v56;
	v58 =	vmul.f32 v51, v0;
	v59 =	vmul.f32 v52, v1  }
0x59c: {  	v60 =	vadd.f32 v10, v9;
	s30 =	rddreg [dreg:$0x13];
	[tilespmem:s2+$0x1B0] =	vst v57;
	v61 =	vmul.f32 v4, v0;
	v62 =	vmul.f32 v53, v1  }
0x59d: {  	v63 =	vadd.f32 v59, v58;
	s2 =	rddreg [dreg:$0x12]  }
0x59e: {  	p1 =	seq.s32 s30, $0x0;
	s1 =	rddreg [dreg:$0xa];
	[tilespmem:s19+$0x1B0] =	vst v60;
	v0 =	vadd.f32 v62, v61  }
0x59f: {  	[tilespmem:s23+$0x1B0] =	vst v63;
	s0 =	sand.u32 @!p1 $0x1, s2;
	s1 =	sadd.s32 @!p1 s1, s2  }
0x5a0: {  	p2 =	seq.s32 @!p1 s0, $0x1;
	s0 =	smul.u32 @!p1 $0xA80, s1;
	[tilespmem:s29+$0x1B0] =	vst v0  }
0x5a1: {  	p3 =	por p2, p1;
	s1 =	rddreg [dreg:$0xb]  }
0x5a2: {  	s2 =	simm.s32 @!p3 $0x15000;
	s0 =	sadd.s32 @!p1 s1, s0;
	s1 =	simm.s32 @!p3 $0x0  }
0x5a3: {  	[hbm4b:s0+s1] =	stream.linear.scatter @!p3 [tilespmem:s2], [sflag:$0x4], $0x5400, $0x38;
	[tilespmem:$0x1F800] =	vst v63  }
0x5a4: {  	s1 =	rddreg [dreg:$0x11]  }
0x5a5: {  	p3 =	seq.s32 @!p3 s1, $0x0  }
0x5a6: {  	p2 =	por @!p1 p2, !p3  }
0x5a7: {  	s31 =	rddreg [dreg:$0x10];
	p1 =	por p1, !p2  }
0x5a8: {  	s10 =	sadd.s32 $0x1, s31;
	s1 =	simm.s32 @!p1 $0x0;
	s2 =	simm.s32 @!p1 $0x1A400  }
0x5a9: {  	[hbm4b:s0+s1] =	stream.linear.scatter @!p1 [tilespmem:s2], [sflag:$0x5], $0x5400, $0x38;
	[tilespmem:$0x1F800] =	vst v63  }
0x5aa: {  	p1 =	sne.s32 s10, $0x40  }
.Ltmp6:
0x5ab: {  	_ = 	snop;
	(pc) =	sbr.rel @p1 .LBB2_2-.Ltmp6, $2  }
0x5ac: {  	_ =	sdelay $0x2  }
0x5ad: {  	p0 =	por !p0, !p0  }
0x5ae: {  	s0 =	simm.s32 $0x4  }
0x5af: {  	_ =	swait.ge [sflag:s0], $0x5400  }
0x5b0: {  	[sflag:s0] =	ssyncset.done $0x0  }
0x5b1: {  	s1 =	simm.s32 $0x5;
	[sflag:s0] =	ssyncadd.s32 $0xFFFFAC00  }
0x5b2: {  	_ =	swait.ge [sflag:s1], $0x5400  }
0x5b3: {  	s2 =	rddreg [dreg:$0xf]  }
0x5b4: {  	s31 =	rddreg [dreg:$0xe];
	s2 =	sadd.s32 $0x1, s2  }
0x5b5: {  	p0 =	sne.s32 s2, s31  }
.Ltmp7:
0x5b6: {  	_ = 	snop;
	(pc) =	sbr.rel @p0 .LBB2_1-.Ltmp7, $3  }
0x5b7: {  	_ =	sdelay $0x1  }
0x5b8: {  	[sflag:s1] =	ssyncset.done $0x0  }
0x5b9: {  	[sflag:s1] =	ssyncadd.s32 $0xFFFFAC00  }
0x5ba: {  	_ =	sfence.sel $0x180000  }
0x5bb: {  	[bflag:$0x0] =	sbarrier.arrive $0xFFFF  }
0x5bc: {  	_ =	strace $0x90000047  }
0x5bd: {  	s0 =	stileid.u32;
	[bflag:$0x2] =	sbarrier.arrive $0xFFFF  }
0x5be: {  	p0 =	sne.s32 s0, $0x0;
	s0 =	rddreg [dreg:$0x3]  }
0x5bf: {  	s0 =	sadd.s32 @!p0 $0x100000, s0  }
0x5c0: {  	[sflag:s0] =	ssyncadd.tile.s32 @!p0 $0x1;
	_ =	shalt  }
.Lfunc_end2:
_tile_overlayer_lowered:
.L_overlay_start_2:
0x5c1: {  	(tag) =	ssettag $0x2  }
0x5c2: {  	s0 =	rddreg [dreg:$0x0];
	s2 =	stileid.u32  }
0x5c3: {  	s1 =	rddreg [dreg:$0x1];
	p0 =	sne.s32 s2, $0x0  }
0x5c4: {  	s3 =	rddreg [dreg:$0x2];
	[bflag:$0x3] =	sbarrier.arrive $0xFFFF;
	s2 =	simm.s32 @!p0 $0x1C06  }
0x5c5: {  	[timem:s3], [sflag:s2] =	dma.local @!p0 [hbm:s0], s1  }
0x5c6: {  	s0 =	simm.s32 @!p0 $0x6  }
0x5c7: {  	_ =	swait.ge @!p0 [sflag:s0], s1  }
0x5c8: {  	s1 =	ssub.s32 @!p0 $0x0, s1;
	[sflag:s0] =	ssyncset.done @!p0 $0x0  }
0x5c9: {  	[sflag:s0] =	ssyncadd.s32 @!p0 s1  }
0x5ca: {  	[bflag:$0x3] =	sbarrier.arrive $0xFFFF  }
0x5cb: {  	_ =	shalt  }

</sc_bundles>
